<compile_context>
chip_gen: v7x
topology: tpu7x:2x2x1
jax: 0.10.2.dev20260603
libtpu: 0.0.44.dev20260713+nightly
codegen_flags: <defaults>
</compile_context>

<pallas_src>
import functools

import jax
import jax.numpy as jnp
from jax import lax
from jax.experimental import pallas as pl
from jax.experimental.pallas import tpu as pltpu
from jax.experimental.pallas import tpu_sc as plsc

_DX = 144


def _prep_body(x_ref, wt_ref, at_ref, feat_ref, elr_ref, cmax_ref):
    i = pl.program_id(0)
    f = jnp.dot(x_ref[...], wt_ref[...], preferred_element_type=jnp.float32)
    feat_ref[:, :128] = f
    feat_ref[:, 128:] = jnp.zeros_like(feat_ref[:, 128:])
    elr = jnp.dot(f, at_ref[...], preferred_element_type=jnp.float32)
    elr_ref[...] = elr
    m = jnp.max(elr, axis=0, keepdims=True)

    @pl.when(i == 0)
    def _():
        cmax_ref[...] = m

    @pl.when(i != 0)
    def _():
        cmax_ref[...] = jnp.maximum(cmax_ref[...], m)


def _prep(node_feats, wfc_t, a_t, block_n):
    n, d_in = node_feats.shape
    d = wfc_t.shape[1]
    grid = n // block_n
    return pl.pallas_call(
        _prep_body,
        grid=(grid,),
        in_specs=[
            pl.BlockSpec((block_n, d_in), lambda i: (i, 0)),
            pl.BlockSpec((d_in, d), lambda i: (0, 0)),
            pl.BlockSpec((d, 16), lambda i: (0, 0)),
        ],
        out_specs=[
            pl.BlockSpec((block_n, _DX), lambda i: (i, 0)),
            pl.BlockSpec((block_n, 16), lambda i: (i, 0)),
            pl.BlockSpec((1, 16), lambda i: (0, 0)),
        ],
        out_shape=[
            jax.ShapeDtypeStruct((n, _DX), jnp.float32),
            jax.ShapeDtypeStruct((n, 16), jnp.float32),
            jax.ShapeDtypeStruct((1, 16), jnp.float32),
        ],
    )(node_feats, wfc_t, a_t)


def _make_edge_pass(n, e, h):
    nw = 32
    ns = 16
    ch = 96
    e_per = e // nw
    n_full = e_per // ch
    tail = e_per - n_full * ch
    stripe = (n // ns) // 8 * 8
    stripe_last = n - (ns - 1) * stripe
    assert tail % 16 == 0 and stripe_last % 8 == 0 and nw * e_per == e
    assert n_full % 2 == 0

    mesh = plsc.VectorSubcoreMesh(core_axis_name="c", subcore_axis_name="s",
                                  num_cores=2, num_subcores=16)

    @functools.partial(
        pl.kernel,
        out_type=jax.ShapeDtypeStruct((2, n, _DX), jnp.float32),
        mesh=mesh,
        compiler_params=pltpu.CompilerParams(needs_layout_passes=False,
                                             use_tc_tiling_on_sc=False),
        scratch_types=[
            pltpu.VMEM_SHARED((n, _DX), jnp.float32),
            pltpu.VMEM((96, _DX), jnp.float32),
            pltpu.VMEM((96, _DX), jnp.float32),
            pltpu.VMEM((96, 16), jnp.float32),
            pltpu.VMEM((96, 16), jnp.float32),
            pltpu.VMEM((96, 16), jnp.float32),
            pltpu.VMEM((96, 16), jnp.float32),
            pltpu.VMEM((96 * 16,), jnp.float32),
            pltpu.VMEM((96,), jnp.int32),
            pltpu.VMEM((96,), jnp.int32),
            pltpu.VMEM((96,), jnp.int32),
            pltpu.VMEM((96,), jnp.int32),
            pltpu.VMEM((16,), jnp.int32),
            pltpu.VMEM((16,), jnp.int32),
            pltpu.VMEM((16,), jnp.float32),
            pltpu.SemaphoreType.DMA,
            pltpu.SemaphoreType.DMA,
            pltpu.SemaphoreType.DMA,
            pltpu.SemaphoreType.DMA,
            pltpu.SemaphoreType.DMA,
            pltpu.SemaphoreType.DMA,
            pltpu.SemaphoreType.DMA,
            pltpu.SemaphoreType.DMA,
        ],
    )
    def edge_pass(src_h, dst_h, feat_h, elr_h, cmax_h, accp_h,
                  accum_sh, rows_v, rows_v1, els_v, els_v1, eld_v, eld_v1,
                  wflat, srcv, srcv1, dstv, dstv1,
                  srcv_t, dstv_t, cvec,
                  semf0, semf1, seme0, seme1, semd0, semd1, sems0, sems1):
        rows_b = (rows_v, rows_v1)
        els_b = (els_v, els_v1)
        eld_b = (eld_v, eld_v1)
        srcv_b = (srcv, srcv1)
        dstv_b = (dstv, dstv1)
        semf_b = (semf0, semf1)
        seme_b = (seme0, seme1)
        semd_b = (semd0, semd1)
        sems_b = (sems0, sems1)
        c = lax.axis_index("c")
        s = lax.axis_index("s")
        zvec = jnp.zeros((16,), jnp.float32)
        iota16 = lax.iota(jnp.int32, 16)

        def _zrow(r, carry):
            for k in range(_DX // 16):
                rows_v[r, pl.ds(16 * k, 16)] = zvec
            wflat[pl.ds(r * 16, 16)] = zvec
            return carry

        lax.fori_loop(0, 96, _zrow, 0)

        row0 = pl.multiple_of(s * stripe, 8)

        def _zero_stripe(nrows):
            done = 0
            while done < nrows:
                step = min(96, nrows - done)
                pltpu.sync_copy(rows_v.at[pl.ds(0, step)],
                                accum_sh.at[pl.ds(row0 + done, step)])
                done += step

        @pl.when(s < ns - 1)
        def _():
            _zero_stripe(stripe)

        @pl.when(s == ns - 1)
        def _():
            _zero_stripe(stripe_last)

        pltpu.sync_copy(cmax_h.at[0], cvec)
        cvv = cvec[...]
        coff = []
        for hh in range(h):
            csum = cvv[hh] + cvv[4 + hh]
            coff.append(jnp.maximum(csum, 0.2 * csum))

        plsc.subcore_barrier()

        ebase = (c * ns + s) * e_per

        def _compute_w(es_ref, ed_ref, ngroups):
            for t in range(ngroups):
                rows16 = iota16 + 16 * t
                wdst = iota16 * 16 + (256 * t)
                for hh in range(h):
                    col_l = jnp.full((16,), hh, jnp.int32)
                    col_r = jnp.full((16,), 4 + hh, jnp.int32)
                    elg = plsc.load_gather(es_ref, [rows16, col_l])
                    erg = plsc.load_gather(ed_ref, [rows16, col_r])
                    sm = elg + erg
                    lr = jnp.maximum(sm, 0.2 * sm)
                    w = jnp.exp(lr - coff[hh])
                    plsc.store_scatter(wflat, [wdst + hh], w)

        def _scale_rows(rv, nrows):
            @plsc.parallel_loop(0, nrows, 1, unroll=8)
            def _(ei):
                wrow = wflat[pl.ds(ei * 16, 16)]
                for hh in range(h):
                    wv = wrow[hh]
                    for k in range(2):
                        sl = pl.ds(32 * hh + 16 * k, 16)
                        rv[ei, sl] = rv[ei, sl] * wv
                rv[ei, pl.ds(128, 16)] = wrow

        def _issue(b, i):
            off = pl.multiple_of(ebase + i * ch, 8)
            pltpu.sync_copy(src_h.at[pl.ds(off, ch)], srcv_b[b])
            pltpu.sync_copy(dst_h.at[pl.ds(off, ch)], dstv_b[b])
            pltpu.async_copy(feat_h.at[srcv_b[b]], rows_b[b], semf_b[b])
            pltpu.async_copy(elr_h.at[srcv_b[b]], els_b[b], seme_b[b])
            pltpu.async_copy(elr_h.at[dstv_b[b]], eld_b[b], semd_b[b])

        def _wait_gathers(b):
            pltpu.make_async_copy(elr_h.at[srcv_b[b]], els_b[b],
                                  seme_b[b]).wait()
            pltpu.make_async_copy(elr_h.at[dstv_b[b]], eld_b[b],
                                  semd_b[b]).wait()

        def _wait_feat(b):
            pltpu.make_async_copy(feat_h.at[srcv_b[b]], rows_b[b],
                                  semf_b[b]).wait()

        def _wait_scatter(b):
            pltpu.make_async_copy(rows_b[b], accum_sh.at[dstv_b[b]],
                                  sems_b[b]).wait()

        def _process(b):
            _wait_gathers(b)
            _compute_w(els_b[b], eld_b[b], ch // 16)
            _wait_feat(b)
            _scale_rows(rows_b[b], ch)
            pltpu.async_copy(rows_b[b], accum_sh.at[dstv_b[b]], sems_b[b],
                             add=True)

        _issue(0, 0)

        def pair(j, carry):
            i0 = 2 * j
            _issue(1, i0 + 1)
            _process(0)

            @pl.when(i0 + 2 < n_full)
            def _():
                _wait_scatter(0)
                _issue(0, i0 + 2)

            _process(1)

            @pl.when(j + 1 < n_full // 2)
            def _():
                _wait_scatter(1)
            return carry

        lax.fori_loop(0, n_full // 2, pair, 0)
        _wait_scatter(0)
        _wait_scatter(1)

        if tail:
            off = pl.multiple_of(ebase + n_full * ch, 8)
            pltpu.sync_copy(src_h.at[pl.ds(off, tail)], srcv_t)
            pltpu.sync_copy(dst_h.at[pl.ds(off, tail)], dstv_t)
            cp = pltpu.async_copy(feat_h.at[srcv_t],
                                  rows_v.at[pl.ds(0, tail)], semf0)
            pltpu.sync_copy(elr_h.at[srcv_t], els_v.at[pl.ds(0, tail)])
            pltpu.sync_copy(elr_h.at[dstv_t], eld_v.at[pl.ds(0, tail)])
            _compute_w(els_v, eld_v, tail // 16)
            cp.wait()
            _scale_rows(rows_v, tail)
            pltpu.sync_copy(rows_v.at[pl.ds(0, tail)],
                            accum_sh.at[dstv_t], add=True)

        plsc.subcore_barrier()

        @pl.when(s < ns - 1)
        def _():
            pltpu.sync_copy(accum_sh.at[pl.ds(row0, stripe)],
                            accp_h.at[c, pl.ds(row0, stripe)])

        @pl.when(s == ns - 1)
        def _():
            pltpu.sync_copy(accum_sh.at[pl.ds(row0, stripe_last)],
                            accp_h.at[c, pl.ds(row0, stripe_last)])

    return edge_pass


def _fin_body(acc_ref, elr_ref, cmax_ref, feat_ref, bias_ref, e4_ref,
              out_ref):
    a = acc_ref[0] + acc_ref[1]
    elr = elr_ref[...]
    cm = cmax_ref[...]
    s_all = elr[:, :4] + elr[:, 4:8]
    c_all = cm[:, :4] + cm[:, 4:8]
    coff = jnp.maximum(c_all, 0.2 * c_all)
    sl = jnp.maximum(s_all, 0.2 * s_all)
    wself = jnp.exp(sl - coff)
    denom = a[:, 128:132] + wself
    e4 = e4_ref[...]
    wself_e = jnp.dot(wself, e4, preferred_element_type=jnp.float32)
    denom_e = jnp.dot(denom, e4, preferred_element_type=jnp.float32)
    out_ref[...] = ((a[:, :128] + wself_e * feat_ref[:, :128]) / denom_e
                    + bias_ref[...])


def _finalize(accp, elr, cmax, feat, bias2d, e4, block_n):
    n = feat.shape[0]
    d = 128
    grid = n // block_n
    return pl.pallas_call(
        _fin_body,
        grid=(grid,),
        in_specs=[
            pl.BlockSpec((2, block_n, _DX), lambda i: (0, i, 0)),
            pl.BlockSpec((block_n, 16), lambda i: (i, 0)),
            pl.BlockSpec((1, 16), lambda i: (0, 0)),
            pl.BlockSpec((block_n, _DX), lambda i: (i, 0)),
            pl.BlockSpec((1, d), lambda i: (0, 0)),
            pl.BlockSpec((4, d), lambda i: (0, 0)),
        ],
        out_specs=pl.BlockSpec((block_n, d), lambda i: (i, 0)),
        out_shape=jax.ShapeDtypeStruct((n, d), jnp.float32),
    )(accp, elr, cmax, feat, bias2d, e4)


def kernel(node_feats, edge_index, edge_feats, W_edge, b_edge, W_fc,
           attn_l, attn_r, bias):
    n, d_in = node_feats.shape
    e = edge_index.shape[1]
    h, d_out = attn_l.shape
    d = h * d_out

    a_t = jnp.zeros((d, 16), jnp.float32)
    e4 = jnp.zeros((h, d), jnp.float32)
    for hh in range(h):
        a_t = a_t.at[hh * d_out:(hh + 1) * d_out, hh].set(attn_l[hh])
        a_t = a_t.at[hh * d_out:(hh + 1) * d_out, h + hh].set(attn_r[hh])
        e4 = e4.at[hh, hh * d_out:(hh + 1) * d_out].set(1.0)

    feat, elr, cmax = _prep(node_feats, W_fc.T, a_t, block_n=1000)

    edge_pass = _make_edge_pass(n, e, h)
    accp = edge_pass(edge_index[0], edge_index[1], feat, elr, cmax)

    out = _finalize(accp, elr, cmax, feat, bias.reshape(1, d), e4,
                    block_n=1000)
    return out.reshape(n, h, d_out)

# --- scband reference (transcript-rebuilt; emitter-appended) ---
"""Pipeline reference for scband-edge-enhanced-gatconv-84559316124081 (READ-ONLY COPY).

The authoritative reference and input builder live on the scoring server;
editing this copy changes nothing except your own understanding.
"""

import jax, jax.numpy as jnp
import numpy as np

N = 10000
E = 320000
D_IN = 128
D_EDGE = 16
H = 4
D_OUT = 32


def setup_inputs(seed: int = 0):
    key = jax.random.key(seed)
    ks = jax.random.split(key, 9)
    node_feats = jax.random.normal(ks[0], (N, D_IN), dtype=jnp.float32)
    edge_index = jax.random.randint(ks[1], (2, E), 0, N, dtype=jnp.int32)
    edge_feats = jax.random.normal(ks[2], (E, D_EDGE), dtype=jnp.float32)
    # learned parameters
    W_edge = jax.random.normal(ks[3], (D_IN, D_EDGE), dtype=jnp.float32) * (1.0 / np.sqrt(D_EDGE))
    b_edge = jnp.zeros((D_IN,), dtype=jnp.float32)
    W_fc = jax.random.normal(ks[4], (H * D_OUT, D_IN), dtype=jnp.float32) * (1.0 / np.sqrt(D_IN))
    attn_l = jax.random.normal(ks[5], (H, D_OUT), dtype=jnp.float32) * 0.1
    attn_r = jax.random.normal(ks[6], (H, D_OUT), dtype=jnp.float32) * 0.1
    bias = jnp.zeros((H * D_OUT,), dtype=jnp.float32)
    return {
        'node_feats': node_feats,
        'edge_index': edge_index,
        'edge_feats': edge_feats,
        'W_edge': W_edge,
        'b_edge': b_edge,
        'W_fc': W_fc,
        'attn_l': attn_l,
        'attn_r': attn_r,
        'bias': bias,
    }


def reference(node_feats, edge_index, edge_feats, W_edge, b_edge, W_fc, attn_l, attn_r, bias):
    # edge_proj (computed as in the original forward; GATConv itself ignores edge feats)
    edge_emb = edge_feats @ W_edge.T + b_edge
    n = node_feats.shape[0]
    # dgl.add_self_loop
    loops = jnp.arange(n, dtype=edge_index.dtype)
    src = jnp.concatenate([edge_index[0], loops])
    dst = jnp.concatenate([edge_index[1], loops])
    # GATConv: shared linear projection (src == dst feats on homogeneous graph)
    feat = (node_feats @ W_fc.T).reshape(n, H, D_OUT)
    el = jnp.sum(feat * attn_l[None, :, :], axis=-1)  # [N, H]
    er = jnp.sum(feat * attn_r[None, :, :], axis=-1)  # [N, H]
    e = el[src] + er[dst]                              # [E', H]
    e = jax.nn.leaky_relu(e, 0.2)
    # edge softmax over incoming edges per destination node
    emax = jax.ops.segment_max(e, dst, num_segments=n)
    ee = jnp.exp(e - emax[dst])
    esum = jax.ops.segment_sum(ee, dst, num_segments=n)
    alpha = ee / esum[dst]                             # [E', H]
    # message passing: gather src feats, weight by alpha, scatter-add to dst
    msg = feat[src] * alpha[:, :, None]                # [E', H, D_OUT]
    rst = jax.ops.segment_sum(msg, dst, num_segments=n)
    out = rst + bias.reshape(1, H, D_OUT)
    return out

if __name__ == "__main__":
    import jax
    _d = setup_inputs()
    print(jax.jit(kernel)(*tuple(_d.values())))

</pallas_src>

<mosaic_0001>
#map = affine_map<(d0, d1) -> (0)>
#map1 = affine_map<(d0, d1) -> (0, 0)>
#map2 = affine_map<(d0, d1) -> (0, 0, 0)>
module attributes {stable_mosaic.version = 14 : i64} {
  func.func @edge_pass(%arg0: i32, %arg1: i32, %arg2: memref<320000xi32, #tpu.memory_space<hbm>>, %arg3: memref<320000xi32, #tpu.memory_space<hbm>>, %arg4: memref<10000x144xf32, #tpu.memory_space<hbm>>, %arg5: memref<10000x16xf32, #tpu.memory_space<hbm>>, %arg6: memref<1x16xf32, #tpu.memory_space<hbm>>, %arg7: memref<2x10000x144xf32, #tpu.memory_space<hbm>>, %arg8: memref<10000x144xf32, #tpu.memory_space<vmem_shared>>, %arg9: memref<96x144xf32, #tpu.memory_space<vmem>>, %arg10: memref<96x144xf32, #tpu.memory_space<vmem>>, %arg11: memref<96x16xf32, #tpu.memory_space<vmem>>, %arg12: memref<96x16xf32, #tpu.memory_space<vmem>>, %arg13: memref<96x16xf32, #tpu.memory_space<vmem>>, %arg14: memref<96x16xf32, #tpu.memory_space<vmem>>, %arg15: memref<1536xf32, #tpu.memory_space<vmem>>, %arg16: memref<96xi32, #tpu.memory_space<vmem>>, %arg17: memref<96xi32, #tpu.memory_space<vmem>>, %arg18: memref<96xi32, #tpu.memory_space<vmem>>, %arg19: memref<96xi32, #tpu.memory_space<vmem>>, %arg20: memref<16xi32, #tpu.memory_space<vmem>>, %arg21: memref<16xi32, #tpu.memory_space<vmem>>, %arg22: memref<16xf32, #tpu.memory_space<vmem>>, %arg23: memref<!tpu.dma_semaphore, #tpu.memory_space<semaphore_mem>>, %arg24: memref<!tpu.dma_semaphore, #tpu.memory_space<semaphore_mem>>, %arg25: memref<!tpu.dma_semaphore, #tpu.memory_space<semaphore_mem>>, %arg26: memref<!tpu.dma_semaphore, #tpu.memory_space<semaphore_mem>>, %arg27: memref<!tpu.dma_semaphore, #tpu.memory_space<semaphore_mem>>, %arg28: memref<!tpu.dma_semaphore, #tpu.memory_space<semaphore_mem>>, %arg29: memref<!tpu.dma_semaphore, #tpu.memory_space<semaphore_mem>>, %arg30: memref<!tpu.dma_semaphore, #tpu.memory_space<semaphore_mem>>) attributes {dimension_semantics = [#tpu.dimension_semantics<core_parallel>, #tpu.dimension_semantics<subcore_parallel>], iteration_bounds = array<i64: 2, 16>, scalar_prefetch = 0 : i64, scratch_operands = 23 : i64, tpu.core_type = #tpu.core_type<sc_vector_subcore>, window_params = [{transform_indices = #map}, {transform_indices = #map}, {transform_indices = #map1}, {transform_indices = #map1}, {transform_indices = #map1}, {transform_indices = #map2}]} {
    %broadcast_in_dim3A = arith.constant 0.000000e+00 : f32
    %broadcast_in_dim3A_0 = vector.broadcast %broadcast_in_dim3A : f32 to vector<16xf32>
    %iota3A = tpu.iota {dimensions = array<i32: 0>} : vector<16xi32>
    %scan3A = arith.constant 0 : i32
    %scan3A_1 = arith.constant 0 : i32
    %scan3A_2 = arith.constant 96 : i32
    %scan3A_3 = arith.addi %scan3A_1, %scan3A_2 : i32
    %scan3A_4 = arith.constant 1 : i32
    scf.for %scan3A_171 = %scan3A_1 to %scan3A_3 step %scan3A_4  : i32 {
      %swap3A = arith.index_cast %scan3A_171 : i32 to index
      %swap3A_172 = arith.constant 0 : index
      %swap3A_173 = tpu.vector_load %arg9[%swap3A, %swap3A_172] {strides = array<i32>} : memref<96x144xf32, #tpu.memory_space<vmem>>, vector<16xf32>,
      tpu.vector_store %arg9[%swap3A, %swap3A_172], %broadcast_in_dim3A_0 {strides = array<i32>} : memref<96x144xf32, #tpu.memory_space<vmem>>, vector<16xf32>,
      %swap3A_174 = arith.index_cast %scan3A_171 : i32 to index
      %swap3A_175 = arith.constant 16 : index
      %swap3A_176 = tpu.vector_load %arg9[%swap3A_174, %swap3A_175] {strides = array<i32>} : memref<96x144xf32, #tpu.memory_space<vmem>>, vector<16xf32>,
      tpu.vector_store %arg9[%swap3A_174, %swap3A_175], %broadcast_in_dim3A_0 {strides = array<i32>} : memref<96x144xf32, #tpu.memory_space<vmem>>, vector<16xf32>,
      %swap3A_177 = arith.index_cast %scan3A_171 : i32 to index
      %swap3A_178 = arith.constant 32 : index
      %swap3A_179 = tpu.vector_load %arg9[%swap3A_177, %swap3A_178] {strides = array<i32>} : memref<96x144xf32, #tpu.memory_space<vmem>>, vector<16xf32>,
      tpu.vector_store %arg9[%swap3A_177, %swap3A_178], %broadcast_in_dim3A_0 {strides = array<i32>} : memref<96x144xf32, #tpu.memory_space<vmem>>, vector<16xf32>,
      %swap3A_180 = arith.index_cast %scan3A_171 : i32 to index
      %swap3A_181 = arith.constant 48 : index
      %swap3A_182 = tpu.vector_load %arg9[%swap3A_180, %swap3A_181] {strides = array<i32>} : memref<96x144xf32, #tpu.memory_space<vmem>>, vector<16xf32>,
      tpu.vector_store %arg9[%swap3A_180, %swap3A_181], %broadcast_in_dim3A_0 {strides = array<i32>} : memref<96x144xf32, #tpu.memory_space<vmem>>, vector<16xf32>,
      %swap3A_183 = arith.index_cast %scan3A_171 : i32 to index
      %swap3A_184 = arith.constant 64 : index
      %swap3A_185 = tpu.vector_load %arg9[%swap3A_183, %swap3A_184] {strides = array<i32>} : memref<96x144xf32, #tpu.memory_space<vmem>>, vector<16xf32>,
      tpu.vector_store %arg9[%swap3A_183, %swap3A_184], %broadcast_in_dim3A_0 {strides = array<i32>} : memref<96x144xf32, #tpu.memory_space<vmem>>, vector<16xf32>,
      %swap3A_186 = arith.index_cast %scan3A_171 : i32 to index
      %swap3A_187 = arith.constant 80 : index
      %swap3A_188 = tpu.vector_load %arg9[%swap3A_186, %swap3A_187] {strides = array<i32>} : memref<96x144xf32, #tpu.memory_space<vmem>>, vector<16xf32>,
      tpu.vector_store %arg9[%swap3A_186, %swap3A_187], %broadcast_in_dim3A_0 {strides = array<i32>} : memref<96x144xf32, #tpu.memory_space<vmem>>, vector<16xf32>,
      %swap3A_189 = arith.index_cast %scan3A_171 : i32 to index
      %swap3A_190 = arith.constant 96 : index
      %swap3A_191 = tpu.vector_load %arg9[%swap3A_189, %swap3A_190] {strides = array<i32>} : memref<96x144xf32, #tpu.memory_space<vmem>>, vector<16xf32>,
      tpu.vector_store %arg9[%swap3A_189, %swap3A_190], %broadcast_in_dim3A_0 {strides = array<i32>} : memref<96x144xf32, #tpu.memory_space<vmem>>, vector<16xf32>,
      %swap3A_192 = arith.index_cast %scan3A_171 : i32 to index
      %swap3A_193 = arith.constant 112 : index
      %swap3A_194 = tpu.vector_load %arg9[%swap3A_192, %swap3A_193] {strides = array<i32>} : memref<96x144xf32, #tpu.memory_space<vmem>>, vector<16xf32>,
      tpu.vector_store %arg9[%swap3A_192, %swap3A_193], %broadcast_in_dim3A_0 {strides = array<i32>} : memref<96x144xf32, #tpu.memory_space<vmem>>, vector<16xf32>,
      %swap3A_195 = arith.index_cast %scan3A_171 : i32 to index
      %swap3A_196 = arith.constant 128 : index
      %swap3A_197 = tpu.vector_load %arg9[%swap3A_195, %swap3A_196] {strides = array<i32>} : memref<96x144xf32, #tpu.memory_space<vmem>>, vector<16xf32>,
      tpu.vector_store %arg9[%swap3A_195, %swap3A_196], %broadcast_in_dim3A_0 {strides = array<i32>} : memref<96x144xf32, #tpu.memory_space<vmem>>, vector<16xf32>,
      %mul3A_198 = arith.constant 16 : i32
      %mul3A_199 = arith.muli %scan3A_171, %mul3A_198 : i32
      %swap3A_200 = arith.index_cast %mul3A_199 : i32 to index
      %swap3A_201 = tpu.vector_load %arg15[%swap3A_200] {strides = array<i32>} : memref<1536xf32, #tpu.memory_space<vmem>>, vector<16xf32>,
      tpu.vector_store %arg15[%swap3A_200], %broadcast_in_dim3A_0 {strides = array<i32>} : memref<1536xf32, #tpu.memory_space<vmem>>, vector<16xf32>,
    }
    %scan3A_5 = arith.constant 96 : i32
    %mul3A = arith.constant 624 : i32
    %mul3A_6 = arith.muli %arg1, %mul3A : i32
    %multiple_of3A = tpu.assume_multiple %mul3A_6, 8 : i32
    %lt3A = arith.constant 15 : i32
    %lt3A_7 = arith.cmpi slt, %arg1, %lt3A : i32
    %convert_element_type3A = arith.extui %lt3A_7 : i1 to i32
    %cond3A = arith.constant 0 : i32
    %cond3A_8 = arith.cmpi ne, %convert_element_type3A, %cond3A : i32
    scf.if %cond3A_8 {
      %add3A_171 = arith.constant 0 : i32
      %add3A_172 = arith.addi %multiple_of3A, %add3A_171 : i32
      "tpu.region"() ({
        %run_scoped3A_185 = tpu.sem_alloc : memref<!tpu.dma_semaphore, #tpu.memory_space<semaphore_mem>>
        %dma_start3A_186 = arith.constant 0 : i32
        %dma_start3A_187 = arith.constant 0 : i32
        %dma_start3A_188 = tpu.memref_slice %arg9[%dma_start3A_186, %dma_start3A_187] : memref<96x144xf32, #tpu.memory_space<vmem>> -> memref<96x144xf32, #tpu.memory_space<vmem>>
        %dma_start3A_189 = arith.constant 0 : i32
        %dma_start3A_190 = tpu.memref_slice %arg8[%add3A_172, %dma_start3A_189] : memref<10000x144xf32, #tpu.memory_space<vmem_shared>> -> memref<96x144xf32, #tpu.memory_space<vmem_shared>>
        %dma_start3A_191 = arith.constant 0 : i32
        %dma_start3A_192 = tpu.memref_slice %arg8[%add3A_172, %dma_start3A_191] : memref<10000x144xf32, #tpu.memory_space<vmem_shared>> -> memref<96x144xf32, #tpu.memory_space<vmem_shared>>
        %dma_start3A_193 = arith.constant 0 : i32
        %dma_start3A_194 = arith.constant 0 : i32
        %dma_start3A_195 = tpu.memref_slice %arg9[%dma_start3A_193, %dma_start3A_194] : memref<96x144xf32, #tpu.memory_space<vmem>> -> memref<96x144xf32, #tpu.memory_space<vmem>>
        tpu.enqueue_dma source(%dma_start3A_195 : memref<96x144xf32, #tpu.memory_space<vmem>>) target(%dma_start3A_192 : memref<96x144xf32, #tpu.memory_space<vmem_shared>>) target_semaphore(%run_scoped3A_185 : memref<!tpu.dma_semaphore, #tpu.memory_space<semaphore_mem>>)
        %dma_wait3A_196 = arith.constant 0 : i32
        %dma_wait3A_197 = arith.constant 0 : i32
        %dma_wait3A_198 = tpu.memref_slice %arg9[%dma_wait3A_196, %dma_wait3A_197] : memref<96x144xf32, #tpu.memory_space<vmem>> -> memref<96x144xf32, #tpu.memory_space<vmem>>
        %dma_wait3A_199 = arith.constant 0 : i32
        %dma_wait3A_200 = tpu.memref_slice %arg8[%add3A_172, %dma_wait3A_199] : memref<10000x144xf32, #tpu.memory_space<vmem_shared>> -> memref<96x144xf32, #tpu.memory_space<vmem_shared>>
        %dma_wait3A_201 = arith.constant 0 : i32
        %dma_wait3A_202 = tpu.memref_slice %arg8[%add3A_172, %dma_wait3A_201] : memref<10000x144xf32, #tpu.memory_space<vmem_shared>> -> memref<96x144xf32, #tpu.memory_space<vmem_shared>>
        %dma_wait3A_203 = arith.constant 0 : i32
        %dma_wait3A_204 = arith.constant 0 : i32
        %dma_wait3A_205 = tpu.memref_slice %arg9[%dma_wait3A_203, %dma_wait3A_204] : memref<96x144xf32, #tpu.memory_space<vmem>> -> memref<96x144xf32, #tpu.memory_space<vmem>>
        tpu.wait_dma2 semaphore(%run_scoped3A_185 : memref<!tpu.dma_semaphore, #tpu.memory_space<semaphore_mem>>) src(%dma_wait3A_205 : memref<96x144xf32, #tpu.memory_space<vmem>>) dst(%dma_wait3A_202 : memref<96x144xf32, #tpu.memory_space<vmem_shared>>)
        tpu.yield
      }) : () -> ()
      %add3A_173 = arith.constant 96 : i32
      %add3A_174 = arith.addi %multiple_of3A, %add3A_173 : i32
      "tpu.region"() ({
        %run_scoped3A_185 = tpu.sem_alloc : memref<!tpu.dma_semaphore, #tpu.memory_space<semaphore_mem>>
        %dma_start3A_186 = arith.constant 0 : i32
        %dma_start3A_187 = arith.constant 0 : i32
        %dma_start3A_188 = tpu.memref_slice %arg9[%dma_start3A_186, %dma_start3A_187] : memref<96x144xf32, #tpu.memory_space<vmem>> -> memref<96x144xf32, #tpu.memory_space<vmem>>
        %dma_start3A_189 = arith.constant 0 : i32
        %dma_start3A_190 = tpu.memref_slice %arg8[%add3A_174, %dma_start3A_189] : memref<10000x144xf32, #tpu.memory_space<vmem_shared>> -> memref<96x144xf32, #tpu.memory_space<vmem_shared>>
        %dma_start3A_191 = arith.constant 0 : i32
        %dma_start3A_192 = tpu.memref_slice %arg8[%add3A_174, %dma_start3A_191] : memref<10000x144xf32, #tpu.memory_space<vmem_shared>> -> memref<96x144xf32, #tpu.memory_space<vmem_shared>>
        %dma_start3A_193 = arith.constant 0 : i32
        %dma_start3A_194 = arith.constant 0 : i32
        %dma_start3A_195 = tpu.memref_slice %arg9[%dma_start3A_193, %dma_start3A_194] : memref<96x144xf32, #tpu.memory_space<vmem>> -> memref<96x144xf32, #tpu.memory_space<vmem>>
        tpu.enqueue_dma source(%dma_start3A_195 : memref<96x144xf32, #tpu.memory_space<vmem>>) target(%dma_start3A_192 : memref<96x144xf32, #tpu.memory_space<vmem_shared>>) target_semaphore(%run_scoped3A_185 : memref<!tpu.dma_semaphore, #tpu.memory_space<semaphore_mem>>)
        %dma_wait3A_196 = arith.constant 0 : i32
        %dma_wait3A_197 = arith.constant 0 : i32
        %dma_wait3A_198 = tpu.memref_slice %arg9[%dma_wait3A_196, %dma_wait3A_197] : memref<96x144xf32, #tpu.memory_space<vmem>> -> memref<96x144xf32, #tpu.memory_space<vmem>>
        %dma_wait3A_199 = arith.constant 0 : i32
        %dma_wait3A_200 = tpu.memref_slice %arg8[%add3A_174, %dma_wait3A_199] : memref<10000x144xf32, #tpu.memory_space<vmem_shared>> -> memref<96x144xf32, #tpu.memory_space<vmem_shared>>
        %dma_wait3A_201 = arith.constant 0 : i32
        %dma_wait3A_202 = tpu.memref_slice %arg8[%add3A_174, %dma_wait3A_201] : memref<10000x144xf32, #tpu.memory_space<vmem_shared>> -> memref<96x144xf32, #tpu.memory_space<vmem_shared>>
        %dma_wait3A_203 = arith.constant 0 : i32
        %dma_wait3A_204 = arith.constant 0 : i32
        %dma_wait3A_205 = tpu.memref_slice %arg9[%dma_wait3A_203, %dma_wait3A_204] : memref<96x144xf32, #tpu.memory_space<vmem>> -> memref<96x144xf32, #tpu.memory_space<vmem>>
        tpu.wait_dma2 semaphore(%run_scoped3A_185 : memref<!tpu.dma_semaphore, #tpu.memory_space<semaphore_mem>>) src(%dma_wait3A_205 : memref<96x144xf32, #tpu.memory_space<vmem>>) dst(%dma_wait3A_202 : memref<96x144xf32, #tpu.memory_space<vmem_shared>>)
        tpu.yield
      }) : () -> ()
      %add3A_175 = arith.constant 192 : i32
      %add3A_176 = arith.addi %multiple_of3A, %add3A_175 : i32
      "tpu.region"() ({
        %run_scoped3A_185 = tpu.sem_alloc : memref<!tpu.dma_semaphore, #tpu.memory_space<semaphore_mem>>
        %dma_start3A_186 = arith.constant 0 : i32
        %dma_start3A_187 = arith.constant 0 : i32
        %dma_start3A_188 = tpu.memref_slice %arg9[%dma_start3A_186, %dma_start3A_187] : memref<96x144xf32, #tpu.memory_space<vmem>> -> memref<96x144xf32, #tpu.memory_space<vmem>>
        %dma_start3A_189 = arith.constant 0 : i32
        %dma_start3A_190 = tpu.memref_slice %arg8[%add3A_176, %dma_start3A_189] : memref<10000x144xf32, #tpu.memory_space<vmem_shared>> -> memref<96x144xf32, #tpu.memory_space<vmem_shared>>
        %dma_start3A_191 = arith.constant 0 : i32
        %dma_start3A_192 = tpu.memref_slice %arg8[%add3A_176, %dma_start3A_191] : memref<10000x144xf32, #tpu.memory_space<vmem_shared>> -> memref<96x144xf32, #tpu.memory_space<vmem_shared>>
        %dma_start3A_193 = arith.constant 0 : i32
        %dma_start3A_194 = arith.constant 0 : i32
        %dma_start3A_195 = tpu.memref_slice %arg9[%dma_start3A_193, %dma_start3A_194] : memref<96x144xf32, #tpu.memory_space<vmem>> -> memref<96x144xf32, #tpu.memory_space<vmem>>
        tpu.enqueue_dma source(%dma_start3A_195 : memref<96x144xf32, #tpu.memory_space<vmem>>) target(%dma_start3A_192 : memref<96x144xf32, #tpu.memory_space<vmem_shared>>) target_semaphore(%run_scoped3A_185 : memref<!tpu.dma_semaphore, #tpu.memory_space<semaphore_mem>>)
        %dma_wait3A_196 = arith.constant 0 : i32
        %dma_wait3A_197 = arith.constant 0 : i32
        %dma_wait3A_198 = tpu.memref_slice %arg9[%dma_wait3A_196, %dma_wait3A_197] : memref<96x144xf32, #tpu.memory_space<vmem>> -> memref<96x144xf32, #tpu.memory_space<vmem>>
        %dma_wait3A_199 = arith.constant 0 : i32
        %dma_wait3A_200 = tpu.memref_slice %arg8[%add3A_176, %dma_wait3A_199] : memref<10000x144xf32, #tpu.memory_space<vmem_shared>> -> memref<96x144xf32, #tpu.memory_space<vmem_shared>>
        %dma_wait3A_201 = arith.constant 0 : i32
        %dma_wait3A_202 = tpu.memref_slice %arg8[%add3A_176, %dma_wait3A_201] : memref<10000x144xf32, #tpu.memory_space<vmem_shared>> -> memref<96x144xf32, #tpu.memory_space<vmem_shared>>
        %dma_wait3A_203 = arith.constant 0 : i32
        %dma_wait3A_204 = arith.constant 0 : i32
        %dma_wait3A_205 = tpu.memref_slice %arg9[%dma_wait3A_203, %dma_wait3A_204] : memref<96x144xf32, #tpu.memory_space<vmem>> -> memref<96x144xf32, #tpu.memory_space<vmem>>
        tpu.wait_dma2 semaphore(%run_scoped3A_185 : memref<!tpu.dma_semaphore, #tpu.memory_space<semaphore_mem>>) src(%dma_wait3A_205 : memref<96x144xf32, #tpu.memory_space<vmem>>) dst(%dma_wait3A_202 : memref<96x144xf32, #tpu.memory_space<vmem_shared>>)
        tpu.yield
      }) : () -> ()
      %add3A_177 = arith.constant 288 : i32
      %add3A_178 = arith.addi %multiple_of3A, %add3A_177 : i32
      "tpu.region"() ({
        %run_scoped3A_185 = tpu.sem_alloc : memref<!tpu.dma_semaphore, #tpu.memory_space<semaphore_mem>>
        %dma_start3A_186 = arith.constant 0 : i32
        %dma_start3A_187 = arith.constant 0 : i32
        %dma_start3A_188 = tpu.memref_slice %arg9[%dma_start3A_186, %dma_start3A_187] : memref<96x144xf32, #tpu.memory_space<vmem>> -> memref<96x144xf32, #tpu.memory_space<vmem>>
        %dma_start3A_189 = arith.constant 0 : i32
        %dma_start3A_190 = tpu.memref_slice %arg8[%add3A_178, %dma_start3A_189] : memref<10000x144xf32, #tpu.memory_space<vmem_shared>> -> memref<96x144xf32, #tpu.memory_space<vmem_shared>>
        %dma_start3A_191 = arith.constant 0 : i32
        %dma_start3A_192 = tpu.memref_slice %arg8[%add3A_178, %dma_start3A_191] : memref<10000x144xf32, #tpu.memory_space<vmem_shared>> -> memref<96x144xf32, #tpu.memory_space<vmem_shared>>
        %dma_start3A_193 = arith.constant 0 : i32
        %dma_start3A_194 = arith.constant 0 : i32
        %dma_start3A_195 = tpu.memref_slice %arg9[%dma_start3A_193, %dma_start3A_194] : memref<96x144xf32, #tpu.memory_space<vmem>> -> memref<96x144xf32, #tpu.memory_space<vmem>>
        tpu.enqueue_dma source(%dma_start3A_195 : memref<96x144xf32, #tpu.memory_space<vmem>>) target(%dma_start3A_192 : memref<96x144xf32, #tpu.memory_space<vmem_shared>>) target_semaphore(%run_scoped3A_185 : memref<!tpu.dma_semaphore, #tpu.memory_space<semaphore_mem>>)
        %dma_wait3A_196 = arith.constant 0 : i32
        %dma_wait3A_197 = arith.constant 0 : i32
        %dma_wait3A_198 = tpu.memref_slice %arg9[%dma_wait3A_196, %dma_wait3A_197] : memref<96x144xf32, #tpu.memory_space<vmem>> -> memref<96x144xf32, #tpu.memory_space<vmem>>
        %dma_wait3A_199 = arith.constant 0 : i32
        %dma_wait3A_200 = tpu.memref_slice %arg8[%add3A_178, %dma_wait3A_199] : memref<10000x144xf32, #tpu.memory_space<vmem_shared>> -> memref<96x144xf32, #tpu.memory_space<vmem_shared>>
        %dma_wait3A_201 = arith.constant 0 : i32
        %dma_wait3A_202 = tpu.memref_slice %arg8[%add3A_178, %dma_wait3A_201] : memref<10000x144xf32, #tpu.memory_space<vmem_shared>> -> memref<96x144xf32, #tpu.memory_space<vmem_shared>>
        %dma_wait3A_203 = arith.constant 0 : i32
        %dma_wait3A_204 = arith.constant 0 : i32
        %dma_wait3A_205 = tpu.memref_slice %arg9[%dma_wait3A_203, %dma_wait3A_204] : memref<96x144xf32, #tpu.memory_space<vmem>> -> memref<96x144xf32, #tpu.memory_space<vmem>>
        tpu.wait_dma2 semaphore(%run_scoped3A_185 : memref<!tpu.dma_semaphore, #tpu.memory_space<semaphore_mem>>) src(%dma_wait3A_205 : memref<96x144xf32, #tpu.memory_space<vmem>>) dst(%dma_wait3A_202 : memref<96x144xf32, #tpu.memory_space<vmem_shared>>)
        tpu.yield
      }) : () -> ()
      %add3A_179 = arith.constant 384 : i32
      %add3A_180 = arith.addi %multiple_of3A, %add3A_179 : i32
      "tpu.region"() ({
        %run_scoped3A_185 = tpu.sem_alloc : memref<!tpu.dma_semaphore, #tpu.memory_space<semaphore_mem>>
        %dma_start3A_186 = arith.constant 0 : i32
        %dma_start3A_187 = arith.constant 0 : i32
        %dma_start3A_188 = tpu.memref_slice %arg9[%dma_start3A_186, %dma_start3A_187] : memref<96x144xf32, #tpu.memory_space<vmem>> -> memref<96x144xf32, #tpu.memory_space<vmem>>
        %dma_start3A_189 = arith.constant 0 : i32
        %dma_start3A_190 = tpu.memref_slice %arg8[%add3A_180, %dma_start3A_189] : memref<10000x144xf32, #tpu.memory_space<vmem_shared>> -> memref<96x144xf32, #tpu.memory_space<vmem_shared>>
        %dma_start3A_191 = arith.constant 0 : i32
        %dma_start3A_192 = tpu.memref_slice %arg8[%add3A_180, %dma_start3A_191] : memref<10000x144xf32, #tpu.memory_space<vmem_shared>> -> memref<96x144xf32, #tpu.memory_space<vmem_shared>>
        %dma_start3A_193 = arith.constant 0 : i32
        %dma_start3A_194 = arith.constant 0 : i32
        %dma_start3A_195 = tpu.memref_slice %arg9[%dma_start3A_193, %dma_start3A_194] : memref<96x144xf32, #tpu.memory_space<vmem>> -> memref<96x144xf32, #tpu.memory_space<vmem>>
        tpu.enqueue_dma source(%dma_start3A_195 : memref<96x144xf32, #tpu.memory_space<vmem>>) target(%dma_start3A_192 : memref<96x144xf32, #tpu.memory_space<vmem_shared>>) target_semaphore(%run_scoped3A_185 : memref<!tpu.dma_semaphore, #tpu.memory_space<semaphore_mem>>)
        %dma_wait3A_196 = arith.constant 0 : i32
        %dma_wait3A_197 = arith.constant 0 : i32
        %dma_wait3A_198 = tpu.memref_slice %arg9[%dma_wait3A_196, %dma_wait3A_197] : memref<96x144xf32, #tpu.memory_space<vmem>> -> memref<96x144xf32, #tpu.memory_space<vmem>>
        %dma_wait3A_199 = arith.constant 0 : i32
        %dma_wait3A_200 = tpu.memref_slice %arg8[%add3A_180, %dma_wait3A_199] : memref<10000x144xf32, #tpu.memory_space<vmem_shared>> -> memref<96x144xf32, #tpu.memory_space<vmem_shared>>
        %dma_wait3A_201 = arith.constant 0 : i32
        %dma_wait3A_202 = tpu.memref_slice %arg8[%add3A_180, %dma_wait3A_201] : memref<10000x144xf32, #tpu.memory_space<vmem_shared>> -> memref<96x144xf32, #tpu.memory_space<vmem_shared>>
        %dma_wait3A_203 = arith.constant 0 : i32
        %dma_wait3A_204 = arith.constant 0 : i32
        %dma_wait3A_205 = tpu.memref_slice %arg9[%dma_wait3A_203, %dma_wait3A_204] : memref<96x144xf32, #tpu.memory_space<vmem>> -> memref<96x144xf32, #tpu.memory_space<vmem>>
        tpu.wait_dma2 semaphore(%run_scoped3A_185 : memref<!tpu.dma_semaphore, #tpu.memory_space<semaphore_mem>>) src(%dma_wait3A_205 : memref<96x144xf32, #tpu.memory_space<vmem>>) dst(%dma_wait3A_202 : memref<96x144xf32, #tpu.memory_space<vmem_shared>>)
        tpu.yield
      }) : () -> ()
      %add3A_181 = arith.constant 480 : i32
      %add3A_182 = arith.addi %multiple_of3A, %add3A_181 : i32
      "tpu.region"() ({
        %run_scoped3A_185 = tpu.sem_alloc : memref<!tpu.dma_semaphore, #tpu.memory_space<semaphore_mem>>
        %dma_start3A_186 = arith.constant 0 : i32
        %dma_start3A_187 = arith.constant 0 : i32
        %dma_start3A_188 = tpu.memref_slice %arg9[%dma_start3A_186, %dma_start3A_187] : memref<96x144xf32, #tpu.memory_space<vmem>> -> memref<96x144xf32, #tpu.memory_space<vmem>>
        %dma_start3A_189 = arith.constant 0 : i32
        %dma_start3A_190 = tpu.memref_slice %arg8[%add3A_182, %dma_start3A_189] : memref<10000x144xf32, #tpu.memory_space<vmem_shared>> -> memref<96x144xf32, #tpu.memory_space<vmem_shared>>
        %dma_start3A_191 = arith.constant 0 : i32
        %dma_start3A_192 = tpu.memref_slice %arg8[%add3A_182, %dma_start3A_191] : memref<10000x144xf32, #tpu.memory_space<vmem_shared>> -> memref<96x144xf32, #tpu.memory_space<vmem_shared>>
        %dma_start3A_193 = arith.constant 0 : i32
        %dma_start3A_194 = arith.constant 0 : i32
        %dma_start3A_195 = tpu.memref_slice %arg9[%dma_start3A_193, %dma_start3A_194] : memref<96x144xf32, #tpu.memory_space<vmem>> -> memref<96x144xf32, #tpu.memory_space<vmem>>
        tpu.enqueue_dma source(%dma_start3A_195 : memref<96x144xf32, #tpu.memory_space<vmem>>) target(%dma_start3A_192 : memref<96x144xf32, #tpu.memory_space<vmem_shared>>) target_semaphore(%run_scoped3A_185 : memref<!tpu.dma_semaphore, #tpu.memory_space<semaphore_mem>>)
        %dma_wait3A_196 = arith.constant 0 : i32
        %dma_wait3A_197 = arith.constant 0 : i32
        %dma_wait3A_198 = tpu.memref_slice %arg9[%dma_wait3A_196, %dma_wait3A_197] : memref<96x144xf32, #tpu.memory_space<vmem>> -> memref<96x144xf32, #tpu.memory_space<vmem>>
        %dma_wait3A_199 = arith.constant 0 : i32
        %dma_wait3A_200 = tpu.memref_slice %arg8[%add3A_182, %dma_wait3A_199] : memref<10000x144xf32, #tpu.memory_space<vmem_shared>> -> memref<96x144xf32, #tpu.memory_space<vmem_shared>>
        %dma_wait3A_201 = arith.constant 0 : i32
        %dma_wait3A_202 = tpu.memref_slice %arg8[%add3A_182, %dma_wait3A_201] : memref<10000x144xf32, #tpu.memory_space<vmem_shared>> -> memref<96x144xf32, #tpu.memory_space<vmem_shared>>
        %dma_wait3A_203 = arith.constant 0 : i32
        %dma_wait3A_204 = arith.constant 0 : i32
        %dma_wait3A_205 = tpu.memref_slice %arg9[%dma_wait3A_203, %dma_wait3A_204] : memref<96x144xf32, #tpu.memory_space<vmem>> -> memref<96x144xf32, #tpu.memory_space<vmem>>
        tpu.wait_dma2 semaphore(%run_scoped3A_185 : memref<!tpu.dma_semaphore, #tpu.memory_space<semaphore_mem>>) src(%dma_wait3A_205 : memref<96x144xf32, #tpu.memory_space<vmem>>) dst(%dma_wait3A_202 : memref<96x144xf32, #tpu.memory_space<vmem_shared>>)
        tpu.yield
      }) : () -> ()
      %add3A_183 = arith.constant 576 : i32
      %add3A_184 = arith.addi %multiple_of3A, %add3A_183 : i32
      "tpu.region"() ({
        %run_scoped3A_185 = tpu.sem_alloc : memref<!tpu.dma_semaphore, #tpu.memory_space<semaphore_mem>>
        %dma_start3A_186 = arith.constant 0 : i32
        %dma_start3A_187 = arith.constant 0 : i32
        %dma_start3A_188 = tpu.memref_slice %arg9[%dma_start3A_186, %dma_start3A_187] : memref<96x144xf32, #tpu.memory_space<vmem>> -> memref<48x144xf32, #tpu.memory_space<vmem>>
        %dma_start3A_189 = arith.constant 0 : i32
        %dma_start3A_190 = tpu.memref_slice %arg8[%add3A_184, %dma_start3A_189] : memref<10000x144xf32, #tpu.memory_space<vmem_shared>> -> memref<48x144xf32, #tpu.memory_space<vmem_shared>>
        %dma_start3A_191 = arith.constant 0 : i32
        %dma_start3A_192 = tpu.memref_slice %arg8[%add3A_184, %dma_start3A_191] : memref<10000x144xf32, #tpu.memory_space<vmem_shared>> -> memref<48x144xf32, #tpu.memory_space<vmem_shared>>
        %dma_start3A_193 = arith.constant 0 : i32
        %dma_start3A_194 = arith.constant 0 : i32
        %dma_start3A_195 = tpu.memref_slice %arg9[%dma_start3A_193, %dma_start3A_194] : memref<96x144xf32, #tpu.memory_space<vmem>> -> memref<48x144xf32, #tpu.memory_space<vmem>>
        tpu.enqueue_dma source(%dma_start3A_195 : memref<48x144xf32, #tpu.memory_space<vmem>>) target(%dma_start3A_192 : memref<48x144xf32, #tpu.memory_space<vmem_shared>>) target_semaphore(%run_scoped3A_185 : memref<!tpu.dma_semaphore, #tpu.memory_space<semaphore_mem>>)
        %dma_wait3A_196 = arith.constant 0 : i32
        %dma_wait3A_197 = arith.constant 0 : i32
        %dma_wait3A_198 = tpu.memref_slice %arg9[%dma_wait3A_196, %dma_wait3A_197] : memref<96x144xf32, #tpu.memory_space<vmem>> -> memref<48x144xf32, #tpu.memory_space<vmem>>
        %dma_wait3A_199 = arith.constant 0 : i32
        %dma_wait3A_200 = tpu.memref_slice %arg8[%add3A_184, %dma_wait3A_199] : memref<10000x144xf32, #tpu.memory_space<vmem_shared>> -> memref<48x144xf32, #tpu.memory_space<vmem_shared>>
        %dma_wait3A_201 = arith.constant 0 : i32
        %dma_wait3A_202 = tpu.memref_slice %arg8[%add3A_184, %dma_wait3A_201] : memref<10000x144xf32, #tpu.memory_space<vmem_shared>> -> memref<48x144xf32, #tpu.memory_space<vmem_shared>>
        %dma_wait3A_203 = arith.constant 0 : i32
        %dma_wait3A_204 = arith.constant 0 : i32
        %dma_wait3A_205 = tpu.memref_slice %arg9[%dma_wait3A_203, %dma_wait3A_204] : memref<96x144xf32, #tpu.memory_space<vmem>> -> memref<48x144xf32, #tpu.memory_space<vmem>>
        tpu.wait_dma2 semaphore(%run_scoped3A_185 : memref<!tpu.dma_semaphore, #tpu.memory_space<semaphore_mem>>) src(%dma_wait3A_205 : memref<48x144xf32, #tpu.memory_space<vmem>>) dst(%dma_wait3A_202 : memref<48x144xf32, #tpu.memory_space<vmem_shared>>)
        tpu.yield
      }) : () -> ()
    } else {
    }
    %eq3A = arith.constant 15 : i32
    %eq3A_9 = arith.cmpi eq, %arg1, %eq3A : i32
    %convert_element_type3A_10 = arith.extui %eq3A_9 : i1 to i32
    %cond3A_11 = arith.constant 0 : i32
    %cond3A_12 = arith.cmpi ne, %convert_element_type3A_10, %cond3A_11 : i32
    scf.if %cond3A_12 {
      %add3A_171 = arith.constant 0 : i32
      %add3A_172 = arith.addi %multiple_of3A, %add3A_171 : i32
      "tpu.region"() ({
        %run_scoped3A_185 = tpu.sem_alloc : memref<!tpu.dma_semaphore, #tpu.memory_space<semaphore_mem>>
        %dma_start3A_186 = arith.constant 0 : i32
        %dma_start3A_187 = arith.constant 0 : i32
        %dma_start3A_188 = tpu.memref_slice %arg9[%dma_start3A_186, %dma_start3A_187] : memref<96x144xf32, #tpu.memory_space<vmem>> -> memref<96x144xf32, #tpu.memory_space<vmem>>
        %dma_start3A_189 = arith.constant 0 : i32
        %dma_start3A_190 = tpu.memref_slice %arg8[%add3A_172, %dma_start3A_189] : memref<10000x144xf32, #tpu.memory_space<vmem_shared>> -> memref<96x144xf32, #tpu.memory_space<vmem_shared>>
        %dma_start3A_191 = arith.constant 0 : i32
        %dma_start3A_192 = tpu.memref_slice %arg8[%add3A_172, %dma_start3A_191] : memref<10000x144xf32, #tpu.memory_space<vmem_shared>> -> memref<96x144xf32, #tpu.memory_space<vmem_shared>>
        %dma_start3A_193 = arith.constant 0 : i32
        %dma_start3A_194 = arith.constant 0 : i32
        %dma_start3A_195 = tpu.memref_slice %arg9[%dma_start3A_193, %dma_start3A_194] : memref<96x144xf32, #tpu.memory_space<vmem>> -> memref<96x144xf32, #tpu.memory_space<vmem>>
        tpu.enqueue_dma source(%dma_start3A_195 : memref<96x144xf32, #tpu.memory_space<vmem>>) target(%dma_start3A_192 : memref<96x144xf32, #tpu.memory_space<vmem_shared>>) target_semaphore(%run_scoped3A_185 : memref<!tpu.dma_semaphore, #tpu.memory_space<semaphore_mem>>)
        %dma_wait3A_196 = arith.constant 0 : i32
        %dma_wait3A_197 = arith.constant 0 : i32
        %dma_wait3A_198 = tpu.memref_slice %arg9[%dma_wait3A_196, %dma_wait3A_197] : memref<96x144xf32, #tpu.memory_space<vmem>> -> memref<96x144xf32, #tpu.memory_space<vmem>>
        %dma_wait3A_199 = arith.constant 0 : i32
        %dma_wait3A_200 = tpu.memref_slice %arg8[%add3A_172, %dma_wait3A_199] : memref<10000x144xf32, #tpu.memory_space<vmem_shared>> -> memref<96x144xf32, #tpu.memory_space<vmem_shared>>
        %dma_wait3A_201 = arith.constant 0 : i32
        %dma_wait3A_202 = tpu.memref_slice %arg8[%add3A_172, %dma_wait3A_201] : memref<10000x144xf32, #tpu.memory_space<vmem_shared>> -> memref<96x144xf32, #tpu.memory_space<vmem_shared>>
        %dma_wait3A_203 = arith.constant 0 : i32
        %dma_wait3A_204 = arith.constant 0 : i32
        %dma_wait3A_205 = tpu.memref_slice %arg9[%dma_wait3A_203, %dma_wait3A_204] : memref<96x144xf32, #tpu.memory_space<vmem>> -> memref<96x144xf32, #tpu.memory_space<vmem>>
        tpu.wait_dma2 semaphore(%run_scoped3A_185 : memref<!tpu.dma_semaphore, #tpu.memory_space<semaphore_mem>>) src(%dma_wait3A_205 : memref<96x144xf32, #tpu.memory_space<vmem>>) dst(%dma_wait3A_202 : memref<96x144xf32, #tpu.memory_space<vmem_shared>>)
        tpu.yield
      }) : () -> ()
      %add3A_173 = arith.constant 96 : i32
      %add3A_174 = arith.addi %multiple_of3A, %add3A_173 : i32
      "tpu.region"() ({
        %run_scoped3A_185 = tpu.sem_alloc : memref<!tpu.dma_semaphore, #tpu.memory_space<semaphore_mem>>
        %dma_start3A_186 = arith.constant 0 : i32
        %dma_start3A_187 = arith.constant 0 : i32
        %dma_start3A_188 = tpu.memref_slice %arg9[%dma_start3A_186, %dma_start3A_187] : memref<96x144xf32, #tpu.memory_space<vmem>> -> memref<96x144xf32, #tpu.memory_space<vmem>>
        %dma_start3A_189 = arith.constant 0 : i32
        %dma_start3A_190 = tpu.memref_slice %arg8[%add3A_174, %dma_start3A_189] : memref<10000x144xf32, #tpu.memory_space<vmem_shared>> -> memref<96x144xf32, #tpu.memory_space<vmem_shared>>
        %dma_start3A_191 = arith.constant 0 : i32
        %dma_start3A_192 = tpu.memref_slice %arg8[%add3A_174, %dma_start3A_191] : memref<10000x144xf32, #tpu.memory_space<vmem_shared>> -> memref<96x144xf32, #tpu.memory_space<vmem_shared>>
        %dma_start3A_193 = arith.constant 0 : i32
        %dma_start3A_194 = arith.constant 0 : i32
        %dma_start3A_195 = tpu.memref_slice %arg9[%dma_start3A_193, %dma_start3A_194] : memref<96x144xf32, #tpu.memory_space<vmem>> -> memref<96x144xf32, #tpu.memory_space<vmem>>
        tpu.enqueue_dma source(%dma_start3A_195 : memref<96x144xf32, #tpu.memory_space<vmem>>) target(%dma_start3A_192 : memref<96x144xf32, #tpu.memory_space<vmem_shared>>) target_semaphore(%run_scoped3A_185 : memref<!tpu.dma_semaphore, #tpu.memory_space<semaphore_mem>>)
        %dma_wait3A_196 = arith.constant 0 : i32
        %dma_wait3A_197 = arith.constant 0 : i32
        %dma_wait3A_198 = tpu.memref_slice %arg9[%dma_wait3A_196, %dma_wait3A_197] : memref<96x144xf32, #tpu.memory_space<vmem>> -> memref<96x144xf32, #tpu.memory_space<vmem>>
        %dma_wait3A_199 = arith.constant 0 : i32
        %dma_wait3A_200 = tpu.memref_slice %arg8[%add3A_174, %dma_wait3A_199] : memref<10000x144xf32, #tpu.memory_space<vmem_shared>> -> memref<96x144xf32, #tpu.memory_space<vmem_shared>>
        %dma_wait3A_201 = arith.constant 0 : i32
        %dma_wait3A_202 = tpu.memref_slice %arg8[%add3A_174, %dma_wait3A_201] : memref<10000x144xf32, #tpu.memory_space<vmem_shared>> -> memref<96x144xf32, #tpu.memory_space<vmem_shared>>
        %dma_wait3A_203 = arith.constant 0 : i32
        %dma_wait3A_204 = arith.constant 0 : i32
        %dma_wait3A_205 = tpu.memref_slice %arg9[%dma_wait3A_203, %dma_wait3A_204] : memref<96x144xf32, #tpu.memory_space<vmem>> -> memref<96x144xf32, #tpu.memory_space<vmem>>
        tpu.wait_dma2 semaphore(%run_scoped3A_185 : memref<!tpu.dma_semaphore, #tpu.memory_space<semaphore_mem>>) src(%dma_wait3A_205 : memref<96x144xf32, #tpu.memory_space<vmem>>) dst(%dma_wait3A_202 : memref<96x144xf32, #tpu.memory_space<vmem_shared>>)
        tpu.yield
      }) : () -> ()
      %add3A_175 = arith.constant 192 : i32
      %add3A_176 = arith.addi %multiple_of3A, %add3A_175 : i32
      "tpu.region"() ({
        %run_scoped3A_185 = tpu.sem_alloc : memref<!tpu.dma_semaphore, #tpu.memory_space<semaphore_mem>>
        %dma_start3A_186 = arith.constant 0 : i32
        %dma_start3A_187 = arith.constant 0 : i32
        %dma_start3A_188 = tpu.memref_slice %arg9[%dma_start3A_186, %dma_start3A_187] : memref<96x144xf32, #tpu.memory_space<vmem>> -> memref<96x144xf32, #tpu.memory_space<vmem>>
        %dma_start3A_189 = arith.constant 0 : i32
        %dma_start3A_190 = tpu.memref_slice %arg8[%add3A_176, %dma_start3A_189] : memref<10000x144xf32, #tpu.memory_space<vmem_shared>> -> memref<96x144xf32, #tpu.memory_space<vmem_shared>>
        %dma_start3A_191 = arith.constant 0 : i32
        %dma_start3A_192 = tpu.memref_slice %arg8[%add3A_176, %dma_start3A_191] : memref<10000x144xf32, #tpu.memory_space<vmem_shared>> -> memref<96x144xf32, #tpu.memory_space<vmem_shared>>
        %dma_start3A_193 = arith.constant 0 : i32
        %dma_start3A_194 = arith.constant 0 : i32
        %dma_start3A_195 = tpu.memref_slice %arg9[%dma_start3A_193, %dma_start3A_194] : memref<96x144xf32, #tpu.memory_space<vmem>> -> memref<96x144xf32, #tpu.memory_space<vmem>>
        tpu.enqueue_dma source(%dma_start3A_195 : memref<96x144xf32, #tpu.memory_space<vmem>>) target(%dma_start3A_192 : memref<96x144xf32, #tpu.memory_space<vmem_shared>>) target_semaphore(%run_scoped3A_185 : memref<!tpu.dma_semaphore, #tpu.memory_space<semaphore_mem>>)
        %dma_wait3A_196 = arith.constant 0 : i32
        %dma_wait3A_197 = arith.constant 0 : i32
        %dma_wait3A_198 = tpu.memref_slice %arg9[%dma_wait3A_196, %dma_wait3A_197] : memref<96x144xf32, #tpu.memory_space<vmem>> -> memref<96x144xf32, #tpu.memory_space<vmem>>
        %dma_wait3A_199 = arith.constant 0 : i32
        %dma_wait3A_200 = tpu.memref_slice %arg8[%add3A_176, %dma_wait3A_199] : memref<10000x144xf32, #tpu.memory_space<vmem_shared>> -> memref<96x144xf32, #tpu.memory_space<vmem_shared>>
        %dma_wait3A_201 = arith.constant 0 : i32
        %dma_wait3A_202 = tpu.memref_slice %arg8[%add3A_176, %dma_wait3A_201] : memref<10000x144xf32, #tpu.memory_space<vmem_shared>> -> memref<96x144xf32, #tpu.memory_space<vmem_shared>>
        %dma_wait3A_203 = arith.constant 0 : i32
        %dma_wait3A_204 = arith.constant 0 : i32
        %dma_wait3A_205 = tpu.memref_slice %arg9[%dma_wait3A_203, %dma_wait3A_204] : memref<96x144xf32, #tpu.memory_space<vmem>> -> memref<96x144xf32, #tpu.memory_space<vmem>>
        tpu.wait_dma2 semaphore(%run_scoped3A_185 : memref<!tpu.dma_semaphore, #tpu.memory_space<semaphore_mem>>) src(%dma_wait3A_205 : memref<96x144xf32, #tpu.memory_space<vmem>>) dst(%dma_wait3A_202 : memref<96x144xf32, #tpu.memory_space<vmem_shared>>)
        tpu.yield
      }) : () -> ()
      %add3A_177 = arith.constant 288 : i32
      %add3A_178 = arith.addi %multiple_of3A, %add3A_177 : i32
      "tpu.region"() ({
        %run_scoped3A_185 = tpu.sem_alloc : memref<!tpu.dma_semaphore, #tpu.memory_space<semaphore_mem>>
        %dma_start3A_186 = arith.constant 0 : i32
        %dma_start3A_187 = arith.constant 0 : i32
        %dma_start3A_188 = tpu.memref_slice %arg9[%dma_start3A_186, %dma_start3A_187] : memref<96x144xf32, #tpu.memory_space<vmem>> -> memref<96x144xf32, #tpu.memory_space<vmem>>
        %dma_start3A_189 = arith.constant 0 : i32
        %dma_start3A_190 = tpu.memref_slice %arg8[%add3A_178, %dma_start3A_189] : memref<10000x144xf32, #tpu.memory_space<vmem_shared>> -> memref<96x144xf32, #tpu.memory_space<vmem_shared>>
        %dma_start3A_191 = arith.constant 0 : i32
        %dma_start3A_192 = tpu.memref_slice %arg8[%add3A_178, %dma_start3A_191] : memref<10000x144xf32, #tpu.memory_space<vmem_shared>> -> memref<96x144xf32, #tpu.memory_space<vmem_shared>>
        %dma_start3A_193 = arith.constant 0 : i32
        %dma_start3A_194 = arith.constant 0 : i32
        %dma_start3A_195 = tpu.memref_slice %arg9[%dma_start3A_193, %dma_start3A_194] : memref<96x144xf32, #tpu.memory_space<vmem>> -> memref<96x144xf32, #tpu.memory_space<vmem>>
        tpu.enqueue_dma source(%dma_start3A_195 : memref<96x144xf32, #tpu.memory_space<vmem>>) target(%dma_start3A_192 : memref<96x144xf32, #tpu.memory_space<vmem_shared>>) target_semaphore(%run_scoped3A_185 : memref<!tpu.dma_semaphore, #tpu.memory_space<semaphore_mem>>)
        %dma_wait3A_196 = arith.constant 0 : i32
        %dma_wait3A_197 = arith.constant 0 : i32
        %dma_wait3A_198 = tpu.memref_slice %arg9[%dma_wait3A_196, %dma_wait3A_197] : memref<96x144xf32, #tpu.memory_space<vmem>> -> memref<96x144xf32, #tpu.memory_space<vmem>>
        %dma_wait3A_199 = arith.constant 0 : i32
        %dma_wait3A_200 = tpu.memref_slice %arg8[%add3A_178, %dma_wait3A_199] : memref<10000x144xf32, #tpu.memory_space<vmem_shared>> -> memref<96x144xf32, #tpu.memory_space<vmem_shared>>
        %dma_wait3A_201 = arith.constant 0 : i32
        %dma_wait3A_202 = tpu.memref_slice %arg8[%add3A_178, %dma_wait3A_201] : memref<10000x144xf32, #tpu.memory_space<vmem_shared>> -> memref<96x144xf32, #tpu.memory_space<vmem_shared>>
        %dma_wait3A_203 = arith.constant 0 : i32
        %dma_wait3A_204 = arith.constant 0 : i32
        %dma_wait3A_205 = tpu.memref_slice %arg9[%dma_wait3A_203, %dma_wait3A_204] : memref<96x144xf32, #tpu.memory_space<vmem>> -> memref<96x144xf32, #tpu.memory_space<vmem>>
        tpu.wait_dma2 semaphore(%run_scoped3A_185 : memref<!tpu.dma_semaphore, #tpu.memory_space<semaphore_mem>>) src(%dma_wait3A_205 : memref<96x144xf32, #tpu.memory_space<vmem>>) dst(%dma_wait3A_202 : memref<96x144xf32, #tpu.memory_space<vmem_shared>>)
        tpu.yield
      }) : () -> ()
      %add3A_179 = arith.constant 384 : i32
      %add3A_180 = arith.addi %multiple_of3A, %add3A_179 : i32
      "tpu.region"() ({
        %run_scoped3A_185 = tpu.sem_alloc : memref<!tpu.dma_semaphore, #tpu.memory_space<semaphore_mem>>
        %dma_start3A_186 = arith.constant 0 : i32
        %dma_start3A_187 = arith.constant 0 : i32
        %dma_start3A_188 = tpu.memref_slice %arg9[%dma_start3A_186, %dma_start3A_187] : memref<96x144xf32, #tpu.memory_space<vmem>> -> memref<96x144xf32, #tpu.memory_space<vmem>>
        %dma_start3A_189 = arith.constant 0 : i32
        %dma_start3A_190 = tpu.memref_slice %arg8[%add3A_180, %dma_start3A_189] : memref<10000x144xf32, #tpu.memory_space<vmem_shared>> -> memref<96x144xf32, #tpu.memory_space<vmem_shared>>
        %dma_start3A_191 = arith.constant 0 : i32
        %dma_start3A_192 = tpu.memref_slice %arg8[%add3A_180, %dma_start3A_191] : memref<10000x144xf32, #tpu.memory_space<vmem_shared>> -> memref<96x144xf32, #tpu.memory_space<vmem_shared>>
        %dma_start3A_193 = arith.constant 0 : i32
        %dma_start3A_194 = arith.constant 0 : i32
        %dma_start3A_195 = tpu.memref_slice %arg9[%dma_start3A_193, %dma_start3A_194] : memref<96x144xf32, #tpu.memory_space<vmem>> -> memref<96x144xf32, #tpu.memory_space<vmem>>
        tpu.enqueue_dma source(%dma_start3A_195 : memref<96x144xf32, #tpu.memory_space<vmem>>) target(%dma_start3A_192 : memref<96x144xf32, #tpu.memory_space<vmem_shared>>) target_semaphore(%run_scoped3A_185 : memref<!tpu.dma_semaphore, #tpu.memory_space<semaphore_mem>>)
        %dma_wait3A_196 = arith.constant 0 : i32
        %dma_wait3A_197 = arith.constant 0 : i32
        %dma_wait3A_198 = tpu.memref_slice %arg9[%dma_wait3A_196, %dma_wait3A_197] : memref<96x144xf32, #tpu.memory_space<vmem>> -> memref<96x144xf32, #tpu.memory_space<vmem>>
        %dma_wait3A_199 = arith.constant 0 : i32
        %dma_wait3A_200 = tpu.memref_slice %arg8[%add3A_180, %dma_wait3A_199] : memref<10000x144xf32, #tpu.memory_space<vmem_shared>> -> memref<96x144xf32, #tpu.memory_space<vmem_shared>>
        %dma_wait3A_201 = arith.constant 0 : i32
        %dma_wait3A_202 = tpu.memref_slice %arg8[%add3A_180, %dma_wait3A_201] : memref<10000x144xf32, #tpu.memory_space<vmem_shared>> -> memref<96x144xf32, #tpu.memory_space<vmem_shared>>
        %dma_wait3A_203 = arith.constant 0 : i32
        %dma_wait3A_204 = arith.constant 0 : i32
        %dma_wait3A_205 = tpu.memref_slice %arg9[%dma_wait3A_203, %dma_wait3A_204] : memref<96x144xf32, #tpu.memory_space<vmem>> -> memref<96x144xf32, #tpu.memory_space<vmem>>
        tpu.wait_dma2 semaphore(%run_scoped3A_185 : memref<!tpu.dma_semaphore, #tpu.memory_space<semaphore_mem>>) src(%dma_wait3A_205 : memref<96x144xf32, #tpu.memory_space<vmem>>) dst(%dma_wait3A_202 : memref<96x144xf32, #tpu.memory_space<vmem_shared>>)
        tpu.yield
      }) : () -> ()
      %add3A_181 = arith.constant 480 : i32
      %add3A_182 = arith.addi %multiple_of3A, %add3A_181 : i32
      "tpu.region"() ({
        %run_scoped3A_185 = tpu.sem_alloc : memref<!tpu.dma_semaphore, #tpu.memory_space<semaphore_mem>>
        %dma_start3A_186 = arith.constant 0 : i32
        %dma_start3A_187 = arith.constant 0 : i32
        %dma_start3A_188 = tpu.memref_slice %arg9[%dma_start3A_186, %dma_start3A_187] : memref<96x144xf32, #tpu.memory_space<vmem>> -> memref<96x144xf32, #tpu.memory_space<vmem>>
        %dma_start3A_189 = arith.constant 0 : i32
        %dma_start3A_190 = tpu.memref_slice %arg8[%add3A_182, %dma_start3A_189] : memref<10000x144xf32, #tpu.memory_space<vmem_shared>> -> memref<96x144xf32, #tpu.memory_space<vmem_shared>>
        %dma_start3A_191 = arith.constant 0 : i32
        %dma_start3A_192 = tpu.memref_slice %arg8[%add3A_182, %dma_start3A_191] : memref<10000x144xf32, #tpu.memory_space<vmem_shared>> -> memref<96x144xf32, #tpu.memory_space<vmem_shared>>
        %dma_start3A_193 = arith.constant 0 : i32
        %dma_start3A_194 = arith.constant 0 : i32
        %dma_start3A_195 = tpu.memref_slice %arg9[%dma_start3A_193, %dma_start3A_194] : memref<96x144xf32, #tpu.memory_space<vmem>> -> memref<96x144xf32, #tpu.memory_space<vmem>>
        tpu.enqueue_dma source(%dma_start3A_195 : memref<96x144xf32, #tpu.memory_space<vmem>>) target(%dma_start3A_192 : memref<96x144xf32, #tpu.memory_space<vmem_shared>>) target_semaphore(%run_scoped3A_185 : memref<!tpu.dma_semaphore, #tpu.memory_space<semaphore_mem>>)
        %dma_wait3A_196 = arith.constant 0 : i32
        %dma_wait3A_197 = arith.constant 0 : i32
        %dma_wait3A_198 = tpu.memref_slice %arg9[%dma_wait3A_196, %dma_wait3A_197] : memref<96x144xf32, #tpu.memory_space<vmem>> -> memref<96x144xf32, #tpu.memory_space<vmem>>
        %dma_wait3A_199 = arith.constant 0 : i32
        %dma_wait3A_200 = tpu.memref_slice %arg8[%add3A_182, %dma_wait3A_199] : memref<10000x144xf32, #tpu.memory_space<vmem_shared>> -> memref<96x144xf32, #tpu.memory_space<vmem_shared>>
        %dma_wait3A_201 = arith.constant 0 : i32
        %dma_wait3A_202 = tpu.memref_slice %arg8[%add3A_182, %dma_wait3A_201] : memref<10000x144xf32, #tpu.memory_space<vmem_shared>> -> memref<96x144xf32, #tpu.memory_space<vmem_shared>>
        %dma_wait3A_203 = arith.constant 0 : i32
        %dma_wait3A_204 = arith.constant 0 : i32
        %dma_wait3A_205 = tpu.memref_slice %arg9[%dma_wait3A_203, %dma_wait3A_204] : memref<96x144xf32, #tpu.memory_space<vmem>> -> memref<96x144xf32, #tpu.memory_space<vmem>>
        tpu.wait_dma2 semaphore(%run_scoped3A_185 : memref<!tpu.dma_semaphore, #tpu.memory_space<semaphore_mem>>) src(%dma_wait3A_205 : memref<96x144xf32, #tpu.memory_space<vmem>>) dst(%dma_wait3A_202 : memref<96x144xf32, #tpu.memory_space<vmem_shared>>)
        tpu.yield
      }) : () -> ()
      %add3A_183 = arith.constant 576 : i32
      %add3A_184 = arith.addi %multiple_of3A, %add3A_183 : i32
      "tpu.region"() ({
        %run_scoped3A_185 = tpu.sem_alloc : memref<!tpu.dma_semaphore, #tpu.memory_space<semaphore_mem>>
        %dma_start3A_186 = arith.constant 0 : i32
        %dma_start3A_187 = arith.constant 0 : i32
        %dma_start3A_188 = tpu.memref_slice %arg9[%dma_start3A_186, %dma_start3A_187] : memref<96x144xf32, #tpu.memory_space<vmem>> -> memref<64x144xf32, #tpu.memory_space<vmem>>
        %dma_start3A_189 = arith.constant 0 : i32
        %dma_start3A_190 = tpu.memref_slice %arg8[%add3A_184, %dma_start3A_189] : memref<10000x144xf32, #tpu.memory_space<vmem_shared>> -> memref<64x144xf32, #tpu.memory_space<vmem_shared>>
        %dma_start3A_191 = arith.constant 0 : i32
        %dma_start3A_192 = tpu.memref_slice %arg8[%add3A_184, %dma_start3A_191] : memref<10000x144xf32, #tpu.memory_space<vmem_shared>> -> memref<64x144xf32, #tpu.memory_space<vmem_shared>>
        %dma_start3A_193 = arith.constant 0 : i32
        %dma_start3A_194 = arith.constant 0 : i32
        %dma_start3A_195 = tpu.memref_slice %arg9[%dma_start3A_193, %dma_start3A_194] : memref<96x144xf32, #tpu.memory_space<vmem>> -> memref<64x144xf32, #tpu.memory_space<vmem>>
        tpu.enqueue_dma source(%dma_start3A_195 : memref<64x144xf32, #tpu.memory_space<vmem>>) target(%dma_start3A_192 : memref<64x144xf32, #tpu.memory_space<vmem_shared>>) target_semaphore(%run_scoped3A_185 : memref<!tpu.dma_semaphore, #tpu.memory_space<semaphore_mem>>)
        %dma_wait3A_196 = arith.constant 0 : i32
        %dma_wait3A_197 = arith.constant 0 : i32
        %dma_wait3A_198 = tpu.memref_slice %arg9[%dma_wait3A_196, %dma_wait3A_197] : memref<96x144xf32, #tpu.memory_space<vmem>> -> memref<64x144xf32, #tpu.memory_space<vmem>>
        %dma_wait3A_199 = arith.constant 0 : i32
        %dma_wait3A_200 = tpu.memref_slice %arg8[%add3A_184, %dma_wait3A_199] : memref<10000x144xf32, #tpu.memory_space<vmem_shared>> -> memref<64x144xf32, #tpu.memory_space<vmem_shared>>
        %dma_wait3A_201 = arith.constant 0 : i32
        %dma_wait3A_202 = tpu.memref_slice %arg8[%add3A_184, %dma_wait3A_201] : memref<10000x144xf32, #tpu.memory_space<vmem_shared>> -> memref<64x144xf32, #tpu.memory_space<vmem_shared>>
        %dma_wait3A_203 = arith.constant 0 : i32
        %dma_wait3A_204 = arith.constant 0 : i32
        %dma_wait3A_205 = tpu.memref_slice %arg9[%dma_wait3A_203, %dma_wait3A_204] : memref<96x144xf32, #tpu.memory_space<vmem>> -> memref<64x144xf32, #tpu.memory_space<vmem>>
        tpu.wait_dma2 semaphore(%run_scoped3A_185 : memref<!tpu.dma_semaphore, #tpu.memory_space<semaphore_mem>>) src(%dma_wait3A_205 : memref<64x144xf32, #tpu.memory_space<vmem>>) dst(%dma_wait3A_202 : memref<64x144xf32, #tpu.memory_space<vmem_shared>>)
        tpu.yield
      }) : () -> ()
    } else {
    }
    %run_scoped3A = arith.constant 0 : i32
    "tpu.region"() ({
      %run_scoped3A_171 = tpu.sem_alloc : memref<!tpu.dma_semaphore, #tpu.memory_space<semaphore_mem>>
      %dma_start3A_172 = arith.constant 0 : i32
      %dma_start3A_173 = tpu.memref_slice %arg6[%run_scoped3A, %dma_start3A_172] : memref<1x16xf32, #tpu.memory_space<hbm>> -> memref<1x16xf32, #tpu.memory_space<hbm>>
      %dma_start3A_174 = tpu.memref_squeeze %dma_start3A_173 : memref<1x16xf32, #tpu.memory_space<hbm>> -> memref<16xf32, #tpu.memory_space<hbm>>
      %dma_start3A_175 = arith.constant 0 : i32
      %dma_start3A_176 = tpu.memref_slice %arg6[%run_scoped3A, %dma_start3A_175] : memref<1x16xf32, #tpu.memory_space<hbm>> -> memref<1x16xf32, #tpu.memory_space<hbm>>
      %dma_start3A_177 = tpu.memref_squeeze %dma_start3A_176 : memref<1x16xf32, #tpu.memory_space<hbm>> -> memref<16xf32, #tpu.memory_space<hbm>>
      tpu.enqueue_dma source(%dma_start3A_177 : memref<16xf32, #tpu.memory_space<hbm>>) target(%arg22 : memref<16xf32, #tpu.memory_space<vmem>>) target_semaphore(%run_scoped3A_171 : memref<!tpu.dma_semaphore, #tpu.memory_space<semaphore_mem>>)
      %dma_wait3A_178 = arith.constant 0 : i32
      %dma_wait3A_179 = tpu.memref_slice %arg6[%run_scoped3A, %dma_wait3A_178] : memref<1x16xf32, #tpu.memory_space<hbm>> -> memref<1x16xf32, #tpu.memory_space<hbm>>
      %dma_wait3A_180 = tpu.memref_squeeze %dma_wait3A_179 : memref<1x16xf32, #tpu.memory_space<hbm>> -> memref<16xf32, #tpu.memory_space<hbm>>
      %dma_wait3A_181 = arith.constant 0 : i32
      %dma_wait3A_182 = tpu.memref_slice %arg6[%run_scoped3A, %dma_wait3A_181] : memref<1x16xf32, #tpu.memory_space<hbm>> -> memref<1x16xf32, #tpu.memory_space<hbm>>
      %dma_wait3A_183 = tpu.memref_squeeze %dma_wait3A_182 : memref<1x16xf32, #tpu.memory_space<hbm>> -> memref<16xf32, #tpu.memory_space<hbm>>
      tpu.wait_dma2 semaphore(%run_scoped3A_171 : memref<!tpu.dma_semaphore, #tpu.memory_space<semaphore_mem>>) src(%dma_wait3A_183 : memref<16xf32, #tpu.memory_space<hbm>>) dst(%arg22 : memref<16xf32, #tpu.memory_space<vmem>>)
      tpu.yield
    }) : () -> ()
    %get3A = arith.constant 0 : index
    %get3A_13 = tpu.vector_load %arg22[%get3A] {strides = array<i32>} : memref<16xf32, #tpu.memory_space<vmem>>, vector<16xf32>,
    %slice3A = vector.extract_strided_slice %get3A_13 {offsets = [0], sizes = [1], strides = [1]} : vector<16xf32> to vector<1xf32>
    %squeeze3A = vector.extract %slice3A[0] : f32 from vector<1xf32>
    %slice3A_14 = vector.extract_strided_slice %get3A_13 {offsets = [4], sizes = [1], strides = [1]} : vector<16xf32> to vector<1xf32>
    %squeeze3A_15 = vector.extract %slice3A_14[0] : f32 from vector<1xf32>
    %add3A = arith.addf %squeeze3A, %squeeze3A_15 : f32
    %mul3A_16 = arith.constant 2.000000e-01 : f32
    %mul3A_17 = arith.mulf %mul3A_16, %add3A : f32
    %max3A = arith.maximumf %add3A, %mul3A_17 : f32
    %slice3A_18 = vector.extract_strided_slice %get3A_13 {offsets = [1], sizes = [1], strides = [1]} : vector<16xf32> to vector<1xf32>
    %squeeze3A_19 = vector.extract %slice3A_18[0] : f32 from vector<1xf32>
    %slice3A_20 = vector.extract_strided_slice %get3A_13 {offsets = [5], sizes = [1], strides = [1]} : vector<16xf32> to vector<1xf32>
    %squeeze3A_21 = vector.extract %slice3A_20[0] : f32 from vector<1xf32>
    %add3A_22 = arith.addf %squeeze3A_19, %squeeze3A_21 : f32
    %mul3A_23 = arith.constant 2.000000e-01 : f32
    %mul3A_24 = arith.mulf %mul3A_23, %add3A_22 : f32
    %max3A_25 = arith.maximumf %add3A_22, %mul3A_24 : f32
    %slice3A_26 = vector.extract_strided_slice %get3A_13 {offsets = [2], sizes = [1], strides = [1]} : vector<16xf32> to vector<1xf32>
    %squeeze3A_27 = vector.extract %slice3A_26[0] : f32 from vector<1xf32>
    %slice3A_28 = vector.extract_strided_slice %get3A_13 {offsets = [6], sizes = [1], strides = [1]} : vector<16xf32> to vector<1xf32>
    %squeeze3A_29 = vector.extract %slice3A_28[0] : f32 from vector<1xf32>
    %add3A_30 = arith.addf %squeeze3A_27, %squeeze3A_29 : f32
    %mul3A_31 = arith.constant 2.000000e-01 : f32
    %mul3A_32 = arith.mulf %mul3A_31, %add3A_30 : f32
    %max3A_33 = arith.maximumf %add3A_30, %mul3A_32 : f32
    %slice3A_34 = vector.extract_strided_slice %get3A_13 {offsets = [3], sizes = [1], strides = [1]} : vector<16xf32> to vector<1xf32>
    %squeeze3A_35 = vector.extract %slice3A_34[0] : f32 from vector<1xf32>
    %slice3A_36 = vector.extract_strided_slice %get3A_13 {offsets = [7], sizes = [1], strides = [1]} : vector<16xf32> to vector<1xf32>
    %squeeze3A_37 = vector.extract %slice3A_36[0] : f32 from vector<1xf32>
    %add3A_38 = arith.addf %squeeze3A_35, %squeeze3A_37 : f32
    %mul3A_39 = arith.constant 2.000000e-01 : f32
    %mul3A_40 = arith.mulf %mul3A_39, %add3A_38 : f32
    %max3A_41 = arith.maximumf %add3A_38, %mul3A_40 : f32
    %barrier3A = arith.constant 0 : index
    tpu.barrier barrier_id(%barrier3A)
    %mul3A_42 = arith.constant 16 : i32
    %mul3A_43 = arith.muli %arg0, %mul3A_42 : i32
    %add3A_44 = arith.addi %mul3A_43, %arg1 : i32
    %mul3A_45 = arith.constant 10000 : i32
    %mul3A_46 = arith.muli %add3A_44, %mul3A_45 : i32
    %add3A_47 = arith.constant 0 : i32
    %add3A_48 = arith.addi %mul3A_46, %add3A_47 : i32
    %multiple_of3A_49 = tpu.assume_multiple %add3A_48, 8 : i32
    "tpu.region"() ({
      %run_scoped3A_171 = tpu.sem_alloc : memref<!tpu.dma_semaphore, #tpu.memory_space<semaphore_mem>>
      %dma_start3A_172 = tpu.memref_slice %arg2[%multiple_of3A_49] : memref<320000xi32, #tpu.memory_space<hbm>> -> memref<96xi32, #tpu.memory_space<hbm>>
      %dma_start3A_173 = tpu.memref_slice %arg2[%multiple_of3A_49] : memref<320000xi32, #tpu.memory_space<hbm>> -> memref<96xi32, #tpu.memory_space<hbm>>
      tpu.enqueue_dma source(%dma_start3A_173 : memref<96xi32, #tpu.memory_space<hbm>>) target(%arg16 : memref<96xi32, #tpu.memory_space<vmem>>) target_semaphore(%run_scoped3A_171 : memref<!tpu.dma_semaphore, #tpu.memory_space<semaphore_mem>>)
      %dma_wait3A_174 = tpu.memref_slice %arg2[%multiple_of3A_49] : memref<320000xi32, #tpu.memory_space<hbm>> -> memref<96xi32, #tpu.memory_space<hbm>>
      %dma_wait3A_175 = tpu.memref_slice %arg2[%multiple_of3A_49] : memref<320000xi32, #tpu.memory_space<hbm>> -> memref<96xi32, #tpu.memory_space<hbm>>
      tpu.wait_dma2 semaphore(%run_scoped3A_171 : memref<!tpu.dma_semaphore, #tpu.memory_space<semaphore_mem>>) src(%dma_wait3A_175 : memref<96xi32, #tpu.memory_space<hbm>>) dst(%arg16 : memref<96xi32, #tpu.memory_space<vmem>>)
      tpu.yield
    }) : () -> ()
    "tpu.region"() ({
      %run_scoped3A_171 = tpu.sem_alloc : memref<!tpu.dma_semaphore, #tpu.memory_space<semaphore_mem>>
      %dma_start3A_172 = tpu.memref_slice %arg3[%multiple_of3A_49] : memref<320000xi32, #tpu.memory_space<hbm>> -> memref<96xi32, #tpu.memory_space<hbm>>
      %dma_start3A_173 = tpu.memref_slice %arg3[%multiple_of3A_49] : memref<320000xi32, #tpu.memory_space<hbm>> -> memref<96xi32, #tpu.memory_space<hbm>>
      tpu.enqueue_dma source(%dma_start3A_173 : memref<96xi32, #tpu.memory_space<hbm>>) target(%arg18 : memref<96xi32, #tpu.memory_space<vmem>>) target_semaphore(%run_scoped3A_171 : memref<!tpu.dma_semaphore, #tpu.memory_space<semaphore_mem>>)
      %dma_wait3A_174 = tpu.memref_slice %arg3[%multiple_of3A_49] : memref<320000xi32, #tpu.memory_space<hbm>> -> memref<96xi32, #tpu.memory_space<hbm>>
      %dma_wait3A_175 = tpu.memref_slice %arg3[%multiple_of3A_49] : memref<320000xi32, #tpu.memory_space<hbm>> -> memref<96xi32, #tpu.memory_space<hbm>>
      tpu.wait_dma2 semaphore(%run_scoped3A_171 : memref<!tpu.dma_semaphore, #tpu.memory_space<semaphore_mem>>) src(%dma_wait3A_175 : memref<96xi32, #tpu.memory_space<hbm>>) dst(%arg18 : memref<96xi32, #tpu.memory_space<vmem>>)
      tpu.yield
    }) : () -> ()
    %dma_start3A = arith.constant 0 : i32
    %dma_start3A_50 = arith.constant 0 : i32
    %dma_start3A_51 = tpu.memref_slice %arg4[%dma_start3A, %dma_start3A_50] : memref<10000x144xf32, #tpu.memory_space<hbm>> -> memref<10000x144xf32, #tpu.memory_space<hbm>>
    tpu.enqueue_indirect_dma source(%dma_start3A_51 : memref<10000x144xf32, #tpu.memory_space<hbm>>) target(%arg9 : memref<96x144xf32, #tpu.memory_space<vmem>>) offsets(%arg16 : memref<96xi32, #tpu.memory_space<vmem>>) semaphore(%arg23 : memref<!tpu.dma_semaphore, #tpu.memory_space<semaphore_mem>>)
    %dma_start3A_52 = arith.constant 0 : i32
    %dma_start3A_53 = arith.constant 0 : i32
    %dma_start3A_54 = tpu.memref_slice %arg5[%dma_start3A_52, %dma_start3A_53] : memref<10000x16xf32, #tpu.memory_space<hbm>> -> memref<10000x16xf32, #tpu.memory_space<hbm>>
    tpu.enqueue_indirect_dma source(%dma_start3A_54 : memref<10000x16xf32, #tpu.memory_space<hbm>>) target(%arg11 : memref<96x16xf32, #tpu.memory_space<vmem>>) offsets(%arg16 : memref<96xi32, #tpu.memory_space<vmem>>) semaphore(%arg25 : memref<!tpu.dma_semaphore, #tpu.memory_space<semaphore_mem>>)
    %dma_start3A_55 = arith.constant 0 : i32
    %dma_start3A_56 = arith.constant 0 : i32
    %dma_start3A_57 = tpu.memref_slice %arg5[%dma_start3A_55, %dma_start3A_56] : memref<10000x16xf32, #tpu.memory_space<hbm>> -> memref<10000x16xf32, #tpu.memory_space<hbm>>
    tpu.enqueue_indirect_dma source(%dma_start3A_57 : memref<10000x16xf32, #tpu.memory_space<hbm>>) target(%arg13 : memref<96x16xf32, #tpu.memory_space<vmem>>) offsets(%arg18 : memref<96xi32, #tpu.memory_space<vmem>>) semaphore(%arg27 : memref<!tpu.dma_semaphore, #tpu.memory_space<semaphore_mem>>)
    %scan3A_58 = arith.constant 0 : i32
    %scan3A_59 = arith.constant 0 : i32
    %scan3A_60 = arith.constant 52 : i32
    %scan3A_61 = arith.addi %scan3A_59, %scan3A_60 : i32
    %scan3A_62 = arith.constant 1 : i32
    scf.for %scan3A_171 = %scan3A_59 to %scan3A_61 step %scan3A_62  : i32 {
      %mul3A_172 = arith.constant 2 : i32
      %mul3A_173 = arith.muli %mul3A_172, %scan3A_171 : i32
      %add3A_174 = arith.constant 1 : i32
      %add3A_175 = arith.addi %mul3A_173, %add3A_174 : i32
      %mul3A_176 = arith.constant 96 : i32
      %mul3A_177 = arith.muli %add3A_175, %mul3A_176 : i32
      %add3A_178 = arith.addi %mul3A_46, %mul3A_177 : i32
      %multiple_of3A_179 = tpu.assume_multiple %add3A_178, 8 : i32
      "tpu.region"() ({
        %run_scoped3A_1157 = tpu.sem_alloc : memref<!tpu.dma_semaphore, #tpu.memory_space<semaphore_mem>>
        %dma_start3A_1158 = tpu.memref_slice %arg2[%multiple_of3A_179] : memref<320000xi32, #tpu.memory_space<hbm>> -> memref<96xi32, #tpu.memory_space<hbm>>
        %dma_start3A_1159 = tpu.memref_slice %arg2[%multiple_of3A_179] : memref<320000xi32, #tpu.memory_space<hbm>> -> memref<96xi32, #tpu.memory_space<hbm>>
        tpu.enqueue_dma source(%dma_start3A_1159 : memref<96xi32, #tpu.memory_space<hbm>>) target(%arg17 : memref<96xi32, #tpu.memory_space<vmem>>) target_semaphore(%run_scoped3A_1157 : memref<!tpu.dma_semaphore, #tpu.memory_space<semaphore_mem>>)
        %dma_wait3A_1160 = tpu.memref_slice %arg2[%multiple_of3A_179] : memref<320000xi32, #tpu.memory_space<hbm>> -> memref<96xi32, #tpu.memory_space<hbm>>
        %dma_wait3A_1161 = tpu.memref_slice %arg2[%multiple_of3A_179] : memref<320000xi32, #tpu.memory_space<hbm>> -> memref<96xi32, #tpu.memory_space<hbm>>
        tpu.wait_dma2 semaphore(%run_scoped3A_1157 : memref<!tpu.dma_semaphore, #tpu.memory_space<semaphore_mem>>) src(%dma_wait3A_1161 : memref<96xi32, #tpu.memory_space<hbm>>) dst(%arg17 : memref<96xi32, #tpu.memory_space<vmem>>)
        tpu.yield
      }) : () -> ()
      "tpu.region"() ({
        %run_scoped3A_1157 = tpu.sem_alloc : memref<!tpu.dma_semaphore, #tpu.memory_space<semaphore_mem>>
        %dma_start3A_1158 = tpu.memref_slice %arg3[%multiple_of3A_179] : memref<320000xi32, #tpu.memory_space<hbm>> -> memref<96xi32, #tpu.memory_space<hbm>>
        %dma_start3A_1159 = tpu.memref_slice %arg3[%multiple_of3A_179] : memref<320000xi32, #tpu.memory_space<hbm>> -> memref<96xi32, #tpu.memory_space<hbm>>
        tpu.enqueue_dma source(%dma_start3A_1159 : memref<96xi32, #tpu.memory_space<hbm>>) target(%arg19 : memref<96xi32, #tpu.memory_space<vmem>>) target_semaphore(%run_scoped3A_1157 : memref<!tpu.dma_semaphore, #tpu.memory_space<semaphore_mem>>)
        %dma_wait3A_1160 = tpu.memref_slice %arg3[%multiple_of3A_179] : memref<320000xi32, #tpu.memory_space<hbm>> -> memref<96xi32, #tpu.memory_space<hbm>>
        %dma_wait3A_1161 = tpu.memref_slice %arg3[%multiple_of3A_179] : memref<320000xi32, #tpu.memory_space<hbm>> -> memref<96xi32, #tpu.memory_space<hbm>>
        tpu.wait_dma2 semaphore(%run_scoped3A_1157 : memref<!tpu.dma_semaphore, #tpu.memory_space<semaphore_mem>>) src(%dma_wait3A_1161 : memref<96xi32, #tpu.memory_space<hbm>>) dst(%arg19 : memref<96xi32, #tpu.memory_space<vmem>>)
        tpu.yield
      }) : () -> ()
      %dma_start3A_180 = arith.constant 0 : i32
      %dma_start3A_181 = arith.constant 0 : i32
      %dma_start3A_182 = tpu.memref_slice %arg4[%dma_start3A_180, %dma_start3A_181] : memref<10000x144xf32, #tpu.memory_space<hbm>> -> memref<10000x144xf32, #tpu.memory_space<hbm>>
      tpu.enqueue_indirect_dma source(%dma_start3A_182 : memref<10000x144xf32, #tpu.memory_space<hbm>>) target(%arg10 : memref<96x144xf32, #tpu.memory_space<vmem>>) offsets(%arg17 : memref<96xi32, #tpu.memory_space<vmem>>) semaphore(%arg24 : memref<!tpu.dma_semaphore, #tpu.memory_space<semaphore_mem>>)
      %dma_start3A_183 = arith.constant 0 : i32
      %dma_start3A_184 = arith.constant 0 : i32
      %dma_start3A_185 = tpu.memref_slice %arg5[%dma_start3A_183, %dma_start3A_184] : memref<10000x16xf32, #tpu.memory_space<hbm>> -> memref<10000x16xf32, #tpu.memory_space<hbm>>
      tpu.enqueue_indirect_dma source(%dma_start3A_185 : memref<10000x16xf32, #tpu.memory_space<hbm>>) target(%arg12 : memref<96x16xf32, #tpu.memory_space<vmem>>) offsets(%arg17 : memref<96xi32, #tpu.memory_space<vmem>>) semaphore(%arg26 : memref<!tpu.dma_semaphore, #tpu.memory_space<semaphore_mem>>)
      %dma_start3A_186 = arith.constant 0 : i32
      %dma_start3A_187 = arith.constant 0 : i32
      %dma_start3A_188 = tpu.memref_slice %arg5[%dma_start3A_186, %dma_start3A_187] : memref<10000x16xf32, #tpu.memory_space<hbm>> -> memref<10000x16xf32, #tpu.memory_space<hbm>>
      tpu.enqueue_indirect_dma source(%dma_start3A_188 : memref<10000x16xf32, #tpu.memory_space<hbm>>) target(%arg14 : memref<96x16xf32, #tpu.memory_space<vmem>>) offsets(%arg19 : memref<96xi32, #tpu.memory_space<vmem>>) semaphore(%arg28 : memref<!tpu.dma_semaphore, #tpu.memory_space<semaphore_mem>>)
      %dma_wait3A_189 = arith.constant 0 : i32
      %dma_wait3A_190 = arith.constant 0 : i32
      %dma_wait3A_191 = tpu.memref_slice %arg5[%dma_wait3A_189, %dma_wait3A_190] : memref<10000x16xf32, #tpu.memory_space<hbm>> -> memref<10000x16xf32, #tpu.memory_space<hbm>>
      tpu.wait_indirect_dma semaphore(%arg25 : memref<!tpu.dma_semaphore, #tpu.memory_space<semaphore_mem>>) src(%dma_wait3A_191 : memref<10000x16xf32, #tpu.memory_space<hbm>>) dst(%arg11 : memref<96x16xf32, #tpu.memory_space<vmem>>)
      %dma_wait3A_192 = arith.constant 0 : i32
      %dma_wait3A_193 = arith.constant 0 : i32
      %dma_wait3A_194 = tpu.memref_slice %arg5[%dma_wait3A_192, %dma_wait3A_193] : memref<10000x16xf32, #tpu.memory_space<hbm>> -> memref<10000x16xf32, #tpu.memory_space<hbm>>
      tpu.wait_indirect_dma semaphore(%arg27 : memref<!tpu.dma_semaphore, #tpu.memory_space<semaphore_mem>>) src(%dma_wait3A_194 : memref<10000x16xf32, #tpu.memory_space<hbm>>) dst(%arg13 : memref<96x16xf32, #tpu.memory_space<vmem>>)
      %add3A_195 = arith.constant 0 : i32
      %add3A_196 = vector.broadcast %add3A_195 : i32 to vector<16xi32>
      %add3A_197 = arith.addi %iota3A, %add3A_196 : vector<16xi32>
      %mul3A_198 = arith.constant 16 : i32
      %mul3A_199 = vector.broadcast %mul3A_198 : i32 to vector<16xi32>
      %mul3A_200 = arith.muli %iota3A, %mul3A_199 : vector<16xi32>
      %add3A_201 = arith.constant 0 : i32
      %add3A_202 = vector.broadcast %add3A_201 : i32 to vector<16xi32>
      %add3A_203 = arith.addi %mul3A_200, %add3A_202 : vector<16xi32>
      %broadcast_in_dim3A_204 = arith.constant 0 : i32
      %broadcast_in_dim3A_205 = vector.broadcast %broadcast_in_dim3A_204 : i32 to vector<16xi32>
      %broadcast_in_dim3A_206 = arith.constant 4 : i32
      %broadcast_in_dim3A_207 = vector.broadcast %broadcast_in_dim3A_206 : i32 to vector<16xi32>
      %gather3A_208 = tpu.vector_load_idx %arg11[%add3A_197, %broadcast_in_dim3A_205] : memref<96x16xf32, #tpu.memory_space<vmem>>[vector<16xi32>, vector<16xi32>], vector<16xf32>,
      %gather3A_209 = tpu.vector_load_idx %arg13[%add3A_197, %broadcast_in_dim3A_207] : memref<96x16xf32, #tpu.memory_space<vmem>>[vector<16xi32>, vector<16xi32>], vector<16xf32>,
      %add3A_210 = arith.addf %gather3A_208, %gather3A_209 : vector<16xf32>
      %mul3A_211 = arith.constant 2.000000e-01 : f32
      %mul3A_212 = vector.broadcast %mul3A_211 : f32 to vector<16xf32>
      %mul3A_213 = arith.mulf %mul3A_212, %add3A_210 : vector<16xf32>
      %max3A_214 = arith.maximumf %add3A_210, %mul3A_213 : vector<16xf32>
      %sub3A_215 = vector.broadcast %max3A : f32 to vector<16xf32>
      %sub3A_216 = arith.subf %max3A_214, %sub3A_215 : vector<16xf32>
      %exp3A_217 = math.exp %sub3A_216 : vector<16xf32>
      %add3A_218 = arith.constant 0 : i32
      %add3A_219 = vector.broadcast %add3A_218 : i32 to vector<16xi32>
      %add3A_220 = arith.addi %add3A_203, %add3A_219 : vector<16xi32>
      tpu.vector_store_idx %arg15[%add3A_220], %exp3A_217 : memref<1536xf32, #tpu.memory_space<vmem>>[vector<16xi32>], vector<16xf32>,
      %broadcast_in_dim3A_221 = arith.constant 1 : i32
      %broadcast_in_dim3A_222 = vector.broadcast %broadcast_in_dim3A_221 : i32 to vector<16xi32>
      %broadcast_in_dim3A_223 = arith.constant 5 : i32
      %broadcast_in_dim3A_224 = vector.broadcast %broadcast_in_dim3A_223 : i32 to vector<16xi32>
      %gather3A_225 = tpu.vector_load_idx %arg11[%add3A_197, %broadcast_in_dim3A_222] : memref<96x16xf32, #tpu.memory_space<vmem>>[vector<16xi32>, vector<16xi32>], vector<16xf32>,
      %gather3A_226 = tpu.vector_load_idx %arg13[%add3A_197, %broadcast_in_dim3A_224] : memref<96x16xf32, #tpu.memory_space<vmem>>[vector<16xi32>, vector<16xi32>], vector<16xf32>,
      %add3A_227 = arith.addf %gather3A_225, %gather3A_226 : vector<16xf32>
      %mul3A_228 = arith.constant 2.000000e-01 : f32
      %mul3A_229 = vector.broadcast %mul3A_228 : f32 to vector<16xf32>
      %mul3A_230 = arith.mulf %mul3A_229, %add3A_227 : vector<16xf32>
      %max3A_231 = arith.maximumf %add3A_227, %mul3A_230 : vector<16xf32>
      %sub3A_232 = vector.broadcast %max3A_25 : f32 to vector<16xf32>
      %sub3A_233 = arith.subf %max3A_231, %sub3A_232 : vector<16xf32>
      %exp3A_234 = math.exp %sub3A_233 : vector<16xf32>
      %add3A_235 = arith.constant 1 : i32
      %add3A_236 = vector.broadcast %add3A_235 : i32 to vector<16xi32>
      %add3A_237 = arith.addi %add3A_203, %add3A_236 : vector<16xi32>
      tpu.vector_store_idx %arg15[%add3A_237], %exp3A_234 : memref<1536xf32, #tpu.memory_space<vmem>>[vector<16xi32>], vector<16xf32>,
      %broadcast_in_dim3A_238 = arith.constant 2 : i32
      %broadcast_in_dim3A_239 = vector.broadcast %broadcast_in_dim3A_238 : i32 to vector<16xi32>
      %broadcast_in_dim3A_240 = arith.constant 6 : i32
      %broadcast_in_dim3A_241 = vector.broadcast %broadcast_in_dim3A_240 : i32 to vector<16xi32>
      %gather3A_242 = tpu.vector_load_idx %arg11[%add3A_197, %broadcast_in_dim3A_239] : memref<96x16xf32, #tpu.memory_space<vmem>>[vector<16xi32>, vector<16xi32>], vector<16xf32>,
      %gather3A_243 = tpu.vector_load_idx %arg13[%add3A_197, %broadcast_in_dim3A_241] : memref<96x16xf32, #tpu.memory_space<vmem>>[vector<16xi32>, vector<16xi32>], vector<16xf32>,
      %add3A_244 = arith.addf %gather3A_242, %gather3A_243 : vector<16xf32>
      %mul3A_245 = arith.constant 2.000000e-01 : f32
      %mul3A_246 = vector.broadcast %mul3A_245 : f32 to vector<16xf32>
      %mul3A_247 = arith.mulf %mul3A_246, %add3A_244 : vector<16xf32>
      %max3A_248 = arith.maximumf %add3A_244, %mul3A_247 : vector<16xf32>
      %sub3A_249 = vector.broadcast %max3A_33 : f32 to vector<16xf32>
      %sub3A_250 = arith.subf %max3A_248, %sub3A_249 : vector<16xf32>
      %exp3A_251 = math.exp %sub3A_250 : vector<16xf32>
      %add3A_252 = arith.constant 2 : i32
      %add3A_253 = vector.broadcast %add3A_252 : i32 to vector<16xi32>
      %add3A_254 = arith.addi %add3A_203, %add3A_253 : vector<16xi32>
      tpu.vector_store_idx %arg15[%add3A_254], %exp3A_251 : memref<1536xf32, #tpu.memory_space<vmem>>[vector<16xi32>], vector<16xf32>,
      %broadcast_in_dim3A_255 = arith.constant 3 : i32
      %broadcast_in_dim3A_256 = vector.broadcast %broadcast_in_dim3A_255 : i32 to vector<16xi32>
      %broadcast_in_dim3A_257 = arith.constant 7 : i32
      %broadcast_in_dim3A_258 = vector.broadcast %broadcast_in_dim3A_257 : i32 to vector<16xi32>
      %gather3A_259 = tpu.vector_load_idx %arg11[%add3A_197, %broadcast_in_dim3A_256] : memref<96x16xf32, #tpu.memory_space<vmem>>[vector<16xi32>, vector<16xi32>], vector<16xf32>,
      %gather3A_260 = tpu.vector_load_idx %arg13[%add3A_197, %broadcast_in_dim3A_258] : memref<96x16xf32, #tpu.memory_space<vmem>>[vector<16xi32>, vector<16xi32>], vector<16xf32>,
      %add3A_261 = arith.addf %gather3A_259, %gather3A_260 : vector<16xf32>
      %mul3A_262 = arith.constant 2.000000e-01 : f32
      %mul3A_263 = vector.broadcast %mul3A_262 : f32 to vector<16xf32>
      %mul3A_264 = arith.mulf %mul3A_263, %add3A_261 : vector<16xf32>
      %max3A_265 = arith.maximumf %add3A_261, %mul3A_264 : vector<16xf32>
      %sub3A_266 = vector.broadcast %max3A_41 : f32 to vector<16xf32>
      %sub3A_267 = arith.subf %max3A_265, %sub3A_266 : vector<16xf32>
      %exp3A_268 = math.exp %sub3A_267 : vector<16xf32>
      %add3A_269 = arith.constant 3 : i32
      %add3A_270 = vector.broadcast %add3A_269 : i32 to vector<16xi32>
      %add3A_271 = arith.addi %add3A_203, %add3A_270 : vector<16xi32>
      tpu.vector_store_idx %arg15[%add3A_271], %exp3A_268 : memref<1536xf32, #tpu.memory_space<vmem>>[vector<16xi32>], vector<16xf32>,
      %add3A_272 = arith.constant 16 : i32
      %add3A_273 = vector.broadcast %add3A_272 : i32 to vector<16xi32>
      %add3A_274 = arith.addi %iota3A, %add3A_273 : vector<16xi32>
      %mul3A_275 = arith.constant 16 : i32
      %mul3A_276 = vector.broadcast %mul3A_275 : i32 to vector<16xi32>
      %mul3A_277 = arith.muli %iota3A, %mul3A_276 : vector<16xi32>
      %add3A_278 = arith.constant 256 : i32
      %add3A_279 = vector.broadcast %add3A_278 : i32 to vector<16xi32>
      %add3A_280 = arith.addi %mul3A_277, %add3A_279 : vector<16xi32>
      %broadcast_in_dim3A_281 = arith.constant 0 : i32
      %broadcast_in_dim3A_282 = vector.broadcast %broadcast_in_dim3A_281 : i32 to vector<16xi32>
      %broadcast_in_dim3A_283 = arith.constant 4 : i32
      %broadcast_in_dim3A_284 = vector.broadcast %broadcast_in_dim3A_283 : i32 to vector<16xi32>
      %gather3A_285 = tpu.vector_load_idx %arg11[%add3A_274, %broadcast_in_dim3A_282] : memref<96x16xf32, #tpu.memory_space<vmem>>[vector<16xi32>, vector<16xi32>], vector<16xf32>,
      %gather3A_286 = tpu.vector_load_idx %arg13[%add3A_274, %broadcast_in_dim3A_284] : memref<96x16xf32, #tpu.memory_space<vmem>>[vector<16xi32>, vector<16xi32>], vector<16xf32>,
      %add3A_287 = arith.addf %gather3A_285, %gather3A_286 : vector<16xf32>
      %mul3A_288 = arith.constant 2.000000e-01 : f32
      %mul3A_289 = vector.broadcast %mul3A_288 : f32 to vector<16xf32>
      %mul3A_290 = arith.mulf %mul3A_289, %add3A_287 : vector<16xf32>
      %max3A_291 = arith.maximumf %add3A_287, %mul3A_290 : vector<16xf32>
      %sub3A_292 = vector.broadcast %max3A : f32 to vector<16xf32>
      %sub3A_293 = arith.subf %max3A_291, %sub3A_292 : vector<16xf32>
      %exp3A_294 = math.exp %sub3A_293 : vector<16xf32>
      %add3A_295 = arith.constant 0 : i32
      %add3A_296 = vector.broadcast %add3A_295 : i32 to vector<16xi32>
      %add3A_297 = arith.addi %add3A_280, %add3A_296 : vector<16xi32>
      tpu.vector_store_idx %arg15[%add3A_297], %exp3A_294 : memref<1536xf32, #tpu.memory_space<vmem>>[vector<16xi32>], vector<16xf32>,
      %broadcast_in_dim3A_298 = arith.constant 1 : i32
      %broadcast_in_dim3A_299 = vector.broadcast %broadcast_in_dim3A_298 : i32 to vector<16xi32>
      %broadcast_in_dim3A_300 = arith.constant 5 : i32
      %broadcast_in_dim3A_301 = vector.broadcast %broadcast_in_dim3A_300 : i32 to vector<16xi32>
      %gather3A_302 = tpu.vector_load_idx %arg11[%add3A_274, %broadcast_in_dim3A_299] : memref<96x16xf32, #tpu.memory_space<vmem>>[vector<16xi32>, vector<16xi32>], vector<16xf32>,
      %gather3A_303 = tpu.vector_load_idx %arg13[%add3A_274, %broadcast_in_dim3A_301] : memref<96x16xf32, #tpu.memory_space<vmem>>[vector<16xi32>, vector<16xi32>], vector<16xf32>,
      %add3A_304 = arith.addf %gather3A_302, %gather3A_303 : vector<16xf32>
      %mul3A_305 = arith.constant 2.000000e-01 : f32
      %mul3A_306 = vector.broadcast %mul3A_305 : f32 to vector<16xf32>
      %mul3A_307 = arith.mulf %mul3A_306, %add3A_304 : vector<16xf32>
      %max3A_308 = arith.maximumf %add3A_304, %mul3A_307 : vector<16xf32>
      %sub3A_309 = vector.broadcast %max3A_25 : f32 to vector<16xf32>
      %sub3A_310 = arith.subf %max3A_308, %sub3A_309 : vector<16xf32>
      %exp3A_311 = math.exp %sub3A_310 : vector<16xf32>
      %add3A_312 = arith.constant 1 : i32
      %add3A_313 = vector.broadcast %add3A_312 : i32 to vector<16xi32>
      %add3A_314 = arith.addi %add3A_280, %add3A_313 : vector<16xi32>
      tpu.vector_store_idx %arg15[%add3A_314], %exp3A_311 : memref<1536xf32, #tpu.memory_space<vmem>>[vector<16xi32>], vector<16xf32>,
      %broadcast_in_dim3A_315 = arith.constant 2 : i32
      %broadcast_in_dim3A_316 = vector.broadcast %broadcast_in_dim3A_315 : i32 to vector<16xi32>
      %broadcast_in_dim3A_317 = arith.constant 6 : i32
      %broadcast_in_dim3A_318 = vector.broadcast %broadcast_in_dim3A_317 : i32 to vector<16xi32>
      %gather3A_319 = tpu.vector_load_idx %arg11[%add3A_274, %broadcast_in_dim3A_316] : memref<96x16xf32, #tpu.memory_space<vmem>>[vector<16xi32>, vector<16xi32>], vector<16xf32>,
      %gather3A_320 = tpu.vector_load_idx %arg13[%add3A_274, %broadcast_in_dim3A_318] : memref<96x16xf32, #tpu.memory_space<vmem>>[vector<16xi32>, vector<16xi32>], vector<16xf32>,
      %add3A_321 = arith.addf %gather3A_319, %gather3A_320 : vector<16xf32>
      %mul3A_322 = arith.constant 2.000000e-01 : f32
      %mul3A_323 = vector.broadcast %mul3A_322 : f32 to vector<16xf32>
      %mul3A_324 = arith.mulf %mul3A_323, %add3A_321 : vector<16xf32>
      %max3A_325 = arith.maximumf %add3A_321, %mul3A_324 : vector<16xf32>
      %sub3A_326 = vector.broadcast %max3A_33 : f32 to vector<16xf32>
      %sub3A_327 = arith.subf %max3A_325, %sub3A_326 : vector<16xf32>
      %exp3A_328 = math.exp %sub3A_327 : vector<16xf32>
      %add3A_329 = arith.constant 2 : i32
      %add3A_330 = vector.broadcast %add3A_329 : i32 to vector<16xi32>
      %add3A_331 = arith.addi %add3A_280, %add3A_330 : vector<16xi32>
      tpu.vector_store_idx %arg15[%add3A_331], %exp3A_328 : memref<1536xf32, #tpu.memory_space<vmem>>[vector<16xi32>], vector<16xf32>,
      %broadcast_in_dim3A_332 = arith.constant 3 : i32
      %broadcast_in_dim3A_333 = vector.broadcast %broadcast_in_dim3A_332 : i32 to vector<16xi32>
      %broadcast_in_dim3A_334 = arith.constant 7 : i32
      %broadcast_in_dim3A_335 = vector.broadcast %broadcast_in_dim3A_334 : i32 to vector<16xi32>
      %gather3A_336 = tpu.vector_load_idx %arg11[%add3A_274, %broadcast_in_dim3A_333] : memref<96x16xf32, #tpu.memory_space<vmem>>[vector<16xi32>, vector<16xi32>], vector<16xf32>,
      %gather3A_337 = tpu.vector_load_idx %arg13[%add3A_274, %broadcast_in_dim3A_335] : memref<96x16xf32, #tpu.memory_space<vmem>>[vector<16xi32>, vector<16xi32>], vector<16xf32>,
      %add3A_338 = arith.addf %gather3A_336, %gather3A_337 : vector<16xf32>
      %mul3A_339 = arith.constant 2.000000e-01 : f32
      %mul3A_340 = vector.broadcast %mul3A_339 : f32 to vector<16xf32>
      %mul3A_341 = arith.mulf %mul3A_340, %add3A_338 : vector<16xf32>
      %max3A_342 = arith.maximumf %add3A_338, %mul3A_341 : vector<16xf32>
      %sub3A_343 = vector.broadcast %max3A_41 : f32 to vector<16xf32>
      %sub3A_344 = arith.subf %max3A_342, %sub3A_343 : vector<16xf32>
      %exp3A_345 = math.exp %sub3A_344 : vector<16xf32>
      %add3A_346 = arith.constant 3 : i32
      %add3A_347 = vector.broadcast %add3A_346 : i32 to vector<16xi32>
      %add3A_348 = arith.addi %add3A_280, %add3A_347 : vector<16xi32>
      tpu.vector_store_idx %arg15[%add3A_348], %exp3A_345 : memref<1536xf32, #tpu.memory_space<vmem>>[vector<16xi32>], vector<16xf32>,
      %add3A_349 = arith.constant 32 : i32
      %add3A_350 = vector.broadcast %add3A_349 : i32 to vector<16xi32>
      %add3A_351 = arith.addi %iota3A, %add3A_350 : vector<16xi32>
      %mul3A_352 = arith.constant 16 : i32
      %mul3A_353 = vector.broadcast %mul3A_352 : i32 to vector<16xi32>
      %mul3A_354 = arith.muli %iota3A, %mul3A_353 : vector<16xi32>
      %add3A_355 = arith.constant 512 : i32
      %add3A_356 = vector.broadcast %add3A_355 : i32 to vector<16xi32>
      %add3A_357 = arith.addi %mul3A_354, %add3A_356 : vector<16xi32>
      %broadcast_in_dim3A_358 = arith.constant 0 : i32
      %broadcast_in_dim3A_359 = vector.broadcast %broadcast_in_dim3A_358 : i32 to vector<16xi32>
      %broadcast_in_dim3A_360 = arith.constant 4 : i32
      %broadcast_in_dim3A_361 = vector.broadcast %broadcast_in_dim3A_360 : i32 to vector<16xi32>
      %gather3A_362 = tpu.vector_load_idx %arg11[%add3A_351, %broadcast_in_dim3A_359] : memref<96x16xf32, #tpu.memory_space<vmem>>[vector<16xi32>, vector<16xi32>], vector<16xf32>,
      %gather3A_363 = tpu.vector_load_idx %arg13[%add3A_351, %broadcast_in_dim3A_361] : memref<96x16xf32, #tpu.memory_space<vmem>>[vector<16xi32>, vector<16xi32>], vector<16xf32>,
      %add3A_364 = arith.addf %gather3A_362, %gather3A_363 : vector<16xf32>
      %mul3A_365 = arith.constant 2.000000e-01 : f32
      %mul3A_366 = vector.broadcast %mul3A_365 : f32 to vector<16xf32>
      %mul3A_367 = arith.mulf %mul3A_366, %add3A_364 : vector<16xf32>
      %max3A_368 = arith.maximumf %add3A_364, %mul3A_367 : vector<16xf32>
      %sub3A_369 = vector.broadcast %max3A : f32 to vector<16xf32>
      %sub3A_370 = arith.subf %max3A_368, %sub3A_369 : vector<16xf32>
      %exp3A_371 = math.exp %sub3A_370 : vector<16xf32>
      %add3A_372 = arith.constant 0 : i32
      %add3A_373 = vector.broadcast %add3A_372 : i32 to vector<16xi32>
      %add3A_374 = arith.addi %add3A_357, %add3A_373 : vector<16xi32>
      tpu.vector_store_idx %arg15[%add3A_374], %exp3A_371 : memref<1536xf32, #tpu.memory_space<vmem>>[vector<16xi32>], vector<16xf32>,
      %broadcast_in_dim3A_375 = arith.constant 1 : i32
      %broadcast_in_dim3A_376 = vector.broadcast %broadcast_in_dim3A_375 : i32 to vector<16xi32>
      %broadcast_in_dim3A_377 = arith.constant 5 : i32
      %broadcast_in_dim3A_378 = vector.broadcast %broadcast_in_dim3A_377 : i32 to vector<16xi32>
      %gather3A_379 = tpu.vector_load_idx %arg11[%add3A_351, %broadcast_in_dim3A_376] : memref<96x16xf32, #tpu.memory_space<vmem>>[vector<16xi32>, vector<16xi32>], vector<16xf32>,
      %gather3A_380 = tpu.vector_load_idx %arg13[%add3A_351, %broadcast_in_dim3A_378] : memref<96x16xf32, #tpu.memory_space<vmem>>[vector<16xi32>, vector<16xi32>], vector<16xf32>,
      %add3A_381 = arith.addf %gather3A_379, %gather3A_380 : vector<16xf32>
      %mul3A_382 = arith.constant 2.000000e-01 : f32
      %mul3A_383 = vector.broadcast %mul3A_382 : f32 to vector<16xf32>
      %mul3A_384 = arith.mulf %mul3A_383, %add3A_381 : vector<16xf32>
      %max3A_385 = arith.maximumf %add3A_381, %mul3A_384 : vector<16xf32>
      %sub3A_386 = vector.broadcast %max3A_25 : f32 to vector<16xf32>
      %sub3A_387 = arith.subf %max3A_385, %sub3A_386 : vector<16xf32>
      %exp3A_388 = math.exp %sub3A_387 : vector<16xf32>
      %add3A_389 = arith.constant 1 : i32
      %add3A_390 = vector.broadcast %add3A_389 : i32 to vector<16xi32>
      %add3A_391 = arith.addi %add3A_357, %add3A_390 : vector<16xi32>
      tpu.vector_store_idx %arg15[%add3A_391], %exp3A_388 : memref<1536xf32, #tpu.memory_space<vmem>>[vector<16xi32>], vector<16xf32>,
      %broadcast_in_dim3A_392 = arith.constant 2 : i32
      %broadcast_in_dim3A_393 = vector.broadcast %broadcast_in_dim3A_392 : i32 to vector<16xi32>
      %broadcast_in_dim3A_394 = arith.constant 6 : i32
      %broadcast_in_dim3A_395 = vector.broadcast %broadcast_in_dim3A_394 : i32 to vector<16xi32>
      %gather3A_396 = tpu.vector_load_idx %arg11[%add3A_351, %broadcast_in_dim3A_393] : memref<96x16xf32, #tpu.memory_space<vmem>>[vector<16xi32>, vector<16xi32>], vector<16xf32>,
      %gather3A_397 = tpu.vector_load_idx %arg13[%add3A_351, %broadcast_in_dim3A_395] : memref<96x16xf32, #tpu.memory_space<vmem>>[vector<16xi32>, vector<16xi32>], vector<16xf32>,
      %add3A_398 = arith.addf %gather3A_396, %gather3A_397 : vector<16xf32>
      %mul3A_399 = arith.constant 2.000000e-01 : f32
      %mul3A_400 = vector.broadcast %mul3A_399 : f32 to vector<16xf32>
      %mul3A_401 = arith.mulf %mul3A_400, %add3A_398 : vector<16xf32>
      %max3A_402 = arith.maximumf %add3A_398, %mul3A_401 : vector<16xf32>
      %sub3A_403 = vector.broadcast %max3A_33 : f32 to vector<16xf32>
      %sub3A_404 = arith.subf %max3A_402, %sub3A_403 : vector<16xf32>
      %exp3A_405 = math.exp %sub3A_404 : vector<16xf32>
      %add3A_406 = arith.constant 2 : i32
      %add3A_407 = vector.broadcast %add3A_406 : i32 to vector<16xi32>
      %add3A_408 = arith.addi %add3A_357, %add3A_407 : vector<16xi32>
      tpu.vector_store_idx %arg15[%add3A_408], %exp3A_405 : memref<1536xf32, #tpu.memory_space<vmem>>[vector<16xi32>], vector<16xf32>,
      %broadcast_in_dim3A_409 = arith.constant 3 : i32
      %broadcast_in_dim3A_410 = vector.broadcast %broadcast_in_dim3A_409 : i32 to vector<16xi32>
      %broadcast_in_dim3A_411 = arith.constant 7 : i32
      %broadcast_in_dim3A_412 = vector.broadcast %broadcast_in_dim3A_411 : i32 to vector<16xi32>
      %gather3A_413 = tpu.vector_load_idx %arg11[%add3A_351, %broadcast_in_dim3A_410] : memref<96x16xf32, #tpu.memory_space<vmem>>[vector<16xi32>, vector<16xi32>], vector<16xf32>,
      %gather3A_414 = tpu.vector_load_idx %arg13[%add3A_351, %broadcast_in_dim3A_412] : memref<96x16xf32, #tpu.memory_space<vmem>>[vector<16xi32>, vector<16xi32>], vector<16xf32>,
      %add3A_415 = arith.addf %gather3A_413, %gather3A_414 : vector<16xf32>
      %mul3A_416 = arith.constant 2.000000e-01 : f32
      %mul3A_417 = vector.broadcast %mul3A_416 : f32 to vector<16xf32>
      %mul3A_418 = arith.mulf %mul3A_417, %add3A_415 : vector<16xf32>
      %max3A_419 = arith.maximumf %add3A_415, %mul3A_418 : vector<16xf32>
      %sub3A_420 = vector.broadcast %max3A_41 : f32 to vector<16xf32>
      %sub3A_421 = arith.subf %max3A_419, %sub3A_420 : vector<16xf32>
      %exp3A_422 = math.exp %sub3A_421 : vector<16xf32>
      %add3A_423 = arith.constant 3 : i32
      %add3A_424 = vector.broadcast %add3A_423 : i32 to vector<16xi32>
      %add3A_425 = arith.addi %add3A_357, %add3A_424 : vector<16xi32>
      tpu.vector_store_idx %arg15[%add3A_425], %exp3A_422 : memref<1536xf32, #tpu.memory_space<vmem>>[vector<16xi32>], vector<16xf32>,
      %add3A_426 = arith.constant 48 : i32
      %add3A_427 = vector.broadcast %add3A_426 : i32 to vector<16xi32>
      %add3A_428 = arith.addi %iota3A, %add3A_427 : vector<16xi32>
      %mul3A_429 = arith.constant 16 : i32
      %mul3A_430 = vector.broadcast %mul3A_429 : i32 to vector<16xi32>
      %mul3A_431 = arith.muli %iota3A, %mul3A_430 : vector<16xi32>
      %add3A_432 = arith.constant 768 : i32
      %add3A_433 = vector.broadcast %add3A_432 : i32 to vector<16xi32>
      %add3A_434 = arith.addi %mul3A_431, %add3A_433 : vector<16xi32>
      %broadcast_in_dim3A_435 = arith.constant 0 : i32
      %broadcast_in_dim3A_436 = vector.broadcast %broadcast_in_dim3A_435 : i32 to vector<16xi32>
      %broadcast_in_dim3A_437 = arith.constant 4 : i32
      %broadcast_in_dim3A_438 = vector.broadcast %broadcast_in_dim3A_437 : i32 to vector<16xi32>
      %gather3A_439 = tpu.vector_load_idx %arg11[%add3A_428, %broadcast_in_dim3A_436] : memref<96x16xf32, #tpu.memory_space<vmem>>[vector<16xi32>, vector<16xi32>], vector<16xf32>,
      %gather3A_440 = tpu.vector_load_idx %arg13[%add3A_428, %broadcast_in_dim3A_438] : memref<96x16xf32, #tpu.memory_space<vmem>>[vector<16xi32>, vector<16xi32>], vector<16xf32>,
      %add3A_441 = arith.addf %gather3A_439, %gather3A_440 : vector<16xf32>
      %mul3A_442 = arith.constant 2.000000e-01 : f32
      %mul3A_443 = vector.broadcast %mul3A_442 : f32 to vector<16xf32>
      %mul3A_444 = arith.mulf %mul3A_443, %add3A_441 : vector<16xf32>
      %max3A_445 = arith.maximumf %add3A_441, %mul3A_444 : vector<16xf32>
      %sub3A_446 = vector.broadcast %max3A : f32 to vector<16xf32>
      %sub3A_447 = arith.subf %max3A_445, %sub3A_446 : vector<16xf32>
      %exp3A_448 = math.exp %sub3A_447 : vector<16xf32>
      %add3A_449 = arith.constant 0 : i32
      %add3A_450 = vector.broadcast %add3A_449 : i32 to vector<16xi32>
      %add3A_451 = arith.addi %add3A_434, %add3A_450 : vector<16xi32>
      tpu.vector_store_idx %arg15[%add3A_451], %exp3A_448 : memref<1536xf32, #tpu.memory_space<vmem>>[vector<16xi32>], vector<16xf32>,
      %broadcast_in_dim3A_452 = arith.constant 1 : i32
      %broadcast_in_dim3A_453 = vector.broadcast %broadcast_in_dim3A_452 : i32 to vector<16xi32>
      %broadcast_in_dim3A_454 = arith.constant 5 : i32
      %broadcast_in_dim3A_455 = vector.broadcast %broadcast_in_dim3A_454 : i32 to vector<16xi32>
      %gather3A_456 = tpu.vector_load_idx %arg11[%add3A_428, %broadcast_in_dim3A_453] : memref<96x16xf32, #tpu.memory_space<vmem>>[vector<16xi32>, vector<16xi32>], vector<16xf32>,
      %gather3A_457 = tpu.vector_load_idx %arg13[%add3A_428, %broadcast_in_dim3A_455] : memref<96x16xf32, #tpu.memory_space<vmem>>[vector<16xi32>, vector<16xi32>], vector<16xf32>,
      %add3A_458 = arith.addf %gather3A_456, %gather3A_457 : vector<16xf32>
      %mul3A_459 = arith.constant 2.000000e-01 : f32
      %mul3A_460 = vector.broadcast %mul3A_459 : f32 to vector<16xf32>
      %mul3A_461 = arith.mulf %mul3A_460, %add3A_458 : vector<16xf32>
      %max3A_462 = arith.maximumf %add3A_458, %mul3A_461 : vector<16xf32>
      %sub3A_463 = vector.broadcast %max3A_25 : f32 to vector<16xf32>
      %sub3A_464 = arith.subf %max3A_462, %sub3A_463 : vector<16xf32>
      %exp3A_465 = math.exp %sub3A_464 : vector<16xf32>
      %add3A_466 = arith.constant 1 : i32
      %add3A_467 = vector.broadcast %add3A_466 : i32 to vector<16xi32>
      %add3A_468 = arith.addi %add3A_434, %add3A_467 : vector<16xi32>
      tpu.vector_store_idx %arg15[%add3A_468], %exp3A_465 : memref<1536xf32, #tpu.memory_space<vmem>>[vector<16xi32>], vector<16xf32>,
      %broadcast_in_dim3A_469 = arith.constant 2 : i32
      %broadcast_in_dim3A_470 = vector.broadcast %broadcast_in_dim3A_469 : i32 to vector<16xi32>
      %broadcast_in_dim3A_471 = arith.constant 6 : i32
      %broadcast_in_dim3A_472 = vector.broadcast %broadcast_in_dim3A_471 : i32 to vector<16xi32>
      %gather3A_473 = tpu.vector_load_idx %arg11[%add3A_428, %broadcast_in_dim3A_470] : memref<96x16xf32, #tpu.memory_space<vmem>>[vector<16xi32>, vector<16xi32>], vector<16xf32>,
      %gather3A_474 = tpu.vector_load_idx %arg13[%add3A_428, %broadcast_in_dim3A_472] : memref<96x16xf32, #tpu.memory_space<vmem>>[vector<16xi32>, vector<16xi32>], vector<16xf32>,
      %add3A_475 = arith.addf %gather3A_473, %gather3A_474 : vector<16xf32>
      %mul3A_476 = arith.constant 2.000000e-01 : f32
      %mul3A_477 = vector.broadcast %mul3A_476 : f32 to vector<16xf32>
      %mul3A_478 = arith.mulf %mul3A_477, %add3A_475 : vector<16xf32>
      %max3A_479 = arith.maximumf %add3A_475, %mul3A_478 : vector<16xf32>
      %sub3A_480 = vector.broadcast %max3A_33 : f32 to vector<16xf32>
      %sub3A_481 = arith.subf %max3A_479, %sub3A_480 : vector<16xf32>
      %exp3A_482 = math.exp %sub3A_481 : vector<16xf32>
      %add3A_483 = arith.constant 2 : i32
      %add3A_484 = vector.broadcast %add3A_483 : i32 to vector<16xi32>
      %add3A_485 = arith.addi %add3A_434, %add3A_484 : vector<16xi32>
      tpu.vector_store_idx %arg15[%add3A_485], %exp3A_482 : memref<1536xf32, #tpu.memory_space<vmem>>[vector<16xi32>], vector<16xf32>,
      %broadcast_in_dim3A_486 = arith.constant 3 : i32
      %broadcast_in_dim3A_487 = vector.broadcast %broadcast_in_dim3A_486 : i32 to vector<16xi32>
      %broadcast_in_dim3A_488 = arith.constant 7 : i32
      %broadcast_in_dim3A_489 = vector.broadcast %broadcast_in_dim3A_488 : i32 to vector<16xi32>
      %gather3A_490 = tpu.vector_load_idx %arg11[%add3A_428, %broadcast_in_dim3A_487] : memref<96x16xf32, #tpu.memory_space<vmem>>[vector<16xi32>, vector<16xi32>], vector<16xf32>,
      %gather3A_491 = tpu.vector_load_idx %arg13[%add3A_428, %broadcast_in_dim3A_489] : memref<96x16xf32, #tpu.memory_space<vmem>>[vector<16xi32>, vector<16xi32>], vector<16xf32>,
      %add3A_492 = arith.addf %gather3A_490, %gather3A_491 : vector<16xf32>
      %mul3A_493 = arith.constant 2.000000e-01 : f32
      %mul3A_494 = vector.broadcast %mul3A_493 : f32 to vector<16xf32>
      %mul3A_495 = arith.mulf %mul3A_494, %add3A_492 : vector<16xf32>
      %max3A_496 = arith.maximumf %add3A_492, %mul3A_495 : vector<16xf32>
      %sub3A_497 = vector.broadcast %max3A_41 : f32 to vector<16xf32>
      %sub3A_498 = arith.subf %max3A_496, %sub3A_497 : vector<16xf32>
      %exp3A_499 = math.exp %sub3A_498 : vector<16xf32>
      %add3A_500 = arith.constant 3 : i32
      %add3A_501 = vector.broadcast %add3A_500 : i32 to vector<16xi32>
      %add3A_502 = arith.addi %add3A_434, %add3A_501 : vector<16xi32>
      tpu.vector_store_idx %arg15[%add3A_502], %exp3A_499 : memref<1536xf32, #tpu.memory_space<vmem>>[vector<16xi32>], vector<16xf32>,
      %add3A_503 = arith.constant 64 : i32
      %add3A_504 = vector.broadcast %add3A_503 : i32 to vector<16xi32>
      %add3A_505 = arith.addi %iota3A, %add3A_504 : vector<16xi32>
      %mul3A_506 = arith.constant 16 : i32
      %mul3A_507 = vector.broadcast %mul3A_506 : i32 to vector<16xi32>
      %mul3A_508 = arith.muli %iota3A, %mul3A_507 : vector<16xi32>
      %add3A_509 = arith.constant 1024 : i32
      %add3A_510 = vector.broadcast %add3A_509 : i32 to vector<16xi32>
      %add3A_511 = arith.addi %mul3A_508, %add3A_510 : vector<16xi32>
      %broadcast_in_dim3A_512 = arith.constant 0 : i32
      %broadcast_in_dim3A_513 = vector.broadcast %broadcast_in_dim3A_512 : i32 to vector<16xi32>
      %broadcast_in_dim3A_514 = arith.constant 4 : i32
      %broadcast_in_dim3A_515 = vector.broadcast %broadcast_in_dim3A_514 : i32 to vector<16xi32>
      %gather3A_516 = tpu.vector_load_idx %arg11[%add3A_505, %broadcast_in_dim3A_513] : memref<96x16xf32, #tpu.memory_space<vmem>>[vector<16xi32>, vector<16xi32>], vector<16xf32>,
      %gather3A_517 = tpu.vector_load_idx %arg13[%add3A_505, %broadcast_in_dim3A_515] : memref<96x16xf32, #tpu.memory_space<vmem>>[vector<16xi32>, vector<16xi32>], vector<16xf32>,
      %add3A_518 = arith.addf %gather3A_516, %gather3A_517 : vector<16xf32>
      %mul3A_519 = arith.constant 2.000000e-01 : f32
      %mul3A_520 = vector.broadcast %mul3A_519 : f32 to vector<16xf32>
      %mul3A_521 = arith.mulf %mul3A_520, %add3A_518 : vector<16xf32>
      %max3A_522 = arith.maximumf %add3A_518, %mul3A_521 : vector<16xf32>
      %sub3A_523 = vector.broadcast %max3A : f32 to vector<16xf32>
      %sub3A_524 = arith.subf %max3A_522, %sub3A_523 : vector<16xf32>
      %exp3A_525 = math.exp %sub3A_524 : vector<16xf32>
      %add3A_526 = arith.constant 0 : i32
      %add3A_527 = vector.broadcast %add3A_526 : i32 to vector<16xi32>
      %add3A_528 = arith.addi %add3A_511, %add3A_527 : vector<16xi32>
      tpu.vector_store_idx %arg15[%add3A_528], %exp3A_525 : memref<1536xf32, #tpu.memory_space<vmem>>[vector<16xi32>], vector<16xf32>,
      %broadcast_in_dim3A_529 = arith.constant 1 : i32
      %broadcast_in_dim3A_530 = vector.broadcast %broadcast_in_dim3A_529 : i32 to vector<16xi32>
      %broadcast_in_dim3A_531 = arith.constant 5 : i32
      %broadcast_in_dim3A_532 = vector.broadcast %broadcast_in_dim3A_531 : i32 to vector<16xi32>
      %gather3A_533 = tpu.vector_load_idx %arg11[%add3A_505, %broadcast_in_dim3A_530] : memref<96x16xf32, #tpu.memory_space<vmem>>[vector<16xi32>, vector<16xi32>], vector<16xf32>,
      %gather3A_534 = tpu.vector_load_idx %arg13[%add3A_505, %broadcast_in_dim3A_532] : memref<96x16xf32, #tpu.memory_space<vmem>>[vector<16xi32>, vector<16xi32>], vector<16xf32>,
      %add3A_535 = arith.addf %gather3A_533, %gather3A_534 : vector<16xf32>
      %mul3A_536 = arith.constant 2.000000e-01 : f32
      %mul3A_537 = vector.broadcast %mul3A_536 : f32 to vector<16xf32>
      %mul3A_538 = arith.mulf %mul3A_537, %add3A_535 : vector<16xf32>
      %max3A_539 = arith.maximumf %add3A_535, %mul3A_538 : vector<16xf32>
      %sub3A_540 = vector.broadcast %max3A_25 : f32 to vector<16xf32>
      %sub3A_541 = arith.subf %max3A_539, %sub3A_540 : vector<16xf32>
      %exp3A_542 = math.exp %sub3A_541 : vector<16xf32>
      %add3A_543 = arith.constant 1 : i32
      %add3A_544 = vector.broadcast %add3A_543 : i32 to vector<16xi32>
      %add3A_545 = arith.addi %add3A_511, %add3A_544 : vector<16xi32>
      tpu.vector_store_idx %arg15[%add3A_545], %exp3A_542 : memref<1536xf32, #tpu.memory_space<vmem>>[vector<16xi32>], vector<16xf32>,
      %broadcast_in_dim3A_546 = arith.constant 2 : i32
      %broadcast_in_dim3A_547 = vector.broadcast %broadcast_in_dim3A_546 : i32 to vector<16xi32>
      %broadcast_in_dim3A_548 = arith.constant 6 : i32
      %broadcast_in_dim3A_549 = vector.broadcast %broadcast_in_dim3A_548 : i32 to vector<16xi32>
      %gather3A_550 = tpu.vector_load_idx %arg11[%add3A_505, %broadcast_in_dim3A_547] : memref<96x16xf32, #tpu.memory_space<vmem>>[vector<16xi32>, vector<16xi32>], vector<16xf32>,
      %gather3A_551 = tpu.vector_load_idx %arg13[%add3A_505, %broadcast_in_dim3A_549] : memref<96x16xf32, #tpu.memory_space<vmem>>[vector<16xi32>, vector<16xi32>], vector<16xf32>,
      %add3A_552 = arith.addf %gather3A_550, %gather3A_551 : vector<16xf32>
      %mul3A_553 = arith.constant 2.000000e-01 : f32
      %mul3A_554 = vector.broadcast %mul3A_553 : f32 to vector<16xf32>
      %mul3A_555 = arith.mulf %mul3A_554, %add3A_552 : vector<16xf32>
      %max3A_556 = arith.maximumf %add3A_552, %mul3A_555 : vector<16xf32>
      %sub3A_557 = vector.broadcast %max3A_33 : f32 to vector<16xf32>
      %sub3A_558 = arith.subf %max3A_556, %sub3A_557 : vector<16xf32>
      %exp3A_559 = math.exp %sub3A_558 : vector<16xf32>
      %add3A_560 = arith.constant 2 : i32
      %add3A_561 = vector.broadcast %add3A_560 : i32 to vector<16xi32>
      %add3A_562 = arith.addi %add3A_511, %add3A_561 : vector<16xi32>
      tpu.vector_store_idx %arg15[%add3A_562], %exp3A_559 : memref<1536xf32, #tpu.memory_space<vmem>>[vector<16xi32>], vector<16xf32>,
      %broadcast_in_dim3A_563 = arith.constant 3 : i32
      %broadcast_in_dim3A_564 = vector.broadcast %broadcast_in_dim3A_563 : i32 to vector<16xi32>
      %broadcast_in_dim3A_565 = arith.constant 7 : i32
      %broadcast_in_dim3A_566 = vector.broadcast %broadcast_in_dim3A_565 : i32 to vector<16xi32>
      %gather3A_567 = tpu.vector_load_idx %arg11[%add3A_505, %broadcast_in_dim3A_564] : memref<96x16xf32, #tpu.memory_space<vmem>>[vector<16xi32>, vector<16xi32>], vector<16xf32>,
      %gather3A_568 = tpu.vector_load_idx %arg13[%add3A_505, %broadcast_in_dim3A_566] : memref<96x16xf32, #tpu.memory_space<vmem>>[vector<16xi32>, vector<16xi32>], vector<16xf32>,
      %add3A_569 = arith.addf %gather3A_567, %gather3A_568 : vector<16xf32>
      %mul3A_570 = arith.constant 2.000000e-01 : f32
      %mul3A_571 = vector.broadcast %mul3A_570 : f32 to vector<16xf32>
      %mul3A_572 = arith.mulf %mul3A_571, %add3A_569 : vector<16xf32>
      %max3A_573 = arith.maximumf %add3A_569, %mul3A_572 : vector<16xf32>
      %sub3A_574 = vector.broadcast %max3A_41 : f32 to vector<16xf32>
      %sub3A_575 = arith.subf %max3A_573, %sub3A_574 : vector<16xf32>
      %exp3A_576 = math.exp %sub3A_575 : vector<16xf32>
      %add3A_577 = arith.constant 3 : i32
      %add3A_578 = vector.broadcast %add3A_577 : i32 to vector<16xi32>
      %add3A_579 = arith.addi %add3A_511, %add3A_578 : vector<16xi32>
      tpu.vector_store_idx %arg15[%add3A_579], %exp3A_576 : memref<1536xf32, #tpu.memory_space<vmem>>[vector<16xi32>], vector<16xf32>,
      %add3A_580 = arith.constant 80 : i32
      %add3A_581 = vector.broadcast %add3A_580 : i32 to vector<16xi32>
      %add3A_582 = arith.addi %iota3A, %add3A_581 : vector<16xi32>
      %mul3A_583 = arith.constant 16 : i32
      %mul3A_584 = vector.broadcast %mul3A_583 : i32 to vector<16xi32>
      %mul3A_585 = arith.muli %iota3A, %mul3A_584 : vector<16xi32>
      %add3A_586 = arith.constant 1280 : i32
      %add3A_587 = vector.broadcast %add3A_586 : i32 to vector<16xi32>
      %add3A_588 = arith.addi %mul3A_585, %add3A_587 : vector<16xi32>
      %broadcast_in_dim3A_589 = arith.constant 0 : i32
      %broadcast_in_dim3A_590 = vector.broadcast %broadcast_in_dim3A_589 : i32 to vector<16xi32>
      %broadcast_in_dim3A_591 = arith.constant 4 : i32
      %broadcast_in_dim3A_592 = vector.broadcast %broadcast_in_dim3A_591 : i32 to vector<16xi32>
      %gather3A_593 = tpu.vector_load_idx %arg11[%add3A_582, %broadcast_in_dim3A_590] : memref<96x16xf32, #tpu.memory_space<vmem>>[vector<16xi32>, vector<16xi32>], vector<16xf32>,
      %gather3A_594 = tpu.vector_load_idx %arg13[%add3A_582, %broadcast_in_dim3A_592] : memref<96x16xf32, #tpu.memory_space<vmem>>[vector<16xi32>, vector<16xi32>], vector<16xf32>,
      %add3A_595 = arith.addf %gather3A_593, %gather3A_594 : vector<16xf32>
      %mul3A_596 = arith.constant 2.000000e-01 : f32
      %mul3A_597 = vector.broadcast %mul3A_596 : f32 to vector<16xf32>
      %mul3A_598 = arith.mulf %mul3A_597, %add3A_595 : vector<16xf32>
      %max3A_599 = arith.maximumf %add3A_595, %mul3A_598 : vector<16xf32>
      %sub3A_600 = vector.broadcast %max3A : f32 to vector<16xf32>
      %sub3A_601 = arith.subf %max3A_599, %sub3A_600 : vector<16xf32>
      %exp3A_602 = math.exp %sub3A_601 : vector<16xf32>
      %add3A_603 = arith.constant 0 : i32
      %add3A_604 = vector.broadcast %add3A_603 : i32 to vector<16xi32>
      %add3A_605 = arith.addi %add3A_588, %add3A_604 : vector<16xi32>
      tpu.vector_store_idx %arg15[%add3A_605], %exp3A_602 : memref<1536xf32, #tpu.memory_space<vmem>>[vector<16xi32>], vector<16xf32>,
      %broadcast_in_dim3A_606 = arith.constant 1 : i32
      %broadcast_in_dim3A_607 = vector.broadcast %broadcast_in_dim3A_606 : i32 to vector<16xi32>
      %broadcast_in_dim3A_608 = arith.constant 5 : i32
      %broadcast_in_dim3A_609 = vector.broadcast %broadcast_in_dim3A_608 : i32 to vector<16xi32>
      %gather3A_610 = tpu.vector_load_idx %arg11[%add3A_582, %broadcast_in_dim3A_607] : memref<96x16xf32, #tpu.memory_space<vmem>>[vector<16xi32>, vector<16xi32>], vector<16xf32>,
      %gather3A_611 = tpu.vector_load_idx %arg13[%add3A_582, %broadcast_in_dim3A_609] : memref<96x16xf32, #tpu.memory_space<vmem>>[vector<16xi32>, vector<16xi32>], vector<16xf32>,
      %add3A_612 = arith.addf %gather3A_610, %gather3A_611 : vector<16xf32>
      %mul3A_613 = arith.constant 2.000000e-01 : f32
      %mul3A_614 = vector.broadcast %mul3A_613 : f32 to vector<16xf32>
      %mul3A_615 = arith.mulf %mul3A_614, %add3A_612 : vector<16xf32>
      %max3A_616 = arith.maximumf %add3A_612, %mul3A_615 : vector<16xf32>
      %sub3A_617 = vector.broadcast %max3A_25 : f32 to vector<16xf32>
      %sub3A_618 = arith.subf %max3A_616, %sub3A_617 : vector<16xf32>
      %exp3A_619 = math.exp %sub3A_618 : vector<16xf32>
      %add3A_620 = arith.constant 1 : i32
      %add3A_621 = vector.broadcast %add3A_620 : i32 to vector<16xi32>
      %add3A_622 = arith.addi %add3A_588, %add3A_621 : vector<16xi32>
      tpu.vector_store_idx %arg15[%add3A_622], %exp3A_619 : memref<1536xf32, #tpu.memory_space<vmem>>[vector<16xi32>], vector<16xf32>,
      %broadcast_in_dim3A_623 = arith.constant 2 : i32
      %broadcast_in_dim3A_624 = vector.broadcast %broadcast_in_dim3A_623 : i32 to vector<16xi32>
      %broadcast_in_dim3A_625 = arith.constant 6 : i32
      %broadcast_in_dim3A_626 = vector.broadcast %broadcast_in_dim3A_625 : i32 to vector<16xi32>
      %gather3A_627 = tpu.vector_load_idx %arg11[%add3A_582, %broadcast_in_dim3A_624] : memref<96x16xf32, #tpu.memory_space<vmem>>[vector<16xi32>, vector<16xi32>], vector<16xf32>,
      %gather3A_628 = tpu.vector_load_idx %arg13[%add3A_582, %broadcast_in_dim3A_626] : memref<96x16xf32, #tpu.memory_space<vmem>>[vector<16xi32>, vector<16xi32>], vector<16xf32>,
      %add3A_629 = arith.addf %gather3A_627, %gather3A_628 : vector<16xf32>
      %mul3A_630 = arith.constant 2.000000e-01 : f32
      %mul3A_631 = vector.broadcast %mul3A_630 : f32 to vector<16xf32>
      %mul3A_632 = arith.mulf %mul3A_631, %add3A_629 : vector<16xf32>
      %max3A_633 = arith.maximumf %add3A_629, %mul3A_632 : vector<16xf32>
      %sub3A_634 = vector.broadcast %max3A_33 : f32 to vector<16xf32>
      %sub3A_635 = arith.subf %max3A_633, %sub3A_634 : vector<16xf32>
      %exp3A_636 = math.exp %sub3A_635 : vector<16xf32>
      %add3A_637 = arith.constant 2 : i32
      %add3A_638 = vector.broadcast %add3A_637 : i32 to vector<16xi32>
      %add3A_639 = arith.addi %add3A_588, %add3A_638 : vector<16xi32>
      tpu.vector_store_idx %arg15[%add3A_639], %exp3A_636 : memref<1536xf32, #tpu.memory_space<vmem>>[vector<16xi32>], vector<16xf32>,
      %broadcast_in_dim3A_640 = arith.constant 3 : i32
      %broadcast_in_dim3A_641 = vector.broadcast %broadcast_in_dim3A_640 : i32 to vector<16xi32>
      %broadcast_in_dim3A_642 = arith.constant 7 : i32
      %broadcast_in_dim3A_643 = vector.broadcast %broadcast_in_dim3A_642 : i32 to vector<16xi32>
      %gather3A_644 = tpu.vector_load_idx %arg11[%add3A_582, %broadcast_in_dim3A_641] : memref<96x16xf32, #tpu.memory_space<vmem>>[vector<16xi32>, vector<16xi32>], vector<16xf32>,
      %gather3A_645 = tpu.vector_load_idx %arg13[%add3A_582, %broadcast_in_dim3A_643] : memref<96x16xf32, #tpu.memory_space<vmem>>[vector<16xi32>, vector<16xi32>], vector<16xf32>,
      %add3A_646 = arith.addf %gather3A_644, %gather3A_645 : vector<16xf32>
      %mul3A_647 = arith.constant 2.000000e-01 : f32
      %mul3A_648 = vector.broadcast %mul3A_647 : f32 to vector<16xf32>
      %mul3A_649 = arith.mulf %mul3A_648, %add3A_646 : vector<16xf32>
      %max3A_650 = arith.maximumf %add3A_646, %mul3A_649 : vector<16xf32>
      %sub3A_651 = vector.broadcast %max3A_41 : f32 to vector<16xf32>
      %sub3A_652 = arith.subf %max3A_650, %sub3A_651 : vector<16xf32>
      %exp3A_653 = math.exp %sub3A_652 : vector<16xf32>
      %add3A_654 = arith.constant 3 : i32
      %add3A_655 = vector.broadcast %add3A_654 : i32 to vector<16xi32>
      %add3A_656 = arith.addi %add3A_588, %add3A_655 : vector<16xi32>
      tpu.vector_store_idx %arg15[%add3A_656], %exp3A_653 : memref<1536xf32, #tpu.memory_space<vmem>>[vector<16xi32>], vector<16xf32>,
      %dma_wait3A_657 = arith.constant 0 : i32
      %dma_wait3A_658 = arith.constant 0 : i32
      %dma_wait3A_659 = tpu.memref_slice %arg4[%dma_wait3A_657, %dma_wait3A_658] : memref<10000x144xf32, #tpu.memory_space<hbm>> -> memref<10000x144xf32, #tpu.memory_space<hbm>>
      tpu.wait_indirect_dma semaphore(%arg23 : memref<!tpu.dma_semaphore, #tpu.memory_space<semaphore_mem>>) src(%dma_wait3A_659 : memref<10000x144xf32, #tpu.memory_space<hbm>>) dst(%arg9 : memref<96x144xf32, #tpu.memory_space<vmem>>)
      %parallel_loop3A_660 = arith.constant 0 : i32
      %parallel_loop3A_661 = arith.constant 96 : i32
      %parallel_loop3A_662 = arith.constant 1 : i32
      scf.for %parallel_loop3A_1157 = %parallel_loop3A_660 to %parallel_loop3A_661 step %parallel_loop3A_662  : i32 {
        %parallel_loop3A_1158 = arith.constant 16 : i32
        %parallel_loop3A_1159 = arith.muli %parallel_loop3A_1157, %parallel_loop3A_1158 : i32
        %parallel_loop3A_1160 = arith.index_cast %parallel_loop3A_1159 : i32 to index
        %parallel_loop3A_1161 = tpu.vector_load %arg15[%parallel_loop3A_1160] {strides = array<i32>} : memref<1536xf32, #tpu.memory_space<vmem>>, vector<16xf32>,
        %parallel_loop3A_1162 = vector.extract_strided_slice %parallel_loop3A_1161 {offsets = [0], sizes = [1], strides = [1]} : vector<16xf32> to vector<1xf32>
        %parallel_loop3A_1163 = vector.extract %parallel_loop3A_1162[0] : f32 from vector<1xf32>
        %parallel_loop3A_1164 = arith.index_cast %parallel_loop3A_1157 : i32 to index
        %parallel_loop3A_1165 = arith.constant 0 : index
        %parallel_loop3A_1166 = tpu.vector_load %arg9[%parallel_loop3A_1164, %parallel_loop3A_1165] {strides = array<i32>} : memref<96x144xf32, #tpu.memory_space<vmem>>, vector<16xf32>,
        %parallel_loop3A_1167 = vector.broadcast %parallel_loop3A_1163 : f32 to vector<16xf32>
        %parallel_loop3A_1168 = arith.mulf %parallel_loop3A_1166, %parallel_loop3A_1167 : vector<16xf32>
        %parallel_loop3A_1169 = arith.index_cast %parallel_loop3A_1157 : i32 to index
        %parallel_loop3A_1170 = arith.constant 0 : index
        %parallel_loop3A_1171 = tpu.vector_load %arg9[%parallel_loop3A_1169, %parallel_loop3A_1170] {strides = array<i32>} : memref<96x144xf32, #tpu.memory_space<vmem>>, vector<16xf32>,
        tpu.vector_store %arg9[%parallel_loop3A_1169, %parallel_loop3A_1170], %parallel_loop3A_1168 {strides = array<i32>} : memref<96x144xf32, #tpu.memory_space<vmem>>, vector<16xf32>,
        %parallel_loop3A_1172 = arith.index_cast %parallel_loop3A_1157 : i32 to index
        %parallel_loop3A_1173 = arith.constant 16 : index
        %parallel_loop3A_1174 = tpu.vector_load %arg9[%parallel_loop3A_1172, %parallel_loop3A_1173] {strides = array<i32>} : memref<96x144xf32, #tpu.memory_space<vmem>>, vector<16xf32>,
        %parallel_loop3A_1175 = vector.broadcast %parallel_loop3A_1163 : f32 to vector<16xf32>
        %parallel_loop3A_1176 = arith.mulf %parallel_loop3A_1174, %parallel_loop3A_1175 : vector<16xf32>
        %parallel_loop3A_1177 = arith.index_cast %parallel_loop3A_1157 : i32 to index
        %parallel_loop3A_1178 = arith.constant 16 : index
        %parallel_loop3A_1179 = tpu.vector_load %arg9[%parallel_loop3A_1177, %parallel_loop3A_1178] {strides = array<i32>} : memref<96x144xf32, #tpu.memory_space<vmem>>, vector<16xf32>,
        tpu.vector_store %arg9[%parallel_loop3A_1177, %parallel_loop3A_1178], %parallel_loop3A_1176 {strides = array<i32>} : memref<96x144xf32, #tpu.memory_space<vmem>>, vector<16xf32>,
        %parallel_loop3A_1180 = vector.extract_strided_slice %parallel_loop3A_1161 {offsets = [1], sizes = [1], strides = [1]} : vector<16xf32> to vector<1xf32>
        %parallel_loop3A_1181 = vector.extract %parallel_loop3A_1180[0] : f32 from vector<1xf32>
        %parallel_loop3A_1182 = arith.index_cast %parallel_loop3A_1157 : i32 to index
        %parallel_loop3A_1183 = arith.constant 32 : index
        %parallel_loop3A_1184 = tpu.vector_load %arg9[%parallel_loop3A_1182, %parallel_loop3A_1183] {strides = array<i32>} : memref<96x144xf32, #tpu.memory_space<vmem>>, vector<16xf32>,
        %parallel_loop3A_1185 = vector.broadcast %parallel_loop3A_1181 : f32 to vector<16xf32>
        %parallel_loop3A_1186 = arith.mulf %parallel_loop3A_1184, %parallel_loop3A_1185 : vector<16xf32>
        %parallel_loop3A_1187 = arith.index_cast %parallel_loop3A_1157 : i32 to index
        %parallel_loop3A_1188 = arith.constant 32 : index
        %parallel_loop3A_1189 = tpu.vector_load %arg9[%parallel_loop3A_1187, %parallel_loop3A_1188] {strides = array<i32>} : memref<96x144xf32, #tpu.memory_space<vmem>>, vector<16xf32>,
        tpu.vector_store %arg9[%parallel_loop3A_1187, %parallel_loop3A_1188], %parallel_loop3A_1186 {strides = array<i32>} : memref<96x144xf32, #tpu.memory_space<vmem>>, vector<16xf32>,
        %parallel_loop3A_1190 = arith.index_cast %parallel_loop3A_1157 : i32 to index
        %parallel_loop3A_1191 = arith.constant 48 : index
        %parallel_loop3A_1192 = tpu.vector_load %arg9[%parallel_loop3A_1190, %parallel_loop3A_1191] {strides = array<i32>} : memref<96x144xf32, #tpu.memory_space<vmem>>, vector<16xf32>,
        %parallel_loop3A_1193 = vector.broadcast %parallel_loop3A_1181 : f32 to vector<16xf32>
        %parallel_loop3A_1194 = arith.mulf %parallel_loop3A_1192, %parallel_loop3A_1193 : vector<16xf32>
        %parallel_loop3A_1195 = arith.index_cast %parallel_loop3A_1157 : i32 to index
        %parallel_loop3A_1196 = arith.constant 48 : index
        %parallel_loop3A_1197 = tpu.vector_load %arg9[%parallel_loop3A_1195, %parallel_loop3A_1196] {strides = array<i32>} : memref<96x144xf32, #tpu.memory_space<vmem>>, vector<16xf32>,
        tpu.vector_store %arg9[%parallel_loop3A_1195, %parallel_loop3A_1196], %parallel_loop3A_1194 {strides = array<i32>} : memref<96x144xf32, #tpu.memory_space<vmem>>, vector<16xf32>,
        %parallel_loop3A_1198 = vector.extract_strided_slice %parallel_loop3A_1161 {offsets = [2], sizes = [1], strides = [1]} : vector<16xf32> to vector<1xf32>
        %parallel_loop3A_1199 = vector.extract %parallel_loop3A_1198[0] : f32 from vector<1xf32>
        %parallel_loop3A_1200 = arith.index_cast %parallel_loop3A_1157 : i32 to index
        %parallel_loop3A_1201 = arith.constant 64 : index
        %parallel_loop3A_1202 = tpu.vector_load %arg9[%parallel_loop3A_1200, %parallel_loop3A_1201] {strides = array<i32>} : memref<96x144xf32, #tpu.memory_space<vmem>>, vector<16xf32>,
        %parallel_loop3A_1203 = vector.broadcast %parallel_loop3A_1199 : f32 to vector<16xf32>
        %parallel_loop3A_1204 = arith.mulf %parallel_loop3A_1202, %parallel_loop3A_1203 : vector<16xf32>
        %parallel_loop3A_1205 = arith.index_cast %parallel_loop3A_1157 : i32 to index
        %parallel_loop3A_1206 = arith.constant 64 : index
        %parallel_loop3A_1207 = tpu.vector_load %arg9[%parallel_loop3A_1205, %parallel_loop3A_1206] {strides = array<i32>} : memref<96x144xf32, #tpu.memory_space<vmem>>, vector<16xf32>,
        tpu.vector_store %arg9[%parallel_loop3A_1205, %parallel_loop3A_1206], %parallel_loop3A_1204 {strides = array<i32>} : memref<96x144xf32, #tpu.memory_space<vmem>>, vector<16xf32>,
        %parallel_loop3A_1208 = arith.index_cast %parallel_loop3A_1157 : i32 to index
        %parallel_loop3A_1209 = arith.constant 80 : index
        %parallel_loop3A_1210 = tpu.vector_load %arg9[%parallel_loop3A_1208, %parallel_loop3A_1209] {strides = array<i32>} : memref<96x144xf32, #tpu.memory_space<vmem>>, vector<16xf32>,
        %parallel_loop3A_1211 = vector.broadcast %parallel_loop3A_1199 : f32 to vector<16xf32>
        %parallel_loop3A_1212 = arith.mulf %parallel_loop3A_1210, %parallel_loop3A_1211 : vector<16xf32>
        %parallel_loop3A_1213 = arith.index_cast %parallel_loop3A_1157 : i32 to index
        %parallel_loop3A_1214 = arith.constant 80 : index
        %parallel_loop3A_1215 = tpu.vector_load %arg9[%parallel_loop3A_1213, %parallel_loop3A_1214] {strides = array<i32>} : memref<96x144xf32, #tpu.memory_space<vmem>>, vector<16xf32>,
        tpu.vector_store %arg9[%parallel_loop3A_1213, %parallel_loop3A_1214], %parallel_loop3A_1212 {strides = array<i32>} : memref<96x144xf32, #tpu.memory_space<vmem>>, vector<16xf32>,
        %parallel_loop3A_1216 = vector.extract_strided_slice %parallel_loop3A_1161 {offsets = [3], sizes = [1], strides = [1]} : vector<16xf32> to vector<1xf32>
        %parallel_loop3A_1217 = vector.extract %parallel_loop3A_1216[0] : f32 from vector<1xf32>
        %parallel_loop3A_1218 = arith.index_cast %parallel_loop3A_1157 : i32 to index
        %parallel_loop3A_1219 = arith.constant 96 : index
        %parallel_loop3A_1220 = tpu.vector_load %arg9[%parallel_loop3A_1218, %parallel_loop3A_1219] {strides = array<i32>} : memref<96x144xf32, #tpu.memory_space<vmem>>, vector<16xf32>,
        %parallel_loop3A_1221 = vector.broadcast %parallel_loop3A_1217 : f32 to vector<16xf32>
        %parallel_loop3A_1222 = arith.mulf %parallel_loop3A_1220, %parallel_loop3A_1221 : vector<16xf32>
        %parallel_loop3A_1223 = arith.index_cast %parallel_loop3A_1157 : i32 to index
        %parallel_loop3A_1224 = arith.constant 96 : index
        %parallel_loop3A_1225 = tpu.vector_load %arg9[%parallel_loop3A_1223, %parallel_loop3A_1224] {strides = array<i32>} : memref<96x144xf32, #tpu.memory_space<vmem>>, vector<16xf32>,
        tpu.vector_store %arg9[%parallel_loop3A_1223, %parallel_loop3A_1224], %parallel_loop3A_1222 {strides = array<i32>} : memref<96x144xf32, #tpu.memory_space<vmem>>, vector<16xf32>,
        %parallel_loop3A_1226 = arith.index_cast %parallel_loop3A_1157 : i32 to index
        %parallel_loop3A_1227 = arith.constant 112 : index
        %parallel_loop3A_1228 = tpu.vector_load %arg9[%parallel_loop3A_1226, %parallel_loop3A_1227] {strides = array<i32>} : memref<96x144xf32, #tpu.memory_space<vmem>>, vector<16xf32>,
        %parallel_loop3A_1229 = vector.broadcast %parallel_loop3A_1217 : f32 to vector<16xf32>
        %parallel_loop3A_1230 = arith.mulf %parallel_loop3A_1228, %parallel_loop3A_1229 : vector<16xf32>
        %parallel_loop3A_1231 = arith.index_cast %parallel_loop3A_1157 : i32 to index
        %parallel_loop3A_1232 = arith.constant 112 : index
        %parallel_loop3A_1233 = tpu.vector_load %arg9[%parallel_loop3A_1231, %parallel_loop3A_1232] {strides = array<i32>} : memref<96x144xf32, #tpu.memory_space<vmem>>, vector<16xf32>,
        tpu.vector_store %arg9[%parallel_loop3A_1231, %parallel_loop3A_1232], %parallel_loop3A_1230 {strides = array<i32>} : memref<96x144xf32, #tpu.memory_space<vmem>>, vector<16xf32>,
        %parallel_loop3A_1234 = arith.index_cast %parallel_loop3A_1157 : i32 to index
        %parallel_loop3A_1235 = arith.constant 128 : index
        %parallel_loop3A_1236 = tpu.vector_load %arg9[%parallel_loop3A_1234, %parallel_loop3A_1235] {strides = array<i32>} : memref<96x144xf32, #tpu.memory_space<vmem>>, vector<16xf32>,
        tpu.vector_store %arg9[%parallel_loop3A_1234, %parallel_loop3A_1235], %parallel_loop3A_1161 {strides = array<i32>} : memref<96x144xf32, #tpu.memory_space<vmem>>, vector<16xf32>,
      } {sc.loop_unroll_factor = 8 : i64, sc.parallel_access}
      %dma_start3A_663 = arith.constant 0 : i32
      %dma_start3A_664 = arith.constant 0 : i32
      %dma_start3A_665 = tpu.memref_slice %arg8[%dma_start3A_663, %dma_start3A_664] : memref<10000x144xf32, #tpu.memory_space<vmem_shared>> -> memref<10000x144xf32, #tpu.memory_space<vmem_shared>>
      tpu.enqueue_indirect_dma source(%arg9 : memref<96x144xf32, #tpu.memory_space<vmem>>) target(%dma_start3A_665 : memref<10000x144xf32, #tpu.memory_space<vmem_shared>>) offsets(%arg18 : memref<96xi32, #tpu.memory_space<vmem>>) semaphore(%arg29 : memref<!tpu.dma_semaphore, #tpu.memory_space<semaphore_mem>>) {add = true}
      %add3A_666 = arith.constant 2 : i32
      %add3A_667 = arith.addi %mul3A_173, %add3A_666 : i32
      %lt3A_668 = arith.constant 104 : i32
      %lt3A_669 = arith.cmpi slt, %add3A_667, %lt3A_668 : i32
      %convert_element_type3A_670 = arith.extui %lt3A_669 : i1 to i32
      %cond3A_671 = arith.constant 0 : i32
      %cond3A_672 = arith.cmpi ne, %convert_element_type3A_670, %cond3A_671 : i32
      scf.if %cond3A_672 {
        %dma_wait3A_1157 = arith.constant 0 : i32
        %dma_wait3A_1158 = arith.constant 0 : i32
        %dma_wait3A_1159 = tpu.memref_slice %arg8[%dma_wait3A_1157, %dma_wait3A_1158] : memref<10000x144xf32, #tpu.memory_space<vmem_shared>> -> memref<10000x144xf32, #tpu.memory_space<vmem_shared>>
        tpu.wait_indirect_dma semaphore(%arg29 : memref<!tpu.dma_semaphore, #tpu.memory_space<semaphore_mem>>) src(%arg9 : memref<96x144xf32, #tpu.memory_space<vmem>>) dst(%dma_wait3A_1159 : memref<10000x144xf32, #tpu.memory_space<vmem_shared>>)
        %add3A_1160 = arith.constant 2 : i32
        %add3A_1161 = arith.addi %mul3A_173, %add3A_1160 : i32
        %mul3A_1162 = arith.constant 96 : i32
        %mul3A_1163 = arith.muli %add3A_1161, %mul3A_1162 : i32
        %add3A_1164 = arith.addi %mul3A_46, %mul3A_1163 : i32
        %multiple_of3A_1165 = tpu.assume_multiple %add3A_1164, 8 : i32
        "tpu.region"() ({
          %run_scoped3A_1175 = tpu.sem_alloc : memref<!tpu.dma_semaphore, #tpu.memory_space<semaphore_mem>>
          %dma_start3A_1176 = tpu.memref_slice %arg2[%multiple_of3A_1165] : memref<320000xi32, #tpu.memory_space<hbm>> -> memref<96xi32, #tpu.memory_space<hbm>>
          %dma_start3A_1177 = tpu.memref_slice %arg2[%multiple_of3A_1165] : memref<320000xi32, #tpu.memory_space<hbm>> -> memref<96xi32, #tpu.memory_space<hbm>>
          tpu.enqueue_dma source(%dma_start3A_1177 : memref<96xi32, #tpu.memory_space<hbm>>) target(%arg16 : memref<96xi32, #tpu.memory_space<vmem>>) target_semaphore(%run_scoped3A_1175 : memref<!tpu.dma_semaphore, #tpu.memory_space<semaphore_mem>>)
          %dma_wait3A_1178 = tpu.memref_slice %arg2[%multiple_of3A_1165] : memref<320000xi32, #tpu.memory_space<hbm>> -> memref<96xi32, #tpu.memory_space<hbm>>
          %dma_wait3A_1179 = tpu.memref_slice %arg2[%multiple_of3A_1165] : memref<320000xi32, #tpu.memory_space<hbm>> -> memref<96xi32, #tpu.memory_space<hbm>>
          tpu.wait_dma2 semaphore(%run_scoped3A_1175 : memref<!tpu.dma_semaphore, #tpu.memory_space<semaphore_mem>>) src(%dma_wait3A_1179 : memref<96xi32, #tpu.memory_space<hbm>>) dst(%arg16 : memref<96xi32, #tpu.memory_space<vmem>>)
          tpu.yield
        }) : () -> ()
        "tpu.region"() ({
          %run_scoped3A_1175 = tpu.sem_alloc : memref<!tpu.dma_semaphore, #tpu.memory_space<semaphore_mem>>
          %dma_start3A_1176 = tpu.memref_slice %arg3[%multiple_of3A_1165] : memref<320000xi32, #tpu.memory_space<hbm>> -> memref<96xi32, #tpu.memory_space<hbm>>
          %dma_start3A_1177 = tpu.memref_slice %arg3[%multiple_of3A_1165] : memref<320000xi32, #tpu.memory_space<hbm>> -> memref<96xi32, #tpu.memory_space<hbm>>
          tpu.enqueue_dma source(%dma_start3A_1177 : memref<96xi32, #tpu.memory_space<hbm>>) target(%arg18 : memref<96xi32, #tpu.memory_space<vmem>>) target_semaphore(%run_scoped3A_1175 : memref<!tpu.dma_semaphore, #tpu.memory_space<semaphore_mem>>)
          %dma_wait3A_1178 = tpu.memref_slice %arg3[%multiple_of3A_1165] : memref<320000xi32, #tpu.memory_space<hbm>> -> memref<96xi32, #tpu.memory_space<hbm>>
          %dma_wait3A_1179 = tpu.memref_slice %arg3[%multiple_of3A_1165] : memref<320000xi32, #tpu.memory_space<hbm>> -> memref<96xi32, #tpu.memory_space<hbm>>
          tpu.wait_dma2 semaphore(%run_scoped3A_1175 : memref<!tpu.dma_semaphore, #tpu.memory_space<semaphore_mem>>) src(%dma_wait3A_1179 : memref<96xi32, #tpu.memory_space<hbm>>) dst(%arg18 : memref<96xi32, #tpu.memory_space<vmem>>)
          tpu.yield
        }) : () -> ()
        %dma_start3A_1166 = arith.constant 0 : i32
        %dma_start3A_1167 = arith.constant 0 : i32
        %dma_start3A_1168 = tpu.memref_slice %arg4[%dma_start3A_1166, %dma_start3A_1167] : memref<10000x144xf32, #tpu.memory_space<hbm>> -> memref<10000x144xf32, #tpu.memory_space<hbm>>
        tpu.enqueue_indirect_dma source(%dma_start3A_1168 : memref<10000x144xf32, #tpu.memory_space<hbm>>) target(%arg9 : memref<96x144xf32, #tpu.memory_space<vmem>>) offsets(%arg16 : memref<96xi32, #tpu.memory_space<vmem>>) semaphore(%arg23 : memref<!tpu.dma_semaphore, #tpu.memory_space<semaphore_mem>>)
        %dma_start3A_1169 = arith.constant 0 : i32
        %dma_start3A_1170 = arith.constant 0 : i32
        %dma_start3A_1171 = tpu.memref_slice %arg5[%dma_start3A_1169, %dma_start3A_1170] : memref<10000x16xf32, #tpu.memory_space<hbm>> -> memref<10000x16xf32, #tpu.memory_space<hbm>>
        tpu.enqueue_indirect_dma source(%dma_start3A_1171 : memref<10000x16xf32, #tpu.memory_space<hbm>>) target(%arg11 : memref<96x16xf32, #tpu.memory_space<vmem>>) offsets(%arg16 : memref<96xi32, #tpu.memory_space<vmem>>) semaphore(%arg25 : memref<!tpu.dma_semaphore, #tpu.memory_space<semaphore_mem>>)
        %dma_start3A_1172 = arith.constant 0 : i32
        %dma_start3A_1173 = arith.constant 0 : i32
        %dma_start3A_1174 = tpu.memref_slice %arg5[%dma_start3A_1172, %dma_start3A_1173] : memref<10000x16xf32, #tpu.memory_space<hbm>> -> memref<10000x16xf32, #tpu.memory_space<hbm>>
        tpu.enqueue_indirect_dma source(%dma_start3A_1174 : memref<10000x16xf32, #tpu.memory_space<hbm>>) target(%arg13 : memref<96x16xf32, #tpu.memory_space<vmem>>) offsets(%arg18 : memref<96xi32, #tpu.memory_space<vmem>>) semaphore(%arg27 : memref<!tpu.dma_semaphore, #tpu.memory_space<semaphore_mem>>)
      } else {
      }
      %dma_wait3A_673 = arith.constant 0 : i32
      %dma_wait3A_674 = arith.constant 0 : i32
      %dma_wait3A_675 = tpu.memref_slice %arg5[%dma_wait3A_673, %dma_wait3A_674] : memref<10000x16xf32, #tpu.memory_space<hbm>> -> memref<10000x16xf32, #tpu.memory_space<hbm>>
      tpu.wait_indirect_dma semaphore(%arg26 : memref<!tpu.dma_semaphore, #tpu.memory_space<semaphore_mem>>) src(%dma_wait3A_675 : memref<10000x16xf32, #tpu.memory_space<hbm>>) dst(%arg12 : memref<96x16xf32, #tpu.memory_space<vmem>>)
      %dma_wait3A_676 = arith.constant 0 : i32
      %dma_wait3A_677 = arith.constant 0 : i32
      %dma_wait3A_678 = tpu.memref_slice %arg5[%dma_wait3A_676, %dma_wait3A_677] : memref<10000x16xf32, #tpu.memory_space<hbm>> -> memref<10000x16xf32, #tpu.memory_space<hbm>>
      tpu.wait_indirect_dma semaphore(%arg28 : memref<!tpu.dma_semaphore, #tpu.memory_space<semaphore_mem>>) src(%dma_wait3A_678 : memref<10000x16xf32, #tpu.memory_space<hbm>>) dst(%arg14 : memref<96x16xf32, #tpu.memory_space<vmem>>)
      %add3A_679 = arith.constant 0 : i32
      %add3A_680 = vector.broadcast %add3A_679 : i32 to vector<16xi32>
      %add3A_681 = arith.addi %iota3A, %add3A_680 : vector<16xi32>
      %mul3A_682 = arith.constant 16 : i32
      %mul3A_683 = vector.broadcast %mul3A_682 : i32 to vector<16xi32>
      %mul3A_684 = arith.muli %iota3A, %mul3A_683 : vector<16xi32>
      %add3A_685 = arith.constant 0 : i32
      %add3A_686 = vector.broadcast %add3A_685 : i32 to vector<16xi32>
      %add3A_687 = arith.addi %mul3A_684, %add3A_686 : vector<16xi32>
      %broadcast_in_dim3A_688 = arith.constant 0 : i32
      %broadcast_in_dim3A_689 = vector.broadcast %broadcast_in_dim3A_688 : i32 to vector<16xi32>
      %broadcast_in_dim3A_690 = arith.constant 4 : i32
      %broadcast_in_dim3A_691 = vector.broadcast %broadcast_in_dim3A_690 : i32 to vector<16xi32>
      %gather3A_692 = tpu.vector_load_idx %arg12[%add3A_681, %broadcast_in_dim3A_689] : memref<96x16xf32, #tpu.memory_space<vmem>>[vector<16xi32>, vector<16xi32>], vector<16xf32>,
      %gather3A_693 = tpu.vector_load_idx %arg14[%add3A_681, %broadcast_in_dim3A_691] : memref<96x16xf32, #tpu.memory_space<vmem>>[vector<16xi32>, vector<16xi32>], vector<16xf32>,
      %add3A_694 = arith.addf %gather3A_692, %gather3A_693 : vector<16xf32>
      %mul3A_695 = arith.constant 2.000000e-01 : f32
      %mul3A_696 = vector.broadcast %mul3A_695 : f32 to vector<16xf32>
      %mul3A_697 = arith.mulf %mul3A_696, %add3A_694 : vector<16xf32>
      %max3A_698 = arith.maximumf %add3A_694, %mul3A_697 : vector<16xf32>
      %sub3A_699 = vector.broadcast %max3A : f32 to vector<16xf32>
      %sub3A_700 = arith.subf %max3A_698, %sub3A_699 : vector<16xf32>
      %exp3A_701 = math.exp %sub3A_700 : vector<16xf32>
      %add3A_702 = arith.constant 0 : i32
      %add3A_703 = vector.broadcast %add3A_702 : i32 to vector<16xi32>
      %add3A_704 = arith.addi %add3A_687, %add3A_703 : vector<16xi32>
      tpu.vector_store_idx %arg15[%add3A_704], %exp3A_701 : memref<1536xf32, #tpu.memory_space<vmem>>[vector<16xi32>], vector<16xf32>,
      %broadcast_in_dim3A_705 = arith.constant 1 : i32
      %broadcast_in_dim3A_706 = vector.broadcast %broadcast_in_dim3A_705 : i32 to vector<16xi32>
      %broadcast_in_dim3A_707 = arith.constant 5 : i32
      %broadcast_in_dim3A_708 = vector.broadcast %broadcast_in_dim3A_707 : i32 to vector<16xi32>
      %gather3A_709 = tpu.vector_load_idx %arg12[%add3A_681, %broadcast_in_dim3A_706] : memref<96x16xf32, #tpu.memory_space<vmem>>[vector<16xi32>, vector<16xi32>], vector<16xf32>,
      %gather3A_710 = tpu.vector_load_idx %arg14[%add3A_681, %broadcast_in_dim3A_708] : memref<96x16xf32, #tpu.memory_space<vmem>>[vector<16xi32>, vector<16xi32>], vector<16xf32>,
      %add3A_711 = arith.addf %gather3A_709, %gather3A_710 : vector<16xf32>
      %mul3A_712 = arith.constant 2.000000e-01 : f32
      %mul3A_713 = vector.broadcast %mul3A_712 : f32 to vector<16xf32>
      %mul3A_714 = arith.mulf %mul3A_713, %add3A_711 : vector<16xf32>
      %max3A_715 = arith.maximumf %add3A_711, %mul3A_714 : vector<16xf32>
      %sub3A_716 = vector.broadcast %max3A_25 : f32 to vector<16xf32>
      %sub3A_717 = arith.subf %max3A_715, %sub3A_716 : vector<16xf32>
      %exp3A_718 = math.exp %sub3A_717 : vector<16xf32>
      %add3A_719 = arith.constant 1 : i32
      %add3A_720 = vector.broadcast %add3A_719 : i32 to vector<16xi32>
      %add3A_721 = arith.addi %add3A_687, %add3A_720 : vector<16xi32>
      tpu.vector_store_idx %arg15[%add3A_721], %exp3A_718 : memref<1536xf32, #tpu.memory_space<vmem>>[vector<16xi32>], vector<16xf32>,
      %broadcast_in_dim3A_722 = arith.constant 2 : i32
      %broadcast_in_dim3A_723 = vector.broadcast %broadcast_in_dim3A_722 : i32 to vector<16xi32>
      %broadcast_in_dim3A_724 = arith.constant 6 : i32
      %broadcast_in_dim3A_725 = vector.broadcast %broadcast_in_dim3A_724 : i32 to vector<16xi32>
      %gather3A_726 = tpu.vector_load_idx %arg12[%add3A_681, %broadcast_in_dim3A_723] : memref<96x16xf32, #tpu.memory_space<vmem>>[vector<16xi32>, vector<16xi32>], vector<16xf32>,
      %gather3A_727 = tpu.vector_load_idx %arg14[%add3A_681, %broadcast_in_dim3A_725] : memref<96x16xf32, #tpu.memory_space<vmem>>[vector<16xi32>, vector<16xi32>], vector<16xf32>,
      %add3A_728 = arith.addf %gather3A_726, %gather3A_727 : vector<16xf32>
      %mul3A_729 = arith.constant 2.000000e-01 : f32
      %mul3A_730 = vector.broadcast %mul3A_729 : f32 to vector<16xf32>
      %mul3A_731 = arith.mulf %mul3A_730, %add3A_728 : vector<16xf32>
      %max3A_732 = arith.maximumf %add3A_728, %mul3A_731 : vector<16xf32>
      %sub3A_733 = vector.broadcast %max3A_33 : f32 to vector<16xf32>
      %sub3A_734 = arith.subf %max3A_732, %sub3A_733 : vector<16xf32>
      %exp3A_735 = math.exp %sub3A_734 : vector<16xf32>
      %add3A_736 = arith.constant 2 : i32
      %add3A_737 = vector.broadcast %add3A_736 : i32 to vector<16xi32>
      %add3A_738 = arith.addi %add3A_687, %add3A_737 : vector<16xi32>
      tpu.vector_store_idx %arg15[%add3A_738], %exp3A_735 : memref<1536xf32, #tpu.memory_space<vmem>>[vector<16xi32>], vector<16xf32>,
      %broadcast_in_dim3A_739 = arith.constant 3 : i32
      %broadcast_in_dim3A_740 = vector.broadcast %broadcast_in_dim3A_739 : i32 to vector<16xi32>
      %broadcast_in_dim3A_741 = arith.constant 7 : i32
      %broadcast_in_dim3A_742 = vector.broadcast %broadcast_in_dim3A_741 : i32 to vector<16xi32>
      %gather3A_743 = tpu.vector_load_idx %arg12[%add3A_681, %broadcast_in_dim3A_740] : memref<96x16xf32, #tpu.memory_space<vmem>>[vector<16xi32>, vector<16xi32>], vector<16xf32>,
      %gather3A_744 = tpu.vector_load_idx %arg14[%add3A_681, %broadcast_in_dim3A_742] : memref<96x16xf32, #tpu.memory_space<vmem>>[vector<16xi32>, vector<16xi32>], vector<16xf32>,
      %add3A_745 = arith.addf %gather3A_743, %gather3A_744 : vector<16xf32>
      %mul3A_746 = arith.constant 2.000000e-01 : f32
      %mul3A_747 = vector.broadcast %mul3A_746 : f32 to vector<16xf32>
      %mul3A_748 = arith.mulf %mul3A_747, %add3A_745 : vector<16xf32>
      %max3A_749 = arith.maximumf %add3A_745, %mul3A_748 : vector<16xf32>
      %sub3A_750 = vector.broadcast %max3A_41 : f32 to vector<16xf32>
      %sub3A_751 = arith.subf %max3A_749, %sub3A_750 : vector<16xf32>
      %exp3A_752 = math.exp %sub3A_751 : vector<16xf32>
      %add3A_753 = arith.constant 3 : i32
      %add3A_754 = vector.broadcast %add3A_753 : i32 to vector<16xi32>
      %add3A_755 = arith.addi %add3A_687, %add3A_754 : vector<16xi32>
      tpu.vector_store_idx %arg15[%add3A_755], %exp3A_752 : memref<1536xf32, #tpu.memory_space<vmem>>[vector<16xi32>], vector<16xf32>,
      %add3A_756 = arith.constant 16 : i32
      %add3A_757 = vector.broadcast %add3A_756 : i32 to vector<16xi32>
      %add3A_758 = arith.addi %iota3A, %add3A_757 : vector<16xi32>
      %mul3A_759 = arith.constant 16 : i32
      %mul3A_760 = vector.broadcast %mul3A_759 : i32 to vector<16xi32>
      %mul3A_761 = arith.muli %iota3A, %mul3A_760 : vector<16xi32>
      %add3A_762 = arith.constant 256 : i32
      %add3A_763 = vector.broadcast %add3A_762 : i32 to vector<16xi32>
      %add3A_764 = arith.addi %mul3A_761, %add3A_763 : vector<16xi32>
      %broadcast_in_dim3A_765 = arith.constant 0 : i32
      %broadcast_in_dim3A_766 = vector.broadcast %broadcast_in_dim3A_765 : i32 to vector<16xi32>
      %broadcast_in_dim3A_767 = arith.constant 4 : i32
      %broadcast_in_dim3A_768 = vector.broadcast %broadcast_in_dim3A_767 : i32 to vector<16xi32>
      %gather3A_769 = tpu.vector_load_idx %arg12[%add3A_758, %broadcast_in_dim3A_766] : memref<96x16xf32, #tpu.memory_space<vmem>>[vector<16xi32>, vector<16xi32>], vector<16xf32>,
      %gather3A_770 = tpu.vector_load_idx %arg14[%add3A_758, %broadcast_in_dim3A_768] : memref<96x16xf32, #tpu.memory_space<vmem>>[vector<16xi32>, vector<16xi32>], vector<16xf32>,
      %add3A_771 = arith.addf %gather3A_769, %gather3A_770 : vector<16xf32>
      %mul3A_772 = arith.constant 2.000000e-01 : f32
      %mul3A_773 = vector.broadcast %mul3A_772 : f32 to vector<16xf32>
      %mul3A_774 = arith.mulf %mul3A_773, %add3A_771 : vector<16xf32>
      %max3A_775 = arith.maximumf %add3A_771, %mul3A_774 : vector<16xf32>
      %sub3A_776 = vector.broadcast %max3A : f32 to vector<16xf32>
      %sub3A_777 = arith.subf %max3A_775, %sub3A_776 : vector<16xf32>
      %exp3A_778 = math.exp %sub3A_777 : vector<16xf32>
      %add3A_779 = arith.constant 0 : i32
      %add3A_780 = vector.broadcast %add3A_779 : i32 to vector<16xi32>
      %add3A_781 = arith.addi %add3A_764, %add3A_780 : vector<16xi32>
      tpu.vector_store_idx %arg15[%add3A_781], %exp3A_778 : memref<1536xf32, #tpu.memory_space<vmem>>[vector<16xi32>], vector<16xf32>,
      %broadcast_in_dim3A_782 = arith.constant 1 : i32
      %broadcast_in_dim3A_783 = vector.broadcast %broadcast_in_dim3A_782 : i32 to vector<16xi32>
      %broadcast_in_dim3A_784 = arith.constant 5 : i32
      %broadcast_in_dim3A_785 = vector.broadcast %broadcast_in_dim3A_784 : i32 to vector<16xi32>
      %gather3A_786 = tpu.vector_load_idx %arg12[%add3A_758, %broadcast_in_dim3A_783] : memref<96x16xf32, #tpu.memory_space<vmem>>[vector<16xi32>, vector<16xi32>], vector<16xf32>,
      %gather3A_787 = tpu.vector_load_idx %arg14[%add3A_758, %broadcast_in_dim3A_785] : memref<96x16xf32, #tpu.memory_space<vmem>>[vector<16xi32>, vector<16xi32>], vector<16xf32>,
      %add3A_788 = arith.addf %gather3A_786, %gather3A_787 : vector<16xf32>
      %mul3A_789 = arith.constant 2.000000e-01 : f32
      %mul3A_790 = vector.broadcast %mul3A_789 : f32 to vector<16xf32>
      %mul3A_791 = arith.mulf %mul3A_790, %add3A_788 : vector<16xf32>
      %max3A_792 = arith.maximumf %add3A_788, %mul3A_791 : vector<16xf32>
      %sub3A_793 = vector.broadcast %max3A_25 : f32 to vector<16xf32>
      %sub3A_794 = arith.subf %max3A_792, %sub3A_793 : vector<16xf32>
      %exp3A_795 = math.exp %sub3A_794 : vector<16xf32>
      %add3A_796 = arith.constant 1 : i32
      %add3A_797 = vector.broadcast %add3A_796 : i32 to vector<16xi32>
      %add3A_798 = arith.addi %add3A_764, %add3A_797 : vector<16xi32>
      tpu.vector_store_idx %arg15[%add3A_798], %exp3A_795 : memref<1536xf32, #tpu.memory_space<vmem>>[vector<16xi32>], vector<16xf32>,
      %broadcast_in_dim3A_799 = arith.constant 2 : i32
      %broadcast_in_dim3A_800 = vector.broadcast %broadcast_in_dim3A_799 : i32 to vector<16xi32>
      %broadcast_in_dim3A_801 = arith.constant 6 : i32
      %broadcast_in_dim3A_802 = vector.broadcast %broadcast_in_dim3A_801 : i32 to vector<16xi32>
      %gather3A_803 = tpu.vector_load_idx %arg12[%add3A_758, %broadcast_in_dim3A_800] : memref<96x16xf32, #tpu.memory_space<vmem>>[vector<16xi32>, vector<16xi32>], vector<16xf32>,
      %gather3A_804 = tpu.vector_load_idx %arg14[%add3A_758, %broadcast_in_dim3A_802] : memref<96x16xf32, #tpu.memory_space<vmem>>[vector<16xi32>, vector<16xi32>], vector<16xf32>,
      %add3A_805 = arith.addf %gather3A_803, %gather3A_804 : vector<16xf32>
      %mul3A_806 = arith.constant 2.000000e-01 : f32
      %mul3A_807 = vector.broadcast %mul3A_806 : f32 to vector<16xf32>
      %mul3A_808 = arith.mulf %mul3A_807, %add3A_805 : vector<16xf32>
      %max3A_809 = arith.maximumf %add3A_805, %mul3A_808 : vector<16xf32>
      %sub3A_810 = vector.broadcast %max3A_33 : f32 to vector<16xf32>
      %sub3A_811 = arith.subf %max3A_809, %sub3A_810 : vector<16xf32>
      %exp3A_812 = math.exp %sub3A_811 : vector<16xf32>
      %add3A_813 = arith.constant 2 : i32
      %add3A_814 = vector.broadcast %add3A_813 : i32 to vector<16xi32>
      %add3A_815 = arith.addi %add3A_764, %add3A_814 : vector<16xi32>
      tpu.vector_store_idx %arg15[%add3A_815], %exp3A_812 : memref<1536xf32, #tpu.memory_space<vmem>>[vector<16xi32>], vector<16xf32>,
      %broadcast_in_dim3A_816 = arith.constant 3 : i32
      %broadcast_in_dim3A_817 = vector.broadcast %broadcast_in_dim3A_816 : i32 to vector<16xi32>
      %broadcast_in_dim3A_818 = arith.constant 7 : i32
      %broadcast_in_dim3A_819 = vector.broadcast %broadcast_in_dim3A_818 : i32 to vector<16xi32>
      %gather3A_820 = tpu.vector_load_idx %arg12[%add3A_758, %broadcast_in_dim3A_817] : memref<96x16xf32, #tpu.memory_space<vmem>>[vector<16xi32>, vector<16xi32>], vector<16xf32>,
      %gather3A_821 = tpu.vector_load_idx %arg14[%add3A_758, %broadcast_in_dim3A_819] : memref<96x16xf32, #tpu.memory_space<vmem>>[vector<16xi32>, vector<16xi32>], vector<16xf32>,
      %add3A_822 = arith.addf %gather3A_820, %gather3A_821 : vector<16xf32>
      %mul3A_823 = arith.constant 2.000000e-01 : f32
      %mul3A_824 = vector.broadcast %mul3A_823 : f32 to vector<16xf32>
      %mul3A_825 = arith.mulf %mul3A_824, %add3A_822 : vector<16xf32>
      %max3A_826 = arith.maximumf %add3A_822, %mul3A_825 : vector<16xf32>
      %sub3A_827 = vector.broadcast %max3A_41 : f32 to vector<16xf32>
      %sub3A_828 = arith.subf %max3A_826, %sub3A_827 : vector<16xf32>
      %exp3A_829 = math.exp %sub3A_828 : vector<16xf32>
      %add3A_830 = arith.constant 3 : i32
      %add3A_831 = vector.broadcast %add3A_830 : i32 to vector<16xi32>
      %add3A_832 = arith.addi %add3A_764, %add3A_831 : vector<16xi32>
      tpu.vector_store_idx %arg15[%add3A_832], %exp3A_829 : memref<1536xf32, #tpu.memory_space<vmem>>[vector<16xi32>], vector<16xf32>,
      %add3A_833 = arith.constant 32 : i32
      %add3A_834 = vector.broadcast %add3A_833 : i32 to vector<16xi32>
      %add3A_835 = arith.addi %iota3A, %add3A_834 : vector<16xi32>
      %mul3A_836 = arith.constant 16 : i32
      %mul3A_837 = vector.broadcast %mul3A_836 : i32 to vector<16xi32>
      %mul3A_838 = arith.muli %iota3A, %mul3A_837 : vector<16xi32>
      %add3A_839 = arith.constant 512 : i32
      %add3A_840 = vector.broadcast %add3A_839 : i32 to vector<16xi32>
      %add3A_841 = arith.addi %mul3A_838, %add3A_840 : vector<16xi32>
      %broadcast_in_dim3A_842 = arith.constant 0 : i32
      %broadcast_in_dim3A_843 = vector.broadcast %broadcast_in_dim3A_842 : i32 to vector<16xi32>
      %broadcast_in_dim3A_844 = arith.constant 4 : i32
      %broadcast_in_dim3A_845 = vector.broadcast %broadcast_in_dim3A_844 : i32 to vector<16xi32>
      %gather3A_846 = tpu.vector_load_idx %arg12[%add3A_835, %broadcast_in_dim3A_843] : memref<96x16xf32, #tpu.memory_space<vmem>>[vector<16xi32>, vector<16xi32>], vector<16xf32>,
      %gather3A_847 = tpu.vector_load_idx %arg14[%add3A_835, %broadcast_in_dim3A_845] : memref<96x16xf32, #tpu.memory_space<vmem>>[vector<16xi32>, vector<16xi32>], vector<16xf32>,
      %add3A_848 = arith.addf %gather3A_846, %gather3A_847 : vector<16xf32>
      %mul3A_849 = arith.constant 2.000000e-01 : f32
      %mul3A_850 = vector.broadcast %mul3A_849 : f32 to vector<16xf32>
      %mul3A_851 = arith.mulf %mul3A_850, %add3A_848 : vector<16xf32>
      %max3A_852 = arith.maximumf %add3A_848, %mul3A_851 : vector<16xf32>
      %sub3A_853 = vector.broadcast %max3A : f32 to vector<16xf32>
      %sub3A_854 = arith.subf %max3A_852, %sub3A_853 : vector<16xf32>
      %exp3A_855 = math.exp %sub3A_854 : vector<16xf32>
      %add3A_856 = arith.constant 0 : i32
      %add3A_857 = vector.broadcast %add3A_856 : i32 to vector<16xi32>
      %add3A_858 = arith.addi %add3A_841, %add3A_857 : vector<16xi32>
      tpu.vector_store_idx %arg15[%add3A_858], %exp3A_855 : memref<1536xf32, #tpu.memory_space<vmem>>[vector<16xi32>], vector<16xf32>,
      %broadcast_in_dim3A_859 = arith.constant 1 : i32
      %broadcast_in_dim3A_860 = vector.broadcast %broadcast_in_dim3A_859 : i32 to vector<16xi32>
      %broadcast_in_dim3A_861 = arith.constant 5 : i32
      %broadcast_in_dim3A_862 = vector.broadcast %broadcast_in_dim3A_861 : i32 to vector<16xi32>
      %gather3A_863 = tpu.vector_load_idx %arg12[%add3A_835, %broadcast_in_dim3A_860] : memref<96x16xf32, #tpu.memory_space<vmem>>[vector<16xi32>, vector<16xi32>], vector<16xf32>,
      %gather3A_864 = tpu.vector_load_idx %arg14[%add3A_835, %broadcast_in_dim3A_862] : memref<96x16xf32, #tpu.memory_space<vmem>>[vector<16xi32>, vector<16xi32>], vector<16xf32>,
      %add3A_865 = arith.addf %gather3A_863, %gather3A_864 : vector<16xf32>
      %mul3A_866 = arith.constant 2.000000e-01 : f32
      %mul3A_867 = vector.broadcast %mul3A_866 : f32 to vector<16xf32>
      %mul3A_868 = arith.mulf %mul3A_867, %add3A_865 : vector<16xf32>
      %max3A_869 = arith.maximumf %add3A_865, %mul3A_868 : vector<16xf32>
      %sub3A_870 = vector.broadcast %max3A_25 : f32 to vector<16xf32>
      %sub3A_871 = arith.subf %max3A_869, %sub3A_870 : vector<16xf32>
      %exp3A_872 = math.exp %sub3A_871 : vector<16xf32>
      %add3A_873 = arith.constant 1 : i32
      %add3A_874 = vector.broadcast %add3A_873 : i32 to vector<16xi32>
      %add3A_875 = arith.addi %add3A_841, %add3A_874 : vector<16xi32>
      tpu.vector_store_idx %arg15[%add3A_875], %exp3A_872 : memref<1536xf32, #tpu.memory_space<vmem>>[vector<16xi32>], vector<16xf32>,
      %broadcast_in_dim3A_876 = arith.constant 2 : i32
      %broadcast_in_dim3A_877 = vector.broadcast %broadcast_in_dim3A_876 : i32 to vector<16xi32>
      %broadcast_in_dim3A_878 = arith.constant 6 : i32
      %broadcast_in_dim3A_879 = vector.broadcast %broadcast_in_dim3A_878 : i32 to vector<16xi32>
      %gather3A_880 = tpu.vector_load_idx %arg12[%add3A_835, %broadcast_in_dim3A_877] : memref<96x16xf32, #tpu.memory_space<vmem>>[vector<16xi32>, vector<16xi32>], vector<16xf32>,
      %gather3A_881 = tpu.vector_load_idx %arg14[%add3A_835, %broadcast_in_dim3A_879] : memref<96x16xf32, #tpu.memory_space<vmem>>[vector<16xi32>, vector<16xi32>], vector<16xf32>,
      %add3A_882 = arith.addf %gather3A_880, %gather3A_881 : vector<16xf32>
      %mul3A_883 = arith.constant 2.000000e-01 : f32
      %mul3A_884 = vector.broadcast %mul3A_883 : f32 to vector<16xf32>
      %mul3A_885 = arith.mulf %mul3A_884, %add3A_882 : vector<16xf32>
      %max3A_886 = arith.maximumf %add3A_882, %mul3A_885 : vector<16xf32>
      %sub3A_887 = vector.broadcast %max3A_33 : f32 to vector<16xf32>
      %sub3A_888 = arith.subf %max3A_886, %sub3A_887 : vector<16xf32>
      %exp3A_889 = math.exp %sub3A_888 : vector<16xf32>
      %add3A_890 = arith.constant 2 : i32
      %add3A_891 = vector.broadcast %add3A_890 : i32 to vector<16xi32>
      %add3A_892 = arith.addi %add3A_841, %add3A_891 : vector<16xi32>
      tpu.vector_store_idx %arg15[%add3A_892], %exp3A_889 : memref<1536xf32, #tpu.memory_space<vmem>>[vector<16xi32>], vector<16xf32>,
      %broadcast_in_dim3A_893 = arith.constant 3 : i32
      %broadcast_in_dim3A_894 = vector.broadcast %broadcast_in_dim3A_893 : i32 to vector<16xi32>
      %broadcast_in_dim3A_895 = arith.constant 7 : i32
      %broadcast_in_dim3A_896 = vector.broadcast %broadcast_in_dim3A_895 : i32 to vector<16xi32>
      %gather3A_897 = tpu.vector_load_idx %arg12[%add3A_835, %broadcast_in_dim3A_894] : memref<96x16xf32, #tpu.memory_space<vmem>>[vector<16xi32>, vector<16xi32>], vector<16xf32>,
      %gather3A_898 = tpu.vector_load_idx %arg14[%add3A_835, %broadcast_in_dim3A_896] : memref<96x16xf32, #tpu.memory_space<vmem>>[vector<16xi32>, vector<16xi32>], vector<16xf32>,
      %add3A_899 = arith.addf %gather3A_897, %gather3A_898 : vector<16xf32>
      %mul3A_900 = arith.constant 2.000000e-01 : f32
      %mul3A_901 = vector.broadcast %mul3A_900 : f32 to vector<16xf32>
      %mul3A_902 = arith.mulf %mul3A_901, %add3A_899 : vector<16xf32>
      %max3A_903 = arith.maximumf %add3A_899, %mul3A_902 : vector<16xf32>
      %sub3A_904 = vector.broadcast %max3A_41 : f32 to vector<16xf32>
      %sub3A_905 = arith.subf %max3A_903, %sub3A_904 : vector<16xf32>
      %exp3A_906 = math.exp %sub3A_905 : vector<16xf32>
      %add3A_907 = arith.constant 3 : i32
      %add3A_908 = vector.broadcast %add3A_907 : i32 to vector<16xi32>
      %add3A_909 = arith.addi %add3A_841, %add3A_908 : vector<16xi32>
      tpu.vector_store_idx %arg15[%add3A_909], %exp3A_906 : memref<1536xf32, #tpu.memory_space<vmem>>[vector<16xi32>], vector<16xf32>,
      %add3A_910 = arith.constant 48 : i32
      %add3A_911 = vector.broadcast %add3A_910 : i32 to vector<16xi32>
      %add3A_912 = arith.addi %iota3A, %add3A_911 : vector<16xi32>
      %mul3A_913 = arith.constant 16 : i32
      %mul3A_914 = vector.broadcast %mul3A_913 : i32 to vector<16xi32>
      %mul3A_915 = arith.muli %iota3A, %mul3A_914 : vector<16xi32>
      %add3A_916 = arith.constant 768 : i32
      %add3A_917 = vector.broadcast %add3A_916 : i32 to vector<16xi32>
      %add3A_918 = arith.addi %mul3A_915, %add3A_917 : vector<16xi32>
      %broadcast_in_dim3A_919 = arith.constant 0 : i32
      %broadcast_in_dim3A_920 = vector.broadcast %broadcast_in_dim3A_919 : i32 to vector<16xi32>
      %broadcast_in_dim3A_921 = arith.constant 4 : i32
      %broadcast_in_dim3A_922 = vector.broadcast %broadcast_in_dim3A_921 : i32 to vector<16xi32>
      %gather3A_923 = tpu.vector_load_idx %arg12[%add3A_912, %broadcast_in_dim3A_920] : memref<96x16xf32, #tpu.memory_space<vmem>>[vector<16xi32>, vector<16xi32>], vector<16xf32>,
      %gather3A_924 = tpu.vector_load_idx %arg14[%add3A_912, %broadcast_in_dim3A_922] : memref<96x16xf32, #tpu.memory_space<vmem>>[vector<16xi32>, vector<16xi32>], vector<16xf32>,
      %add3A_925 = arith.addf %gather3A_923, %gather3A_924 : vector<16xf32>
      %mul3A_926 = arith.constant 2.000000e-01 : f32
      %mul3A_927 = vector.broadcast %mul3A_926 : f32 to vector<16xf32>
      %mul3A_928 = arith.mulf %mul3A_927, %add3A_925 : vector<16xf32>
      %max3A_929 = arith.maximumf %add3A_925, %mul3A_928 : vector<16xf32>
      %sub3A_930 = vector.broadcast %max3A : f32 to vector<16xf32>
      %sub3A_931 = arith.subf %max3A_929, %sub3A_930 : vector<16xf32>
      %exp3A_932 = math.exp %sub3A_931 : vector<16xf32>
      %add3A_933 = arith.constant 0 : i32
      %add3A_934 = vector.broadcast %add3A_933 : i32 to vector<16xi32>
      %add3A_935 = arith.addi %add3A_918, %add3A_934 : vector<16xi32>
      tpu.vector_store_idx %arg15[%add3A_935], %exp3A_932 : memref<1536xf32, #tpu.memory_space<vmem>>[vector<16xi32>], vector<16xf32>,
      %broadcast_in_dim3A_936 = arith.constant 1 : i32
      %broadcast_in_dim3A_937 = vector.broadcast %broadcast_in_dim3A_936 : i32 to vector<16xi32>
      %broadcast_in_dim3A_938 = arith.constant 5 : i32
      %broadcast_in_dim3A_939 = vector.broadcast %broadcast_in_dim3A_938 : i32 to vector<16xi32>
      %gather3A_940 = tpu.vector_load_idx %arg12[%add3A_912, %broadcast_in_dim3A_937] : memref<96x16xf32, #tpu.memory_space<vmem>>[vector<16xi32>, vector<16xi32>], vector<16xf32>,
      %gather3A_941 = tpu.vector_load_idx %arg14[%add3A_912, %broadcast_in_dim3A_939] : memref<96x16xf32, #tpu.memory_space<vmem>>[vector<16xi32>, vector<16xi32>], vector<16xf32>,
      %add3A_942 = arith.addf %gather3A_940, %gather3A_941 : vector<16xf32>
      %mul3A_943 = arith.constant 2.000000e-01 : f32
      %mul3A_944 = vector.broadcast %mul3A_943 : f32 to vector<16xf32>
      %mul3A_945 = arith.mulf %mul3A_944, %add3A_942 : vector<16xf32>
      %max3A_946 = arith.maximumf %add3A_942, %mul3A_945 : vector<16xf32>
      %sub3A_947 = vector.broadcast %max3A_25 : f32 to vector<16xf32>
      %sub3A_948 = arith.subf %max3A_946, %sub3A_947 : vector<16xf32>
      %exp3A_949 = math.exp %sub3A_948 : vector<16xf32>
      %add3A_950 = arith.constant 1 : i32
      %add3A_951 = vector.broadcast %add3A_950 : i32 to vector<16xi32>
      %add3A_952 = arith.addi %add3A_918, %add3A_951 : vector<16xi32>
      tpu.vector_store_idx %arg15[%add3A_952], %exp3A_949 : memref<1536xf32, #tpu.memory_space<vmem>>[vector<16xi32>], vector<16xf32>,
      %broadcast_in_dim3A_953 = arith.constant 2 : i32
      %broadcast_in_dim3A_954 = vector.broadcast %broadcast_in_dim3A_953 : i32 to vector<16xi32>
      %broadcast_in_dim3A_955 = arith.constant 6 : i32
      %broadcast_in_dim3A_956 = vector.broadcast %broadcast_in_dim3A_955 : i32 to vector<16xi32>
      %gather3A_957 = tpu.vector_load_idx %arg12[%add3A_912, %broadcast_in_dim3A_954] : memref<96x16xf32, #tpu.memory_space<vmem>>[vector<16xi32>, vector<16xi32>], vector<16xf32>,
      %gather3A_958 = tpu.vector_load_idx %arg14[%add3A_912, %broadcast_in_dim3A_956] : memref<96x16xf32, #tpu.memory_space<vmem>>[vector<16xi32>, vector<16xi32>], vector<16xf32>,
      %add3A_959 = arith.addf %gather3A_957, %gather3A_958 : vector<16xf32>
      %mul3A_960 = arith.constant 2.000000e-01 : f32
      %mul3A_961 = vector.broadcast %mul3A_960 : f32 to vector<16xf32>
      %mul3A_962 = arith.mulf %mul3A_961, %add3A_959 : vector<16xf32>
      %max3A_963 = arith.maximumf %add3A_959, %mul3A_962 : vector<16xf32>
      %sub3A_964 = vector.broadcast %max3A_33 : f32 to vector<16xf32>
      %sub3A_965 = arith.subf %max3A_963, %sub3A_964 : vector<16xf32>
      %exp3A_966 = math.exp %sub3A_965 : vector<16xf32>
      %add3A_967 = arith.constant 2 : i32
      %add3A_968 = vector.broadcast %add3A_967 : i32 to vector<16xi32>
      %add3A_969 = arith.addi %add3A_918, %add3A_968 : vector<16xi32>
      tpu.vector_store_idx %arg15[%add3A_969], %exp3A_966 : memref<1536xf32, #tpu.memory_space<vmem>>[vector<16xi32>], vector<16xf32>,
      %broadcast_in_dim3A_970 = arith.constant 3 : i32
      %broadcast_in_dim3A_971 = vector.broadcast %broadcast_in_dim3A_970 : i32 to vector<16xi32>
      %broadcast_in_dim3A_972 = arith.constant 7 : i32
      %broadcast_in_dim3A_973 = vector.broadcast %broadcast_in_dim3A_972 : i32 to vector<16xi32>
      %gather3A_974 = tpu.vector_load_idx %arg12[%add3A_912, %broadcast_in_dim3A_971] : memref<96x16xf32, #tpu.memory_space<vmem>>[vector<16xi32>, vector<16xi32>], vector<16xf32>,
      %gather3A_975 = tpu.vector_load_idx %arg14[%add3A_912, %broadcast_in_dim3A_973] : memref<96x16xf32, #tpu.memory_space<vmem>>[vector<16xi32>, vector<16xi32>], vector<16xf32>,
      %add3A_976 = arith.addf %gather3A_974, %gather3A_975 : vector<16xf32>
      %mul3A_977 = arith.constant 2.000000e-01 : f32
      %mul3A_978 = vector.broadcast %mul3A_977 : f32 to vector<16xf32>
      %mul3A_979 = arith.mulf %mul3A_978, %add3A_976 : vector<16xf32>
      %max3A_980 = arith.maximumf %add3A_976, %mul3A_979 : vector<16xf32>
      %sub3A_981 = vector.broadcast %max3A_41 : f32 to vector<16xf32>
      %sub3A_982 = arith.subf %max3A_980, %sub3A_981 : vector<16xf32>
      %exp3A_983 = math.exp %sub3A_982 : vector<16xf32>
      %add3A_984 = arith.constant 3 : i32
      %add3A_985 = vector.broadcast %add3A_984 : i32 to vector<16xi32>
      %add3A_986 = arith.addi %add3A_918, %add3A_985 : vector<16xi32>
      tpu.vector_store_idx %arg15[%add3A_986], %exp3A_983 : memref<1536xf32, #tpu.memory_space<vmem>>[vector<16xi32>], vector<16xf32>,
      %add3A_987 = arith.constant 64 : i32
      %add3A_988 = vector.broadcast %add3A_987 : i32 to vector<16xi32>
      %add3A_989 = arith.addi %iota3A, %add3A_988 : vector<16xi32>
      %mul3A_990 = arith.constant 16 : i32
      %mul3A_991 = vector.broadcast %mul3A_990 : i32 to vector<16xi32>
      %mul3A_992 = arith.muli %iota3A, %mul3A_991 : vector<16xi32>
      %add3A_993 = arith.constant 1024 : i32
      %add3A_994 = vector.broadcast %add3A_993 : i32 to vector<16xi32>
      %add3A_995 = arith.addi %mul3A_992, %add3A_994 : vector<16xi32>
      %broadcast_in_dim3A_996 = arith.constant 0 : i32
      %broadcast_in_dim3A_997 = vector.broadcast %broadcast_in_dim3A_996 : i32 to vector<16xi32>
      %broadcast_in_dim3A_998 = arith.constant 4 : i32
      %broadcast_in_dim3A_999 = vector.broadcast %broadcast_in_dim3A_998 : i32 to vector<16xi32>
      %gather3A_1000 = tpu.vector_load_idx %arg12[%add3A_989, %broadcast_in_dim3A_997] : memref<96x16xf32, #tpu.memory_space<vmem>>[vector<16xi32>, vector<16xi32>], vector<16xf32>,
      %gather3A_1001 = tpu.vector_load_idx %arg14[%add3A_989, %broadcast_in_dim3A_999] : memref<96x16xf32, #tpu.memory_space<vmem>>[vector<16xi32>, vector<16xi32>], vector<16xf32>,
      %add3A_1002 = arith.addf %gather3A_1000, %gather3A_1001 : vector<16xf32>
      %mul3A_1003 = arith.constant 2.000000e-01 : f32
      %mul3A_1004 = vector.broadcast %mul3A_1003 : f32 to vector<16xf32>
      %mul3A_1005 = arith.mulf %mul3A_1004, %add3A_1002 : vector<16xf32>
      %max3A_1006 = arith.maximumf %add3A_1002, %mul3A_1005 : vector<16xf32>
      %sub3A_1007 = vector.broadcast %max3A : f32 to vector<16xf32>
      %sub3A_1008 = arith.subf %max3A_1006, %sub3A_1007 : vector<16xf32>
      %exp3A_1009 = math.exp %sub3A_1008 : vector<16xf32>
      %add3A_1010 = arith.constant 0 : i32
      %add3A_1011 = vector.broadcast %add3A_1010 : i32 to vector<16xi32>
      %add3A_1012 = arith.addi %add3A_995, %add3A_1011 : vector<16xi32>
      tpu.vector_store_idx %arg15[%add3A_1012], %exp3A_1009 : memref<1536xf32, #tpu.memory_space<vmem>>[vector<16xi32>], vector<16xf32>,
      %broadcast_in_dim3A_1013 = arith.constant 1 : i32
      %broadcast_in_dim3A_1014 = vector.broadcast %broadcast_in_dim3A_1013 : i32 to vector<16xi32>
      %broadcast_in_dim3A_1015 = arith.constant 5 : i32
      %broadcast_in_dim3A_1016 = vector.broadcast %broadcast_in_dim3A_1015 : i32 to vector<16xi32>
      %gather3A_1017 = tpu.vector_load_idx %arg12[%add3A_989, %broadcast_in_dim3A_1014] : memref<96x16xf32, #tpu.memory_space<vmem>>[vector<16xi32>, vector<16xi32>], vector<16xf32>,
      %gather3A_1018 = tpu.vector_load_idx %arg14[%add3A_989, %broadcast_in_dim3A_1016] : memref<96x16xf32, #tpu.memory_space<vmem>>[vector<16xi32>, vector<16xi32>], vector<16xf32>,
      %add3A_1019 = arith.addf %gather3A_1017, %gather3A_1018 : vector<16xf32>
      %mul3A_1020 = arith.constant 2.000000e-01 : f32
      %mul3A_1021 = vector.broadcast %mul3A_1020 : f32 to vector<16xf32>
      %mul3A_1022 = arith.mulf %mul3A_1021, %add3A_1019 : vector<16xf32>
      %max3A_1023 = arith.maximumf %add3A_1019, %mul3A_1022 : vector<16xf32>
      %sub3A_1024 = vector.broadcast %max3A_25 : f32 to vector<16xf32>
      %sub3A_1025 = arith.subf %max3A_1023, %sub3A_1024 : vector<16xf32>
      %exp3A_1026 = math.exp %sub3A_1025 : vector<16xf32>
      %add3A_1027 = arith.constant 1 : i32
      %add3A_1028 = vector.broadcast %add3A_1027 : i32 to vector<16xi32>
      %add3A_1029 = arith.addi %add3A_995, %add3A_1028 : vector<16xi32>
      tpu.vector_store_idx %arg15[%add3A_1029], %exp3A_1026 : memref<1536xf32, #tpu.memory_space<vmem>>[vector<16xi32>], vector<16xf32>,
      %broadcast_in_dim3A_1030 = arith.constant 2 : i32
      %broadcast_in_dim3A_1031 = vector.broadcast %broadcast_in_dim3A_1030 : i32 to vector<16xi32>
      %broadcast_in_dim3A_1032 = arith.constant 6 : i32
      %broadcast_in_dim3A_1033 = vector.broadcast %broadcast_in_dim3A_1032 : i32 to vector<16xi32>
      %gather3A_1034 = tpu.vector_load_idx %arg12[%add3A_989, %broadcast_in_dim3A_1031] : memref<96x16xf32, #tpu.memory_space<vmem>>[vector<16xi32>, vector<16xi32>], vector<16xf32>,
      %gather3A_1035 = tpu.vector_load_idx %arg14[%add3A_989, %broadcast_in_dim3A_1033] : memref<96x16xf32, #tpu.memory_space<vmem>>[vector<16xi32>, vector<16xi32>], vector<16xf32>,
      %add3A_1036 = arith.addf %gather3A_1034, %gather3A_1035 : vector<16xf32>
      %mul3A_1037 = arith.constant 2.000000e-01 : f32
      %mul3A_1038 = vector.broadcast %mul3A_1037 : f32 to vector<16xf32>
      %mul3A_1039 = arith.mulf %mul3A_1038, %add3A_1036 : vector<16xf32>
      %max3A_1040 = arith.maximumf %add3A_1036, %mul3A_1039 : vector<16xf32>
      %sub3A_1041 = vector.broadcast %max3A_33 : f32 to vector<16xf32>
      %sub3A_1042 = arith.subf %max3A_1040, %sub3A_1041 : vector<16xf32>
      %exp3A_1043 = math.exp %sub3A_1042 : vector<16xf32>
      %add3A_1044 = arith.constant 2 : i32
      %add3A_1045 = vector.broadcast %add3A_1044 : i32 to vector<16xi32>
      %add3A_1046 = arith.addi %add3A_995, %add3A_1045 : vector<16xi32>
      tpu.vector_store_idx %arg15[%add3A_1046], %exp3A_1043 : memref<1536xf32, #tpu.memory_space<vmem>>[vector<16xi32>], vector<16xf32>,
      %broadcast_in_dim3A_1047 = arith.constant 3 : i32
      %broadcast_in_dim3A_1048 = vector.broadcast %broadcast_in_dim3A_1047 : i32 to vector<16xi32>
      %broadcast_in_dim3A_1049 = arith.constant 7 : i32
      %broadcast_in_dim3A_1050 = vector.broadcast %broadcast_in_dim3A_1049 : i32 to vector<16xi32>
      %gather3A_1051 = tpu.vector_load_idx %arg12[%add3A_989, %broadcast_in_dim3A_1048] : memref<96x16xf32, #tpu.memory_space<vmem>>[vector<16xi32>, vector<16xi32>], vector<16xf32>,
      %gather3A_1052 = tpu.vector_load_idx %arg14[%add3A_989, %broadcast_in_dim3A_1050] : memref<96x16xf32, #tpu.memory_space<vmem>>[vector<16xi32>, vector<16xi32>], vector<16xf32>,
      %add3A_1053 = arith.addf %gather3A_1051, %gather3A_1052 : vector<16xf32>
      %mul3A_1054 = arith.constant 2.000000e-01 : f32
      %mul3A_1055 = vector.broadcast %mul3A_1054 : f32 to vector<16xf32>
      %mul3A_1056 = arith.mulf %mul3A_1055, %add3A_1053 : vector<16xf32>
      %max3A_1057 = arith.maximumf %add3A_1053, %mul3A_1056 : vector<16xf32>
      %sub3A_1058 = vector.broadcast %max3A_41 : f32 to vector<16xf32>
      %sub3A_1059 = arith.subf %max3A_1057, %sub3A_1058 : vector<16xf32>
      %exp3A_1060 = math.exp %sub3A_1059 : vector<16xf32>
      %add3A_1061 = arith.constant 3 : i32
      %add3A_1062 = vector.broadcast %add3A_1061 : i32 to vector<16xi32>
      %add3A_1063 = arith.addi %add3A_995, %add3A_1062 : vector<16xi32>
      tpu.vector_store_idx %arg15[%add3A_1063], %exp3A_1060 : memref<1536xf32, #tpu.memory_space<vmem>>[vector<16xi32>], vector<16xf32>,
      %add3A_1064 = arith.constant 80 : i32
      %add3A_1065 = vector.broadcast %add3A_1064 : i32 to vector<16xi32>
      %add3A_1066 = arith.addi %iota3A, %add3A_1065 : vector<16xi32>
      %mul3A_1067 = arith.constant 16 : i32
      %mul3A_1068 = vector.broadcast %mul3A_1067 : i32 to vector<16xi32>
      %mul3A_1069 = arith.muli %iota3A, %mul3A_1068 : vector<16xi32>
      %add3A_1070 = arith.constant 1280 : i32
      %add3A_1071 = vector.broadcast %add3A_1070 : i32 to vector<16xi32>
      %add3A_1072 = arith.addi %mul3A_1069, %add3A_1071 : vector<16xi32>
      %broadcast_in_dim3A_1073 = arith.constant 0 : i32
      %broadcast_in_dim3A_1074 = vector.broadcast %broadcast_in_dim3A_1073 : i32 to vector<16xi32>
      %broadcast_in_dim3A_1075 = arith.constant 4 : i32
      %broadcast_in_dim3A_1076 = vector.broadcast %broadcast_in_dim3A_1075 : i32 to vector<16xi32>
      %gather3A_1077 = tpu.vector_load_idx %arg12[%add3A_1066, %broadcast_in_dim3A_1074] : memref<96x16xf32, #tpu.memory_space<vmem>>[vector<16xi32>, vector<16xi32>], vector<16xf32>,
      %gather3A_1078 = tpu.vector_load_idx %arg14[%add3A_1066, %broadcast_in_dim3A_1076] : memref<96x16xf32, #tpu.memory_space<vmem>>[vector<16xi32>, vector<16xi32>], vector<16xf32>,
      %add3A_1079 = arith.addf %gather3A_1077, %gather3A_1078 : vector<16xf32>
      %mul3A_1080 = arith.constant 2.000000e-01 : f32
      %mul3A_1081 = vector.broadcast %mul3A_1080 : f32 to vector<16xf32>
      %mul3A_1082 = arith.mulf %mul3A_1081, %add3A_1079 : vector<16xf32>
      %max3A_1083 = arith.maximumf %add3A_1079, %mul3A_1082 : vector<16xf32>
      %sub3A_1084 = vector.broadcast %max3A : f32 to vector<16xf32>
      %sub3A_1085 = arith.subf %max3A_1083, %sub3A_1084 : vector<16xf32>
      %exp3A_1086 = math.exp %sub3A_1085 : vector<16xf32>
      %add3A_1087 = arith.constant 0 : i32
      %add3A_1088 = vector.broadcast %add3A_1087 : i32 to vector<16xi32>
      %add3A_1089 = arith.addi %add3A_1072, %add3A_1088 : vector<16xi32>
      tpu.vector_store_idx %arg15[%add3A_1089], %exp3A_1086 : memref<1536xf32, #tpu.memory_space<vmem>>[vector<16xi32>], vector<16xf32>,
      %broadcast_in_dim3A_1090 = arith.constant 1 : i32
      %broadcast_in_dim3A_1091 = vector.broadcast %broadcast_in_dim3A_1090 : i32 to vector<16xi32>
      %broadcast_in_dim3A_1092 = arith.constant 5 : i32
      %broadcast_in_dim3A_1093 = vector.broadcast %broadcast_in_dim3A_1092 : i32 to vector<16xi32>
      %gather3A_1094 = tpu.vector_load_idx %arg12[%add3A_1066, %broadcast_in_dim3A_1091] : memref<96x16xf32, #tpu.memory_space<vmem>>[vector<16xi32>, vector<16xi32>], vector<16xf32>,
      %gather3A_1095 = tpu.vector_load_idx %arg14[%add3A_1066, %broadcast_in_dim3A_1093] : memref<96x16xf32, #tpu.memory_space<vmem>>[vector<16xi32>, vector<16xi32>], vector<16xf32>,
      %add3A_1096 = arith.addf %gather3A_1094, %gather3A_1095 : vector<16xf32>
      %mul3A_1097 = arith.constant 2.000000e-01 : f32
      %mul3A_1098 = vector.broadcast %mul3A_1097 : f32 to vector<16xf32>
      %mul3A_1099 = arith.mulf %mul3A_1098, %add3A_1096 : vector<16xf32>
      %max3A_1100 = arith.maximumf %add3A_1096, %mul3A_1099 : vector<16xf32>
      %sub3A_1101 = vector.broadcast %max3A_25 : f32 to vector<16xf32>
      %sub3A_1102 = arith.subf %max3A_1100, %sub3A_1101 : vector<16xf32>
      %exp3A_1103 = math.exp %sub3A_1102 : vector<16xf32>
      %add3A_1104 = arith.constant 1 : i32
      %add3A_1105 = vector.broadcast %add3A_1104 : i32 to vector<16xi32>
      %add3A_1106 = arith.addi %add3A_1072, %add3A_1105 : vector<16xi32>
      tpu.vector_store_idx %arg15[%add3A_1106], %exp3A_1103 : memref<1536xf32, #tpu.memory_space<vmem>>[vector<16xi32>], vector<16xf32>,
      %broadcast_in_dim3A_1107 = arith.constant 2 : i32
      %broadcast_in_dim3A_1108 = vector.broadcast %broadcast_in_dim3A_1107 : i32 to vector<16xi32>
      %broadcast_in_dim3A_1109 = arith.constant 6 : i32
      %broadcast_in_dim3A_1110 = vector.broadcast %broadcast_in_dim3A_1109 : i32 to vector<16xi32>
      %gather3A_1111 = tpu.vector_load_idx %arg12[%add3A_1066, %broadcast_in_dim3A_1108] : memref<96x16xf32, #tpu.memory_space<vmem>>[vector<16xi32>, vector<16xi32>], vector<16xf32>,
      %gather3A_1112 = tpu.vector_load_idx %arg14[%add3A_1066, %broadcast_in_dim3A_1110] : memref<96x16xf32, #tpu.memory_space<vmem>>[vector<16xi32>, vector<16xi32>], vector<16xf32>,
      %add3A_1113 = arith.addf %gather3A_1111, %gather3A_1112 : vector<16xf32>
      %mul3A_1114 = arith.constant 2.000000e-01 : f32
      %mul3A_1115 = vector.broadcast %mul3A_1114 : f32 to vector<16xf32>
      %mul3A_1116 = arith.mulf %mul3A_1115, %add3A_1113 : vector<16xf32>
      %max3A_1117 = arith.maximumf %add3A_1113, %mul3A_1116 : vector<16xf32>
      %sub3A_1118 = vector.broadcast %max3A_33 : f32 to vector<16xf32>
      %sub3A_1119 = arith.subf %max3A_1117, %sub3A_1118 : vector<16xf32>
      %exp3A_1120 = math.exp %sub3A_1119 : vector<16xf32>
      %add3A_1121 = arith.constant 2 : i32
      %add3A_1122 = vector.broadcast %add3A_1121 : i32 to vector<16xi32>
      %add3A_1123 = arith.addi %add3A_1072, %add3A_1122 : vector<16xi32>
      tpu.vector_store_idx %arg15[%add3A_1123], %exp3A_1120 : memref<1536xf32, #tpu.memory_space<vmem>>[vector<16xi32>], vector<16xf32>,
      %broadcast_in_dim3A_1124 = arith.constant 3 : i32
      %broadcast_in_dim3A_1125 = vector.broadcast %broadcast_in_dim3A_1124 : i32 to vector<16xi32>
      %broadcast_in_dim3A_1126 = arith.constant 7 : i32
      %broadcast_in_dim3A_1127 = vector.broadcast %broadcast_in_dim3A_1126 : i32 to vector<16xi32>
      %gather3A_1128 = tpu.vector_load_idx %arg12[%add3A_1066, %broadcast_in_dim3A_1125] : memref<96x16xf32, #tpu.memory_space<vmem>>[vector<16xi32>, vector<16xi32>], vector<16xf32>,
      %gather3A_1129 = tpu.vector_load_idx %arg14[%add3A_1066, %broadcast_in_dim3A_1127] : memref<96x16xf32, #tpu.memory_space<vmem>>[vector<16xi32>, vector<16xi32>], vector<16xf32>,
      %add3A_1130 = arith.addf %gather3A_1128, %gather3A_1129 : vector<16xf32>
      %mul3A_1131 = arith.constant 2.000000e-01 : f32
      %mul3A_1132 = vector.broadcast %mul3A_1131 : f32 to vector<16xf32>
      %mul3A_1133 = arith.mulf %mul3A_1132, %add3A_1130 : vector<16xf32>
      %max3A_1134 = arith.maximumf %add3A_1130, %mul3A_1133 : vector<16xf32>
      %sub3A_1135 = vector.broadcast %max3A_41 : f32 to vector<16xf32>
      %sub3A_1136 = arith.subf %max3A_1134, %sub3A_1135 : vector<16xf32>
      %exp3A_1137 = math.exp %sub3A_1136 : vector<16xf32>
      %add3A_1138 = arith.constant 3 : i32
      %add3A_1139 = vector.broadcast %add3A_1138 : i32 to vector<16xi32>
      %add3A_1140 = arith.addi %add3A_1072, %add3A_1139 : vector<16xi32>
      tpu.vector_store_idx %arg15[%add3A_1140], %exp3A_1137 : memref<1536xf32, #tpu.memory_space<vmem>>[vector<16xi32>], vector<16xf32>,
      %dma_wait3A_1141 = arith.constant 0 : i32
      %dma_wait3A_1142 = arith.constant 0 : i32
      %dma_wait3A_1143 = tpu.memref_slice %arg4[%dma_wait3A_1141, %dma_wait3A_1142] : memref<10000x144xf32, #tpu.memory_space<hbm>> -> memref<10000x144xf32, #tpu.memory_space<hbm>>
      tpu.wait_indirect_dma semaphore(%arg24 : memref<!tpu.dma_semaphore, #tpu.memory_space<semaphore_mem>>) src(%dma_wait3A_1143 : memref<10000x144xf32, #tpu.memory_space<hbm>>) dst(%arg10 : memref<96x144xf32, #tpu.memory_space<vmem>>)
      %parallel_loop3A_1144 = arith.constant 0 : i32
      %parallel_loop3A_1145 = arith.constant 96 : i32
      %parallel_loop3A_1146 = arith.constant 1 : i32
      scf.for %parallel_loop3A_1157 = %parallel_loop3A_1144 to %parallel_loop3A_1145 step %parallel_loop3A_1146  : i32 {
        %parallel_loop3A_1158 = arith.constant 16 : i32
        %parallel_loop3A_1159 = arith.muli %parallel_loop3A_1157, %parallel_loop3A_1158 : i32
        %parallel_loop3A_1160 = arith.index_cast %parallel_loop3A_1159 : i32 to index
        %parallel_loop3A_1161 = tpu.vector_load %arg15[%parallel_loop3A_1160] {strides = array<i32>} : memref<1536xf32, #tpu.memory_space<vmem>>, vector<16xf32>,
        %parallel_loop3A_1162 = vector.extract_strided_slice %parallel_loop3A_1161 {offsets = [0], sizes = [1], strides = [1]} : vector<16xf32> to vector<1xf32>
        %parallel_loop3A_1163 = vector.extract %parallel_loop3A_1162[0] : f32 from vector<1xf32>
        %parallel_loop3A_1164 = arith.index_cast %parallel_loop3A_1157 : i32 to index
        %parallel_loop3A_1165 = arith.constant 0 : index
        %parallel_loop3A_1166 = tpu.vector_load %arg10[%parallel_loop3A_1164, %parallel_loop3A_1165] {strides = array<i32>} : memref<96x144xf32, #tpu.memory_space<vmem>>, vector<16xf32>,
        %parallel_loop3A_1167 = vector.broadcast %parallel_loop3A_1163 : f32 to vector<16xf32>
        %parallel_loop3A_1168 = arith.mulf %parallel_loop3A_1166, %parallel_loop3A_1167 : vector<16xf32>
        %parallel_loop3A_1169 = arith.index_cast %parallel_loop3A_1157 : i32 to index
        %parallel_loop3A_1170 = arith.constant 0 : index
        %parallel_loop3A_1171 = tpu.vector_load %arg10[%parallel_loop3A_1169, %parallel_loop3A_1170] {strides = array<i32>} : memref<96x144xf32, #tpu.memory_space<vmem>>, vector<16xf32>,
        tpu.vector_store %arg10[%parallel_loop3A_1169, %parallel_loop3A_1170], %parallel_loop3A_1168 {strides = array<i32>} : memref<96x144xf32, #tpu.memory_space<vmem>>, vector<16xf32>,
        %parallel_loop3A_1172 = arith.index_cast %parallel_loop3A_1157 : i32 to index
        %parallel_loop3A_1173 = arith.constant 16 : index
        %parallel_loop3A_1174 = tpu.vector_load %arg10[%parallel_loop3A_1172, %parallel_loop3A_1173] {strides = array<i32>} : memref<96x144xf32, #tpu.memory_space<vmem>>, vector<16xf32>,
        %parallel_loop3A_1175 = vector.broadcast %parallel_loop3A_1163 : f32 to vector<16xf32>
        %parallel_loop3A_1176 = arith.mulf %parallel_loop3A_1174, %parallel_loop3A_1175 : vector<16xf32>
        %parallel_loop3A_1177 = arith.index_cast %parallel_loop3A_1157 : i32 to index
        %parallel_loop3A_1178 = arith.constant 16 : index
        %parallel_loop3A_1179 = tpu.vector_load %arg10[%parallel_loop3A_1177, %parallel_loop3A_1178] {strides = array<i32>} : memref<96x144xf32, #tpu.memory_space<vmem>>, vector<16xf32>,
        tpu.vector_store %arg10[%parallel_loop3A_1177, %parallel_loop3A_1178], %parallel_loop3A_1176 {strides = array<i32>} : memref<96x144xf32, #tpu.memory_space<vmem>>, vector<16xf32>,
        %parallel_loop3A_1180 = vector.extract_strided_slice %parallel_loop3A_1161 {offsets = [1], sizes = [1], strides = [1]} : vector<16xf32> to vector<1xf32>
        %parallel_loop3A_1181 = vector.extract %parallel_loop3A_1180[0] : f32 from vector<1xf32>
        %parallel_loop3A_1182 = arith.index_cast %parallel_loop3A_1157 : i32 to index
        %parallel_loop3A_1183 = arith.constant 32 : index
        %parallel_loop3A_1184 = tpu.vector_load %arg10[%parallel_loop3A_1182, %parallel_loop3A_1183] {strides = array<i32>} : memref<96x144xf32, #tpu.memory_space<vmem>>, vector<16xf32>,
        %parallel_loop3A_1185 = vector.broadcast %parallel_loop3A_1181 : f32 to vector<16xf32>
        %parallel_loop3A_1186 = arith.mulf %parallel_loop3A_1184, %parallel_loop3A_1185 : vector<16xf32>
        %parallel_loop3A_1187 = arith.index_cast %parallel_loop3A_1157 : i32 to index
        %parallel_loop3A_1188 = arith.constant 32 : index
        %parallel_loop3A_1189 = tpu.vector_load %arg10[%parallel_loop3A_1187, %parallel_loop3A_1188] {strides = array<i32>} : memref<96x144xf32, #tpu.memory_space<vmem>>, vector<16xf32>,
        tpu.vector_store %arg10[%parallel_loop3A_1187, %parallel_loop3A_1188], %parallel_loop3A_1186 {strides = array<i32>} : memref<96x144xf32, #tpu.memory_space<vmem>>, vector<16xf32>,
        %parallel_loop3A_1190 = arith.index_cast %parallel_loop3A_1157 : i32 to index
        %parallel_loop3A_1191 = arith.constant 48 : index
        %parallel_loop3A_1192 = tpu.vector_load %arg10[%parallel_loop3A_1190, %parallel_loop3A_1191] {strides = array<i32>} : memref<96x144xf32, #tpu.memory_space<vmem>>, vector<16xf32>,
        %parallel_loop3A_1193 = vector.broadcast %parallel_loop3A_1181 : f32 to vector<16xf32>
        %parallel_loop3A_1194 = arith.mulf %parallel_loop3A_1192, %parallel_loop3A_1193 : vector<16xf32>
        %parallel_loop3A_1195 = arith.index_cast %parallel_loop3A_1157 : i32 to index
        %parallel_loop3A_1196 = arith.constant 48 : index
        %parallel_loop3A_1197 = tpu.vector_load %arg10[%parallel_loop3A_1195, %parallel_loop3A_1196] {strides = array<i32>} : memref<96x144xf32, #tpu.memory_space<vmem>>, vector<16xf32>,
        tpu.vector_store %arg10[%parallel_loop3A_1195, %parallel_loop3A_1196], %parallel_loop3A_1194 {strides = array<i32>} : memref<96x144xf32, #tpu.memory_space<vmem>>, vector<16xf32>,
        %parallel_loop3A_1198 = vector.extract_strided_slice %parallel_loop3A_1161 {offsets = [2], sizes = [1], strides = [1]} : vector<16xf32> to vector<1xf32>
        %parallel_loop3A_1199 = vector.extract %parallel_loop3A_1198[0] : f32 from vector<1xf32>
        %parallel_loop3A_1200 = arith.index_cast %parallel_loop3A_1157 : i32 to index
        %parallel_loop3A_1201 = arith.constant 64 : index
        %parallel_loop3A_1202 = tpu.vector_load %arg10[%parallel_loop3A_1200, %parallel_loop3A_1201] {strides = array<i32>} : memref<96x144xf32, #tpu.memory_space<vmem>>, vector<16xf32>,
        %parallel_loop3A_1203 = vector.broadcast %parallel_loop3A_1199 : f32 to vector<16xf32>
        %parallel_loop3A_1204 = arith.mulf %parallel_loop3A_1202, %parallel_loop3A_1203 : vector<16xf32>
        %parallel_loop3A_1205 = arith.index_cast %parallel_loop3A_1157 : i32 to index
        %parallel_loop3A_1206 = arith.constant 64 : index
        %parallel_loop3A_1207 = tpu.vector_load %arg10[%parallel_loop3A_1205, %parallel_loop3A_1206] {strides = array<i32>} : memref<96x144xf32, #tpu.memory_space<vmem>>, vector<16xf32>,
        tpu.vector_store %arg10[%parallel_loop3A_1205, %parallel_loop3A_1206], %parallel_loop3A_1204 {strides = array<i32>} : memref<96x144xf32, #tpu.memory_space<vmem>>, vector<16xf32>,
        %parallel_loop3A_1208 = arith.index_cast %parallel_loop3A_1157 : i32 to index
        %parallel_loop3A_1209 = arith.constant 80 : index
        %parallel_loop3A_1210 = tpu.vector_load %arg10[%parallel_loop3A_1208, %parallel_loop3A_1209] {strides = array<i32>} : memref<96x144xf32, #tpu.memory_space<vmem>>, vector<16xf32>,
        %parallel_loop3A_1211 = vector.broadcast %parallel_loop3A_1199 : f32 to vector<16xf32>
        %parallel_loop3A_1212 = arith.mulf %parallel_loop3A_1210, %parallel_loop3A_1211 : vector<16xf32>
        %parallel_loop3A_1213 = arith.index_cast %parallel_loop3A_1157 : i32 to index
        %parallel_loop3A_1214 = arith.constant 80 : index
        %parallel_loop3A_1215 = tpu.vector_load %arg10[%parallel_loop3A_1213, %parallel_loop3A_1214] {strides = array<i32>} : memref<96x144xf32, #tpu.memory_space<vmem>>, vector<16xf32>,
        tpu.vector_store %arg10[%parallel_loop3A_1213, %parallel_loop3A_1214], %parallel_loop3A_1212 {strides = array<i32>} : memref<96x144xf32, #tpu.memory_space<vmem>>, vector<16xf32>,
        %parallel_loop3A_1216 = vector.extract_strided_slice %parallel_loop3A_1161 {offsets = [3], sizes = [1], strides = [1]} : vector<16xf32> to vector<1xf32>
        %parallel_loop3A_1217 = vector.extract %parallel_loop3A_1216[0] : f32 from vector<1xf32>
        %parallel_loop3A_1218 = arith.index_cast %parallel_loop3A_1157 : i32 to index
        %parallel_loop3A_1219 = arith.constant 96 : index
        %parallel_loop3A_1220 = tpu.vector_load %arg10[%parallel_loop3A_1218, %parallel_loop3A_1219] {strides = array<i32>} : memref<96x144xf32, #tpu.memory_space<vmem>>, vector<16xf32>,
        %parallel_loop3A_1221 = vector.broadcast %parallel_loop3A_1217 : f32 to vector<16xf32>
        %parallel_loop3A_1222 = arith.mulf %parallel_loop3A_1220, %parallel_loop3A_1221 : vector<16xf32>
        %parallel_loop3A_1223 = arith.index_cast %parallel_loop3A_1157 : i32 to index
        %parallel_loop3A_1224 = arith.constant 96 : index
        %parallel_loop3A_1225 = tpu.vector_load %arg10[%parallel_loop3A_1223, %parallel_loop3A_1224] {strides = array<i32>} : memref<96x144xf32, #tpu.memory_space<vmem>>, vector<16xf32>,
        tpu.vector_store %arg10[%parallel_loop3A_1223, %parallel_loop3A_1224], %parallel_loop3A_1222 {strides = array<i32>} : memref<96x144xf32, #tpu.memory_space<vmem>>, vector<16xf32>,
        %parallel_loop3A_1226 = arith.index_cast %parallel_loop3A_1157 : i32 to index
        %parallel_loop3A_1227 = arith.constant 112 : index
        %parallel_loop3A_1228 = tpu.vector_load %arg10[%parallel_loop3A_1226, %parallel_loop3A_1227] {strides = array<i32>} : memref<96x144xf32, #tpu.memory_space<vmem>>, vector<16xf32>,
        %parallel_loop3A_1229 = vector.broadcast %parallel_loop3A_1217 : f32 to vector<16xf32>
        %parallel_loop3A_1230 = arith.mulf %parallel_loop3A_1228, %parallel_loop3A_1229 : vector<16xf32>
        %parallel_loop3A_1231 = arith.index_cast %parallel_loop3A_1157 : i32 to index
        %parallel_loop3A_1232 = arith.constant 112 : index
        %parallel_loop3A_1233 = tpu.vector_load %arg10[%parallel_loop3A_1231, %parallel_loop3A_1232] {strides = array<i32>} : memref<96x144xf32, #tpu.memory_space<vmem>>, vector<16xf32>,
        tpu.vector_store %arg10[%parallel_loop3A_1231, %parallel_loop3A_1232], %parallel_loop3A_1230 {strides = array<i32>} : memref<96x144xf32, #tpu.memory_space<vmem>>, vector<16xf32>,
        %parallel_loop3A_1234 = arith.index_cast %parallel_loop3A_1157 : i32 to index
        %parallel_loop3A_1235 = arith.constant 128 : index
        %parallel_loop3A_1236 = tpu.vector_load %arg10[%parallel_loop3A_1234, %parallel_loop3A_1235] {strides = array<i32>} : memref<96x144xf32, #tpu.memory_space<vmem>>, vector<16xf32>,
        tpu.vector_store %arg10[%parallel_loop3A_1234, %parallel_loop3A_1235], %parallel_loop3A_1161 {strides = array<i32>} : memref<96x144xf32, #tpu.memory_space<vmem>>, vector<16xf32>,
      } {sc.loop_unroll_factor = 8 : i64, sc.parallel_access}
      %dma_start3A_1147 = arith.constant 0 : i32
      %dma_start3A_1148 = arith.constant 0 : i32
      %dma_start3A_1149 = tpu.memref_slice %arg8[%dma_start3A_1147, %dma_start3A_1148] : memref<10000x144xf32, #tpu.memory_space<vmem_shared>> -> memref<10000x144xf32, #tpu.memory_space<vmem_shared>>
      tpu.enqueue_indirect_dma source(%arg10 : memref<96x144xf32, #tpu.memory_space<vmem>>) target(%dma_start3A_1149 : memref<10000x144xf32, #tpu.memory_space<vmem_shared>>) offsets(%arg19 : memref<96xi32, #tpu.memory_space<vmem>>) semaphore(%arg30 : memref<!tpu.dma_semaphore, #tpu.memory_space<semaphore_mem>>) {add = true}
      %add3A_1150 = arith.constant 1 : i32
      %add3A_1151 = arith.addi %scan3A_171, %add3A_1150 : i32
      %lt3A_1152 = arith.constant 52 : i32
      %lt3A_1153 = arith.cmpi slt, %add3A_1151, %lt3A_1152 : i32
      %convert_element_type3A_1154 = arith.extui %lt3A_1153 : i1 to i32
      %cond3A_1155 = arith.constant 0 : i32
      %cond3A_1156 = arith.cmpi ne, %convert_element_type3A_1154, %cond3A_1155 : i32
      scf.if %cond3A_1156 {
        %dma_wait3A_1157 = arith.constant 0 : i32
        %dma_wait3A_1158 = arith.constant 0 : i32
        %dma_wait3A_1159 = tpu.memref_slice %arg8[%dma_wait3A_1157, %dma_wait3A_1158] : memref<10000x144xf32, #tpu.memory_space<vmem_shared>> -> memref<10000x144xf32, #tpu.memory_space<vmem_shared>>
        tpu.wait_indirect_dma semaphore(%arg30 : memref<!tpu.dma_semaphore, #tpu.memory_space<semaphore_mem>>) src(%arg10 : memref<96x144xf32, #tpu.memory_space<vmem>>) dst(%dma_wait3A_1159 : memref<10000x144xf32, #tpu.memory_space<vmem_shared>>)
      } else {
      }
    }
    %scan3A_63 = arith.constant 52 : i32
    %dma_wait3A = arith.constant 0 : i32
    %dma_wait3A_64 = arith.constant 0 : i32
    %dma_wait3A_65 = tpu.memref_slice %arg8[%dma_wait3A, %dma_wait3A_64] : memref<10000x144xf32, #tpu.memory_space<vmem_shared>> -> memref<10000x144xf32, #tpu.memory_space<vmem_shared>>
    tpu.wait_indirect_dma semaphore(%arg29 : memref<!tpu.dma_semaphore, #tpu.memory_space<semaphore_mem>>) src(%arg9 : memref<96x144xf32, #tpu.memory_space<vmem>>) dst(%dma_wait3A_65 : memref<10000x144xf32, #tpu.memory_space<vmem_shared>>)
    %dma_wait3A_66 = arith.constant 0 : i32
    %dma_wait3A_67 = arith.constant 0 : i32
    %dma_wait3A_68 = tpu.memref_slice %arg8[%dma_wait3A_66, %dma_wait3A_67] : memref<10000x144xf32, #tpu.memory_space<vmem_shared>> -> memref<10000x144xf32, #tpu.memory_space<vmem_shared>>
    tpu.wait_indirect_dma semaphore(%arg30 : memref<!tpu.dma_semaphore, #tpu.memory_space<semaphore_mem>>) src(%arg10 : memref<96x144xf32, #tpu.memory_space<vmem>>) dst(%dma_wait3A_68 : memref<10000x144xf32, #tpu.memory_space<vmem_shared>>)
    %add3A_69 = arith.constant 9984 : i32
    %add3A_70 = arith.addi %mul3A_46, %add3A_69 : i32
    %multiple_of3A_71 = tpu.assume_multiple %add3A_70, 8 : i32
    "tpu.region"() ({
      %run_scoped3A_171 = tpu.sem_alloc : memref<!tpu.dma_semaphore, #tpu.memory_space<semaphore_mem>>
      %dma_start3A_172 = tpu.memref_slice %arg2[%multiple_of3A_71] : memref<320000xi32, #tpu.memory_space<hbm>> -> memref<16xi32, #tpu.memory_space<hbm>>
      %dma_start3A_173 = tpu.memref_slice %arg2[%multiple_of3A_71] : memref<320000xi32, #tpu.memory_space<hbm>> -> memref<16xi32, #tpu.memory_space<hbm>>
      tpu.enqueue_dma source(%dma_start3A_173 : memref<16xi32, #tpu.memory_space<hbm>>) target(%arg20 : memref<16xi32, #tpu.memory_space<vmem>>) target_semaphore(%run_scoped3A_171 : memref<!tpu.dma_semaphore, #tpu.memory_space<semaphore_mem>>)
      %dma_wait3A_174 = tpu.memref_slice %arg2[%multiple_of3A_71] : memref<320000xi32, #tpu.memory_space<hbm>> -> memref<16xi32, #tpu.memory_space<hbm>>
      %dma_wait3A_175 = tpu.memref_slice %arg2[%multiple_of3A_71] : memref<320000xi32, #tpu.memory_space<hbm>> -> memref<16xi32, #tpu.memory_space<hbm>>
      tpu.wait_dma2 semaphore(%run_scoped3A_171 : memref<!tpu.dma_semaphore, #tpu.memory_space<semaphore_mem>>) src(%dma_wait3A_175 : memref<16xi32, #tpu.memory_space<hbm>>) dst(%arg20 : memref<16xi32, #tpu.memory_space<vmem>>)
      tpu.yield
    }) : () -> ()
    "tpu.region"() ({
      %run_scoped3A_171 = tpu.sem_alloc : memref<!tpu.dma_semaphore, #tpu.memory_space<semaphore_mem>>
      %dma_start3A_172 = tpu.memref_slice %arg3[%multiple_of3A_71] : memref<320000xi32, #tpu.memory_space<hbm>> -> memref<16xi32, #tpu.memory_space<hbm>>
      %dma_start3A_173 = tpu.memref_slice %arg3[%multiple_of3A_71] : memref<320000xi32, #tpu.memory_space<hbm>> -> memref<16xi32, #tpu.memory_space<hbm>>
      tpu.enqueue_dma source(%dma_start3A_173 : memref<16xi32, #tpu.memory_space<hbm>>) target(%arg21 : memref<16xi32, #tpu.memory_space<vmem>>) target_semaphore(%run_scoped3A_171 : memref<!tpu.dma_semaphore, #tpu.memory_space<semaphore_mem>>)
      %dma_wait3A_174 = tpu.memref_slice %arg3[%multiple_of3A_71] : memref<320000xi32, #tpu.memory_space<hbm>> -> memref<16xi32, #tpu.memory_space<hbm>>
      %dma_wait3A_175 = tpu.memref_slice %arg3[%multiple_of3A_71] : memref<320000xi32, #tpu.memory_space<hbm>> -> memref<16xi32, #tpu.memory_space<hbm>>
      tpu.wait_dma2 semaphore(%run_scoped3A_171 : memref<!tpu.dma_semaphore, #tpu.memory_space<semaphore_mem>>) src(%dma_wait3A_175 : memref<16xi32, #tpu.memory_space<hbm>>) dst(%arg21 : memref<16xi32, #tpu.memory_space<vmem>>)
      tpu.yield
    }) : () -> ()
    %dma_start3A_72 = arith.constant 0 : i32
    %dma_start3A_73 = arith.constant 0 : i32
    %dma_start3A_74 = tpu.memref_slice %arg9[%dma_start3A_72, %dma_start3A_73] : memref<96x144xf32, #tpu.memory_space<vmem>> -> memref<16x144xf32, #tpu.memory_space<vmem>>
    %dma_start3A_75 = arith.constant 0 : i32
    %dma_start3A_76 = arith.constant 0 : i32
    %dma_start3A_77 = tpu.memref_slice %arg4[%dma_start3A_75, %dma_start3A_76] : memref<10000x144xf32, #tpu.memory_space<hbm>> -> memref<10000x144xf32, #tpu.memory_space<hbm>>
    tpu.enqueue_indirect_dma source(%dma_start3A_77 : memref<10000x144xf32, #tpu.memory_space<hbm>>) target(%dma_start3A_74 : memref<16x144xf32, #tpu.memory_space<vmem>>) offsets(%arg20 : memref<16xi32, #tpu.memory_space<vmem>>) semaphore(%arg23 : memref<!tpu.dma_semaphore, #tpu.memory_space<semaphore_mem>>)
    "tpu.region"() ({
      %run_scoped3A_171 = tpu.sem_alloc : memref<!tpu.dma_semaphore, #tpu.memory_space<semaphore_mem>>
      %dma_start3A_172 = arith.constant 0 : i32
      %dma_start3A_173 = arith.constant 0 : i32
      %dma_start3A_174 = tpu.memref_slice %arg11[%dma_start3A_172, %dma_start3A_173] : memref<96x16xf32, #tpu.memory_space<vmem>> -> memref<16x16xf32, #tpu.memory_space<vmem>>
      %dma_start3A_175 = arith.constant 0 : i32
      %dma_start3A_176 = arith.constant 0 : i32
      %dma_start3A_177 = tpu.memref_slice %arg5[%dma_start3A_175, %dma_start3A_176] : memref<10000x16xf32, #tpu.memory_space<hbm>> -> memref<10000x16xf32, #tpu.memory_space<hbm>>
      tpu.enqueue_indirect_dma source(%dma_start3A_177 : memref<10000x16xf32, #tpu.memory_space<hbm>>) target(%dma_start3A_174 : memref<16x16xf32, #tpu.memory_space<vmem>>) offsets(%arg20 : memref<16xi32, #tpu.memory_space<vmem>>) semaphore(%run_scoped3A_171 : memref<!tpu.dma_semaphore, #tpu.memory_space<semaphore_mem>>)
      %dma_wait3A_178 = arith.constant 0 : i32
      %dma_wait3A_179 = arith.constant 0 : i32
      %dma_wait3A_180 = tpu.memref_slice %arg11[%dma_wait3A_178, %dma_wait3A_179] : memref<96x16xf32, #tpu.memory_space<vmem>> -> memref<16x16xf32, #tpu.memory_space<vmem>>
      %dma_wait3A_181 = arith.constant 0 : i32
      %dma_wait3A_182 = arith.constant 0 : i32
      %dma_wait3A_183 = tpu.memref_slice %arg5[%dma_wait3A_181, %dma_wait3A_182] : memref<10000x16xf32, #tpu.memory_space<hbm>> -> memref<10000x16xf32, #tpu.memory_space<hbm>>
      tpu.wait_indirect_dma semaphore(%run_scoped3A_171 : memref<!tpu.dma_semaphore, #tpu.memory_space<semaphore_mem>>) src(%dma_wait3A_183 : memref<10000x16xf32, #tpu.memory_space<hbm>>) dst(%dma_wait3A_180 : memref<16x16xf32, #tpu.memory_space<vmem>>)
      tpu.yield
    }) : () -> ()
    "tpu.region"() ({
      %run_scoped3A_171 = tpu.sem_alloc : memref<!tpu.dma_semaphore, #tpu.memory_space<semaphore_mem>>
      %dma_start3A_172 = arith.constant 0 : i32
      %dma_start3A_173 = arith.constant 0 : i32
      %dma_start3A_174 = tpu.memref_slice %arg13[%dma_start3A_172, %dma_start3A_173] : memref<96x16xf32, #tpu.memory_space<vmem>> -> memref<16x16xf32, #tpu.memory_space<vmem>>
      %dma_start3A_175 = arith.constant 0 : i32
      %dma_start3A_176 = arith.constant 0 : i32
      %dma_start3A_177 = tpu.memref_slice %arg5[%dma_start3A_175, %dma_start3A_176] : memref<10000x16xf32, #tpu.memory_space<hbm>> -> memref<10000x16xf32, #tpu.memory_space<hbm>>
      tpu.enqueue_indirect_dma source(%dma_start3A_177 : memref<10000x16xf32, #tpu.memory_space<hbm>>) target(%dma_start3A_174 : memref<16x16xf32, #tpu.memory_space<vmem>>) offsets(%arg21 : memref<16xi32, #tpu.memory_space<vmem>>) semaphore(%run_scoped3A_171 : memref<!tpu.dma_semaphore, #tpu.memory_space<semaphore_mem>>)
      %dma_wait3A_178 = arith.constant 0 : i32
      %dma_wait3A_179 = arith.constant 0 : i32
      %dma_wait3A_180 = tpu.memref_slice %arg13[%dma_wait3A_178, %dma_wait3A_179] : memref<96x16xf32, #tpu.memory_space<vmem>> -> memref<16x16xf32, #tpu.memory_space<vmem>>
      %dma_wait3A_181 = arith.constant 0 : i32
      %dma_wait3A_182 = arith.constant 0 : i32
      %dma_wait3A_183 = tpu.memref_slice %arg5[%dma_wait3A_181, %dma_wait3A_182] : memref<10000x16xf32, #tpu.memory_space<hbm>> -> memref<10000x16xf32, #tpu.memory_space<hbm>>
      tpu.wait_indirect_dma semaphore(%run_scoped3A_171 : memref<!tpu.dma_semaphore, #tpu.memory_space<semaphore_mem>>) src(%dma_wait3A_183 : memref<10000x16xf32, #tpu.memory_space<hbm>>) dst(%dma_wait3A_180 : memref<16x16xf32, #tpu.memory_space<vmem>>)
      tpu.yield
    }) : () -> ()
    %add3A_78 = arith.constant 0 : i32
    %add3A_79 = vector.broadcast %add3A_78 : i32 to vector<16xi32>
    %add3A_80 = arith.addi %iota3A, %add3A_79 : vector<16xi32>
    %mul3A_81 = arith.constant 16 : i32
    %mul3A_82 = vector.broadcast %mul3A_81 : i32 to vector<16xi32>
    %mul3A_83 = arith.muli %iota3A, %mul3A_82 : vector<16xi32>
    %add3A_84 = arith.constant 0 : i32
    %add3A_85 = vector.broadcast %add3A_84 : i32 to vector<16xi32>
    %add3A_86 = arith.addi %mul3A_83, %add3A_85 : vector<16xi32>
    %broadcast_in_dim3A_87 = arith.constant 0 : i32
    %broadcast_in_dim3A_88 = vector.broadcast %broadcast_in_dim3A_87 : i32 to vector<16xi32>
    %broadcast_in_dim3A_89 = arith.constant 4 : i32
    %broadcast_in_dim3A_90 = vector.broadcast %broadcast_in_dim3A_89 : i32 to vector<16xi32>
    %gather3A = tpu.vector_load_idx %arg11[%add3A_80, %broadcast_in_dim3A_88] : memref<96x16xf32, #tpu.memory_space<vmem>>[vector<16xi32>, vector<16xi32>], vector<16xf32>,
    %gather3A_91 = tpu.vector_load_idx %arg13[%add3A_80, %broadcast_in_dim3A_90] : memref<96x16xf32, #tpu.memory_space<vmem>>[vector<16xi32>, vector<16xi32>], vector<16xf32>,
    %add3A_92 = arith.addf %gather3A, %gather3A_91 : vector<16xf32>
    %mul3A_93 = arith.constant 2.000000e-01 : f32
    %mul3A_94 = vector.broadcast %mul3A_93 : f32 to vector<16xf32>
    %mul3A_95 = arith.mulf %mul3A_94, %add3A_92 : vector<16xf32>
    %max3A_96 = arith.maximumf %add3A_92, %mul3A_95 : vector<16xf32>
    %sub3A = vector.broadcast %max3A : f32 to vector<16xf32>
    %sub3A_97 = arith.subf %max3A_96, %sub3A : vector<16xf32>
    %exp3A = math.exp %sub3A_97 : vector<16xf32>
    %add3A_98 = arith.constant 0 : i32
    %add3A_99 = vector.broadcast %add3A_98 : i32 to vector<16xi32>
    %add3A_100 = arith.addi %add3A_86, %add3A_99 : vector<16xi32>
    tpu.vector_store_idx %arg15[%add3A_100], %exp3A : memref<1536xf32, #tpu.memory_space<vmem>>[vector<16xi32>], vector<16xf32>,
    %broadcast_in_dim3A_101 = arith.constant 1 : i32
    %broadcast_in_dim3A_102 = vector.broadcast %broadcast_in_dim3A_101 : i32 to vector<16xi32>
    %broadcast_in_dim3A_103 = arith.constant 5 : i32
    %broadcast_in_dim3A_104 = vector.broadcast %broadcast_in_dim3A_103 : i32 to vector<16xi32>
    %gather3A_105 = tpu.vector_load_idx %arg11[%add3A_80, %broadcast_in_dim3A_102] : memref<96x16xf32, #tpu.memory_space<vmem>>[vector<16xi32>, vector<16xi32>], vector<16xf32>,
    %gather3A_106 = tpu.vector_load_idx %arg13[%add3A_80, %broadcast_in_dim3A_104] : memref<96x16xf32, #tpu.memory_space<vmem>>[vector<16xi32>, vector<16xi32>], vector<16xf32>,
    %add3A_107 = arith.addf %gather3A_105, %gather3A_106 : vector<16xf32>
    %mul3A_108 = arith.constant 2.000000e-01 : f32
    %mul3A_109 = vector.broadcast %mul3A_108 : f32 to vector<16xf32>
    %mul3A_110 = arith.mulf %mul3A_109, %add3A_107 : vector<16xf32>
    %max3A_111 = arith.maximumf %add3A_107, %mul3A_110 : vector<16xf32>
    %sub3A_112 = vector.broadcast %max3A_25 : f32 to vector<16xf32>
    %sub3A_113 = arith.subf %max3A_111, %sub3A_112 : vector<16xf32>
    %exp3A_114 = math.exp %sub3A_113 : vector<16xf32>
    %add3A_115 = arith.constant 1 : i32
    %add3A_116 = vector.broadcast %add3A_115 : i32 to vector<16xi32>
    %add3A_117 = arith.addi %add3A_86, %add3A_116 : vector<16xi32>
    tpu.vector_store_idx %arg15[%add3A_117], %exp3A_114 : memref<1536xf32, #tpu.memory_space<vmem>>[vector<16xi32>], vector<16xf32>,
    %broadcast_in_dim3A_118 = arith.constant 2 : i32
    %broadcast_in_dim3A_119 = vector.broadcast %broadcast_in_dim3A_118 : i32 to vector<16xi32>
    %broadcast_in_dim3A_120 = arith.constant 6 : i32
    %broadcast_in_dim3A_121 = vector.broadcast %broadcast_in_dim3A_120 : i32 to vector<16xi32>
    %gather3A_122 = tpu.vector_load_idx %arg11[%add3A_80, %broadcast_in_dim3A_119] : memref<96x16xf32, #tpu.memory_space<vmem>>[vector<16xi32>, vector<16xi32>], vector<16xf32>,
    %gather3A_123 = tpu.vector_load_idx %arg13[%add3A_80, %broadcast_in_dim3A_121] : memref<96x16xf32, #tpu.memory_space<vmem>>[vector<16xi32>, vector<16xi32>], vector<16xf32>,
    %add3A_124 = arith.addf %gather3A_122, %gather3A_123 : vector<16xf32>
    %mul3A_125 = arith.constant 2.000000e-01 : f32
    %mul3A_126 = vector.broadcast %mul3A_125 : f32 to vector<16xf32>
    %mul3A_127 = arith.mulf %mul3A_126, %add3A_124 : vector<16xf32>
    %max3A_128 = arith.maximumf %add3A_124, %mul3A_127 : vector<16xf32>
    %sub3A_129 = vector.broadcast %max3A_33 : f32 to vector<16xf32>
    %sub3A_130 = arith.subf %max3A_128, %sub3A_129 : vector<16xf32>
    %exp3A_131 = math.exp %sub3A_130 : vector<16xf32>
    %add3A_132 = arith.constant 2 : i32
    %add3A_133 = vector.broadcast %add3A_132 : i32 to vector<16xi32>
    %add3A_134 = arith.addi %add3A_86, %add3A_133 : vector<16xi32>
    tpu.vector_store_idx %arg15[%add3A_134], %exp3A_131 : memref<1536xf32, #tpu.memory_space<vmem>>[vector<16xi32>], vector<16xf32>,
    %broadcast_in_dim3A_135 = arith.constant 3 : i32
    %broadcast_in_dim3A_136 = vector.broadcast %broadcast_in_dim3A_135 : i32 to vector<16xi32>
    %broadcast_in_dim3A_137 = arith.constant 7 : i32
    %broadcast_in_dim3A_138 = vector.broadcast %broadcast_in_dim3A_137 : i32 to vector<16xi32>
    %gather3A_139 = tpu.vector_load_idx %arg11[%add3A_80, %broadcast_in_dim3A_136] : memref<96x16xf32, #tpu.memory_space<vmem>>[vector<16xi32>, vector<16xi32>], vector<16xf32>,
    %gather3A_140 = tpu.vector_load_idx %arg13[%add3A_80, %broadcast_in_dim3A_138] : memref<96x16xf32, #tpu.memory_space<vmem>>[vector<16xi32>, vector<16xi32>], vector<16xf32>,
    %add3A_141 = arith.addf %gather3A_139, %gather3A_140 : vector<16xf32>
    %mul3A_142 = arith.constant 2.000000e-01 : f32
    %mul3A_143 = vector.broadcast %mul3A_142 : f32 to vector<16xf32>
    %mul3A_144 = arith.mulf %mul3A_143, %add3A_141 : vector<16xf32>
    %max3A_145 = arith.maximumf %add3A_141, %mul3A_144 : vector<16xf32>
    %sub3A_146 = vector.broadcast %max3A_41 : f32 to vector<16xf32>
    %sub3A_147 = arith.subf %max3A_145, %sub3A_146 : vector<16xf32>
    %exp3A_148 = math.exp %sub3A_147 : vector<16xf32>
    %add3A_149 = arith.constant 3 : i32
    %add3A_150 = vector.broadcast %add3A_149 : i32 to vector<16xi32>
    %add3A_151 = arith.addi %add3A_86, %add3A_150 : vector<16xi32>
    tpu.vector_store_idx %arg15[%add3A_151], %exp3A_148 : memref<1536xf32, #tpu.memory_space<vmem>>[vector<16xi32>], vector<16xf32>,
    %dma_wait3A_152 = arith.constant 0 : i32
    %dma_wait3A_153 = arith.constant 0 : i32
    %dma_wait3A_154 = tpu.memref_slice %arg9[%dma_wait3A_152, %dma_wait3A_153] : memref<96x144xf32, #tpu.memory_space<vmem>> -> memref<16x144xf32, #tpu.memory_space<vmem>>
    %dma_wait3A_155 = arith.constant 0 : i32
    %dma_wait3A_156 = arith.constant 0 : i32
    %dma_wait3A_157 = tpu.memref_slice %arg4[%dma_wait3A_155, %dma_wait3A_156] : memref<10000x144xf32, #tpu.memory_space<hbm>> -> memref<10000x144xf32, #tpu.memory_space<hbm>>
    tpu.wait_indirect_dma semaphore(%arg23 : memref<!tpu.dma_semaphore, #tpu.memory_space<semaphore_mem>>) src(%dma_wait3A_157 : memref<10000x144xf32, #tpu.memory_space<hbm>>) dst(%dma_wait3A_154 : memref<16x144xf32, #tpu.memory_space<vmem>>)
    %parallel_loop3A = arith.constant 0 : i32
    %parallel_loop3A_158 = arith.constant 16 : i32
    %parallel_loop3A_159 = arith.constant 1 : i32
    scf.for %parallel_loop3A_171 = %parallel_loop3A to %parallel_loop3A_158 step %parallel_loop3A_159  : i32 {
      %parallel_loop3A_172 = arith.constant 16 : i32
      %parallel_loop3A_173 = arith.muli %parallel_loop3A_171, %parallel_loop3A_172 : i32
      %parallel_loop3A_174 = arith.index_cast %parallel_loop3A_173 : i32 to index
      %parallel_loop3A_175 = tpu.vector_load %arg15[%parallel_loop3A_174] {strides = array<i32>} : memref<1536xf32, #tpu.memory_space<vmem>>, vector<16xf32>,
      %parallel_loop3A_176 = vector.extract_strided_slice %parallel_loop3A_175 {offsets = [0], sizes = [1], strides = [1]} : vector<16xf32> to vector<1xf32>
      %parallel_loop3A_177 = vector.extract %parallel_loop3A_176[0] : f32 from vector<1xf32>
      %parallel_loop3A_178 = arith.index_cast %parallel_loop3A_171 : i32 to index
      %parallel_loop3A_179 = arith.constant 0 : index
      %parallel_loop3A_180 = tpu.vector_load %arg9[%parallel_loop3A_178, %parallel_loop3A_179] {strides = array<i32>} : memref<96x144xf32, #tpu.memory_space<vmem>>, vector<16xf32>,
      %parallel_loop3A_181 = vector.broadcast %parallel_loop3A_177 : f32 to vector<16xf32>
      %parallel_loop3A_182 = arith.mulf %parallel_loop3A_180, %parallel_loop3A_181 : vector<16xf32>
      %parallel_loop3A_183 = arith.index_cast %parallel_loop3A_171 : i32 to index
      %parallel_loop3A_184 = arith.constant 0 : index
      %parallel_loop3A_185 = tpu.vector_load %arg9[%parallel_loop3A_183, %parallel_loop3A_184] {strides = array<i32>} : memref<96x144xf32, #tpu.memory_space<vmem>>, vector<16xf32>,
      tpu.vector_store %arg9[%parallel_loop3A_183, %parallel_loop3A_184], %parallel_loop3A_182 {strides = array<i32>} : memref<96x144xf32, #tpu.memory_space<vmem>>, vector<16xf32>,
      %parallel_loop3A_186 = arith.index_cast %parallel_loop3A_171 : i32 to index
      %parallel_loop3A_187 = arith.constant 16 : index
      %parallel_loop3A_188 = tpu.vector_load %arg9[%parallel_loop3A_186, %parallel_loop3A_187] {strides = array<i32>} : memref<96x144xf32, #tpu.memory_space<vmem>>, vector<16xf32>,
      %parallel_loop3A_189 = vector.broadcast %parallel_loop3A_177 : f32 to vector<16xf32>
      %parallel_loop3A_190 = arith.mulf %parallel_loop3A_188, %parallel_loop3A_189 : vector<16xf32>
      %parallel_loop3A_191 = arith.index_cast %parallel_loop3A_171 : i32 to index
      %parallel_loop3A_192 = arith.constant 16 : index
      %parallel_loop3A_193 = tpu.vector_load %arg9[%parallel_loop3A_191, %parallel_loop3A_192] {strides = array<i32>} : memref<96x144xf32, #tpu.memory_space<vmem>>, vector<16xf32>,
      tpu.vector_store %arg9[%parallel_loop3A_191, %parallel_loop3A_192], %parallel_loop3A_190 {strides = array<i32>} : memref<96x144xf32, #tpu.memory_space<vmem>>, vector<16xf32>,
      %parallel_loop3A_194 = vector.extract_strided_slice %parallel_loop3A_175 {offsets = [1], sizes = [1], strides = [1]} : vector<16xf32> to vector<1xf32>
      %parallel_loop3A_195 = vector.extract %parallel_loop3A_194[0] : f32 from vector<1xf32>
      %parallel_loop3A_196 = arith.index_cast %parallel_loop3A_171 : i32 to index
      %parallel_loop3A_197 = arith.constant 32 : index
      %parallel_loop3A_198 = tpu.vector_load %arg9[%parallel_loop3A_196, %parallel_loop3A_197] {strides = array<i32>} : memref<96x144xf32, #tpu.memory_space<vmem>>, vector<16xf32>,
      %parallel_loop3A_199 = vector.broadcast %parallel_loop3A_195 : f32 to vector<16xf32>
      %parallel_loop3A_200 = arith.mulf %parallel_loop3A_198, %parallel_loop3A_199 : vector<16xf32>
      %parallel_loop3A_201 = arith.index_cast %parallel_loop3A_171 : i32 to index
      %parallel_loop3A_202 = arith.constant 32 : index
      %parallel_loop3A_203 = tpu.vector_load %arg9[%parallel_loop3A_201, %parallel_loop3A_202] {strides = array<i32>} : memref<96x144xf32, #tpu.memory_space<vmem>>, vector<16xf32>,
      tpu.vector_store %arg9[%parallel_loop3A_201, %parallel_loop3A_202], %parallel_loop3A_200 {strides = array<i32>} : memref<96x144xf32, #tpu.memory_space<vmem>>, vector<16xf32>,
      %parallel_loop3A_204 = arith.index_cast %parallel_loop3A_171 : i32 to index
      %parallel_loop3A_205 = arith.constant 48 : index
      %parallel_loop3A_206 = tpu.vector_load %arg9[%parallel_loop3A_204, %parallel_loop3A_205] {strides = array<i32>} : memref<96x144xf32, #tpu.memory_space<vmem>>, vector<16xf32>,
      %parallel_loop3A_207 = vector.broadcast %parallel_loop3A_195 : f32 to vector<16xf32>
      %parallel_loop3A_208 = arith.mulf %parallel_loop3A_206, %parallel_loop3A_207 : vector<16xf32>
      %parallel_loop3A_209 = arith.index_cast %parallel_loop3A_171 : i32 to index
      %parallel_loop3A_210 = arith.constant 48 : index
      %parallel_loop3A_211 = tpu.vector_load %arg9[%parallel_loop3A_209, %parallel_loop3A_210] {strides = array<i32>} : memref<96x144xf32, #tpu.memory_space<vmem>>, vector<16xf32>,
      tpu.vector_store %arg9[%parallel_loop3A_209, %parallel_loop3A_210], %parallel_loop3A_208 {strides = array<i32>} : memref<96x144xf32, #tpu.memory_space<vmem>>, vector<16xf32>,
      %parallel_loop3A_212 = vector.extract_strided_slice %parallel_loop3A_175 {offsets = [2], sizes = [1], strides = [1]} : vector<16xf32> to vector<1xf32>
      %parallel_loop3A_213 = vector.extract %parallel_loop3A_212[0] : f32 from vector<1xf32>
      %parallel_loop3A_214 = arith.index_cast %parallel_loop3A_171 : i32 to index
      %parallel_loop3A_215 = arith.constant 64 : index
      %parallel_loop3A_216 = tpu.vector_load %arg9[%parallel_loop3A_214, %parallel_loop3A_215] {strides = array<i32>} : memref<96x144xf32, #tpu.memory_space<vmem>>, vector<16xf32>,
      %parallel_loop3A_217 = vector.broadcast %parallel_loop3A_213 : f32 to vector<16xf32>
      %parallel_loop3A_218 = arith.mulf %parallel_loop3A_216, %parallel_loop3A_217 : vector<16xf32>
      %parallel_loop3A_219 = arith.index_cast %parallel_loop3A_171 : i32 to index
      %parallel_loop3A_220 = arith.constant 64 : index
      %parallel_loop3A_221 = tpu.vector_load %arg9[%parallel_loop3A_219, %parallel_loop3A_220] {strides = array<i32>} : memref<96x144xf32, #tpu.memory_space<vmem>>, vector<16xf32>,
      tpu.vector_store %arg9[%parallel_loop3A_219, %parallel_loop3A_220], %parallel_loop3A_218 {strides = array<i32>} : memref<96x144xf32, #tpu.memory_space<vmem>>, vector<16xf32>,
      %parallel_loop3A_222 = arith.index_cast %parallel_loop3A_171 : i32 to index
      %parallel_loop3A_223 = arith.constant 80 : index
      %parallel_loop3A_224 = tpu.vector_load %arg9[%parallel_loop3A_222, %parallel_loop3A_223] {strides = array<i32>} : memref<96x144xf32, #tpu.memory_space<vmem>>, vector<16xf32>,
      %parallel_loop3A_225 = vector.broadcast %parallel_loop3A_213 : f32 to vector<16xf32>
      %parallel_loop3A_226 = arith.mulf %parallel_loop3A_224, %parallel_loop3A_225 : vector<16xf32>
      %parallel_loop3A_227 = arith.index_cast %parallel_loop3A_171 : i32 to index
      %parallel_loop3A_228 = arith.constant 80 : index
      %parallel_loop3A_229 = tpu.vector_load %arg9[%parallel_loop3A_227, %parallel_loop3A_228] {strides = array<i32>} : memref<96x144xf32, #tpu.memory_space<vmem>>, vector<16xf32>,
      tpu.vector_store %arg9[%parallel_loop3A_227, %parallel_loop3A_228], %parallel_loop3A_226 {strides = array<i32>} : memref<96x144xf32, #tpu.memory_space<vmem>>, vector<16xf32>,
      %parallel_loop3A_230 = vector.extract_strided_slice %parallel_loop3A_175 {offsets = [3], sizes = [1], strides = [1]} : vector<16xf32> to vector<1xf32>
      %parallel_loop3A_231 = vector.extract %parallel_loop3A_230[0] : f32 from vector<1xf32>
      %parallel_loop3A_232 = arith.index_cast %parallel_loop3A_171 : i32 to index
      %parallel_loop3A_233 = arith.constant 96 : index
      %parallel_loop3A_234 = tpu.vector_load %arg9[%parallel_loop3A_232, %parallel_loop3A_233] {strides = array<i32>} : memref<96x144xf32, #tpu.memory_space<vmem>>, vector<16xf32>,
      %parallel_loop3A_235 = vector.broadcast %parallel_loop3A_231 : f32 to vector<16xf32>
      %parallel_loop3A_236 = arith.mulf %parallel_loop3A_234, %parallel_loop3A_235 : vector<16xf32>
      %parallel_loop3A_237 = arith.index_cast %parallel_loop3A_171 : i32 to index
      %parallel_loop3A_238 = arith.constant 96 : index
      %parallel_loop3A_239 = tpu.vector_load %arg9[%parallel_loop3A_237, %parallel_loop3A_238] {strides = array<i32>} : memref<96x144xf32, #tpu.memory_space<vmem>>, vector<16xf32>,
      tpu.vector_store %arg9[%parallel_loop3A_237, %parallel_loop3A_238], %parallel_loop3A_236 {strides = array<i32>} : memref<96x144xf32, #tpu.memory_space<vmem>>, vector<16xf32>,
      %parallel_loop3A_240 = arith.index_cast %parallel_loop3A_171 : i32 to index
      %parallel_loop3A_241 = arith.constant 112 : index
      %parallel_loop3A_242 = tpu.vector_load %arg9[%parallel_loop3A_240, %parallel_loop3A_241] {strides = array<i32>} : memref<96x144xf32, #tpu.memory_space<vmem>>, vector<16xf32>,
      %parallel_loop3A_243 = vector.broadcast %parallel_loop3A_231 : f32 to vector<16xf32>
      %parallel_loop3A_244 = arith.mulf %parallel_loop3A_242, %parallel_loop3A_243 : vector<16xf32>
      %parallel_loop3A_245 = arith.index_cast %parallel_loop3A_171 : i32 to index
      %parallel_loop3A_246 = arith.constant 112 : index
      %parallel_loop3A_247 = tpu.vector_load %arg9[%parallel_loop3A_245, %parallel_loop3A_246] {strides = array<i32>} : memref<96x144xf32, #tpu.memory_space<vmem>>, vector<16xf32>,
      tpu.vector_store %arg9[%parallel_loop3A_245, %parallel_loop3A_246], %parallel_loop3A_244 {strides = array<i32>} : memref<96x144xf32, #tpu.memory_space<vmem>>, vector<16xf32>,
      %parallel_loop3A_248 = arith.index_cast %parallel_loop3A_171 : i32 to index
      %parallel_loop3A_249 = arith.constant 128 : index
      %parallel_loop3A_250 = tpu.vector_load %arg9[%parallel_loop3A_248, %parallel_loop3A_249] {strides = array<i32>} : memref<96x144xf32, #tpu.memory_space<vmem>>, vector<16xf32>,
      tpu.vector_store %arg9[%parallel_loop3A_248, %parallel_loop3A_249], %parallel_loop3A_175 {strides = array<i32>} : memref<96x144xf32, #tpu.memory_space<vmem>>, vector<16xf32>,
    } {sc.loop_unroll_factor = 8 : i64, sc.parallel_access}
    "tpu.region"() ({
      %run_scoped3A_171 = tpu.sem_alloc : memref<!tpu.dma_semaphore, #tpu.memory_space<semaphore_mem>>
      %dma_start3A_172 = arith.constant 0 : i32
      %dma_start3A_173 = arith.constant 0 : i32
      %dma_start3A_174 = tpu.memref_slice %arg9[%dma_start3A_172, %dma_start3A_173] : memref<96x144xf32, #tpu.memory_space<vmem>> -> memref<16x144xf32, #tpu.memory_space<vmem>>
      %dma_start3A_175 = arith.constant 0 : i32
      %dma_start3A_176 = arith.constant 0 : i32
      %dma_start3A_177 = tpu.memref_slice %arg8[%dma_start3A_175, %dma_start3A_176] : memref<10000x144xf32, #tpu.memory_space<vmem_shared>> -> memref<10000x144xf32, #tpu.memory_space<vmem_shared>>
      tpu.enqueue_indirect_dma source(%dma_start3A_174 : memref<16x144xf32, #tpu.memory_space<vmem>>) target(%dma_start3A_177 : memref<10000x144xf32, #tpu.memory_space<vmem_shared>>) offsets(%arg21 : memref<16xi32, #tpu.memory_space<vmem>>) semaphore(%run_scoped3A_171 : memref<!tpu.dma_semaphore, #tpu.memory_space<semaphore_mem>>) {add = true}
      %dma_wait3A_178 = arith.constant 0 : i32
      %dma_wait3A_179 = arith.constant 0 : i32
      %dma_wait3A_180 = tpu.memref_slice %arg9[%dma_wait3A_178, %dma_wait3A_179] : memref<96x144xf32, #tpu.memory_space<vmem>> -> memref<16x144xf32, #tpu.memory_space<vmem>>
      %dma_wait3A_181 = arith.constant 0 : i32
      %dma_wait3A_182 = arith.constant 0 : i32
      %dma_wait3A_183 = tpu.memref_slice %arg8[%dma_wait3A_181, %dma_wait3A_182] : memref<10000x144xf32, #tpu.memory_space<vmem_shared>> -> memref<10000x144xf32, #tpu.memory_space<vmem_shared>>
      tpu.wait_indirect_dma semaphore(%run_scoped3A_171 : memref<!tpu.dma_semaphore, #tpu.memory_space<semaphore_mem>>) src(%dma_wait3A_180 : memref<16x144xf32, #tpu.memory_space<vmem>>) dst(%dma_wait3A_183 : memref<10000x144xf32, #tpu.memory_space<vmem_shared>>)
      tpu.yield
    }) : () -> ()
    %barrier3A_160 = arith.constant 0 : index
    tpu.barrier barrier_id(%barrier3A_160)
    %lt3A_161 = arith.constant 15 : i32
    %lt3A_162 = arith.cmpi slt, %arg1, %lt3A_161 : i32
    %convert_element_type3A_163 = arith.extui %lt3A_162 : i1 to i32
    %cond3A_164 = arith.constant 0 : i32
    %cond3A_165 = arith.cmpi ne, %convert_element_type3A_163, %cond3A_164 : i32
    scf.if %cond3A_165 {
      "tpu.region"() ({
        %run_scoped3A_171 = tpu.sem_alloc : memref<!tpu.dma_semaphore, #tpu.memory_space<semaphore_mem>>
        %dma_start3A_172 = arith.constant 0 : i32
        %dma_start3A_173 = tpu.memref_slice %arg7[%arg0, %multiple_of3A, %dma_start3A_172] : memref<2x10000x144xf32, #tpu.memory_space<hbm>> -> memref<1x624x144xf32, #tpu.memory_space<hbm>>
        %dma_start3A_174 = tpu.memref_squeeze %dma_start3A_173 : memref<1x624x144xf32, #tpu.memory_space<hbm>> -> memref<624x144xf32, #tpu.memory_space<hbm>>
        %dma_start3A_175 = arith.constant 0 : i32
        %dma_start3A_176 = tpu.memref_slice %arg8[%multiple_of3A, %dma_start3A_175] : memref<10000x144xf32, #tpu.memory_space<vmem_shared>> -> memref<624x144xf32, #tpu.memory_space<vmem_shared>>
        tpu.enqueue_dma source(%dma_start3A_176 : memref<624x144xf32, #tpu.memory_space<vmem_shared>>) target(%dma_start3A_174 : memref<624x144xf32, #tpu.memory_space<hbm>>) target_semaphore(%run_scoped3A_171 : memref<!tpu.dma_semaphore, #tpu.memory_space<semaphore_mem>>)
        %dma_wait3A_177 = arith.constant 0 : i32
        %dma_wait3A_178 = tpu.memref_slice %arg7[%arg0, %multiple_of3A, %dma_wait3A_177] : memref<2x10000x144xf32, #tpu.memory_space<hbm>> -> memref<1x624x144xf32, #tpu.memory_space<hbm>>
        %dma_wait3A_179 = tpu.memref_squeeze %dma_wait3A_178 : memref<1x624x144xf32, #tpu.memory_space<hbm>> -> memref<624x144xf32, #tpu.memory_space<hbm>>
        %dma_wait3A_180 = arith.constant 0 : i32
        %dma_wait3A_181 = tpu.memref_slice %arg8[%multiple_of3A, %dma_wait3A_180] : memref<10000x144xf32, #tpu.memory_space<vmem_shared>> -> memref<624x144xf32, #tpu.memory_space<vmem_shared>>
        tpu.wait_dma2 semaphore(%run_scoped3A_171 : memref<!tpu.dma_semaphore, #tpu.memory_space<semaphore_mem>>) src(%dma_wait3A_181 : memref<624x144xf32, #tpu.memory_space<vmem_shared>>) dst(%dma_wait3A_179 : memref<624x144xf32, #tpu.memory_space<hbm>>)
        tpu.yield
      }) : () -> ()
    } else {
    }
    %eq3A_166 = arith.constant 15 : i32
    %eq3A_167 = arith.cmpi eq, %arg1, %eq3A_166 : i32
    %convert_element_type3A_168 = arith.extui %eq3A_167 : i1 to i32
    %cond3A_169 = arith.constant 0 : i32
    %cond3A_170 = arith.cmpi ne, %convert_element_type3A_168, %cond3A_169 : i32
    scf.if %cond3A_170 {
      "tpu.region"() ({
        %run_scoped3A_171 = tpu.sem_alloc : memref<!tpu.dma_semaphore, #tpu.memory_space<semaphore_mem>>
        %dma_start3A_172 = arith.constant 0 : i32
        %dma_start3A_173 = tpu.memref_slice %arg7[%arg0, %multiple_of3A, %dma_start3A_172] : memref<2x10000x144xf32, #tpu.memory_space<hbm>> -> memref<1x640x144xf32, #tpu.memory_space<hbm>>
        %dma_start3A_174 = tpu.memref_squeeze %dma_start3A_173 : memref<1x640x144xf32, #tpu.memory_space<hbm>> -> memref<640x144xf32, #tpu.memory_space<hbm>>
        %dma_start3A_175 = arith.constant 0 : i32
        %dma_start3A_176 = tpu.memref_slice %arg8[%multiple_of3A, %dma_start3A_175] : memref<10000x144xf32, #tpu.memory_space<vmem_shared>> -> memref<640x144xf32, #tpu.memory_space<vmem_shared>>
        tpu.enqueue_dma source(%dma_start3A_176 : memref<640x144xf32, #tpu.memory_space<vmem_shared>>) target(%dma_start3A_174 : memref<640x144xf32, #tpu.memory_space<hbm>>) target_semaphore(%run_scoped3A_171 : memref<!tpu.dma_semaphore, #tpu.memory_space<semaphore_mem>>)
        %dma_wait3A_177 = arith.constant 0 : i32
        %dma_wait3A_178 = tpu.memref_slice %arg7[%arg0, %multiple_of3A, %dma_wait3A_177] : memref<2x10000x144xf32, #tpu.memory_space<hbm>> -> memref<1x640x144xf32, #tpu.memory_space<hbm>>
        %dma_wait3A_179 = tpu.memref_squeeze %dma_wait3A_178 : memref<1x640x144xf32, #tpu.memory_space<hbm>> -> memref<640x144xf32, #tpu.memory_space<hbm>>
        %dma_wait3A_180 = arith.constant 0 : i32
        %dma_wait3A_181 = tpu.memref_slice %arg8[%multiple_of3A, %dma_wait3A_180] : memref<10000x144xf32, #tpu.memory_space<vmem_shared>> -> memref<640x144xf32, #tpu.memory_space<vmem_shared>>
        tpu.wait_dma2 semaphore(%run_scoped3A_171 : memref<!tpu.dma_semaphore, #tpu.memory_space<semaphore_mem>>) src(%dma_wait3A_181 : memref<640x144xf32, #tpu.memory_space<vmem_shared>>) dst(%dma_wait3A_179 : memref<640x144xf32, #tpu.memory_space<hbm>>)
        tpu.yield
      }) : () -> ()
    } else {
    }
    return
  }
}

module attributes {stable_mosaic.version = 14 : i64} {
  func.func @_prep_body(%arg0: i32, %arg1: memref<1000x128xf32, #tpu.memory_space<vmem>>, %arg2: memref<128x128xf32, #tpu.memory_space<vmem>>, %arg3: memref<128x16xf32, #tpu.memory_space<vmem>>, %arg4: memref<1000x144xf32, #tpu.memory_space<vmem>>, %arg5: memref<1000x16xf32, #tpu.memory_space<vmem>>, %arg6: memref<1x16xf32, #tpu.memory_space<vmem>>) attributes {dimension_semantics = [#tpu.dimension_semantics<arbitrary>], iteration_bounds = array<i64: 10>, scalar_prefetch = 0 : i64, scratch_operands = 0 : i64, tpu.core_type = #tpu.core_type<tc>, window_params = [{transform_indices = @transform_0, window_bounds = array<i64: 1000, 128>}, {pipeline_mode = #tpu.pipeline_mode<synchronous>, transform_indices = @transform_1, window_bounds = array<i64: 128, 128>}, {pipeline_mode = #tpu.pipeline_mode<synchronous>, transform_indices = @transform_2, window_bounds = array<i64: 128, 16>}, {transform_indices = @transform_3, window_bounds = array<i64: 1000, 144>}, {transform_indices = @transform_4, window_bounds = array<i64: 1000, 16>}, {pipeline_mode = #tpu.pipeline_mode<synchronous>, transform_indices = @transform_5, window_bounds = array<i64: 1, 16>}]} {
    %get3A = arith.constant 0 : index
    %get3A_0 = arith.constant 0 : index
    %get3A_1 = vector.load %arg1[%get3A, %get3A_0] : memref<1000x128xf32, #tpu.memory_space<vmem>>, vector<1000x128xf32>
    %get3A_2 = arith.constant 0 : index
    %get3A_3 = arith.constant 0 : index
    %get3A_4 = vector.load %arg2[%get3A_2, %get3A_3] : memref<128x128xf32, #tpu.memory_space<vmem>>, vector<128x128xf32>
    %dot_general3A = arith.constant dense<0.000000e+00> : vector<1000x128xf32>
    %dot_general3A_5 = tpu.matmul %get3A_1, %get3A_4, %dot_general3A {dimension_numbers = #tpu.dot_dimension_numbers<[1], [0], [0], [1], [0, 0, 1, 1], [], []>, transpose_lhs_hint = false} : vector<1000x128xf32>, vector<128x128xf32>, vector<1000x128xf32> -> vector<1000x128xf32>
    %swap3A = arith.constant 0 : index
    %swap3A_6 = arith.constant 0 : index
    %swap3A_7 = vector.load %arg4[%swap3A, %swap3A_6] : memref<1000x144xf32, #tpu.memory_space<vmem>>, vector<1000x128xf32>
    tpu.vector_store %arg4[%swap3A, %swap3A_6], %dot_general3A_5 {strides = array<i32>} : memref<1000x144xf32, #tpu.memory_space<vmem>>, vector<1000x128xf32>,
    %broadcast_in_dim3A = arith.constant 0.000000e+00 : f32
    %broadcast_in_dim3A_8 = vector.broadcast %broadcast_in_dim3A : f32 to vector<1000x16xf32>
    %swap3A_9 = arith.constant 0 : index
    %swap3A_10 = arith.constant 128 : index
    %swap3A_11 = vector.load %arg4[%swap3A_9, %swap3A_10] : memref<1000x144xf32, #tpu.memory_space<vmem>>, vector<1000x16xf32>
    tpu.vector_store %arg4[%swap3A_9, %swap3A_10], %broadcast_in_dim3A_8 {strides = array<i32>} : memref<1000x144xf32, #tpu.memory_space<vmem>>, vector<1000x16xf32>,
    %get3A_12 = arith.constant 0 : index
    %get3A_13 = arith.constant 0 : index
    %get3A_14 = vector.load %arg3[%get3A_12, %get3A_13] : memref<128x16xf32, #tpu.memory_space<vmem>>, vector<128x16xf32>
    %dot_general3A_15 = arith.constant dense<0.000000e+00> : vector<1000x16xf32>
    %dot_general3A_16 = tpu.matmul %dot_general3A_5, %get3A_14, %dot_general3A_15 {dimension_numbers = #tpu.dot_dimension_numbers<[1], [0], [0], [1], [0, 0, 1, 1], [], []>, transpose_lhs_hint = false} : vector<1000x128xf32>, vector<128x16xf32>, vector<1000x16xf32> -> vector<1000x16xf32>
    %swap3A_17 = arith.constant 0 : index
    %swap3A_18 = arith.constant 0 : index
    %swap3A_19 = vector.load %arg5[%swap3A_17, %swap3A_18] : memref<1000x16xf32, #tpu.memory_space<vmem>>, vector<1000x16xf32>
    tpu.vector_store %arg5[%swap3A_17, %swap3A_18], %dot_general3A_16 {strides = array<i32>} : memref<1000x16xf32, #tpu.memory_space<vmem>>, vector<1000x16xf32>,
    %reduce_max3A = arith.constant dense<0xFF800000> : vector<16xf32>
    %reduce_max3A_20 = vector.multi_reduction <maximumf>, %dot_general3A_16, %reduce_max3A [0] : vector<1000x16xf32> to vector<16xf32>
    %broadcast_in_dim3A_21 = vector.shape_cast %reduce_max3A_20 : vector<16xf32> to vector<1x16xf32>
    %eq3A = arith.constant 0 : i32
    %eq3A_22 = arith.cmpi eq, %arg0, %eq3A : i32
    %convert_element_type3A = arith.extui %eq3A_22 : i1 to i32
    %cond3A = arith.constant 0 : i32
    %cond3A_23 = arith.cmpi ne, %convert_element_type3A, %cond3A : i32
    scf.if %cond3A_23 {
      %swap3A_28 = arith.constant 0 : index
      %swap3A_29 = arith.constant 0 : index
      %swap3A_30 = vector.load %arg6[%swap3A_28, %swap3A_29] : memref<1x16xf32, #tpu.memory_space<vmem>>, vector<1x16xf32>
      tpu.vector_store %arg6[%swap3A_28, %swap3A_29], %broadcast_in_dim3A_21 {strides = array<i32>} : memref<1x16xf32, #tpu.memory_space<vmem>>, vector<1x16xf32>,
    } else {
    }
    %ne3A = arith.constant 0 : i32
    %ne3A_24 = arith.cmpi ne, %arg0, %ne3A : i32
    %convert_element_type3A_25 = arith.extui %ne3A_24 : i1 to i32
    %cond3A_26 = arith.constant 0 : i32
    %cond3A_27 = arith.cmpi ne, %convert_element_type3A_25, %cond3A_26 : i32
    scf.if %cond3A_27 {
      %get3A_28 = arith.constant 0 : index
      %get3A_29 = arith.constant 0 : index
      %get3A_30 = vector.load %arg6[%get3A_28, %get3A_29] : memref<1x16xf32, #tpu.memory_space<vmem>>, vector<1x16xf32>
      %max3A = arith.maximumf %get3A_30, %broadcast_in_dim3A_21 : vector<1x16xf32>
      %swap3A_31 = arith.constant 0 : index
      %swap3A_32 = arith.constant 0 : index
      %swap3A_33 = vector.load %arg6[%swap3A_31, %swap3A_32] : memref<1x16xf32, #tpu.memory_space<vmem>>, vector<1x16xf32>
      tpu.vector_store %arg6[%swap3A_31, %swap3A_32], %max3A {strides = array<i32>} : memref<1x16xf32, #tpu.memory_space<vmem>>, vector<1x16xf32>,
    } else {
    }
    return
  }
  func.func @transform_0(%arg0: i32) -> (i32, i32) {
    %c0_i32 = arith.constant 0 : i32
    %c0_i32_0 = arith.constant 0 : i32
    return %arg0, %c0_i32 : i32, i32
  }
  func.func @transform_1(%arg0: i32) -> (i32, i32) {
    %c0_i32 = arith.constant 0 : i32
    %c0_i32_0 = arith.constant 0 : i32
    %c0_i32_1 = arith.constant 0 : i32
    return %c0_i32, %c0_i32_0 : i32, i32
  }
  func.func @transform_2(%arg0: i32) -> (i32, i32) {
    %c0_i32 = arith.constant 0 : i32
    %c0_i32_0 = arith.constant 0 : i32
    %c0_i32_1 = arith.constant 0 : i32
    return %c0_i32, %c0_i32_0 : i32, i32
  }
  func.func @transform_3(%arg0: i32) -> (i32, i32) {
    %c0_i32 = arith.constant 0 : i32
    %c0_i32_0 = arith.constant 0 : i32
    return %arg0, %c0_i32 : i32, i32
  }
  func.func @transform_4(%arg0: i32) -> (i32, i32) {
    %c0_i32 = arith.constant 0 : i32
    %c0_i32_0 = arith.constant 0 : i32
    return %arg0, %c0_i32 : i32, i32
  }
  func.func @transform_5(%arg0: i32) -> (i32, i32) {
    %c0_i32 = arith.constant 0 : i32
    %c0_i32_0 = arith.constant 0 : i32
    %c0_i32_1 = arith.constant 0 : i32
    return %c0_i32, %c0_i32_0 : i32, i32
  }
}

module attributes {stable_mosaic.version = 14 : i64} {
  func.func @_fin_body(%arg0: i32, %arg1: memref<2x1000x144xf32, #tpu.memory_space<vmem>>, %arg2: memref<1000x16xf32, #tpu.memory_space<vmem>>, %arg3: memref<1x16xf32, #tpu.memory_space<vmem>>, %arg4: memref<1000x144xf32, #tpu.memory_space<vmem>>, %arg5: memref<1x128xf32, #tpu.memory_space<vmem>>, %arg6: memref<4x128xf32, #tpu.memory_space<vmem>>, %arg7: memref<1000x128xf32, #tpu.memory_space<vmem>>) attributes {dimension_semantics = [#tpu.dimension_semantics<arbitrary>], iteration_bounds = array<i64: 10>, scalar_prefetch = 0 : i64, scratch_operands = 0 : i64, tpu.core_type = #tpu.core_type<tc>, window_params = [{transform_indices = @transform_0, window_bounds = array<i64: 2, 1000, 144>}, {transform_indices = @transform_1, window_bounds = array<i64: 1000, 16>}, {pipeline_mode = #tpu.pipeline_mode<synchronous>, transform_indices = @transform_2, window_bounds = array<i64: 1, 16>}, {transform_indices = @transform_3, window_bounds = array<i64: 1000, 144>}, {pipeline_mode = #tpu.pipeline_mode<synchronous>, transform_indices = @transform_4, window_bounds = array<i64: 1, 128>}, {pipeline_mode = #tpu.pipeline_mode<synchronous>, transform_indices = @transform_5, window_bounds = array<i64: 4, 128>}, {transform_indices = @transform_6, window_bounds = array<i64: 1000, 128>}]} {
    %get3A = arith.constant 0 : index
    %get3A_0 = arith.constant 0 : index
    %get3A_1 = arith.constant 0 : index
    %get3A_2 = vector.load %arg1[%get3A, %get3A_0, %get3A_1] : memref<2x1000x144xf32, #tpu.memory_space<vmem>>, vector<1x1000x144xf32>
    %get3A_3 = vector.shape_cast %get3A_2 : vector<1x1000x144xf32> to vector<1000x144xf32>
    %get3A_4 = arith.constant 1 : index
    %get3A_5 = arith.constant 0 : index
    %get3A_6 = arith.constant 0 : index
    %get3A_7 = vector.load %arg1[%get3A_4, %get3A_5, %get3A_6] : memref<2x1000x144xf32, #tpu.memory_space<vmem>>, vector<1x1000x144xf32>
    %get3A_8 = vector.shape_cast %get3A_7 : vector<1x1000x144xf32> to vector<1000x144xf32>
    %add3A = arith.addf %get3A_3, %get3A_8 : vector<1000x144xf32>
    %get3A_9 = arith.constant 0 : index
    %get3A_10 = arith.constant 0 : index
    %get3A_11 = vector.load %arg2[%get3A_9, %get3A_10] : memref<1000x16xf32, #tpu.memory_space<vmem>>, vector<1000x16xf32>
    %get3A_12 = arith.constant 0 : index
    %get3A_13 = arith.constant 0 : index
    %get3A_14 = vector.load %arg3[%get3A_12, %get3A_13] : memref<1x16xf32, #tpu.memory_space<vmem>>, vector<1x16xf32>
    %slice3A = vector.extract_strided_slice %get3A_11 {offsets = [0, 0], sizes = [1000, 4], strides = [1, 1]} : vector<1000x16xf32> to vector<1000x4xf32>
    %slice3A_15 = vector.extract_strided_slice %get3A_11 {offsets = [0, 4], sizes = [1000, 4], strides = [1, 1]} : vector<1000x16xf32> to vector<1000x4xf32>
    %add3A_16 = arith.addf %slice3A, %slice3A_15 : vector<1000x4xf32>
    %slice3A_17 = vector.extract_strided_slice %get3A_14 {offsets = [0, 0], sizes = [1, 4], strides = [1, 1]} : vector<1x16xf32> to vector<1x4xf32>
    %slice3A_18 = vector.extract_strided_slice %get3A_14 {offsets = [0, 4], sizes = [1, 4], strides = [1, 1]} : vector<1x16xf32> to vector<1x4xf32>
    %add3A_19 = arith.addf %slice3A_17, %slice3A_18 : vector<1x4xf32>
    %mul3A = arith.constant 2.000000e-01 : f32
    %mul3A_20 = vector.broadcast %mul3A : f32 to vector<1x4xf32>
    %mul3A_21 = arith.mulf %mul3A_20, %add3A_19 : vector<1x4xf32>
    %max3A = arith.maximumf %add3A_19, %mul3A_21 : vector<1x4xf32>
    %mul3A_22 = arith.constant 2.000000e-01 : f32
    %mul3A_23 = vector.broadcast %mul3A_22 : f32 to vector<1000x4xf32>
    %mul3A_24 = arith.mulf %mul3A_23, %add3A_16 : vector<1000x4xf32>
    %max3A_25 = arith.maximumf %add3A_16, %mul3A_24 : vector<1000x4xf32>
    %sub3A = vector.broadcast %max3A : vector<1x4xf32> to vector<1000x4xf32>
    %sub3A_26 = arith.subf %max3A_25, %sub3A : vector<1000x4xf32>
    %exp3A = math.exp %sub3A_26 : vector<1000x4xf32>
    %slice3A_27 = vector.extract_strided_slice %add3A {offsets = [0, 128], sizes = [1000, 4], strides = [1, 1]} : vector<1000x144xf32> to vector<1000x4xf32>
    %add3A_28 = arith.addf %slice3A_27, %exp3A : vector<1000x4xf32>
    %get3A_29 = arith.constant 0 : index
    %get3A_30 = arith.constant 0 : index
    %get3A_31 = vector.load %arg6[%get3A_29, %get3A_30] : memref<4x128xf32, #tpu.memory_space<vmem>>, vector<4x128xf32>
    %dot_general3A = arith.constant dense<0.000000e+00> : vector<1000x128xf32>
    %dot_general3A_32 = tpu.matmul %exp3A, %get3A_31, %dot_general3A {dimension_numbers = #tpu.dot_dimension_numbers<[1], [0], [0], [1], [0, 0, 1, 1], [], []>, transpose_lhs_hint = false} : vector<1000x4xf32>, vector<4x128xf32>, vector<1000x128xf32> -> vector<1000x128xf32>
    %dot_general3A_33 = arith.constant dense<0.000000e+00> : vector<1000x128xf32>
    %dot_general3A_34 = tpu.matmul %add3A_28, %get3A_31, %dot_general3A_33 {dimension_numbers = #tpu.dot_dimension_numbers<[1], [0], [0], [1], [0, 0, 1, 1], [], []>, transpose_lhs_hint = false} : vector<1000x4xf32>, vector<4x128xf32>, vector<1000x128xf32> -> vector<1000x128xf32>
    %slice3A_35 = vector.extract_strided_slice %add3A {offsets = [0, 0], sizes = [1000, 128], strides = [1, 1]} : vector<1000x144xf32> to vector<1000x128xf32>
    %get3A_36 = arith.constant 0 : index
    %get3A_37 = arith.constant 0 : index
    %get3A_38 = vector.load %arg4[%get3A_36, %get3A_37] : memref<1000x144xf32, #tpu.memory_space<vmem>>, vector<1000x128xf32>
    %mul3A_39 = arith.mulf %dot_general3A_32, %get3A_38 : vector<1000x128xf32>
    %add3A_40 = arith.addf %slice3A_35, %mul3A_39 : vector<1000x128xf32>
    %div3A = arith.divf %add3A_40, %dot_general3A_34 : vector<1000x128xf32>
    %get3A_41 = arith.constant 0 : index
    %get3A_42 = arith.constant 0 : index
    %get3A_43 = vector.load %arg5[%get3A_41, %get3A_42] : memref<1x128xf32, #tpu.memory_space<vmem>>, vector<1x128xf32>
    %add3A_44 = vector.broadcast %get3A_43 : vector<1x128xf32> to vector<1000x128xf32>
    %add3A_45 = arith.addf %div3A, %add3A_44 : vector<1000x128xf32>
    %swap3A = arith.constant 0 : index
    %swap3A_46 = arith.constant 0 : index
    %swap3A_47 = vector.load %arg7[%swap3A, %swap3A_46] : memref<1000x128xf32, #tpu.memory_space<vmem>>, vector<1000x128xf32>
    tpu.vector_store %arg7[%swap3A, %swap3A_46], %add3A_45 {strides = array<i32>} : memref<1000x128xf32, #tpu.memory_space<vmem>>, vector<1000x128xf32>,
    return
  }
  func.func @transform_0(%arg0: i32) -> (i32, i32, i32) {
    %c0_i32 = arith.constant 0 : i32
    %c0_i32_0 = arith.constant 0 : i32
    %c0_i32_1 = arith.constant 0 : i32
    return %c0_i32, %arg0, %c0_i32_0 : i32, i32, i32
  }
  func.func @transform_1(%arg0: i32) -> (i32, i32) {
    %c0_i32 = arith.constant 0 : i32
    %c0_i32_0 = arith.constant 0 : i32
    return %arg0, %c0_i32 : i32, i32
  }
  func.func @transform_2(%arg0: i32) -> (i32, i32) {
    %c0_i32 = arith.constant 0 : i32
    %c0_i32_0 = arith.constant 0 : i32
    %c0_i32_1 = arith.constant 0 : i32
    return %c0_i32, %c0_i32_0 : i32, i32
  }
  func.func @transform_3(%arg0: i32) -> (i32, i32) {
    %c0_i32 = arith.constant 0 : i32
    %c0_i32_0 = arith.constant 0 : i32
    return %arg0, %c0_i32 : i32, i32
  }
  func.func @transform_4(%arg0: i32) -> (i32, i32) {
    %c0_i32 = arith.constant 0 : i32
    %c0_i32_0 = arith.constant 0 : i32
    %c0_i32_1 = arith.constant 0 : i32
    return %c0_i32, %c0_i32_0 : i32, i32
  }
  func.func @transform_5(%arg0: i32) -> (i32, i32) {
    %c0_i32 = arith.constant 0 : i32
    %c0_i32_0 = arith.constant 0 : i32
    %c0_i32_1 = arith.constant 0 : i32
    return %c0_i32, %c0_i32_0 : i32, i32
  }
  func.func @transform_6(%arg0: i32) -> (i32, i32) {
    %c0_i32 = arith.constant 0 : i32
    %c0_i32_0 = arith.constant 0 : i32
    return %arg0, %c0_i32 : i32, i32
  }
}

</mosaic_0001>

<sc_bundles>
// kernel: kernel.5.cloned.1.call-start
scs
__scs_entry_jumppad:
0x0: {  	(pc) =	sbr.rel $0x88, $3  }
0x1: {  	(tag) =	ssettag $0x0;
	lr =	simm.s32 $0x1  }
0x2: {  	[smem:$0x3F9B] =	sst lr;
	_ =	strace $0xD0000000  }
0x3: {  	_ = 	snop  }
0x4: {  	_ = 	snop  }
0x5: {  	_ = 	snop  }
0x6: {  	_ = 	snop  }
0x7: {  	_ = 	snop  }
__scs_overlays_trampoline_lowered:
0x8: {  	[smem:$0x3FAA] =	sst s0  }
0x9: {  	[smem:$0x3FAB] =	sst s1  }
0xa: {  	[smem:$0x3FAC] =	sst s2  }
0xb: {  	[smem:$0x3FAD] =	sst s3  }
0xc: {  	[smem:$0x3FAE] =	sst s4  }
0xd: {  	[smem:$0x3FAF] =	sst s5  }
0xe: {  	[smem:$0x3FB0] =	sst s6  }
0xf: {  	[smem:$0x3FB1] =	sst s7  }
0x10: {  	[smem:$0x3FB2] =	sst s8  }
0x11: {  	[smem:$0x3FB3] =	sst s9;
	s0 =	simm.s32 @!p0 $0x0  }
0x12: {  	s1 =	sld [smem:$0x3F99];
	s0 =	simm.s32 @p0 $0x1  }
0x13: {  	[smem:$0x3FB4] =	sst s0;
	s0 =	simm.s32 @!p1 $0x0  }
0x14: {  	s2 =	sld [smem:$0x3F98];
	s0 =	simm.s32 @p1 $0x1  }
0x15: {  	[smem:$0x3FB5] =	sst s0;
	s0 =	simm.s32 @!p2 $0x0  }
0x16: {  	s3 =	sld [smem:$0x3FDB];
	s0 =	simm.s32 @p2 $0x1  }
0x17: {  	s4 =	simm.s32 $0x1BF5;
	[smem:$0x3FB7] =	sst s0  }
0x18: {  	s0 =	sld [smem:$0x3F9A];
	_ =	swait.ge [sflag:s4], $0x0  }
0x19: {  	s7 =	sld [smem:$0x3F9B]  }
0x1a: {  	s8 =	sadd.s32 $0xFFFFE003, lr  }
0x1b: {  	s9 =	sadd.s32 $0xFFFFFEF7, lr;
	s5 =	simm.s32 $0xFFFFFFFF;
	p2 =	slt.u32 s8, $0xFFFFF086  }
0x1c: {  	p1 =	slt.u32 s9, $0xF7A;
	s5 =	simm.s32 @!p2 $0x0  }
0x1d: {  	s5 =	simm.s32 @p1 $0x1;
	p0 =	seq.s32 s7, s2  }
0x1e: {  	s7 =	smul.u32 @!p0 $0xF7A, s2;
	p2 =	seq.s32 @!p0 s5, $0x0  }
0x1f: {  	s9 =	smul.u32 $0xF7A, s1;
	s8 =	simm.s32 @!p0 $0x1BF5;
	p2 =	por !p2, p0  }
0x20: {  	[sflag:s8] =	ssyncset.s32 @!p0 $0xFFFFF086;
	s6 =	sadd.s32 @!p0 s3, s7;
	s7 =	simm.s32 @!p0 $0x108  }
0x21: {  	s3 =	sadd.s32 s3, s9;
	s6 =	sadd.s32 @!p0 $0x88, s6;
	s7 =	simm.s32 @p2 $0x1082  }
0x22: {  	[simem:s7], [sflag:s8] =	dma.local @!p0 [hbm:s6], $0xF7A  }
0x23: {  	s9 =	sor.u32 $0xD0000000, s2;
	s6 =	simm.s32 $0x108;
	_ =	swait.ge @!p0 [sflag:s8], $0x0  }
0x24: {  	s3 =	sadd.s32 $0x88, s3;
	s6 =	simm.s32 @!p1 $0x1082;
	[sflag:s4] =	ssyncset.s32 $0xFFFFF086  }
0x25: {  	[simem:s6], [sflag:s4] =	dma.local [hbm:s3], $0xF7A  }
0x26: {  	[smem:$0x3F9B] =	sst s1;
	(tag) =	ssettag s2;
	_ =	strace s9  }
0x27: {  	s1 =	sld [smem:$0x3FAB]  }
0x28: {  	s2 =	sld [smem:$0x3FAC]  }
0x29: {  	s4 =	sld [smem:$0x3FAE]  }
0x2a: {  	p0 =	seq.s32 s5, $0x0;
	s5 =	sld [smem:$0x3FAF]  }
0x2b: {  	s6 =	sld [smem:$0x3FB0]  }
0x2c: {  	s7 =	sld [smem:$0x3FB1]  }
0x2d: {  	s3 =	simm.s32 $0x108;
	s8 =	sld [smem:$0x3FB2]  }
0x2e: {  	s3 =	simm.s32 @!p0 $0x1082;
	s9 =	sld [smem:$0x3FB3]  }
0x2f: {  	lr =	sadd.s32 s0, s3;
	s0 =	sld [smem:$0x3FAA]  }
0x30: {  	s3 =	sld [smem:$0x3FAD]  }
0x31: {  	[smem:$0x3FB6] =	sst s10  }
0x32: {  	s10 =	sld [smem:$0x3FB4];
	_ =	sdelay $0x3  }
0x33: {  	p0 =	seq.s32 s10, $0x1;
	s10 =	sld [smem:$0x3FB6];
	_ =	sdelay $0x3  }
0x34: {  	[smem:$0x3FB6] =	sst s10  }
0x35: {  	s10 =	sld [smem:$0x3FB5];
	_ =	sdelay $0x3  }
0x36: {  	p1 =	seq.s32 s10, $0x1;
	s10 =	sld [smem:$0x3FB6];
	_ =	sdelay $0x3  }
0x37: {  	[smem:$0x3FB6] =	sst s10  }
0x38: {  	s10 =	sld [smem:$0x3FB7]  }
0x39: {  	_ = 	snop;
	(pc) =	sbr.ind lr, $3  }
0x3a: {  	_ = 	snop  }
0x3b: {  	_ = 	snop  }
0x3c: {  	p2 =	seq.s32 s10, $0x1;
	s10 =	sld [smem:$0x3FB6]  }
0x3d: {  	_ =	shalt  }
0x3e: {  	_ =	shalt  }
0x3f: {  	_ =	shalt  }
0x40: {  	_ =	shalt  }
0x41: {  	_ =	shalt  }
0x42: {  	_ =	shalt  }
0x43: {  	_ =	shalt  }
0x44: {  	_ =	shalt  }
0x45: {  	_ =	shalt  }
0x46: {  	_ =	shalt  }
0x47: {  	_ =	shalt  }
0x48: {  	_ =	shalt  }
0x49: {  	_ =	shalt  }
0x4a: {  	_ =	shalt  }
0x4b: {  	_ =	shalt  }
0x4c: {  	_ =	shalt  }
0x4d: {  	_ =	shalt  }
0x4e: {  	_ =	shalt  }
0x4f: {  	_ =	shalt  }
0x50: {  	_ =	shalt  }
0x51: {  	_ =	shalt  }
0x52: {  	_ =	shalt  }
0x53: {  	_ =	shalt  }
0x54: {  	_ =	shalt  }
0x55: {  	_ =	shalt  }
0x56: {  	_ =	shalt  }
0x57: {  	_ =	shalt  }
0x58: {  	_ =	shalt  }
0x59: {  	_ =	shalt  }
0x5a: {  	_ =	shalt  }
0x5b: {  	_ =	shalt  }
0x5c: {  	_ =	shalt  }
0x5d: {  	_ =	shalt  }
0x5e: {  	_ =	shalt  }
0x5f: {  	_ =	shalt  }
0x60: {  	_ =	shalt  }
0x61: {  	_ =	shalt  }
0x62: {  	_ =	shalt  }
0x63: {  	_ =	shalt  }
0x64: {  	_ =	shalt  }
0x65: {  	_ =	shalt  }
0x66: {  	_ =	shalt  }
0x67: {  	_ =	shalt  }
0x68: {  	_ =	shalt  }
0x69: {  	_ =	shalt  }
0x6a: {  	_ =	shalt  }
0x6b: {  	_ =	shalt  }
0x6c: {  	_ =	shalt  }
0x6d: {  	_ =	shalt  }
0x6e: {  	_ =	shalt  }
0x6f: {  	_ =	shalt  }
0x70: {  	_ =	shalt  }
0x71: {  	_ =	shalt  }
0x72: {  	_ =	shalt  }
0x73: {  	_ =	shalt  }
0x74: {  	_ =	shalt  }
0x75: {  	_ =	shalt  }
0x76: {  	_ =	shalt  }
0x77: {  	_ =	shalt  }
0x78: {  	_ =	shalt  }
0x79: {  	_ =	shalt  }
0x7a: {  	_ =	shalt  }
0x7b: {  	_ =	shalt  }
0x7c: {  	_ =	shalt  }
0x7d: {  	_ =	shalt  }
0x7e: {  	_ =	shalt  }
0x7f: {  	_ =	shalt  }
0x80: {  	_ =	shalt  }
0x81: {  	_ =	shalt  }
0x82: {  	_ =	shalt  }
0x83: {  	_ =	shalt  }
0x84: {  	_ =	shalt  }
0x85: {  	_ =	shalt  }
0x86: {  	_ =	shalt  }
0x87: {  	_ =	shalt  }
.Lfunc_end0:
.L_simem_size_0:
called_computation_lowered:
.L_overlay_start_0:
0x88: {  	s2 =	sld [smem:$0x3FD9]  }
0x89: {  	s3 =	sld [smem:$0x3FFE];
	_ =	sdelay $0x1  }
0x8a: {  	s1 =	srdreg.scid  }
0x8b: {  	s0 =	sand.u32 $0x1, s1  }
0x8c: {  	s17 =	sshll.u32 s0, $0xA;
	s2 =	sadd.s32 s3, s2  }
0x8d: {  	s2 =	sadd.s32 s2, s17  }
0x8e: {  	[smem:$0x3FC2] =	sst s2  }
0x8f: {  	_ = 	snop  }
0x90: {  	s2 =	sld [smem:$0x3FD0];
	(tm) =	ssettm $0x1  }
0x91: {  	s18 =	sld [smem:$0x3FFB];
	_ =	sdelay $0x3  }
0x92: {  	_ =	strace s18  }
0x93: {  	s3 =	sld [smem:$0x3FFC];
	_ =	sdelay $0x3  }
0x94: {  	_ =	strace s3  }
0x95: {  	s3 =	sld [smem:$0x3FFD];
	_ =	sdelay $0x3  }
0x96: {  	_ =	strace s3  }
0x97: {  	_ =	strace $0x8FFFFFFF  }
0x98: {  	s19 =	sld [smem:$0x3FDB];
	_ =	sdelay $0x1  }
0x99: {  	s4 =	simm.s32 $_scs_section_size  }
0x9a: {  	s5 =	simm.s32 $_size__tile_overlayer_lowered;
	s6 =	simm.s32 $_tile_overlayer_lowered  }
0x9b: {  	s22 =	simm.s32 $0x1BFF;
	s21 =	sshll.u32 s6, $0x1;
	s3 =	sadd.s32 s4, s19  }
0x9c: {  	s7 =	simm.s32 $0x0;
	s20 =	sshll.u32 s5, $0x1;
	s5 =	sadd.s32 s21, s3  }
0x9d: {  	[timem:s7], [sflag:s22] =	dma.local [hbm:s5], s20  }
0x9e: {  	_ =	swait.ge [sflag:s22], s20  }
0x9f: {  	s4 =	ssub.s32 $0x0, s20;
	[sflag:s22] =	ssyncset.done $0x0  }
0xa0: {  	[sflag:s22] =	ssyncadd.s32 s4;
	_ =	sdelay $0x1  }
0xa1: {  	s23 =	simm.s32 $0x1B8B  }
0xa2: {  	_ =	swait.ge [sflag:s23], $0x1  }
0xa3: {  	[sflag:s23] =	ssyncset.done $0x0  }
0xa4: {  	s25 =	simm.s32 $0x1B8E;
	s24 =	sld [smem:$0x3FFE];
	[sflag:s23] =	ssyncadd.s32 $0xFFFFFFFF  }
0xa5: {  	s26 =	simm.s32 $execute0_lowered;
	[smem:$0x3FD2] =	sst s25  }
0xa6: {  	s5 =	sshll.u32 s26, $0x1;
	_ =	strace $0x80000046;
	[dreg:$0x1] =	wrdreg $0xFFFFFFFF  }
0xa7: {  	s28 =	simm.s32 $_size_execute0_lowered;
	s3 =	sadd.s32 s3, s5;
	[dreg:$0x0] =	wrdreg $0x0  }
0xa8: {  	s5 =	sshll.u32 s28, $0x1;
	[dreg:$0x2] =	wrdreg s3  }
0xa9: {  	[dreg:$0x3] =	wrdreg s5  }
0xaa: {  	[dreg:$0x4] =	wrdreg $0xC0  }
0xab: {  	_ =	task [dreg:s7], $0x5FFFF  }
0xac: {  	[dreg:$0x1] =	wrdreg $0xFFFFFFFF  }
0xad: {  	[dreg:$0x0] =	wrdreg $0x60  }
0xae: {  	[dreg:$0x2] =	wrdreg s24  }
0xaf: {  	[dreg:$0x3] =	wrdreg s2  }
0xb0: {  	[dreg:$0x4] =	wrdreg $0x0  }
0xb1: {  	[dreg:$0x5] =	wrdreg $0x9  }
0xb2: {  	_ =	task.clear_ibuf [dreg:s7], $0x6FFFF;
	_ =	strace $0x90000046  }
0xb3: {  	s29 =	simm.s32 $0x9;
	_ =	strace $0x80000048  }
0xb4: {  	_ =	swait.ge [sflag:s29], $0x1  }
0xb5: {  	[sflag:s29] =	ssyncadd.s32 $0xFFFFFFFF  }
0xb6: {  	_ =	strace $0x90000048  }
0xb7: {  	_ =	sfence  }
0xb8: {  	s30 =	sld [smem:$0x0];
	_ =	sdelay $0x2  }
0xb9: {  	s31 =	sshll.u32 s1, $0xD;
	s1 =	sshrl.u32 s1, $0x2  }
0xba: {  	s3 =	sand.u32 $0x4000, s31;
	s1 =	sadd.s32 s1, s30  }
0xbb: {  	s0 =	sor.u32 s3, s0;
	s1 =	sshll.u32 s1, $0x11  }
0xbc: {  	s0 =	sor.u32 s1, s0  }
0xbd: {  	s0 =	sadd.s32 $0x8F2B, s0  }
0xbe: {  	[sflag:s0] =	ssyncadd.remote.s32 $0x1  }
0xbf: {  	_ =	sfence.sel $0xFFFF  }
0xc0: {  	[dreg:$0x0] =	wrdreg $0xFFFFFFFF;
	(pc) =	sbr.abs _section_cstart, $3  }
0xc1: {  	[dreg:$0x1] =	wrdreg $0xFFFFFFFF  }
0xc2: {  	_ =	task.clear_ibuf [dreg:s7], $0x2FFFF;
	_ =	strace $0x9FFFFFFF  }
0xc3: {  	(tm) =	ssettm $0x7FFFFFFF  }
tec
execute0_lowered:
.L_overlay_start_1:
0x0: {  	(tag) =	ssettag $0x1  }
0x1: {  	v0 =	vlaneseq.u32  }
0x2: {  	s0 =	rddreg [dreg:$0x0];
	v0 =	vmul.u32 $0x10, v0  }
0x3: {  	s1 =	rddreg [dreg:$0x1];
	s3 =	simm.s32 $0x0  }
0x4: {  	[smem:$0x7FF] =	sst s3;
	v2 =	vor.u32 $0x4, v0  }
0x5: {  	s2 =	rddreg [dreg:$0x2];
	_ =	strace $0x80000047;
	[tilespmem:$0x1FDC0] =	vst v2;
	v2 =	vor.u32 $0x1, v0  }
0x6: {  	[tilespmem:$0x1FDD0] =	vst v2;
	v2 =	vor.u32 $0x5, v0  }
0x7: {  	[tilespmem:$0x1FDE0] =	vst v2;
	v2 =	vor.u32 $0x100, v0  }
0x8: {  	[tilespmem:$0x1FDF0] =	vst v2;
	v2 =	vor.u32 $0x104, v0  }
0x9: {  	[tilespmem:$0x1FE00] =	vst v2;
	v2 =	vor.u32 $0x101, v0  }
0xa: {  	s4 =	srdreg.scid;
	s28 =	simm.s32 $0x1;
	[tilespmem:$0x1FE10] =	vst v2;
	v2 =	vor.u32 $0x105, v0  }
0xb: {  	s29 =	simm.s32 $0x4;
	s30 =	simm.s32 $0x6;
	s31 =	simm.s32 $0x2;
	[tilespmem:$0x1FE20] =	vst v2;
	v2 =	vor.u32 $0x102, v0  }
0xc: {  	s5 =	sadd.s32 $0x31A00, s0;
	s6 =	sadd.s32 $0xA00, s0;
	s3 =	stileid.u32;
	[tilespmem:$0x1FE30] =	vst v2;
	v2 =	vor.u32 $0x106, v0  }
0xd: {  	s7 =	sadd.s32 $0x2CA00, s0;
	s4 =	sand.u32 $0x1, s4;
	s9 =	sadd.s32 $0x800, s0;
	[tilespmem:$0x1FE40] =	vst v2;
	v2 =	vor.u32 $0x103, v0  }
0xe: {  	s0 =	sadd.s32 $0x3B800, s0;
	s8 =	smul.u32 $0x57C00, s3;
	s20 =	ssub.s32 $0x2, s4;
	[tilespmem:$0x1FE50] =	vst v2;
	v2 =	vor.u32 $0x107, v0  }
0xf: {  	[dreg:$0x4] =	wrdreg s9;
	s11 =	sshll.u32 s4, $0x4;
	s10 =	sshrl.u32 s20, $0x1;
	[tilespmem:$0x1FE60] =	vst v2;
	v2 =	vor.u32 $0x200, v0  }
0x10: {  	s8 =	sshrl.u32 s8, $0x2;
	s9 =	ssub.s32 s20, s10;
	s20 =	sadd.s32 $0x14C700, s2;
	[tilespmem:$0x1FE70] =	vst v2;
	v2 =	vor.u32 $0x204, v0  }
0x11: {  	s21 =	sor.u32 s3, s11;
	s12 =	sadd.s32 s8, s2;
	[dreg:$0x14] =	wrdreg s20;
	[tilespmem:$0x1FE80] =	vst v2;
	v2 =	vor.u32 $0x6, v0  }
0x12: {  	s8 =	smul.u32 $0x2710, s21;
	s21 =	smax.u32 s9, $0x1;
	[dreg:$0x5] =	wrdreg s12;
	[tilespmem:$0x1FE90] =	vst v2;
	v2 =	vor.u32 $0x201, v0  }
0x13: {  	s4 =	smul.u32 $0x15F900, s4;
	s22 =	sadd.s32 $0x3600, s12;
	[dreg:$0x15] =	wrdreg s21;
	[tilespmem:$0x1FEA0] =	vst v2;
	v2 =	vor.u32 $0x205, v0  }
0x14: {  	s13 =	smul.u32 $0x15F00, s3;
	s23 =	sadd.s32 $0x6C00, s12;
	[dreg:$0x6] =	wrdreg s22;
	[tilespmem:$0x1FEB0] =	vst v2;
	v2 =	vor.u32 $0x202, v0  }
0x15: {  	p0 =	seq.s32 s3, $0xF;
	s24 =	sadd.s32 $0xA200, s12;
	[dreg:$0x7] =	wrdreg s23;
	[tilespmem:$0x1FEC0] =	vst v2;
	v2 =	vor.u32 $0x206, v0  }
0x16: {  	s16 =	sadd.s32 s13, s4;
	s25 =	sadd.s32 $0xD800, s12;
	[dreg:$0x8] =	wrdreg s24;
	[tilespmem:$0x1FED0] =	vst v2;
	v2 =	vor.u32 $0x7, v0  }
0x17: {  	s4 =	sshrl.u32 s4, $0x3;
	s26 =	sadd.s32 $0x10E00, s12;
	[dreg:$0x9] =	wrdreg s25;
	[tilespmem:$0x1FEE0] =	vst v2;
	v2 =	vor.u32 $0x203, v0  }
0x18: {  	s20 =	simm.s32 $0x19590;
	s12 =	sadd.s32 $0x14400, s12;
	[dreg:$0xa] =	wrdreg s26;
	[tilespmem:$0x1FEF0] =	vst v2;
	v2 =	vor.u32 $0x207, v0  }
0x19: {  	s21 =	simm.s32 $0x1D190;
	[dreg:$0xb] =	wrdreg s12;
	s22 =	sadd.s32 $0x14FD00, s2;
	[tilespmem:$0x1FF00] =	vst v2;
	v2 =	vor.u32 $0x300, v0  }
0x1a: {  	s11 =	sshrl.u32 s8, $0x3;
	s23 =	sadd.s32 $0x153300, s2;
	[dreg:$0x16] =	wrdreg s22;
	[tilespmem:$0x1FF10] =	vst v2;
	v2 =	vor.u32 $0x304, v0  }
0x1b: {  	s18 =	sadd.s32 $0x60, s8;
	s24 =	sadd.s32 $0x156900, s2;
	[dreg:$0x17] =	wrdreg s23;
	[tilespmem:$0x1FF20] =	vst v2;
	v2 =	vor.u32 $0x301, v0  }
0x1c: {  	s19 =	sadd.s32 $0xC0, s8;
	s25 =	sadd.s32 $0x159F00, s2;
	[dreg:$0x19] =	wrdreg s24;
	[tilespmem:$0x1FF30] =	vst v2;
	v2 =	vor.u32 $0x305, v0  }
0x1d: {  	s8 =	sshrl.u32 s16, $0x3;
	s26 =	sadd.s32 $0x15D500, s2;
	[dreg:$0x1a] =	wrdreg s25;
	[tilespmem:$0x1FF40] =	vst v2;
	v2 =	vor.u32 $0x302, v0  }
0x1e: {  	s12 =	simm.s32 $0x60;
	s16 =	simm.s32 $0x1E9F0;
	[dreg:$0x1b] =	wrdreg s26;
	[tilespmem:$0x1FF50] =	vst v2;
	v2 =	vor.u32 $0x306, v0  }
0x1f: {  	s14 =	sadd.s32 s5, s11;
	s15 =	sadd.s32 s1, s11;
	[dreg:$0xe] =	wrdreg s18;
	[tilespmem:$0x1FF60] =	vst v2;
	v2 =	vor.u32 $0x307, v0  }
0x20: {  	s10 =	sadd.s32 $0x4E0, s11;
	s8 =	sadd.s32 s0, s8;
	[dreg:$0x1c] =	wrdreg s19;
	[tilespmem:$0x1FF70] =	vst v2;
	v2 =	vor.u32 $0x404, v0  }
0x21: {  	s0 =	sadd.s32 s0, s4;
	s22 =	simm.s32 $0x1DD90;
	[dreg:$0xc] =	wrdreg s14;
	[tilespmem:$0x1FF80] =	vst v2;
	v2 =	vor.u32 $0x405, v0  }
0x22: {  	s23 =	simm.s32 $0x3;
	s25 =	simm.s32 $0x5;
	[dreg:$0xd] =	wrdreg s15;
	[tilespmem:$0x1FF90] =	vst v2;
	v2 =	vor.u32 $0x406, v0  }
0x23: {  	v1 =	vimm.f32 $0.0e+00;
	s26 =	simm.s32 $0x1E390;
	[dreg:$0xf] =	wrdreg s8;
	s17 =	sadd.s32 s5, s10;
	[tilespmem:$0x1FFA0] =	vst v2;
	v2 =	vor.u32 $0x407, v0  }
0x24: {  	v13 =	vor.u32 $0x2, v0;
	v31 =	vor.u32 $0x303, v0;
	s1 =	sadd.s32 s1, s10;
	s0 =	sadd.s32 $0x29220, s0;
	[dreg:$0x10] =	wrdreg s17;
	[tilespmem:$0x1FFB0] =	vst v2;
	v2 =	vor.u32 $0x504, v0  }
0x25: {  	v19 =	vor.u32 $0x3, v0;
	v33 =	vor.u32 $0x400, v0;
	s10 =	sadd.s32 $0x149100, s2;
	s8 =	simm.s32 $0x9;
	[dreg:$0x11] =	wrdreg s1;
	[tilespmem:$0x1FFC0] =	vst v2;
	v2 =	vor.u32 $0x505, v0  }
0x26: {  	v35 =	vor.u32 $0x401, v0;
	v37 =	vor.u32 $0x402, v0;
	s14 =	simm.s32 $0x1CB90;
	[dreg:$0x12] =	wrdreg s0;
	s0 =	sadd.s32 s13, s2;
	[tilespmem:$0x1FFD0] =	vst v2;
	v2 =	vor.u32 $0x506, v0  }
0x27: {  	v39 =	vor.u32 $0x403, v0;
	v41 =	vor.u32 $0x500, v0;
	s15 =	simm.s32 $0x1D790;
	[dreg:$0x13] =	wrdreg s10;
	s0 =	sshrl.u32 @!p0 s0, $0x3;
	[tilespmem:$0x1FFE0] =	vst v2;
	v2 =	vor.u32 $0x507, v0  }
0x28: {  	v43 =	vor.u32 $0x501, v0;
	v45 =	vor.u32 $0x502, v0;
	v47 =	vor.u32 $0x503, v0;
	s17 =	simm.s32 $0x1EAB0;
	s2 =	simm.s32 $0x0;
	[dreg:$0x18] =	wrdreg s0;
	[tilespmem:$0x1FFF0] =	vst v2  }
.LBB2_1:
0x29: {  	s0 =	simm.s32 $0x15FD0  }
0x2a: {  	[tilespmem:s0+$0xFFFFFFD0] =	vst v1  }
0x2b: {  	[tilespmem:s0+$0xFFFFFFE0] =	vst v1  }
0x2c: {  	[tilespmem:s0+$0xFFFFFFF0] =	vst v1  }
0x2d: {  	[tilespmem:s0+$0x0] =	vst v1  }
0x2e: {  	[tilespmem:s0+$0x10] =	vst v1  }
0x2f: {  	[tilespmem:s0+$0x20] =	vst v1  }
0x30: {  	[tilespmem:s0+$0x30] =	vst v1  }
0x31: {  	[tilespmem:s0+$0x40] =	vst v1  }
0x32: {  	[dreg:$0x1d] =	wrdreg s2;
	s9 =	simm.s32 $0x0;
	s4 =	simm.s32 $0x40;
	[tilespmem:s0+$0xFFFFFFC0] =	vst v1  }
.LBB2_2:
0x33: {  	p1 =	sne.s32 s4, $0x17C0;
	[tilespmem:s9+$0x1E390] =	vst v1;
	s0 =	sadd.s32 $0x90, s0  }
0x34: {  	[tilespmem:s0+$0xFFFFFFD0] =	vst v1  }
0x35: {  	[tilespmem:s0+$0xFFFFFFE0] =	vst v1  }
0x36: {  	[tilespmem:s0+$0xFFFFFFF0] =	vst v1  }
0x37: {  	[tilespmem:s0+$0x0] =	vst v1  }
.Ltmp0:
0x38: {  	[tilespmem:s0+$0x10] =	vst v1;
	(pc) =	sbr.rel @p1 .LBB2_2-.Ltmp0, $4  }
0x39: {  	[tilespmem:s0+$0x20] =	vst v1  }
0x3a: {  	[tilespmem:s0+$0x30] =	vst v1  }
0x3b: {  	[tilespmem:s0+$0x40] =	vst v1  }
0x3c: {  	s9 =	sshra.s32 s4, $0x2;
	s4 =	sadd.s32 $0x40, s4;
	[tilespmem:s0+$0xFFFFFFC0] =	vst v1  }
0x3d: {  	[tilespmem:s9+$0x1E390] =	vst v1;
	s0 =	simm.s32 @p0 $0x15F90;
	s4 =	simm.s32 @p0 $0x9  }
0x3e: {  	[spmem:s10] =	stream.linear.scatter @p0 [tilespmem:s0], [sflag:$0x9], $0x3600, $0x38;
	[tilespmem:$0x1EB40] =	vst v63  }
0x3f: {  	_ =	swait.ge @p0 [sflag:s4], $0x3600  }
0x40: {  	[sflag:s4] =	ssyncset.done @p0 $0x0  }
0x41: {  	s1 =	rddreg [dreg:$0x14];
	[sflag:s4] =	ssyncadd.s32 @p0 $0xFFFFCA00  }
0x42: {  	[spmem:s1] =	stream.linear.scatter @p0 [tilespmem:s0], [sflag:$0x9], $0x3600, $0x38;
	[tilespmem:$0x1EB40] =	vst v63  }
0x43: {  	_ =	swait.ge @p0 [sflag:s4], $0x3600  }
0x44: {  	[sflag:s4] =	ssyncset.done @p0 $0x0  }
0x45: {  	s1 =	rddreg [dreg:$0x16];
	[sflag:s4] =	ssyncadd.s32 @p0 $0xFFFFCA00  }
0x46: {  	[spmem:s1] =	stream.linear.scatter @p0 [tilespmem:s0], [sflag:$0x9], $0x3600, $0x38;
	[tilespmem:$0x1EB40] =	vst v63  }
0x47: {  	_ =	swait.ge @p0 [sflag:s4], $0x3600  }
0x48: {  	[sflag:s4] =	ssyncset.done @p0 $0x0  }
0x49: {  	s1 =	rddreg [dreg:$0x17];
	[sflag:s4] =	ssyncadd.s32 @p0 $0xFFFFCA00  }
0x4a: {  	[spmem:s1] =	stream.linear.scatter @p0 [tilespmem:s0], [sflag:$0x9], $0x3600, $0x38;
	[tilespmem:$0x1EB40] =	vst v63  }
0x4b: {  	_ =	swait.ge @p0 [sflag:s4], $0x3600  }
0x4c: {  	[sflag:s4] =	ssyncset.done @p0 $0x0  }
0x4d: {  	s1 =	rddreg [dreg:$0x19];
	[sflag:s4] =	ssyncadd.s32 @p0 $0xFFFFCA00  }
0x4e: {  	[spmem:s1] =	stream.linear.scatter @p0 [tilespmem:s0], [sflag:$0x9], $0x3600, $0x38;
	[tilespmem:$0x1EB40] =	vst v63  }
0x4f: {  	_ =	swait.ge @p0 [sflag:s4], $0x3600  }
0x50: {  	[sflag:s4] =	ssyncset.done @p0 $0x0  }
0x51: {  	s1 =	rddreg [dreg:$0x1a];
	[sflag:s4] =	ssyncadd.s32 @p0 $0xFFFFCA00  }
0x52: {  	[spmem:s1] =	stream.linear.scatter @p0 [tilespmem:s0], [sflag:$0x9], $0x3600, $0x38;
	[tilespmem:$0x1EB40] =	vst v63  }
0x53: {  	_ =	swait.ge @p0 [sflag:s4], $0x3600  }
0x54: {  	[sflag:s4] =	ssyncset.done @p0 $0x0  }
0x55: {  	s1 =	rddreg [dreg:$0x1b];
	[sflag:s4] =	ssyncadd.s32 @p0 $0xFFFFCA00  }
0x56: {  	[spmem:s1] =	stream.linear.scatter @p0 [tilespmem:s0], [sflag:$0x9], $0x2400, $0x38;
	[tilespmem:$0x1EB40] =	vst v63  }
0x57: {  	_ =	swait.ge @p0 [sflag:s4], $0x2400  }
0x58: {  	s0 =	simm.s32 @!p0 $0x15F90;
	[sflag:s4] =	ssyncset.done @p0 $0x0  }
0x59: {  	s1 =	rddreg [dreg:$0x5];
	[sflag:s4] =	ssyncadd.s32 @p0 $0xFFFFDC00;
	s4 =	simm.s32 @!p0 $0x9  }
0x5a: {  	[spmem:s1] =	stream.linear.scatter @!p0 [tilespmem:s0], [sflag:$0x9], $0x3600, $0x38;
	[tilespmem:$0x1EB40] =	vst v63  }
0x5b: {  	_ =	swait.ge @!p0 [sflag:s4], $0x3600  }
0x5c: {  	[sflag:s4] =	ssyncset.done @!p0 $0x0  }
0x5d: {  	s1 =	rddreg [dreg:$0x6];
	[sflag:s4] =	ssyncadd.s32 @!p0 $0xFFFFCA00  }
0x5e: {  	[spmem:s1] =	stream.linear.scatter @!p0 [tilespmem:s0], [sflag:$0x9], $0x3600, $0x38;
	[tilespmem:$0x1EB40] =	vst v63  }
0x5f: {  	_ =	swait.ge @!p0 [sflag:s4], $0x3600  }
0x60: {  	[sflag:s4] =	ssyncset.done @!p0 $0x0  }
0x61: {  	s1 =	rddreg [dreg:$0x7];
	[sflag:s4] =	ssyncadd.s32 @!p0 $0xFFFFCA00  }
0x62: {  	[spmem:s1] =	stream.linear.scatter @!p0 [tilespmem:s0], [sflag:$0x9], $0x3600, $0x38;
	[tilespmem:$0x1EB40] =	vst v63  }
0x63: {  	_ =	swait.ge @!p0 [sflag:s4], $0x3600  }
0x64: {  	[sflag:s4] =	ssyncset.done @!p0 $0x0  }
0x65: {  	s1 =	rddreg [dreg:$0x8];
	[sflag:s4] =	ssyncadd.s32 @!p0 $0xFFFFCA00  }
0x66: {  	[spmem:s1] =	stream.linear.scatter @!p0 [tilespmem:s0], [sflag:$0x9], $0x3600, $0x38;
	[tilespmem:$0x1EB40] =	vst v63  }
0x67: {  	_ =	swait.ge @!p0 [sflag:s4], $0x3600  }
0x68: {  	[sflag:s4] =	ssyncset.done @!p0 $0x0  }
0x69: {  	s1 =	rddreg [dreg:$0x9];
	[sflag:s4] =	ssyncadd.s32 @!p0 $0xFFFFCA00  }
0x6a: {  	[spmem:s1] =	stream.linear.scatter @!p0 [tilespmem:s0], [sflag:$0x9], $0x3600, $0x38;
	[tilespmem:$0x1EB40] =	vst v63  }
0x6b: {  	_ =	swait.ge @!p0 [sflag:s4], $0x3600  }
0x6c: {  	[sflag:s4] =	ssyncset.done @!p0 $0x0  }
0x6d: {  	s1 =	rddreg [dreg:$0xa];
	[sflag:s4] =	ssyncadd.s32 @!p0 $0xFFFFCA00  }
0x6e: {  	[spmem:s1] =	stream.linear.scatter @!p0 [tilespmem:s0], [sflag:$0x9], $0x3600, $0x38;
	[tilespmem:$0x1EB40] =	vst v63  }
0x6f: {  	_ =	swait.ge @!p0 [sflag:s4], $0x3600  }
0x70: {  	[sflag:s4] =	ssyncset.done @!p0 $0x0  }
0x71: {  	s1 =	rddreg [dreg:$0xb];
	[sflag:s4] =	ssyncadd.s32 @!p0 $0xFFFFCA00  }
0x72: {  	[spmem:s1] =	stream.linear.scatter @!p0 [tilespmem:s0], [sflag:$0x9], $0x1B00, $0x38;
	[tilespmem:$0x1EB40] =	vst v63  }
0x73: {  	_ =	swait.ge @!p0 [sflag:s4], $0x1B00  }
0x74: {  	s9 =	simm.s32 $0x0;
	[sflag:s4] =	ssyncset.done @!p0 $0x0  }
0x75: {  	s3 =	simm.s32 $0x1EB30;
	s2 =	rddreg [dreg:$0x4];
	[sflag:s4] =	ssyncadd.s32 @!p0 $0xFFFFE500  }
0x76: {  	[tilespmem:s3], [sflag:$0x9] =	stream.linear.gather [hbm4b:s2+s9], $0x10, $0x38;
	[tilespmem:$0x1EB40] =	vst v63  }
0x77: {  	_ =	swait.ge [sflag:s8], $0x10  }
0x78: {  	[sflag:s8] =	ssyncset.done $0x0  }
0x79: {  	[sflag:s8] =	ssyncadd.s32 $0xFFFFFFF0  }
0x7a: {  	v2 =	vld [tilespmem:$0x1EB30];
	_ =	sdelay $0x4  }
0x7b: {  	(v2sf) =	vpush v2, $0x0  }
0x7c: {  	(v2sf) =	vpush v2, $0x4  }
0x7d: {  	(v2sf) =	vpush v2, $0x1  }
0x7e: {  	(v2sf) =	vpush v2, $0x5  }
0x7f: {  	(v2sf) =	vpush v2, $0x2  }
0x80: {  	(v2sf) =	vpush v2, $0x6  }
0x81: {  	(v2sf) =	vpush v2, $0x3  }
0x82: {  	(v2sf) =	vpush v2, $0x7;
	_ =	sdelay $0x7  }
0x83: {  	s4 =	spop (v2sf)  }
0x84: {  	s2 =	spop (v2sf)  }
0x85: {  	s10 =	spop (v2sf)  }
0x86: {  	s11 =	spop (v2sf)  }
0x87: {  	s24 =	spop (v2sf)  }
0x88: {  	s13 =	spop (v2sf)  }
0x89: {  	s1 =	spop (v2sf)  }
0x8a: {  	s0 =	sadd.f32 s2, s4;
	s3 =	spop (v2sf)  }
0x8b: {  	[bflag:$0x0] =	sbarrier.arrive $0xFFFF  }
0x8c: {  	s19 =	simm.s32 $0x1E990;
	s4 =	smul.f32 $2.000000030e-01, s0;
	s18 =	rddreg [dreg:$0xc]  }
0x8d: {  	[tilespmem:s19], [sflag:$0x9] =	stream.linear.gather [hbm4b:s18+s9], $0x60, $0x38;
	[tilespmem:$0x1EB40] =	vst v63  }
0x8e: {  	s2 =	simm.s32 $0x1EA50;
	s10 =	sadd.f32 s11, s10;
	_ =	swait.ge [sflag:s8], $0x60  }
0x8f: {  	s0 =	smax.f32 s0, s4;
	s4 =	sadd.f32 s13, s24;
	[sflag:s8] =	ssyncset.done $0x0  }
0x90: {  	s11 =	smul.f32 $2.000000030e-01, s10;
	s18 =	rddreg [dreg:$0xd];
	[sflag:s8] =	ssyncadd.s32 $0xFFFFFFA0  }
0x91: {  	[tilespmem:s2], [sflag:$0x9] =	stream.linear.gather [hbm4b:s18+s9], $0x60, $0x38;
	[tilespmem:$0x1EB40] =	vst v63  }
0x92: {  	s24 =	simm.s32 $0x15F90;
	s18 =	smul.f32 $2.000000030e-01, s4;
	_ =	swait.ge [sflag:s8], $0x60  }
0x93: {  	s1 =	sadd.f32 s3, s1;
	s10 =	smax.f32 s10, s11;
	[sflag:s8] =	ssyncset.done $0x0  }
0x94: {  	s3 =	smax.f32 s4, s18;
	s18 =	rddreg [dreg:$0xe];
	[sflag:s8] =	ssyncadd.s32 $0xFFFFFFA0  }
0x95: {  	[tilespmem:s24], [sflag:$0x1] =	stream.indirect.gather [hbm4b:s6+s12], $0x90, s19, s12, $0xb8;
	[tilespmem:$0x1EB40] =	vst v63  }
0x96: {  	s24 =	smul.f32 $2.000000030e-01, s1;
	s13 =	rddreg [dreg:$0x1]  }
0x97: {  	[tilespmem:s14], [sflag:$0x3] =	stream.indirect.gather [hbm4b:s7+s12], $0x10, s19, s12, $0xb8;
	[tilespmem:$0x1EB40] =	vst v63  }
0x98: {  	s1 =	smax.f32 s1, s24;
	s19 =	rddreg [dreg:$0x1c]  }
0x99: {  	v52 =	vmov s0;
	[tilespmem:s15], [sflag:$0x5] =	stream.indirect.gather [hbm4b:s7+s12], $0x10, s2, s12, $0xb8;
	[tilespmem:$0x1EB40] =	vst v63  }
0x9a: {  	v51 =	vmov s10;
	v50 =	vmov s3;
	v49 =	vmov s1;
	s2 =	rddreg [dreg:$0x2]  }
.LBB2_4:
0x9b: {  	s10 =	smul.u32 $0xC0, s9;
	_ =	sdelay $0x1  }
0x9c: {  	s0 =	sadd.s32 s10, s18  }
0x9d: {  	s0 =	sshrl.u32 s0, $0x3  }
0x9e: {  	s3 =	simm.s32 $0x0;
	s1 =	sadd.s32 s5, s0  }
0x9f: {  	[tilespmem:s16], [sflag:$0x9] =	stream.linear.gather [hbm4b:s1+s3], $0x60, $0x38;
	[tilespmem:$0x1EB40] =	vst v63  }
0xa0: {  	_ =	swait.ge [sflag:s8], $0x60  }
0xa1: {  	[sflag:s8] =	ssyncset.done $0x0  }
0xa2: {  	s0 =	sadd.s32 s13, s0;
	[sflag:s8] =	ssyncadd.s32 $0xFFFFFFA0  }
0xa3: {  	[tilespmem:s17], [sflag:$0x9] =	stream.linear.gather [hbm4b:s0+s3], $0x60, $0x38;
	[tilespmem:$0x1EB40] =	vst v63  }
0xa4: {  	_ =	swait.ge [sflag:s8], $0x60  }
0xa5: {  	[sflag:s8] =	ssyncset.done $0x0  }
0xa6: {  	[sflag:s8] =	ssyncadd.s32 $0xFFFFFFA0  }
0xa7: {  	[tilespmem:s20], [sflag:$0x2] =	stream.indirect.gather [hbm4b:s6+s12], $0x90, s16, s12, $0xb8;
	[tilespmem:$0x1EB40] =	vst v63  }
0xa8: {  	_ = 	snop  }
0xa9: {  	[tilespmem:s21], [sflag:$0x4] =	stream.indirect.gather [hbm4b:s7+s12], $0x10, s16, s12, $0xb8;
	[tilespmem:$0x1EB40] =	vst v63  }
0xaa: {  	_ = 	snop  }
0xab: {  	[tilespmem:s22], [sflag:$0x6] =	stream.indirect.gather [hbm4b:s7+s12], $0x10, s17, s12, $0xb8;
	[tilespmem:$0x1EB40] =	vst v63  }
0xac: {  	_ =	swait.ge [sflag:s23], $0x600  }
0xad: {  	[sflag:s23] =	ssyncset.done $0x0  }
0xae: {  	[sflag:s23] =	ssyncadd.s32 $0xFFFFFA00  }
0xaf: {  	_ =	swait.ge [sflag:s25], $0x600  }
0xb0: {  	v3 =	vld [tilespmem:$0x1FDC0];
	_ =	sdelay $0x4  }
0xb1: {  	[sflag:s25] =	ssyncset.done $0x0  }
0xb2: {  	[sflag:s25] =	ssyncadd.s32 $0xFFFFFA00  }
0xb3: {  	v2 =	vld.idx.msk [tilespmem:v0+s14+$0x0], $0xffff  }
0xb4: {  	v6 =	vld.idx.msk [tilespmem:v3+s15+$0x0], $0xffff;
	_ =	sdelay $0x4  }
0xb5: {  	v2 =	vadd.f32 v6, v2;
	_ =	sdelay $0x1  }
0xb6: {  	v6 =	vmul.f32 $2.000000030e-01, v2;
	_ =	sdelay $0x1  }
0xb7: {  	v2 =	vmax.f32 v2, v6  }
0xb8: {  	v2 =	vsub.f32 v2, v52;
	_ =	sdelay $0x1  }
0xb9: {  	v2 =	vmul.f32 $1.442695020e+00, v2;
	_ =	sdelay $0x1  }
0xba: {  	(erf) = vpow2.f32 v2;
	_ =	sdelay $0x2  }
0xbb: {  	v3 =	vld [tilespmem:$0x1FDD0]  }
0xbc: {  	v4 =	vld [tilespmem:$0x1FDE0];
	_ =	sdelay $0x4  }
0xbd: {  	v2 =	vpop (erf)  }
0xbe: {  	[tilespmem:v0+s26+$0x0] =	vst.idx.msk $0xffff, v2  }
0xbf: {  	v2 =	vld.idx.msk [tilespmem:v3+s14+$0x0], $0xffff  }
0xc0: {  	v6 =	vld.idx.msk [tilespmem:v4+s15+$0x0], $0xffff;
	_ =	sdelay $0x4  }
0xc1: {  	v2 =	vadd.f32 v6, v2;
	_ =	sdelay $0x1  }
0xc2: {  	v6 =	vmul.f32 $2.000000030e-01, v2;
	_ =	sdelay $0x1  }
0xc3: {  	v2 =	vmax.f32 v2, v6  }
0xc4: {  	v2 =	vsub.f32 v2, v51;
	_ =	sdelay $0x1  }
0xc5: {  	v2 =	vmul.f32 $1.442695020e+00, v2;
	_ =	sdelay $0x1  }
0xc6: {  	(erf) = vpow2.f32 v2;
	_ =	sdelay $0x8  }
0xc7: {  	v2 =	vpop (erf)  }
0xc8: {  	[tilespmem:v3+s26+$0x0] =	vst.idx.msk $0xffff, v2;
	v3 =	vld [tilespmem:$0x1FE90];
	_ =	sdelay $0x6  }
0xc9: {  	v2 =	vld.idx.msk [tilespmem:v13+s14+$0x0], $0xffff  }
0xca: {  	v6 =	vld.idx.msk [tilespmem:v3+s15+$0x0], $0xffff;
	_ =	sdelay $0x4  }
0xcb: {  	v2 =	vadd.f32 v6, v2;
	_ =	sdelay $0x1  }
0xcc: {  	v6 =	vmul.f32 $2.000000030e-01, v2;
	_ =	sdelay $0x1  }
0xcd: {  	v2 =	vmax.f32 v2, v6  }
0xce: {  	v2 =	vsub.f32 v2, v50;
	_ =	sdelay $0x1  }
0xcf: {  	v2 =	vmul.f32 $1.442695020e+00, v2;
	_ =	sdelay $0x1  }
0xd0: {  	(erf) = vpow2.f32 v2;
	_ =	sdelay $0x3  }
0xd1: {  	v3 =	vld [tilespmem:$0x1FEE0];
	_ =	sdelay $0x4  }
0xd2: {  	v2 =	vpop (erf)  }
0xd3: {  	[tilespmem:v13+s26+$0x0] =	vst.idx.msk $0xffff, v2  }
0xd4: {  	v2 =	vld.idx.msk [tilespmem:v19+s14+$0x0], $0xffff  }
0xd5: {  	v6 =	vld.idx.msk [tilespmem:v3+s15+$0x0], $0xffff;
	_ =	sdelay $0x4  }
0xd6: {  	v2 =	vadd.f32 v6, v2;
	_ =	sdelay $0x1  }
0xd7: {  	v6 =	vmul.f32 $2.000000030e-01, v2;
	_ =	sdelay $0x1  }
0xd8: {  	v2 =	vmax.f32 v2, v6  }
0xd9: {  	v2 =	vsub.f32 v2, v49;
	_ =	sdelay $0x1  }
0xda: {  	v2 =	vmul.f32 $1.442695020e+00, v2;
	_ =	sdelay $0x1  }
0xdb: {  	(erf) = vpow2.f32 v2;
	_ =	sdelay $0x2  }
0xdc: {  	v3 =	vld [tilespmem:$0x1FDF0]  }
0xdd: {  	v4 =	vld [tilespmem:$0x1FE00];
	_ =	sdelay $0x4  }
0xde: {  	v2 =	vpop (erf)  }
0xdf: {  	[tilespmem:v19+s26+$0x0] =	vst.idx.msk $0xffff, v2  }
0xe0: {  	v2 =	vld.idx.msk [tilespmem:v3+s14+$0x0], $0xffff  }
0xe1: {  	v6 =	vld.idx.msk [tilespmem:v4+s15+$0x0], $0xffff;
	_ =	sdelay $0x4  }
0xe2: {  	v2 =	vadd.f32 v6, v2;
	_ =	sdelay $0x1  }
0xe3: {  	v6 =	vmul.f32 $2.000000030e-01, v2;
	_ =	sdelay $0x1  }
0xe4: {  	v2 =	vmax.f32 v2, v6  }
0xe5: {  	v2 =	vsub.f32 v2, v52;
	_ =	sdelay $0x1  }
0xe6: {  	v2 =	vmul.f32 $1.442695020e+00, v2;
	_ =	sdelay $0x1  }
0xe7: {  	(erf) = vpow2.f32 v2;
	_ =	sdelay $0x8  }
0xe8: {  	v4 =	vld [tilespmem:$0x1FE20];
	v2 =	vpop (erf)  }
0xe9: {  	[tilespmem:v3+s26+$0x0] =	vst.idx.msk $0xffff, v2;
	v3 =	vld [tilespmem:$0x1FE10];
	_ =	sdelay $0x6  }
0xea: {  	v6 =	vld.idx.msk [tilespmem:v4+s15+$0x0], $0xffff  }
0xeb: {  	v2 =	vld.idx.msk [tilespmem:v3+s14+$0x0], $0xffff;
	_ =	sdelay $0x4  }
0xec: {  	v2 =	vadd.f32 v6, v2;
	_ =	sdelay $0x1  }
0xed: {  	v6 =	vmul.f32 $2.000000030e-01, v2;
	_ =	sdelay $0x1  }
0xee: {  	v2 =	vmax.f32 v2, v6  }
0xef: {  	v2 =	vsub.f32 v2, v51;
	_ =	sdelay $0x1  }
0xf0: {  	v2 =	vmul.f32 $1.442695020e+00, v2;
	_ =	sdelay $0x1  }
0xf1: {  	(erf) = vpow2.f32 v2;
	_ =	sdelay $0x8  }
0xf2: {  	v4 =	vld [tilespmem:$0x1FE40];
	v2 =	vpop (erf)  }
0xf3: {  	[tilespmem:v3+s26+$0x0] =	vst.idx.msk $0xffff, v2;
	v3 =	vld [tilespmem:$0x1FE30];
	_ =	sdelay $0x6  }
0xf4: {  	v6 =	vld.idx.msk [tilespmem:v4+s15+$0x0], $0xffff  }
0xf5: {  	v2 =	vld.idx.msk [tilespmem:v3+s14+$0x0], $0xffff;
	_ =	sdelay $0x4  }
0xf6: {  	v2 =	vadd.f32 v6, v2;
	_ =	sdelay $0x1  }
0xf7: {  	v6 =	vmul.f32 $2.000000030e-01, v2;
	_ =	sdelay $0x1  }
0xf8: {  	v2 =	vmax.f32 v2, v6  }
0xf9: {  	v2 =	vsub.f32 v2, v50;
	_ =	sdelay $0x1  }
0xfa: {  	v2 =	vmul.f32 $1.442695020e+00, v2;
	_ =	sdelay $0x1  }
0xfb: {  	(erf) = vpow2.f32 v2;
	_ =	sdelay $0x8  }
0xfc: {  	v4 =	vld [tilespmem:$0x1FE60];
	v2 =	vpop (erf)  }
0xfd: {  	[tilespmem:v3+s26+$0x0] =	vst.idx.msk $0xffff, v2;
	v3 =	vld [tilespmem:$0x1FE50];
	_ =	sdelay $0x6  }
0xfe: {  	v6 =	vld.idx.msk [tilespmem:v4+s15+$0x0], $0xffff  }
0xff: {  	v2 =	vld.idx.msk [tilespmem:v3+s14+$0x0], $0xffff;
	_ =	sdelay $0x4  }
0x100: {  	v2 =	vadd.f32 v6, v2;
	_ =	sdelay $0x1  }
0x101: {  	v6 =	vmul.f32 $2.000000030e-01, v2;
	_ =	sdelay $0x1  }
0x102: {  	v2 =	vmax.f32 v2, v6  }
0x103: {  	v2 =	vsub.f32 v2, v49;
	_ =	sdelay $0x1  }
0x104: {  	v2 =	vmul.f32 $1.442695020e+00, v2;
	_ =	sdelay $0x1  }
0x105: {  	(erf) = vpow2.f32 v2;
	_ =	sdelay $0x8  }
0x106: {  	v4 =	vld [tilespmem:$0x1FE80];
	v2 =	vpop (erf)  }
0x107: {  	[tilespmem:v3+s26+$0x0] =	vst.idx.msk $0xffff, v2;
	v3 =	vld [tilespmem:$0x1FE70];
	_ =	sdelay $0x6  }
0x108: {  	v6 =	vld.idx.msk [tilespmem:v4+s15+$0x0], $0xffff  }
0x109: {  	v2 =	vld.idx.msk [tilespmem:v3+s14+$0x0], $0xffff;
	_ =	sdelay $0x4  }
0x10a: {  	v2 =	vadd.f32 v6, v2;
	_ =	sdelay $0x1  }
0x10b: {  	v6 =	vmul.f32 $2.000000030e-01, v2;
	_ =	sdelay $0x1  }
0x10c: {  	v2 =	vmax.f32 v2, v6  }
0x10d: {  	v2 =	vsub.f32 v2, v52;
	_ =	sdelay $0x1  }
0x10e: {  	v2 =	vmul.f32 $1.442695020e+00, v2;
	_ =	sdelay $0x1  }
0x10f: {  	(erf) = vpow2.f32 v2;
	_ =	sdelay $0x8  }
0x110: {  	v4 =	vld [tilespmem:$0x1FEB0];
	v2 =	vpop (erf)  }
0x111: {  	[tilespmem:v3+s26+$0x0] =	vst.idx.msk $0xffff, v2;
	v3 =	vld [tilespmem:$0x1FEA0];
	_ =	sdelay $0x6  }
0x112: {  	v6 =	vld.idx.msk [tilespmem:v4+s15+$0x0], $0xffff  }
0x113: {  	v2 =	vld.idx.msk [tilespmem:v3+s14+$0x0], $0xffff;
	_ =	sdelay $0x4  }
0x114: {  	v2 =	vadd.f32 v6, v2;
	_ =	sdelay $0x1  }
0x115: {  	v6 =	vmul.f32 $2.000000030e-01, v2;
	_ =	sdelay $0x1  }
0x116: {  	v2 =	vmax.f32 v2, v6  }
0x117: {  	v2 =	vsub.f32 v2, v51;
	_ =	sdelay $0x1  }
0x118: {  	v2 =	vmul.f32 $1.442695020e+00, v2;
	_ =	sdelay $0x1  }
0x119: {  	(erf) = vpow2.f32 v2;
	_ =	sdelay $0x8  }
0x11a: {  	v4 =	vld [tilespmem:$0x1FED0];
	v2 =	vpop (erf)  }
0x11b: {  	[tilespmem:v3+s26+$0x0] =	vst.idx.msk $0xffff, v2;
	v3 =	vld [tilespmem:$0x1FEC0];
	_ =	sdelay $0x6  }
0x11c: {  	v6 =	vld.idx.msk [tilespmem:v4+s15+$0x0], $0xffff  }
0x11d: {  	v2 =	vld.idx.msk [tilespmem:v3+s14+$0x0], $0xffff;
	_ =	sdelay $0x4  }
0x11e: {  	v2 =	vadd.f32 v6, v2;
	_ =	sdelay $0x1  }
0x11f: {  	v6 =	vmul.f32 $2.000000030e-01, v2;
	_ =	sdelay $0x1  }
0x120: {  	v2 =	vmax.f32 v2, v6  }
0x121: {  	v2 =	vsub.f32 v2, v50;
	_ =	sdelay $0x1  }
0x122: {  	v2 =	vmul.f32 $1.442695020e+00, v2;
	_ =	sdelay $0x1  }
0x123: {  	(erf) = vpow2.f32 v2;
	_ =	sdelay $0x8  }
0x124: {  	v4 =	vld [tilespmem:$0x1FF00];
	v2 =	vpop (erf)  }
0x125: {  	[tilespmem:v3+s26+$0x0] =	vst.idx.msk $0xffff, v2;
	v3 =	vld [tilespmem:$0x1FEF0];
	_ =	sdelay $0x6  }
0x126: {  	v6 =	vld.idx.msk [tilespmem:v4+s15+$0x0], $0xffff  }
0x127: {  	v2 =	vld.idx.msk [tilespmem:v3+s14+$0x0], $0xffff;
	_ =	sdelay $0x4  }
0x128: {  	v2 =	vadd.f32 v6, v2;
	_ =	sdelay $0x1  }
0x129: {  	v6 =	vmul.f32 $2.000000030e-01, v2;
	_ =	sdelay $0x1  }
0x12a: {  	v2 =	vmax.f32 v2, v6  }
0x12b: {  	v2 =	vsub.f32 v2, v49;
	_ =	sdelay $0x1  }
0x12c: {  	v2 =	vmul.f32 $1.442695020e+00, v2;
	_ =	sdelay $0x1  }
0x12d: {  	(erf) = vpow2.f32 v2;
	_ =	sdelay $0x8  }
0x12e: {  	v4 =	vld [tilespmem:$0x1FF20];
	v2 =	vpop (erf)  }
0x12f: {  	[tilespmem:v3+s26+$0x0] =	vst.idx.msk $0xffff, v2;
	v3 =	vld [tilespmem:$0x1FF10];
	_ =	sdelay $0x6  }
0x130: {  	v6 =	vld.idx.msk [tilespmem:v4+s15+$0x0], $0xffff  }
0x131: {  	v2 =	vld.idx.msk [tilespmem:v3+s14+$0x0], $0xffff;
	_ =	sdelay $0x4  }
0x132: {  	v2 =	vadd.f32 v6, v2;
	_ =	sdelay $0x1  }
0x133: {  	v6 =	vmul.f32 $2.000000030e-01, v2;
	_ =	sdelay $0x1  }
0x134: {  	v2 =	vmax.f32 v2, v6  }
0x135: {  	v2 =	vsub.f32 v2, v52;
	_ =	sdelay $0x1  }
0x136: {  	v2 =	vmul.f32 $1.442695020e+00, v2;
	_ =	sdelay $0x1  }
0x137: {  	(erf) = vpow2.f32 v2;
	_ =	sdelay $0x8  }
0x138: {  	v4 =	vld [tilespmem:$0x1FF40];
	v2 =	vpop (erf)  }
0x139: {  	[tilespmem:v3+s26+$0x0] =	vst.idx.msk $0xffff, v2;
	v3 =	vld [tilespmem:$0x1FF30];
	_ =	sdelay $0x6  }
0x13a: {  	v6 =	vld.idx.msk [tilespmem:v4+s15+$0x0], $0xffff  }
0x13b: {  	v2 =	vld.idx.msk [tilespmem:v3+s14+$0x0], $0xffff;
	_ =	sdelay $0x4  }
0x13c: {  	v2 =	vadd.f32 v6, v2;
	_ =	sdelay $0x1  }
0x13d: {  	v6 =	vmul.f32 $2.000000030e-01, v2;
	_ =	sdelay $0x1  }
0x13e: {  	v2 =	vmax.f32 v2, v6  }
0x13f: {  	v2 =	vsub.f32 v2, v51;
	_ =	sdelay $0x1  }
0x140: {  	v2 =	vmul.f32 $1.442695020e+00, v2;
	_ =	sdelay $0x1  }
0x141: {  	(erf) = vpow2.f32 v2;
	_ =	sdelay $0x8  }
0x142: {  	v4 =	vld [tilespmem:$0x1FF60];
	v2 =	vpop (erf)  }
0x143: {  	[tilespmem:v3+s26+$0x0] =	vst.idx.msk $0xffff, v2;
	v3 =	vld [tilespmem:$0x1FF50];
	_ =	sdelay $0x6  }
0x144: {  	v6 =	vld.idx.msk [tilespmem:v4+s15+$0x0], $0xffff  }
0x145: {  	v2 =	vld.idx.msk [tilespmem:v3+s14+$0x0], $0xffff;
	_ =	sdelay $0x4  }
0x146: {  	v2 =	vadd.f32 v6, v2;
	_ =	sdelay $0x1  }
0x147: {  	v6 =	vmul.f32 $2.000000030e-01, v2;
	_ =	sdelay $0x1  }
0x148: {  	v2 =	vmax.f32 v2, v6  }
0x149: {  	v2 =	vsub.f32 v2, v50;
	_ =	sdelay $0x1  }
0x14a: {  	v2 =	vmul.f32 $1.442695020e+00, v2;
	_ =	sdelay $0x1  }
0x14b: {  	(erf) = vpow2.f32 v2;
	_ =	sdelay $0x8  }
0x14c: {  	v2 =	vpop (erf)  }
0x14d: {  	[tilespmem:v3+s26+$0x0] =	vst.idx.msk $0xffff, v2;
	v3 =	vld [tilespmem:$0x1FF70];
	_ =	sdelay $0x6  }
0x14e: {  	v2 =	vld.idx.msk [tilespmem:v31+s14+$0x0], $0xffff  }
0x14f: {  	v6 =	vld.idx.msk [tilespmem:v3+s15+$0x0], $0xffff;
	_ =	sdelay $0x4  }
0x150: {  	v2 =	vadd.f32 v6, v2;
	_ =	sdelay $0x1  }
0x151: {  	v6 =	vmul.f32 $2.000000030e-01, v2;
	_ =	sdelay $0x1  }
0x152: {  	v2 =	vmax.f32 v2, v6  }
0x153: {  	v2 =	vsub.f32 v2, v49;
	_ =	sdelay $0x1  }
0x154: {  	v2 =	vmul.f32 $1.442695020e+00, v2;
	_ =	sdelay $0x1  }
0x155: {  	(erf) = vpow2.f32 v2;
	_ =	sdelay $0x3  }
0x156: {  	v3 =	vld [tilespmem:$0x1FF80];
	_ =	sdelay $0x4  }
0x157: {  	v2 =	vpop (erf)  }
0x158: {  	[tilespmem:v31+s26+$0x0] =	vst.idx.msk $0xffff, v2  }
0x159: {  	v2 =	vld.idx.msk [tilespmem:v33+s14+$0x0], $0xffff  }
0x15a: {  	v6 =	vld.idx.msk [tilespmem:v3+s15+$0x0], $0xffff;
	_ =	sdelay $0x4  }
0x15b: {  	v2 =	vadd.f32 v6, v2;
	_ =	sdelay $0x1  }
0x15c: {  	v6 =	vmul.f32 $2.000000030e-01, v2;
	_ =	sdelay $0x1  }
0x15d: {  	v2 =	vmax.f32 v2, v6  }
0x15e: {  	v2 =	vsub.f32 v2, v52;
	_ =	sdelay $0x1  }
0x15f: {  	v2 =	vmul.f32 $1.442695020e+00, v2;
	_ =	sdelay $0x1  }
0x160: {  	(erf) = vpow2.f32 v2;
	_ =	sdelay $0x3  }
0x161: {  	v3 =	vld [tilespmem:$0x1FF90];
	_ =	sdelay $0x4  }
0x162: {  	v2 =	vpop (erf)  }
0x163: {  	[tilespmem:v33+s26+$0x0] =	vst.idx.msk $0xffff, v2  }
0x164: {  	v2 =	vld.idx.msk [tilespmem:v35+s14+$0x0], $0xffff  }
0x165: {  	v6 =	vld.idx.msk [tilespmem:v3+s15+$0x0], $0xffff;
	_ =	sdelay $0x4  }
0x166: {  	v2 =	vadd.f32 v6, v2;
	_ =	sdelay $0x1  }
0x167: {  	v6 =	vmul.f32 $2.000000030e-01, v2;
	_ =	sdelay $0x1  }
0x168: {  	v2 =	vmax.f32 v2, v6  }
0x169: {  	v2 =	vsub.f32 v2, v51;
	_ =	sdelay $0x1  }
0x16a: {  	v2 =	vmul.f32 $1.442695020e+00, v2;
	_ =	sdelay $0x1  }
0x16b: {  	(erf) = vpow2.f32 v2;
	_ =	sdelay $0x3  }
0x16c: {  	v3 =	vld [tilespmem:$0x1FFA0];
	_ =	sdelay $0x4  }
0x16d: {  	v2 =	vpop (erf)  }
0x16e: {  	[tilespmem:v35+s26+$0x0] =	vst.idx.msk $0xffff, v2  }
0x16f: {  	v2 =	vld.idx.msk [tilespmem:v37+s14+$0x0], $0xffff  }
0x170: {  	v6 =	vld.idx.msk [tilespmem:v3+s15+$0x0], $0xffff;
	_ =	sdelay $0x4  }
0x171: {  	v2 =	vadd.f32 v6, v2;
	_ =	sdelay $0x1  }
0x172: {  	v6 =	vmul.f32 $2.000000030e-01, v2;
	_ =	sdelay $0x1  }
0x173: {  	v2 =	vmax.f32 v2, v6  }
0x174: {  	v2 =	vsub.f32 v2, v50;
	_ =	sdelay $0x1  }
0x175: {  	v2 =	vmul.f32 $1.442695020e+00, v2;
	_ =	sdelay $0x1  }
0x176: {  	(erf) = vpow2.f32 v2;
	_ =	sdelay $0x3  }
0x177: {  	v3 =	vld [tilespmem:$0x1FFB0];
	_ =	sdelay $0x4  }
0x178: {  	v2 =	vpop (erf)  }
0x179: {  	[tilespmem:v37+s26+$0x0] =	vst.idx.msk $0xffff, v2  }
0x17a: {  	v2 =	vld.idx.msk [tilespmem:v39+s14+$0x0], $0xffff  }
0x17b: {  	v6 =	vld.idx.msk [tilespmem:v3+s15+$0x0], $0xffff;
	_ =	sdelay $0x4  }
0x17c: {  	v2 =	vadd.f32 v6, v2;
	_ =	sdelay $0x1  }
0x17d: {  	v6 =	vmul.f32 $2.000000030e-01, v2;
	_ =	sdelay $0x1  }
0x17e: {  	v2 =	vmax.f32 v2, v6  }
0x17f: {  	v2 =	vsub.f32 v2, v49;
	_ =	sdelay $0x1  }
0x180: {  	v2 =	vmul.f32 $1.442695020e+00, v2;
	_ =	sdelay $0x1  }
0x181: {  	(erf) = vpow2.f32 v2;
	_ =	sdelay $0x3  }
0x182: {  	v3 =	vld [tilespmem:$0x1FFC0];
	_ =	sdelay $0x4  }
0x183: {  	v2 =	vpop (erf)  }
0x184: {  	[tilespmem:v39+s26+$0x0] =	vst.idx.msk $0xffff, v2  }
0x185: {  	v2 =	vld.idx.msk [tilespmem:v41+s14+$0x0], $0xffff  }
0x186: {  	v6 =	vld.idx.msk [tilespmem:v3+s15+$0x0], $0xffff;
	_ =	sdelay $0x4  }
0x187: {  	v2 =	vadd.f32 v6, v2;
	_ =	sdelay $0x1  }
0x188: {  	v6 =	vmul.f32 $2.000000030e-01, v2;
	_ =	sdelay $0x1  }
0x189: {  	v2 =	vmax.f32 v2, v6  }
0x18a: {  	v2 =	vsub.f32 v2, v52;
	_ =	sdelay $0x1  }
0x18b: {  	v2 =	vmul.f32 $1.442695020e+00, v2;
	_ =	sdelay $0x1  }
0x18c: {  	(erf) = vpow2.f32 v2;
	_ =	sdelay $0x3  }
0x18d: {  	v3 =	vld [tilespmem:$0x1FFD0];
	_ =	sdelay $0x4  }
0x18e: {  	v2 =	vpop (erf)  }
0x18f: {  	[tilespmem:v41+s26+$0x0] =	vst.idx.msk $0xffff, v2  }
0x190: {  	v2 =	vld.idx.msk [tilespmem:v43+s14+$0x0], $0xffff  }
0x191: {  	v6 =	vld.idx.msk [tilespmem:v3+s15+$0x0], $0xffff;
	_ =	sdelay $0x4  }
0x192: {  	v2 =	vadd.f32 v6, v2;
	_ =	sdelay $0x1  }
0x193: {  	v6 =	vmul.f32 $2.000000030e-01, v2;
	_ =	sdelay $0x1  }
0x194: {  	v2 =	vmax.f32 v2, v6  }
0x195: {  	v2 =	vsub.f32 v2, v51;
	_ =	sdelay $0x1  }
0x196: {  	v2 =	vmul.f32 $1.442695020e+00, v2;
	_ =	sdelay $0x1  }
0x197: {  	(erf) = vpow2.f32 v2;
	_ =	sdelay $0x3  }
0x198: {  	v3 =	vld [tilespmem:$0x1FFE0];
	_ =	sdelay $0x4  }
0x199: {  	v2 =	vpop (erf)  }
0x19a: {  	[tilespmem:v43+s26+$0x0] =	vst.idx.msk $0xffff, v2  }
0x19b: {  	v2 =	vld.idx.msk [tilespmem:v45+s14+$0x0], $0xffff  }
0x19c: {  	v6 =	vld.idx.msk [tilespmem:v3+s15+$0x0], $0xffff;
	_ =	sdelay $0x4  }
0x19d: {  	v2 =	vadd.f32 v6, v2;
	_ =	sdelay $0x1  }
0x19e: {  	v6 =	vmul.f32 $2.000000030e-01, v2;
	_ =	sdelay $0x1  }
0x19f: {  	v2 =	vmax.f32 v2, v6  }
0x1a0: {  	v2 =	vsub.f32 v2, v50;
	_ =	sdelay $0x1  }
0x1a1: {  	v2 =	vmul.f32 $1.442695020e+00, v2;
	_ =	sdelay $0x1  }
0x1a2: {  	(erf) = vpow2.f32 v2;
	_ =	sdelay $0x3  }
0x1a3: {  	v3 =	vld [tilespmem:$0x1FFF0];
	_ =	sdelay $0x4  }
0x1a4: {  	v2 =	vpop (erf)  }
0x1a5: {  	[tilespmem:v45+s26+$0x0] =	vst.idx.msk $0xffff, v2  }
0x1a6: {  	v2 =	vld.idx.msk [tilespmem:v47+s14+$0x0], $0xffff  }
0x1a7: {  	v6 =	vld.idx.msk [tilespmem:v3+s15+$0x0], $0xffff;
	_ =	sdelay $0x4  }
0x1a8: {  	v2 =	vadd.f32 v6, v2;
	_ =	sdelay $0x1  }
0x1a9: {  	v6 =	vmul.f32 $2.000000030e-01, v2;
	_ =	sdelay $0x1  }
0x1aa: {  	v2 =	vmax.f32 v2, v6  }
0x1ab: {  	v2 =	vsub.f32 v2, v49;
	_ =	sdelay $0x1  }
0x1ac: {  	v2 =	vmul.f32 $1.442695020e+00, v2;
	_ =	sdelay $0x1  }
0x1ad: {  	(erf) = vpow2.f32 v2;
	_ =	sdelay $0x8  }
0x1ae: {  	v2 =	vpop (erf)  }
0x1af: {  	[tilespmem:v47+s26+$0x0] =	vst.idx.msk $0xffff, v2  }
0x1b0: {  	_ =	swait.ge [sflag:s28], $0x3600  }
0x1b1: {  	[sflag:s28] =	ssyncset.done $0x0  }
0x1b2: {  	s11 =	simm.s32 $0x1E3D0;
	[sflag:s28] =	ssyncadd.s32 $0xFFFFCA00  }
0x1b3: {  	v54 =	vld [tilespmem:s11+$0x30]  }
0x1b4: {  	s24 =	simm.s32 $0x161D0;
	v2 =	vld [tilespmem:s11+$0xFFFFFFD0]  }
0x1b5: {  	v8 =	vld [tilespmem:s24+$0x220]  }
0x1b6: {  	v10 =	vld [tilespmem:s11+$0xFFFFFFE0]  }
0x1b7: {  	v12 =	vld [tilespmem:s11+$0xFFFFFFF0]  }
0x1b8: {  	v6 =	vld [tilespmem:s11+$0x0]  }
0x1b9: {  	v56 =	vld [tilespmem:s11+$0x10]  }
0x1ba: {  	v15 =	vld [tilespmem:s11+$0xFFFFFFC0]  }
0x1bb: {  	v18 =	vld [tilespmem:s24+$0xFFFFFDC0]  }
0x1bc: {  	v21 =	vld [tilespmem:s24+$0xFFFFFDD0]  }
0x1bd: {  	v24 =	vld [tilespmem:s24+$0xFFFFFDE0]  }
0x1be: {  	v57 =	vld [tilespmem:s24+$0xFFFFFDF0]  }
0x1bf: {  	v58 =	vld [tilespmem:s24+$0xFFFFFE00]  }
0x1c0: {  	v59 =	vld [tilespmem:s24+$0xFFFFFE10]  }
0x1c1: {  	v55 =	vld [tilespmem:s11+$0x20];
	[tilespmem:s24+$0xFFFFFE40] =	vst v15  }
0x1c2: {  	v60 =	vld [tilespmem:s24+$0xFFFFFE30];
	[tilespmem:s24+$0xFFFFFED0] =	vst v2  }
0x1c3: {  	v61 =	vld [tilespmem:s24+$0xFFFFFE50];
	[tilespmem:s24+$0xFFFFFF60] =	vst v10  }
0x1c4: {  	v62 =	vld [tilespmem:s24+$0xFFFFFE60];
	[tilespmem:s24+$0xFFFFFFF0] =	vst v12  }
0x1c5: {  	v4 =	vld [tilespmem:s24+$0xFFFFFE70];
	v53 =	vbroadcast v54, $0x3;
	[tilespmem:s24+$0x80] =	vst v6  }
0x1c6: {  	v26 =	vld [tilespmem:s24+$0xFFFFFE80];
	v63 =	vbroadcast v15, $0x0;
	[tilespmem:s24+$0x110] =	vst v56  }
0x1c7: {  	v30 =	vld [tilespmem:s24+$0xFFFFFE90];
	v28 =	vbroadcast v15, $0x1;
	[tilespmem:s24+$0x1A0] =	vst v55;
	v8 =	vmul.f32 v8, v53  }
0x1c8: {  	v46 =	vld [tilespmem:s24+$0xFFFFFEA0];
	[tilespmem:s24+$0x230] =	vst v54;
	v32 =	vbroadcast v15, $0x2;
	v18 =	vmul.f32 v63, v18  }
0x1c9: {  	v44 =	vld [tilespmem:s24+$0xFFFFFF50];
	v38 =	vbroadcast v2, $0x1;
	v21 =	vmul.f32 v21, v63;
	[tilespmem:s24+$0x220] =	vst v8  }
0x1ca: {  	v24 =	vmul.f32 v24, v28;
	v28 =	vmul.f32 v57, v28;
	v57 =	vld [tilespmem:s24+$0xFFFFFF00];
	[tilespmem:s24+$0xFFFFFDC0] =	vst v18  }
0x1cb: {  	v4 =	vmul.f32 v4, v38;
	v26 =	vmul.f32 v26, v38;
	v38 =	vld [tilespmem:s24+$0x0];
	[tilespmem:s24+$0xFFFFFDD0] =	vst v21  }
0x1cc: {  	v36 =	vbroadcast v2, $0x0;
	v48 =	vmul.f32 v58, v32;
	v63 =	vld [tilespmem:s24+$0xF0];
	[tilespmem:s24+$0xFFFFFDE0] =	vst v24  }
0x1cd: {  	v32 =	vmul.f32 v59, v32;
	v8 =	vld [tilespmem:s24+$0xFFFFFE20];
	[tilespmem:s24+$0xFFFFFDF0] =	vst v28  }
0x1ce: {  	v40 =	vmul.f32 v36, v61;
	v18 =	vld [tilespmem:s24+$0xFFFFFEB0];
	[tilespmem:s24+$0xFFFFFE00] =	vst v48  }
0x1cf: {  	v58 =	vmul.f32 v62, v36;
	v21 =	vld [tilespmem:s24+$0xFFFFFEC0];
	[tilespmem:s24+$0xFFFFFE10] =	vst v32  }
0x1d0: {  	v42 =	vbroadcast v2, $0x2;
	v24 =	vld [tilespmem:s24+$0xFFFFFEE0];
	[tilespmem:s24+$0xFFFFFE50] =	vst v40  }
0x1d1: {  	v28 =	vld [tilespmem:s24+$0xFFFFFEF0];
	[tilespmem:s24+$0xFFFFFE60] =	vst v58  }
0x1d2: {  	v34 =	vbroadcast v10, $0x1;
	v30 =	vmul.f32 v30, v42;
	v32 =	vld [tilespmem:s24+$0xFFFFFF10];
	[tilespmem:s24+$0xFFFFFE70] =	vst v4  }
0x1d3: {  	v15 =	vbroadcast v15, $0x3;
	v46 =	vmul.f32 v46, v42;
	v4 =	vld [tilespmem:s24+$0xFFFFFF70];
	[tilespmem:s24+$0xFFFFFE80] =	vst v26  }
0x1d4: {  	v26 =	vld [tilespmem:s24+$0xFFFFFF80];
	[tilespmem:s24+$0xFFFFFE90] =	vst v30;
	v57 =	vmul.f32 v57, v34  }
0x1d5: {  	v2 =	vbroadcast v2, $0x3;
	v30 =	vld [tilespmem:s24+$0xFFFFFF90];
	[tilespmem:s24+$0xFFFFFEA0] =	vst v46;
	v8 =	vmul.f32 v8, v15  }
0x1d6: {  	v40 =	vld [tilespmem:s24+$0x10];
	v15 =	vmul.f32 v60, v15;
	[tilespmem:s24+$0xFFFFFF00] =	vst v57  }
0x1d7: {  	v48 =	vbroadcast v10, $0x0;
	v46 =	vld [tilespmem:s24+$0x40];
	v18 =	vmul.f32 v18, v2;
	[tilespmem:s24+$0xFFFFFE20] =	vst v8  }
0x1d8: {  	v61 =	vbroadcast v6, $0x0;
	v60 =	vld [tilespmem:s24+$0xFFFFFF40];
	v2 =	vmul.f32 v21, v2;
	[tilespmem:s24+$0xFFFFFE30] =	vst v15  }
0x1d9: {  	v42 =	vbroadcast v12, $0x0;
	v21 =	vld [tilespmem:s24+$0xFFFFFFA0];
	v24 =	vmul.f32 v48, v24;
	[tilespmem:s24+$0xFFFFFEB0] =	vst v18  }
0x1da: {  	v28 =	vmul.f32 v28, v48;
	v57 =	vmul.f32 v61, v38;
	v38 =	vld [tilespmem:s24+$0x100];
	[tilespmem:s24+$0xFFFFFEC0] =	vst v2  }
0x1db: {  	v32 =	vmul.f32 v32, v34;
	v8 =	vld [tilespmem:s24+$0xFFFFFF20];
	[tilespmem:s24+$0xFFFFFEE0] =	vst v24  }
0x1dc: {  	v4 =	vmul.f32 v42, v4;
	v15 =	vld [tilespmem:s24+$0xFFFFFF30];
	[tilespmem:s24+$0xFFFFFEF0] =	vst v28  }
0x1dd: {  	v26 =	vmul.f32 v26, v42;
	v18 =	vld [tilespmem:s24+$0xFFFFFFB0];
	[tilespmem:s24+$0xFFFFFF10] =	vst v32  }
0x1de: {  	v36 =	vbroadcast v10, $0x2;
	v10 =	vbroadcast v10, $0x3;
	v2 =	vld [tilespmem:s24+$0xFFFFFFC0];
	[tilespmem:s24+$0xFFFFFF70] =	vst v4  }
0x1df: {  	v24 =	vld [tilespmem:s24+$0xFFFFFFD0];
	[tilespmem:s24+$0xFFFFFF80] =	vst v26;
	v32 =	vmul.f32 v40, v61  }
0x1e0: {  	v28 =	vld [tilespmem:s24+$0xFFFFFFE0];
	[tilespmem:s24+$0x0] =	vst v57;
	v60 =	vmul.f32 v60, v10  }
0x1e1: {  	v4 =	vld [tilespmem:s24+$0x60];
	[tilespmem:s24+$0x10] =	vst v32;
	v10 =	vmul.f32 v44, v10  }
0x1e2: {  	v26 =	vld [tilespmem:s24+$0x70];
	v44 =	vbroadcast v12, $0x1;
	v8 =	vmul.f32 v8, v36;
	[tilespmem:s24+$0xFFFFFF40] =	vst v60  }
0x1e3: {  	v48 =	vbroadcast v12, $0x2;
	v15 =	vmul.f32 v15, v36;
	[tilespmem:s24+$0xFFFFFF50] =	vst v10;
	v10 =	vld [tilespmem:s24+$0x50]  }
0x1e4: {  	v30 =	vmul.f32 v30, v44;
	v21 =	vmul.f32 v21, v44;
	v44 =	vld [tilespmem:s24+$0x170];
	[tilespmem:s24+$0xFFFFFF20] =	vst v8  }
0x1e5: {  	v62 =	vbroadcast v6, $0x2;
	v12 =	vbroadcast v12, $0x3;
	v8 =	vld [tilespmem:s24+$0x20];
	[tilespmem:s24+$0xFFFFFF30] =	vst v15  }
0x1e6: {  	v18 =	vmul.f32 v18, v48;
	v2 =	vmul.f32 v2, v48;
	v15 =	vld [tilespmem:s24+$0x30];
	[tilespmem:s24+$0xFFFFFF90] =	vst v30  }
0x1e7: {  	v24 =	vmul.f32 v24, v12;
	v12 =	vmul.f32 v28, v12;
	v30 =	vld [tilespmem:s24+$0x90];
	[tilespmem:s24+$0xFFFFFFA0] =	vst v21  }
0x1e8: {  	v28 =	vbroadcast v6, $0x1;
	v6 =	vbroadcast v6, $0x3;
	v21 =	vld [tilespmem:s24+$0xA0];
	[tilespmem:s24+$0xFFFFFFB0] =	vst v18  }
0x1e9: {  	v40 =	vbroadcast v56, $0x2;
	v18 =	vld [tilespmem:s24+$0xB0];
	[tilespmem:s24+$0xFFFFFFC0] =	vst v2  }
0x1ea: {  	v2 =	vld [tilespmem:s24+$0xC0];
	[tilespmem:s24+$0xFFFFFFD0] =	vst v24;
	v4 =	vmul.f32 v4, v6;
	v6 =	vmul.f32 v26, v6  }
0x1eb: {  	v36 =	vbroadcast v56, $0x0;
	v24 =	vld [tilespmem:s24+$0xD0];
	[tilespmem:s24+$0xFFFFFFE0] =	vst v12;
	v10 =	vmul.f32 v10, v62  }
0x1ec: {  	v12 =	vld [tilespmem:s24+$0xE0];
	v26 =	vbroadcast v56, $0x1;
	[tilespmem:s24+$0x70] =	vst v6;
	v8 =	vmul.f32 v8, v28  }
0x1ed: {  	v6 =	vbroadcast v55, $0x1;
	v15 =	vmul.f32 v15, v28;
	[tilespmem:s24+$0x50] =	vst v10;
	v10 =	vld [tilespmem:s24+$0x150]  }
0x1ee: {  	v28 =	vmul.f32 v46, v62;
	v30 =	vmul.f32 v36, v30;
	[tilespmem:s24+$0x20] =	vst v8;
	v8 =	vld [tilespmem:s24+$0x120]  }
0x1ef: {  	v21 =	vmul.f32 v21, v36;
	v18 =	vmul.f32 v18, v26;
	[tilespmem:s24+$0x30] =	vst v15;
	v15 =	vld [tilespmem:s24+$0x130]  }
0x1f0: {  	v26 =	vmul.f32 v2, v26;
	v2 =	vbroadcast v56, $0x3;
	[tilespmem:s24+$0x40] =	vst v28;
	v28 =	vld [tilespmem:s24+$0x140]  }
0x1f1: {  	v24 =	vmul.f32 v24, v40;
	v42 =	vmul.f32 v12, v40;
	[tilespmem:s24+$0x90] =	vst v30;
	v30 =	vld [tilespmem:s24+$0x180]  }
0x1f2: {  	v12 =	vbroadcast v55, $0x0;
	v56 =	vbroadcast v54, $0x1;
	[tilespmem:s24+$0xA0] =	vst v21;
	v21 =	vld [tilespmem:s24+$0x190]  }
0x1f3: {  	[tilespmem:s24+$0x60] =	vst v4;
	v4 =	vld [tilespmem:s24+$0x160];
	v57 =	vmul.f32 v63, v2;
	v32 =	vmul.f32 v38, v2  }
0x1f4: {  	v48 =	vld [tilespmem:s24+$0x1B0];
	[tilespmem:s24+$0xB0] =	vst v18;
	v18 =	vbroadcast v55, $0x3;
	v46 =	vmul.f32 v12, v8  }
0x1f5: {  	[tilespmem:s24+$0xC0] =	vst v26;
	v26 =	vld [tilespmem:s24+$0x1C0];
	v2 =	vmul.f32 v15, v12;
	v12 =	vbroadcast v55, $0x2  }
0x1f6: {  	v58 =	vld [tilespmem:s24+$0x1D0];
	[tilespmem:s24+$0xD0] =	vst v24;
	v8 =	vmul.f32 v28, v6;
	v6 =	vmul.f32 v10, v6  }
0x1f7: {  	v59 =	vld [tilespmem:s24+$0x1E0];
	[tilespmem:s24+$0xE0] =	vst v42;
	v15 =	vmul.f32 v30, v18;
	v18 =	vmul.f32 v21, v18  }
0x1f8: {  	[tilespmem:s24+$0xF0] =	vst v57;
	v57 =	vld [tilespmem:s24+$0x1F0];
	v10 =	vmul.f32 v4, v12;
	v4 =	vbroadcast v54, $0x0  }
0x1f9: {  	v60 =	vld [tilespmem:s24+$0x200];
	[tilespmem:s24+$0x100] =	vst v32;
	v55 =	vbroadcast v54, $0x2;
	v12 =	vmul.f32 v44, v12  }
0x1fa: {  	s4 =	simm.s32 $0x0;
	s0 =	simm.s32 $0x161D0;
	s11 =	simm.s32 $0x1E450;
	[tilespmem:s24+$0x120] =	vst v46;
	v54 =	vld [tilespmem:s24+$0x210];
	v24 =	vmul.f32 v4, v48;
	v21 =	vmul.f32 v26, v4  }
.LBB2_5:
0x1fb: {  	v4 =	vld [tilespmem:s11+$0x30];
	s4 =	sadd.s32 $0x8, s4;
	[tilespmem:s24+$0x130] =	vst v2;
	v2 =	vmul.f32 v58, v56  }
0x1fc: {  	s24 =	sadd.s32 $0x480, s24;
	v26 =	vld [tilespmem:s11+$0xFFFFFFD0];
	p1 =	slt.u32 s4, $0x58;
	[tilespmem:s0+$0x140] =	vst v8;
	v8 =	vmul.f32 v59, v56  }
0x1fd: {  	v28 =	vld [tilespmem:s24+$0x220];
	[tilespmem:s0+$0x150] =	vst v6;
	v6 =	vmul.f32 v57, v55  }
0x1fe: {  	v30 =	vld [tilespmem:s11+$0xFFFFFFE0];
	[tilespmem:s0+$0x160] =	vst v10;
	v32 =	vmul.f32 v60, v55  }
0x1ff: {  	v55 =	vld [tilespmem:s11+$0xFFFFFFF0];
	[tilespmem:s0+$0x170] =	vst v12;
	v12 =	vmul.f32 v54, v53  }
0x200: {  	v56 =	vld [tilespmem:s11+$0x0];
	v54 =	vbroadcast v4, $0x0;
	v53 =	vbroadcast v4, $0x3;
	[tilespmem:s0+$0x180] =	vst v15  }
0x201: {  	v34 =	vbroadcast v26, $0x0;
	v16 =	vbroadcast v26, $0x1;
	v57 =	vld [tilespmem:s11+$0x10];
	[tilespmem:s0+$0x190] =	vst v18  }
0x202: {  	v36 =	vbroadcast v26, $0x2;
	v38 =	vld [tilespmem:s11+$0x20];
	v10 =	vmul.f32 v28, v53;
	[tilespmem:s0+$0x1B0] =	vst v24  }
0x203: {  	v28 =	vbroadcast v26, $0x3;
	v18 =	vld [tilespmem:s11+$0xFFFFFFC0];
	v22 =	vbroadcast v30, $0x0;
	[tilespmem:s0+$0x1C0] =	vst v21  }
0x204: {  	v42 =	vbroadcast v30, $0x1;
	v44 =	vbroadcast v30, $0x2;
	v40 =	vld [tilespmem:s24+$0xFFFFFDC0];
	[tilespmem:s24+$0x220] =	vst v10  }
0x205: {  	v48 =	vbroadcast v30, $0x3;
	v24 =	vbroadcast v55, $0x0;
	v46 =	vld [tilespmem:s24+$0xFFFFFDD0];
	[tilespmem:s0+$0x1D0] =	vst v2  }
0x206: {  	v21 =	vbroadcast v55, $0x2;
	v2 =	vbroadcast v55, $0x1;
	v5 =	vld [tilespmem:s24+$0xFFFFFDE0];
	[tilespmem:s0+$0x1E0] =	vst v8  }
0x207: {  	v15 =	vbroadcast v55, $0x3;
	v10 =	vbroadcast v56, $0x0;
	v7 =	vld [tilespmem:s24+$0xFFFFFDF0];
	[tilespmem:s0+$0x1F0] =	vst v6  }
0x208: {  	v9 =	vbroadcast v18, $0x0;
	v11 =	vbroadcast v18, $0x1;
	v14 =	vld [tilespmem:s24+$0xFFFFFE00];
	[tilespmem:s0+$0x200] =	vst v32  }
0x209: {  	v32 =	vbroadcast v18, $0x2;
	v20 =	vbroadcast v18, $0x3;
	v17 =	vld [tilespmem:s24+$0xFFFFFE10];
	[tilespmem:s0+$0x210] =	vst v12;
	s0 =	smov.u32 s24  }
0x20a: {  	v12 =	vbroadcast v56, $0x2;
	v3 =	vld [tilespmem:s24+$0xFFFFFE20];
	[tilespmem:s24+$0xFFFFFE40] =	vst v18;
	v18 =	vbroadcast v56, $0x1  }
0x20b: {  	v8 =	vbroadcast v56, $0x3;
	v6 =	vbroadcast v57, $0x0;
	v23 =	vld [tilespmem:s24+$0xFFFFFE30];
	[tilespmem:s24+$0xFFFFFED0] =	vst v26  }
0x20c: {  	v63 =	vbroadcast v57, $0x1;
	v62 =	vbroadcast v57, $0x2;
	v26 =	vld [tilespmem:s24+$0xFFFFFE50];
	[tilespmem:s24+$0xFFFFFF60] =	vst v30  }
0x20d: {  	v61 =	vbroadcast v57, $0x3;
	v60 =	vbroadcast v38, $0x0;
	v30 =	vld [tilespmem:s24+$0xFFFFFE60];
	[tilespmem:s24+$0xFFFFFFF0] =	vst v55  }
0x20e: {  	v59 =	vbroadcast v38, $0x1;
	v58 =	vbroadcast v38, $0x2;
	v25 =	vld [tilespmem:s24+$0xFFFFFE70];
	[tilespmem:s24+$0x80] =	vst v56  }
0x20f: {  	v56 =	vbroadcast v4, $0x1;
	v27 =	vld [tilespmem:s24+$0xFFFFFE80];
	[tilespmem:s24+$0x110] =	vst v57;
	v57 =	vbroadcast v38, $0x3  }
0x210: {  	v40 =	vmul.f32 v9, v40;
	v55 =	vbroadcast v4, $0x2;
	v29 =	vld [tilespmem:s24+$0xFFFFFE90];
	[tilespmem:s24+$0x1A0] =	vst v38  }
0x211: {  	v9 =	vmul.f32 v46, v9;
	v5 =	vmul.f32 v5, v11;
	v38 =	vld [tilespmem:s24+$0xFFFFFEA0];
	[tilespmem:s24+$0x230] =	vst v4  }
0x212: {  	v4 =	vmul.f32 v7, v11;
	v7 =	vmul.f32 v14, v32;
	[tilespmem:s24+$0xFFFFFDC0] =	vst v40;
	v11 =	vld [tilespmem:s24+$0xFFFFFEB0]  }
0x213: {  	v3 =	vmul.f32 v3, v20;
	[tilespmem:s24+$0xFFFFFDD0] =	vst v9;
	v9 =	vmul.f32 v17, v32;
	v14 =	vld [tilespmem:s24+$0xFFFFFEC0]  }
0x214: {  	v17 =	vmul.f32 v34, v26;
	[tilespmem:s24+$0xFFFFFDE0] =	vst v5;
	v5 =	vmul.f32 v23, v20;
	v20 =	vld [tilespmem:s24+$0xFFFFFEE0]  }
0x215: {  	v23 =	vmul.f32 v25, v16;
	[tilespmem:s24+$0xFFFFFDF0] =	vst v4;
	v4 =	vmul.f32 v30, v34;
	v25 =	vld [tilespmem:s24+$0xFFFFFEF0]  }
0x216: {  	[tilespmem:s24+$0xFFFFFE00] =	vst v7;
	v7 =	vmul.f32 v27, v16;
	v16 =	vmul.f32 v29, v36;
	v26 =	vld [tilespmem:s24+$0xFFFFFF00]  }
0x217: {  	[tilespmem:s24+$0xFFFFFE10] =	vst v9;
	v9 =	vmul.f32 v38, v36;
	v11 =	vmul.f32 v11, v28;
	v27 =	vld [tilespmem:s24+$0xFFFFFF10]  }
0x218: {  	[tilespmem:s24+$0xFFFFFE20] =	vst v3;
	v3 =	vmul.f32 v14, v28;
	v14 =	vld [tilespmem:s24+$0xFFFFFF20]  }
0x219: {  	[tilespmem:s24+$0xFFFFFE30] =	vst v5;
	v5 =	vmul.f32 v22, v20;
	v20 =	vld [tilespmem:s24+$0xFFFFFF30]  }
0x21a: {  	[tilespmem:s24+$0xFFFFFE50] =	vst v17;
	v17 =	vmul.f32 v25, v22;
	v22 =	vld [tilespmem:s24+$0xFFFFFF40]  }
0x21b: {  	[tilespmem:s24+$0xFFFFFE60] =	vst v4;
	v4 =	vmul.f32 v26, v42;
	v25 =	vld [tilespmem:s24+$0xFFFFFF50]  }
0x21c: {  	[tilespmem:s24+$0xFFFFFE70] =	vst v23;
	v23 =	vmul.f32 v27, v42;
	v26 =	vld [tilespmem:s24+$0xFFFFFF70]  }
0x21d: {  	[tilespmem:s24+$0xFFFFFE80] =	vst v7;
	v7 =	vmul.f32 v14, v44;
	v14 =	vld [tilespmem:s24+$0xFFFFFF80]  }
0x21e: {  	[tilespmem:s24+$0xFFFFFE90] =	vst v16;
	v16 =	vmul.f32 v20, v44;
	v20 =	vld [tilespmem:s24+$0xFFFFFF90]  }
0x21f: {  	[tilespmem:s24+$0xFFFFFEA0] =	vst v9;
	v9 =	vmul.f32 v22, v48;
	v22 =	vld [tilespmem:s24+$0xFFFFFFA0]  }
0x220: {  	[tilespmem:s24+$0xFFFFFEB0] =	vst v11;
	v11 =	vmul.f32 v25, v48;
	v25 =	vld [tilespmem:s24+$0xFFFFFFB0]  }
0x221: {  	[tilespmem:s24+$0xFFFFFEC0] =	vst v3;
	v3 =	vmul.f32 v24, v26;
	v26 =	vld [tilespmem:s24+$0xFFFFFFC0]  }
0x222: {  	[tilespmem:s24+$0xFFFFFEE0] =	vst v5;
	v5 =	vmul.f32 v14, v24;
	v14 =	vld [tilespmem:s24+$0xFFFFFFD0]  }
0x223: {  	[tilespmem:s24+$0xFFFFFEF0] =	vst v17;
	v17 =	vmul.f32 v20, v2;
	v20 =	vld [tilespmem:s24+$0xFFFFFFE0]  }
0x224: {  	[tilespmem:s24+$0xFFFFFF00] =	vst v4;
	v2 =	vmul.f32 v22, v2;
	v4 =	vld [tilespmem:s24+$0x0]  }
0x225: {  	[tilespmem:s24+$0xFFFFFF10] =	vst v23;
	v22 =	vmul.f32 v25, v21;
	v23 =	vld [tilespmem:s24+$0x10]  }
0x226: {  	[tilespmem:s24+$0xFFFFFF20] =	vst v7;
	v7 =	vmul.f32 v26, v21;
	v21 =	vld [tilespmem:s24+$0x20]  }
0x227: {  	[tilespmem:s24+$0xFFFFFF30] =	vst v16;
	v14 =	vmul.f32 v14, v15;
	v16 =	vld [tilespmem:s24+$0x30]  }
0x228: {  	[tilespmem:s24+$0xFFFFFF40] =	vst v9;
	v9 =	vmul.f32 v20, v15;
	v15 =	vld [tilespmem:s24+$0x40]  }
0x229: {  	[tilespmem:s24+$0xFFFFFF50] =	vst v11;
	v4 =	vmul.f32 v10, v4;
	v11 =	vld [tilespmem:s24+$0x50]  }
0x22a: {  	[tilespmem:s24+$0xFFFFFF70] =	vst v3;
	v3 =	vmul.f32 v23, v10;
	v10 =	vld [tilespmem:s24+$0x60]  }
0x22b: {  	[tilespmem:s24+$0xFFFFFF80] =	vst v5;
	v5 =	vmul.f32 v21, v18;
	v20 =	vld [tilespmem:s24+$0x70]  }
0x22c: {  	[tilespmem:s24+$0xFFFFFF90] =	vst v17;
	v16 =	vmul.f32 v16, v18;
	v17 =	vld [tilespmem:s24+$0x90]  }
0x22d: {  	[tilespmem:s24+$0xFFFFFFA0] =	vst v2;
	v2 =	vmul.f32 v15, v12;
	v15 =	vld [tilespmem:s24+$0xA0]  }
0x22e: {  	[tilespmem:s24+$0xFFFFFFB0] =	vst v22;
	v11 =	vmul.f32 v11, v12;
	v12 =	vld [tilespmem:s24+$0xB0]  }
0x22f: {  	[tilespmem:s24+$0xFFFFFFC0] =	vst v7;
	v7 =	vmul.f32 v10, v8;
	v10 =	vld [tilespmem:s24+$0xC0]  }
0x230: {  	[tilespmem:s24+$0xFFFFFFD0] =	vst v14;
	v8 =	vmul.f32 v20, v8;
	v14 =	vld [tilespmem:s24+$0xD0]  }
0x231: {  	[tilespmem:s24+$0xFFFFFFE0] =	vst v9;
	v9 =	vmul.f32 v6, v17;
	v17 =	vld [tilespmem:s24+$0xE0]  }
0x232: {  	[tilespmem:s24+$0x0] =	vst v4;
	v4 =	vmul.f32 v15, v6;
	v6 =	vld [tilespmem:s24+$0xF0]  }
0x233: {  	[tilespmem:s24+$0x10] =	vst v3;
	v3 =	vmul.f32 v12, v63;
	v12 =	vld [tilespmem:s24+$0x100]  }
0x234: {  	[tilespmem:s24+$0x20] =	vst v5;
	v5 =	vmul.f32 v10, v63;
	v10 =	vld [tilespmem:s24+$0x120]  }
0x235: {  	[tilespmem:s24+$0x30] =	vst v16;
	v14 =	vmul.f32 v14, v62;
	v15 =	vld [tilespmem:s24+$0x130]  }
0x236: {  	[tilespmem:s24+$0x40] =	vst v2;
	v16 =	vmul.f32 v17, v62;
	v17 =	vld [tilespmem:s24+$0x140]  }
0x237: {  	[tilespmem:s24+$0x50] =	vst v11;
	v11 =	vmul.f32 v6, v61;
	v6 =	vld [tilespmem:s24+$0x150]  }
0x238: {  	[tilespmem:s24+$0x60] =	vst v7;
	v7 =	vmul.f32 v12, v61;
	v12 =	vld [tilespmem:s24+$0x160]  }
0x239: {  	[tilespmem:s24+$0x70] =	vst v8;
	v20 =	vmul.f32 v60, v10;
	v18 =	vld [tilespmem:s24+$0x170]  }
0x23a: {  	[tilespmem:s24+$0x90] =	vst v9;
	v2 =	vmul.f32 v15, v60;
	v9 =	vld [tilespmem:s24+$0x180]  }
0x23b: {  	[tilespmem:s24+$0xA0] =	vst v4;
	v8 =	vmul.f32 v17, v59;
	v4 =	vld [tilespmem:s24+$0x190]  }
0x23c: {  	[tilespmem:s24+$0xB0] =	vst v3;
	v6 =	vmul.f32 v6, v59;
	v3 =	vld [tilespmem:s24+$0x1B0]  }
0x23d: {  	[tilespmem:s24+$0xC0] =	vst v5;
	v10 =	vmul.f32 v12, v58;
	v5 =	vld [tilespmem:s24+$0x1C0]  }
.Ltmp1:
0x23e: {  	[tilespmem:s24+$0xD0] =	vst v14;
	v12 =	vmul.f32 v18, v58;
	v58 =	vld [tilespmem:s24+$0x1D0];
	(pc) =	sbr.rel @p1 .LBB2_5-.Ltmp1, $4  }
0x23f: {  	[tilespmem:s24+$0xE0] =	vst v16;
	v15 =	vmul.f32 v9, v57;
	v59 =	vld [tilespmem:s24+$0x1E0]  }
0x240: {  	[tilespmem:s24+$0xF0] =	vst v11;
	v18 =	vmul.f32 v4, v57;
	v57 =	vld [tilespmem:s24+$0x1F0]  }
0x241: {  	[tilespmem:s24+$0x100] =	vst v7;
	v24 =	vmul.f32 v54, v3;
	v60 =	vld [tilespmem:s24+$0x200]  }
0x242: {  	s11 =	sadd.s32 $0x80, s11;
	[tilespmem:s24+$0x120] =	vst v20;
	v21 =	vmul.f32 v5, v54;
	v54 =	vld [tilespmem:s24+$0x210]  }
0x243: {  	[tilespmem:s24+$0x130] =	vst v2  }
0x244: {  	[tilespmem:s0+$0x1B0] =	vst v24  }
0x245: {  	[tilespmem:s0+$0x140] =	vst v8  }
0x246: {  	[tilespmem:s0+$0x150] =	vst v6  }
0x247: {  	[tilespmem:s0+$0x160] =	vst v10  }
0x248: {  	[tilespmem:s0+$0x170] =	vst v12  }
0x249: {  	[tilespmem:s0+$0x180] =	vst v15  }
0x24a: {  	v2 =	vmul.f32 v58, v56;
	[tilespmem:s0+$0x190] =	vst v18  }
0x24b: {  	v3 =	vmul.f32 v59, v56;
	[tilespmem:s0+$0x1C0] =	vst v21  }
0x24c: {  	v4 =	vmul.f32 v57, v55;
	[tilespmem:s0+$0x1D0] =	vst v2  }
0x24d: {  	v2 =	vmul.f32 v60, v55;
	[tilespmem:s0+$0x1E0] =	vst v3  }
0x24e: {  	v3 =	vmul.f32 v54, v53;
	[tilespmem:s0+$0x1F0] =	vst v4  }
0x24f: {  	p1 =	seq.s32 s9, $0x33;
	[tilespmem:s0+$0x200] =	vst v2  }
0x250: {  	s11 =	simm.s32 $0x1EA50;
	s1 =	simm.s32 $0x15F90;
	[tilespmem:s0+$0x210] =	vst v3;
	s0 =	simm.s32 @!p1 $0x7  }
0x251: {  	[spmem:s2] =	stream.indirect.scatter.add.f32 [tilespmem:s1], [sflag:$0x7], $0x90, s11, s12, $0xb8;
	[tilespmem:$0x1EB40] =	vst v63  }
0x252: {  	_ =	swait.ge @!p1 [sflag:s0], $0x3600  }
0x253: {  	s1 =	sadd.s32 @!p1 s10, s19;
	[sflag:s0] =	ssyncset.done @!p1 $0x0  }
0x254: {  	[sflag:s0] =	ssyncadd.s32 @!p1 $0xFFFFCA00;
	s0 =	sshrl.u32 @!p1 s1, $0x3  }
0x255: {  	s3 =	simm.s32 @!p1 $0x0;
	s4 =	simm.s32 @!p1 $0x1E990;
	s1 =	sadd.s32 @!p1 s5, s0  }
0x256: {  	[tilespmem:s4], [sflag:$0x9] =	stream.linear.gather @!p1 [hbm4b:s1+s3], $0x60, $0x38;
	[tilespmem:$0x1EB40] =	vst v63  }
0x257: {  	s1 =	simm.s32 @!p1 $0x9  }
0x258: {  	_ =	swait.ge @!p1 [sflag:s1], $0x60  }
0x259: {  	[sflag:s1] =	ssyncset.done @!p1 $0x0  }
0x25a: {  	s10 =	simm.s32 @!p1 $0x1EA50;
	s0 =	sadd.s32 @!p1 s13, s0;
	[sflag:s1] =	ssyncadd.s32 @!p1 $0xFFFFFFA0  }
0x25b: {  	[tilespmem:s10], [sflag:$0x9] =	stream.linear.gather @!p1 [hbm4b:s0+s3], $0x60, $0x38;
	[tilespmem:$0x1EB40] =	vst v63  }
0x25c: {  	_ =	swait.ge @!p1 [sflag:s1], $0x60  }
0x25d: {  	[sflag:s1] =	ssyncset.done @!p1 $0x0  }
0x25e: {  	s0 =	simm.s32 @!p1 $0x60;
	[sflag:s1] =	ssyncadd.s32 @!p1 $0xFFFFFFA0;
	s1 =	simm.s32 @!p1 $0x15F90  }
0x25f: {  	[tilespmem:s1], [sflag:$0x1] =	stream.indirect.gather @!p1 [hbm4b:s6+s0], $0x90, s4, s0, $0xb8;
	[tilespmem:$0x1EB40] =	vst v63  }
0x260: {  	s1 =	simm.s32 @!p1 $0x1CB90  }
0x261: {  	[tilespmem:s1], [sflag:$0x3] =	stream.indirect.gather @!p1 [hbm4b:s7+s0], $0x10, s4, s0, $0xb8;
	[tilespmem:$0x1EB40] =	vst v63  }
0x262: {  	s1 =	simm.s32 @!p1 $0x1D790  }
0x263: {  	[tilespmem:s1], [sflag:$0x5] =	stream.indirect.gather @!p1 [hbm4b:s7+s0], $0x10, s10, s0, $0xb8;
	[tilespmem:$0x1EB40] =	vst v63  }
0x264: {  	_ =	swait.ge [sflag:s29], $0x600  }
0x265: {  	[sflag:s29] =	ssyncset.done $0x0  }
0x266: {  	[sflag:s29] =	ssyncadd.s32 $0xFFFFFA00  }
0x267: {  	_ =	swait.ge [sflag:s30], $0x600  }
0x268: {  	v3 =	vld [tilespmem:$0x1FDC0];
	_ =	sdelay $0x4  }
0x269: {  	[sflag:s30] =	ssyncset.done $0x0  }
0x26a: {  	[sflag:s30] =	ssyncadd.s32 $0xFFFFFA00  }
0x26b: {  	v2 =	vld.idx.msk [tilespmem:v0+s21+$0x0], $0xffff  }
0x26c: {  	v3 =	vld.idx.msk [tilespmem:v3+s22+$0x0], $0xffff;
	_ =	sdelay $0x4  }
0x26d: {  	v2 =	vadd.f32 v3, v2;
	_ =	sdelay $0x1  }
0x26e: {  	v3 =	vmul.f32 $2.000000030e-01, v2;
	_ =	sdelay $0x1  }
0x26f: {  	v2 =	vmax.f32 v2, v3  }
0x270: {  	v2 =	vsub.f32 v2, v52;
	_ =	sdelay $0x1  }
0x271: {  	v2 =	vmul.f32 $1.442695020e+00, v2;
	_ =	sdelay $0x1  }
0x272: {  	(erf) = vpow2.f32 v2;
	_ =	sdelay $0x2  }
0x273: {  	v4 =	vld [tilespmem:$0x1FDD0]  }
0x274: {  	v3 =	vld [tilespmem:$0x1FDE0];
	_ =	sdelay $0x4  }
0x275: {  	v2 =	vpop (erf)  }
0x276: {  	[tilespmem:v0+s26+$0x0] =	vst.idx.msk $0xffff, v2  }
0x277: {  	v2 =	vld.idx.msk [tilespmem:v4+s21+$0x0], $0xffff  }
0x278: {  	v3 =	vld.idx.msk [tilespmem:v3+s22+$0x0], $0xffff;
	_ =	sdelay $0x4  }
0x279: {  	v2 =	vadd.f32 v3, v2;
	_ =	sdelay $0x1  }
0x27a: {  	v3 =	vmul.f32 $2.000000030e-01, v2;
	_ =	sdelay $0x1  }
0x27b: {  	v2 =	vmax.f32 v2, v3  }
0x27c: {  	v2 =	vsub.f32 v2, v51;
	_ =	sdelay $0x1  }
0x27d: {  	v2 =	vmul.f32 $1.442695020e+00, v2;
	_ =	sdelay $0x1  }
0x27e: {  	(erf) = vpow2.f32 v2;
	_ =	sdelay $0x3  }
0x27f: {  	v3 =	vld [tilespmem:$0x1FE90];
	_ =	sdelay $0x4  }
0x280: {  	v2 =	vpop (erf)  }
0x281: {  	[tilespmem:v4+s26+$0x0] =	vst.idx.msk $0xffff, v2  }
0x282: {  	v2 =	vld.idx.msk [tilespmem:v13+s21+$0x0], $0xffff  }
0x283: {  	v3 =	vld.idx.msk [tilespmem:v3+s22+$0x0], $0xffff;
	_ =	sdelay $0x4  }
0x284: {  	v2 =	vadd.f32 v3, v2;
	_ =	sdelay $0x1  }
0x285: {  	v3 =	vmul.f32 $2.000000030e-01, v2;
	_ =	sdelay $0x1  }
0x286: {  	v2 =	vmax.f32 v2, v3  }
0x287: {  	v2 =	vsub.f32 v2, v50;
	_ =	sdelay $0x1  }
0x288: {  	v2 =	vmul.f32 $1.442695020e+00, v2;
	_ =	sdelay $0x1  }
0x289: {  	(erf) = vpow2.f32 v2;
	_ =	sdelay $0x3  }
0x28a: {  	v3 =	vld [tilespmem:$0x1FEE0];
	_ =	sdelay $0x4  }
0x28b: {  	v2 =	vpop (erf)  }
0x28c: {  	[tilespmem:v13+s26+$0x0] =	vst.idx.msk $0xffff, v2  }
0x28d: {  	v2 =	vld.idx.msk [tilespmem:v19+s21+$0x0], $0xffff  }
0x28e: {  	v3 =	vld.idx.msk [tilespmem:v3+s22+$0x0], $0xffff;
	_ =	sdelay $0x4  }
0x28f: {  	v2 =	vadd.f32 v3, v2;
	_ =	sdelay $0x1  }
0x290: {  	v3 =	vmul.f32 $2.000000030e-01, v2;
	_ =	sdelay $0x1  }
0x291: {  	v2 =	vmax.f32 v2, v3  }
0x292: {  	v2 =	vsub.f32 v2, v49;
	_ =	sdelay $0x1  }
0x293: {  	v2 =	vmul.f32 $1.442695020e+00, v2;
	_ =	sdelay $0x1  }
0x294: {  	(erf) = vpow2.f32 v2;
	_ =	sdelay $0x2  }
0x295: {  	v4 =	vld [tilespmem:$0x1FDF0]  }
0x296: {  	v3 =	vld [tilespmem:$0x1FE00];
	_ =	sdelay $0x4  }
0x297: {  	v2 =	vpop (erf)  }
0x298: {  	[tilespmem:v19+s26+$0x0] =	vst.idx.msk $0xffff, v2  }
0x299: {  	v2 =	vld.idx.msk [tilespmem:v4+s21+$0x0], $0xffff  }
0x29a: {  	v3 =	vld.idx.msk [tilespmem:v3+s22+$0x0], $0xffff;
	_ =	sdelay $0x4  }
0x29b: {  	v2 =	vadd.f32 v3, v2;
	_ =	sdelay $0x1  }
0x29c: {  	v3 =	vmul.f32 $2.000000030e-01, v2;
	_ =	sdelay $0x1  }
0x29d: {  	v2 =	vmax.f32 v2, v3  }
0x29e: {  	v2 =	vsub.f32 v2, v52;
	_ =	sdelay $0x1  }
0x29f: {  	v2 =	vmul.f32 $1.442695020e+00, v2;
	_ =	sdelay $0x1  }
0x2a0: {  	(erf) = vpow2.f32 v2;
	_ =	sdelay $0x8  }
0x2a1: {  	v3 =	vld [tilespmem:$0x1FE20];
	v2 =	vpop (erf)  }
0x2a2: {  	[tilespmem:v4+s26+$0x0] =	vst.idx.msk $0xffff, v2;
	v4 =	vld [tilespmem:$0x1FE10];
	_ =	sdelay $0x6  }
0x2a3: {  	v3 =	vld.idx.msk [tilespmem:v3+s22+$0x0], $0xffff  }
0x2a4: {  	v2 =	vld.idx.msk [tilespmem:v4+s21+$0x0], $0xffff;
	_ =	sdelay $0x4  }
0x2a5: {  	v2 =	vadd.f32 v3, v2;
	_ =	sdelay $0x1  }
0x2a6: {  	v3 =	vmul.f32 $2.000000030e-01, v2;
	_ =	sdelay $0x1  }
0x2a7: {  	v2 =	vmax.f32 v2, v3  }
0x2a8: {  	v2 =	vsub.f32 v2, v51;
	_ =	sdelay $0x1  }
0x2a9: {  	v2 =	vmul.f32 $1.442695020e+00, v2;
	_ =	sdelay $0x1  }
0x2aa: {  	(erf) = vpow2.f32 v2;
	_ =	sdelay $0x8  }
0x2ab: {  	v3 =	vld [tilespmem:$0x1FE40];
	v2 =	vpop (erf)  }
0x2ac: {  	[tilespmem:v4+s26+$0x0] =	vst.idx.msk $0xffff, v2;
	v4 =	vld [tilespmem:$0x1FE30];
	_ =	sdelay $0x6  }
0x2ad: {  	v3 =	vld.idx.msk [tilespmem:v3+s22+$0x0], $0xffff  }
0x2ae: {  	v2 =	vld.idx.msk [tilespmem:v4+s21+$0x0], $0xffff;
	_ =	sdelay $0x4  }
0x2af: {  	v2 =	vadd.f32 v3, v2;
	_ =	sdelay $0x1  }
0x2b0: {  	v3 =	vmul.f32 $2.000000030e-01, v2;
	_ =	sdelay $0x1  }
0x2b1: {  	v2 =	vmax.f32 v2, v3  }
0x2b2: {  	v2 =	vsub.f32 v2, v50;
	_ =	sdelay $0x1  }
0x2b3: {  	v2 =	vmul.f32 $1.442695020e+00, v2;
	_ =	sdelay $0x1  }
0x2b4: {  	(erf) = vpow2.f32 v2;
	_ =	sdelay $0x8  }
0x2b5: {  	v3 =	vld [tilespmem:$0x1FE60];
	v2 =	vpop (erf)  }
0x2b6: {  	[tilespmem:v4+s26+$0x0] =	vst.idx.msk $0xffff, v2;
	v4 =	vld [tilespmem:$0x1FE50];
	_ =	sdelay $0x6  }
0x2b7: {  	v3 =	vld.idx.msk [tilespmem:v3+s22+$0x0], $0xffff  }
0x2b8: {  	v2 =	vld.idx.msk [tilespmem:v4+s21+$0x0], $0xffff;
	_ =	sdelay $0x4  }
0x2b9: {  	v2 =	vadd.f32 v3, v2;
	_ =	sdelay $0x1  }
0x2ba: {  	v3 =	vmul.f32 $2.000000030e-01, v2;
	_ =	sdelay $0x1  }
0x2bb: {  	v2 =	vmax.f32 v2, v3  }
0x2bc: {  	v2 =	vsub.f32 v2, v49;
	_ =	sdelay $0x1  }
0x2bd: {  	v2 =	vmul.f32 $1.442695020e+00, v2;
	_ =	sdelay $0x1  }
0x2be: {  	(erf) = vpow2.f32 v2;
	_ =	sdelay $0x8  }
0x2bf: {  	v3 =	vld [tilespmem:$0x1FE80];
	v2 =	vpop (erf)  }
0x2c0: {  	[tilespmem:v4+s26+$0x0] =	vst.idx.msk $0xffff, v2;
	v4 =	vld [tilespmem:$0x1FE70];
	_ =	sdelay $0x6  }
0x2c1: {  	v3 =	vld.idx.msk [tilespmem:v3+s22+$0x0], $0xffff  }
0x2c2: {  	v2 =	vld.idx.msk [tilespmem:v4+s21+$0x0], $0xffff;
	_ =	sdelay $0x4  }
0x2c3: {  	v2 =	vadd.f32 v3, v2;
	_ =	sdelay $0x1  }
0x2c4: {  	v3 =	vmul.f32 $2.000000030e-01, v2;
	_ =	sdelay $0x1  }
0x2c5: {  	v2 =	vmax.f32 v2, v3  }
0x2c6: {  	v2 =	vsub.f32 v2, v52;
	_ =	sdelay $0x1  }
0x2c7: {  	v2 =	vmul.f32 $1.442695020e+00, v2;
	_ =	sdelay $0x1  }
0x2c8: {  	(erf) = vpow2.f32 v2;
	_ =	sdelay $0x8  }
0x2c9: {  	v3 =	vld [tilespmem:$0x1FEB0];
	v2 =	vpop (erf)  }
0x2ca: {  	[tilespmem:v4+s26+$0x0] =	vst.idx.msk $0xffff, v2;
	v4 =	vld [tilespmem:$0x1FEA0];
	_ =	sdelay $0x6  }
0x2cb: {  	v3 =	vld.idx.msk [tilespmem:v3+s22+$0x0], $0xffff  }
0x2cc: {  	v2 =	vld.idx.msk [tilespmem:v4+s21+$0x0], $0xffff;
	_ =	sdelay $0x4  }
0x2cd: {  	v2 =	vadd.f32 v3, v2;
	_ =	sdelay $0x1  }
0x2ce: {  	v3 =	vmul.f32 $2.000000030e-01, v2;
	_ =	sdelay $0x1  }
0x2cf: {  	v2 =	vmax.f32 v2, v3  }
0x2d0: {  	v2 =	vsub.f32 v2, v51;
	_ =	sdelay $0x1  }
0x2d1: {  	v2 =	vmul.f32 $1.442695020e+00, v2;
	_ =	sdelay $0x1  }
0x2d2: {  	(erf) = vpow2.f32 v2;
	_ =	sdelay $0x8  }
0x2d3: {  	v3 =	vld [tilespmem:$0x1FED0];
	v2 =	vpop (erf)  }
0x2d4: {  	[tilespmem:v4+s26+$0x0] =	vst.idx.msk $0xffff, v2;
	v4 =	vld [tilespmem:$0x1FEC0];
	_ =	sdelay $0x6  }
0x2d5: {  	v3 =	vld.idx.msk [tilespmem:v3+s22+$0x0], $0xffff  }
0x2d6: {  	v2 =	vld.idx.msk [tilespmem:v4+s21+$0x0], $0xffff;
	_ =	sdelay $0x4  }
0x2d7: {  	v2 =	vadd.f32 v3, v2;
	_ =	sdelay $0x1  }
0x2d8: {  	v3 =	vmul.f32 $2.000000030e-01, v2;
	_ =	sdelay $0x1  }
0x2d9: {  	v2 =	vmax.f32 v2, v3  }
0x2da: {  	v2 =	vsub.f32 v2, v50;
	_ =	sdelay $0x1  }
0x2db: {  	v2 =	vmul.f32 $1.442695020e+00, v2;
	_ =	sdelay $0x1  }
0x2dc: {  	(erf) = vpow2.f32 v2;
	_ =	sdelay $0x8  }
0x2dd: {  	v3 =	vld [tilespmem:$0x1FF00];
	v2 =	vpop (erf)  }
0x2de: {  	[tilespmem:v4+s26+$0x0] =	vst.idx.msk $0xffff, v2;
	v4 =	vld [tilespmem:$0x1FEF0];
	_ =	sdelay $0x6  }
0x2df: {  	v3 =	vld.idx.msk [tilespmem:v3+s22+$0x0], $0xffff  }
0x2e0: {  	v2 =	vld.idx.msk [tilespmem:v4+s21+$0x0], $0xffff;
	_ =	sdelay $0x4  }
0x2e1: {  	v2 =	vadd.f32 v3, v2;
	_ =	sdelay $0x1  }
0x2e2: {  	v3 =	vmul.f32 $2.000000030e-01, v2;
	_ =	sdelay $0x1  }
0x2e3: {  	v2 =	vmax.f32 v2, v3  }
0x2e4: {  	v2 =	vsub.f32 v2, v49;
	_ =	sdelay $0x1  }
0x2e5: {  	v2 =	vmul.f32 $1.442695020e+00, v2;
	_ =	sdelay $0x1  }
0x2e6: {  	(erf) = vpow2.f32 v2;
	_ =	sdelay $0x8  }
0x2e7: {  	v3 =	vld [tilespmem:$0x1FF20];
	v2 =	vpop (erf)  }
0x2e8: {  	[tilespmem:v4+s26+$0x0] =	vst.idx.msk $0xffff, v2;
	v4 =	vld [tilespmem:$0x1FF10];
	_ =	sdelay $0x6  }
0x2e9: {  	v3 =	vld.idx.msk [tilespmem:v3+s22+$0x0], $0xffff  }
0x2ea: {  	v2 =	vld.idx.msk [tilespmem:v4+s21+$0x0], $0xffff;
	_ =	sdelay $0x4  }
0x2eb: {  	v2 =	vadd.f32 v3, v2;
	_ =	sdelay $0x1  }
0x2ec: {  	v3 =	vmul.f32 $2.000000030e-01, v2;
	_ =	sdelay $0x1  }
0x2ed: {  	v2 =	vmax.f32 v2, v3  }
0x2ee: {  	v2 =	vsub.f32 v2, v52;
	_ =	sdelay $0x1  }
0x2ef: {  	v2 =	vmul.f32 $1.442695020e+00, v2;
	_ =	sdelay $0x1  }
0x2f0: {  	(erf) = vpow2.f32 v2;
	_ =	sdelay $0x8  }
0x2f1: {  	v3 =	vld [tilespmem:$0x1FF40];
	v2 =	vpop (erf)  }
0x2f2: {  	[tilespmem:v4+s26+$0x0] =	vst.idx.msk $0xffff, v2;
	v4 =	vld [tilespmem:$0x1FF30];
	_ =	sdelay $0x6  }
0x2f3: {  	v3 =	vld.idx.msk [tilespmem:v3+s22+$0x0], $0xffff  }
0x2f4: {  	v2 =	vld.idx.msk [tilespmem:v4+s21+$0x0], $0xffff;
	_ =	sdelay $0x4  }
0x2f5: {  	v2 =	vadd.f32 v3, v2;
	_ =	sdelay $0x1  }
0x2f6: {  	v3 =	vmul.f32 $2.000000030e-01, v2;
	_ =	sdelay $0x1  }
0x2f7: {  	v2 =	vmax.f32 v2, v3  }
0x2f8: {  	v2 =	vsub.f32 v2, v51;
	_ =	sdelay $0x1  }
0x2f9: {  	v2 =	vmul.f32 $1.442695020e+00, v2;
	_ =	sdelay $0x1  }
0x2fa: {  	(erf) = vpow2.f32 v2;
	_ =	sdelay $0x8  }
0x2fb: {  	v3 =	vld [tilespmem:$0x1FF60];
	v2 =	vpop (erf)  }
0x2fc: {  	[tilespmem:v4+s26+$0x0] =	vst.idx.msk $0xffff, v2;
	v4 =	vld [tilespmem:$0x1FF50];
	_ =	sdelay $0x6  }
0x2fd: {  	v3 =	vld.idx.msk [tilespmem:v3+s22+$0x0], $0xffff  }
0x2fe: {  	v2 =	vld.idx.msk [tilespmem:v4+s21+$0x0], $0xffff;
	_ =	sdelay $0x4  }
0x2ff: {  	v2 =	vadd.f32 v3, v2;
	_ =	sdelay $0x1  }
0x300: {  	v3 =	vmul.f32 $2.000000030e-01, v2;
	_ =	sdelay $0x1  }
0x301: {  	v2 =	vmax.f32 v2, v3  }
0x302: {  	v2 =	vsub.f32 v2, v50;
	_ =	sdelay $0x1  }
0x303: {  	v2 =	vmul.f32 $1.442695020e+00, v2;
	_ =	sdelay $0x1  }
0x304: {  	(erf) = vpow2.f32 v2;
	_ =	sdelay $0x3  }
0x305: {  	v3 =	vld [tilespmem:$0x1FF70];
	_ =	sdelay $0x4  }
0x306: {  	v2 =	vpop (erf)  }
0x307: {  	[tilespmem:v4+s26+$0x0] =	vst.idx.msk $0xffff, v2  }
0x308: {  	v2 =	vld.idx.msk [tilespmem:v31+s21+$0x0], $0xffff  }
0x309: {  	v3 =	vld.idx.msk [tilespmem:v3+s22+$0x0], $0xffff;
	_ =	sdelay $0x4  }
0x30a: {  	v2 =	vadd.f32 v3, v2;
	_ =	sdelay $0x1  }
0x30b: {  	v3 =	vmul.f32 $2.000000030e-01, v2;
	_ =	sdelay $0x1  }
0x30c: {  	v2 =	vmax.f32 v2, v3  }
0x30d: {  	v2 =	vsub.f32 v2, v49;
	_ =	sdelay $0x1  }
0x30e: {  	v2 =	vmul.f32 $1.442695020e+00, v2;
	_ =	sdelay $0x1  }
0x30f: {  	(erf) = vpow2.f32 v2;
	_ =	sdelay $0x3  }
0x310: {  	v3 =	vld [tilespmem:$0x1FF80];
	_ =	sdelay $0x4  }
0x311: {  	v2 =	vpop (erf)  }
0x312: {  	[tilespmem:v31+s26+$0x0] =	vst.idx.msk $0xffff, v2  }
0x313: {  	v2 =	vld.idx.msk [tilespmem:v33+s21+$0x0], $0xffff  }
0x314: {  	v3 =	vld.idx.msk [tilespmem:v3+s22+$0x0], $0xffff;
	_ =	sdelay $0x4  }
0x315: {  	v2 =	vadd.f32 v3, v2;
	_ =	sdelay $0x1  }
0x316: {  	v3 =	vmul.f32 $2.000000030e-01, v2;
	_ =	sdelay $0x1  }
0x317: {  	v2 =	vmax.f32 v2, v3  }
0x318: {  	v2 =	vsub.f32 v2, v52;
	_ =	sdelay $0x1  }
0x319: {  	v2 =	vmul.f32 $1.442695020e+00, v2;
	_ =	sdelay $0x1  }
0x31a: {  	(erf) = vpow2.f32 v2;
	_ =	sdelay $0x3  }
0x31b: {  	v3 =	vld [tilespmem:$0x1FF90];
	_ =	sdelay $0x4  }
0x31c: {  	v2 =	vpop (erf)  }
0x31d: {  	[tilespmem:v33+s26+$0x0] =	vst.idx.msk $0xffff, v2  }
0x31e: {  	v2 =	vld.idx.msk [tilespmem:v35+s21+$0x0], $0xffff  }
0x31f: {  	v3 =	vld.idx.msk [tilespmem:v3+s22+$0x0], $0xffff;
	_ =	sdelay $0x4  }
0x320: {  	v2 =	vadd.f32 v3, v2;
	_ =	sdelay $0x1  }
0x321: {  	v3 =	vmul.f32 $2.000000030e-01, v2;
	_ =	sdelay $0x1  }
0x322: {  	v2 =	vmax.f32 v2, v3  }
0x323: {  	v2 =	vsub.f32 v2, v51;
	_ =	sdelay $0x1  }
0x324: {  	v2 =	vmul.f32 $1.442695020e+00, v2;
	_ =	sdelay $0x1  }
0x325: {  	(erf) = vpow2.f32 v2;
	_ =	sdelay $0x3  }
0x326: {  	v3 =	vld [tilespmem:$0x1FFA0];
	_ =	sdelay $0x4  }
0x327: {  	v2 =	vpop (erf)  }
0x328: {  	[tilespmem:v35+s26+$0x0] =	vst.idx.msk $0xffff, v2  }
0x329: {  	v2 =	vld.idx.msk [tilespmem:v37+s21+$0x0], $0xffff  }
0x32a: {  	v3 =	vld.idx.msk [tilespmem:v3+s22+$0x0], $0xffff;
	_ =	sdelay $0x4  }
0x32b: {  	v2 =	vadd.f32 v3, v2;
	_ =	sdelay $0x1  }
0x32c: {  	v3 =	vmul.f32 $2.000000030e-01, v2;
	_ =	sdelay $0x1  }
0x32d: {  	v2 =	vmax.f32 v2, v3  }
0x32e: {  	v2 =	vsub.f32 v2, v50;
	_ =	sdelay $0x1  }
0x32f: {  	v2 =	vmul.f32 $1.442695020e+00, v2;
	_ =	sdelay $0x1  }
0x330: {  	(erf) = vpow2.f32 v2;
	_ =	sdelay $0x3  }
0x331: {  	v3 =	vld [tilespmem:$0x1FFB0];
	_ =	sdelay $0x4  }
0x332: {  	v2 =	vpop (erf)  }
0x333: {  	[tilespmem:v37+s26+$0x0] =	vst.idx.msk $0xffff, v2  }
0x334: {  	v2 =	vld.idx.msk [tilespmem:v39+s21+$0x0], $0xffff  }
0x335: {  	v3 =	vld.idx.msk [tilespmem:v3+s22+$0x0], $0xffff;
	_ =	sdelay $0x4  }
0x336: {  	v2 =	vadd.f32 v3, v2;
	_ =	sdelay $0x1  }
0x337: {  	v3 =	vmul.f32 $2.000000030e-01, v2;
	_ =	sdelay $0x1  }
0x338: {  	v2 =	vmax.f32 v2, v3  }
0x339: {  	v2 =	vsub.f32 v2, v49;
	_ =	sdelay $0x1  }
0x33a: {  	v2 =	vmul.f32 $1.442695020e+00, v2;
	_ =	sdelay $0x1  }
0x33b: {  	(erf) = vpow2.f32 v2;
	_ =	sdelay $0x3  }
0x33c: {  	v3 =	vld [tilespmem:$0x1FFC0];
	_ =	sdelay $0x4  }
0x33d: {  	v2 =	vpop (erf)  }
0x33e: {  	[tilespmem:v39+s26+$0x0] =	vst.idx.msk $0xffff, v2  }
0x33f: {  	v2 =	vld.idx.msk [tilespmem:v41+s21+$0x0], $0xffff  }
0x340: {  	v3 =	vld.idx.msk [tilespmem:v3+s22+$0x0], $0xffff;
	_ =	sdelay $0x4  }
0x341: {  	v2 =	vadd.f32 v3, v2;
	_ =	sdelay $0x1  }
0x342: {  	v3 =	vmul.f32 $2.000000030e-01, v2;
	_ =	sdelay $0x1  }
0x343: {  	v2 =	vmax.f32 v2, v3  }
0x344: {  	v2 =	vsub.f32 v2, v52;
	_ =	sdelay $0x1  }
0x345: {  	v2 =	vmul.f32 $1.442695020e+00, v2;
	_ =	sdelay $0x1  }
0x346: {  	(erf) = vpow2.f32 v2;
	_ =	sdelay $0x3  }
0x347: {  	v3 =	vld [tilespmem:$0x1FFD0];
	_ =	sdelay $0x4  }
0x348: {  	v2 =	vpop (erf)  }
0x349: {  	[tilespmem:v41+s26+$0x0] =	vst.idx.msk $0xffff, v2  }
0x34a: {  	v2 =	vld.idx.msk [tilespmem:v43+s21+$0x0], $0xffff  }
0x34b: {  	v3 =	vld.idx.msk [tilespmem:v3+s22+$0x0], $0xffff;
	_ =	sdelay $0x4  }
0x34c: {  	v2 =	vadd.f32 v3, v2;
	_ =	sdelay $0x1  }
0x34d: {  	v3 =	vmul.f32 $2.000000030e-01, v2;
	_ =	sdelay $0x1  }
0x34e: {  	v2 =	vmax.f32 v2, v3  }
0x34f: {  	v2 =	vsub.f32 v2, v51;
	_ =	sdelay $0x1  }
0x350: {  	v2 =	vmul.f32 $1.442695020e+00, v2;
	_ =	sdelay $0x1  }
0x351: {  	(erf) = vpow2.f32 v2;
	_ =	sdelay $0x3  }
0x352: {  	v3 =	vld [tilespmem:$0x1FFE0];
	_ =	sdelay $0x4  }
0x353: {  	v2 =	vpop (erf)  }
0x354: {  	[tilespmem:v43+s26+$0x0] =	vst.idx.msk $0xffff, v2  }
0x355: {  	v2 =	vld.idx.msk [tilespmem:v45+s21+$0x0], $0xffff  }
0x356: {  	v3 =	vld.idx.msk [tilespmem:v3+s22+$0x0], $0xffff;
	_ =	sdelay $0x4  }
0x357: {  	v2 =	vadd.f32 v3, v2;
	_ =	sdelay $0x1  }
0x358: {  	v3 =	vmul.f32 $2.000000030e-01, v2;
	_ =	sdelay $0x1  }
0x359: {  	v2 =	vmax.f32 v2, v3  }
0x35a: {  	v2 =	vsub.f32 v2, v50;
	_ =	sdelay $0x1  }
0x35b: {  	v2 =	vmul.f32 $1.442695020e+00, v2;
	_ =	sdelay $0x1  }
0x35c: {  	(erf) = vpow2.f32 v2;
	_ =	sdelay $0x3  }
0x35d: {  	v3 =	vld [tilespmem:$0x1FFF0];
	_ =	sdelay $0x4  }
0x35e: {  	v2 =	vpop (erf)  }
0x35f: {  	[tilespmem:v45+s26+$0x0] =	vst.idx.msk $0xffff, v2  }
0x360: {  	v2 =	vld.idx.msk [tilespmem:v47+s21+$0x0], $0xffff  }
0x361: {  	v3 =	vld.idx.msk [tilespmem:v3+s22+$0x0], $0xffff;
	_ =	sdelay $0x4  }
0x362: {  	v2 =	vadd.f32 v3, v2;
	_ =	sdelay $0x1  }
0x363: {  	v3 =	vmul.f32 $2.000000030e-01, v2;
	_ =	sdelay $0x1  }
0x364: {  	v2 =	vmax.f32 v2, v3  }
0x365: {  	v2 =	vsub.f32 v2, v49;
	_ =	sdelay $0x1  }
0x366: {  	v2 =	vmul.f32 $1.442695020e+00, v2;
	_ =	sdelay $0x1  }
0x367: {  	(erf) = vpow2.f32 v2;
	_ =	sdelay $0x8  }
0x368: {  	v2 =	vpop (erf)  }
0x369: {  	[tilespmem:v47+s26+$0x0] =	vst.idx.msk $0xffff, v2  }
0x36a: {  	_ =	swait.ge [sflag:s31], $0x3600  }
0x36b: {  	[sflag:s31] =	ssyncset.done $0x0  }
0x36c: {  	s24 =	simm.s32 $0x1E3D0;
	[sflag:s31] =	ssyncadd.s32 $0xFFFFCA00  }
0x36d: {  	v61 =	vld [tilespmem:s24+$0x30]  }
0x36e: {  	s10 =	simm.s32 $0x197D0;
	v2 =	vld [tilespmem:s24+$0xFFFFFFD0]  }
0x36f: {  	v3 =	vld [tilespmem:s10+$0x220]  }
0x370: {  	v4 =	vld [tilespmem:s24+$0xFFFFFFE0]  }
0x371: {  	v5 =	vld [tilespmem:s24+$0xFFFFFFF0]  }
0x372: {  	v6 =	vld [tilespmem:s24+$0x0]  }
0x373: {  	v62 =	vld [tilespmem:s24+$0x10]  }
0x374: {  	v7 =	vld [tilespmem:s24+$0xFFFFFFC0]  }
0x375: {  	v8 =	vld [tilespmem:s10+$0xFFFFFDC0]  }
0x376: {  	v9 =	vld [tilespmem:s10+$0xFFFFFDD0]  }
0x377: {  	v10 =	vld [tilespmem:s10+$0xFFFFFDE0]  }
0x378: {  	v11 =	vld [tilespmem:s10+$0xFFFFFDF0]  }
0x379: {  	v12 =	vld [tilespmem:s10+$0xFFFFFE00]  }
0x37a: {  	v14 =	vld [tilespmem:s10+$0xFFFFFE10]  }
0x37b: {  	v63 =	vld [tilespmem:s24+$0x20];
	[tilespmem:s10+$0xFFFFFE40] =	vst v7  }
0x37c: {  	v15 =	vld [tilespmem:s10+$0xFFFFFE30];
	[tilespmem:s10+$0xFFFFFED0] =	vst v2  }
0x37d: {  	v16 =	vld [tilespmem:s10+$0xFFFFFE50];
	[tilespmem:s10+$0xFFFFFF60] =	vst v4  }
0x37e: {  	v17 =	vld [tilespmem:s10+$0xFFFFFE60];
	[tilespmem:s10+$0xFFFFFFF0] =	vst v5  }
0x37f: {  	v20 =	vld [tilespmem:s10+$0xFFFFFE70];
	v53 =	vbroadcast v61, $0x3;
	[tilespmem:s10+$0x80] =	vst v6  }
0x380: {  	v21 =	vld [tilespmem:s10+$0xFFFFFE80];
	v18 =	vbroadcast v7, $0x0;
	[tilespmem:s10+$0x110] =	vst v62  }
0x381: {  	v23 =	vld [tilespmem:s10+$0xFFFFFE90];
	v22 =	vbroadcast v7, $0x1;
	[tilespmem:s10+$0x1A0] =	vst v63;
	v3 =	vmul.f32 v3, v53  }
0x382: {  	[tilespmem:s10+$0x230] =	vst v61;
	v8 =	vmul.f32 v18, v8;
	v9 =	vmul.f32 v9, v18;
	v18 =	vld [tilespmem:s10+$0xFFFFFEA0]  }
0x383: {  	[tilespmem:s10+$0x220] =	vst v3;
	v3 =	vld [tilespmem:s10+$0xFFFFFE20]  }
0x384: {  	v24 =	vbroadcast v7, $0x2;
	v10 =	vmul.f32 v10, v22;
	[tilespmem:s10+$0xFFFFFDC0] =	vst v8;
	v8 =	vld [tilespmem:s10+$0xFFFFFEB0]  }
0x385: {  	v11 =	vmul.f32 v11, v22;
	[tilespmem:s10+$0xFFFFFDD0] =	vst v9;
	v9 =	vld [tilespmem:s10+$0xFFFFFEC0]  }
0x386: {  	v12 =	vmul.f32 v12, v24;
	v22 =	vbroadcast v2, $0x0;
	[tilespmem:s10+$0xFFFFFDE0] =	vst v10;
	v10 =	vld [tilespmem:s10+$0xFFFFFEE0]  }
0x387: {  	v14 =	vmul.f32 v14, v24;
	[tilespmem:s10+$0xFFFFFDF0] =	vst v11;
	v11 =	vld [tilespmem:s10+$0xFFFFFEF0]  }
0x388: {  	v7 =	vbroadcast v7, $0x3;
	[tilespmem:s10+$0xFFFFFE00] =	vst v12;
	v12 =	vld [tilespmem:s10+$0xFFFFFF00];
	v16 =	vmul.f32 v22, v16  }
0x389: {  	[tilespmem:s10+$0xFFFFFE10] =	vst v14;
	v14 =	vld [tilespmem:s10+$0xFFFFFF10];
	v17 =	vmul.f32 v17, v22  }
0x38a: {  	v22 =	vbroadcast v2, $0x2;
	[tilespmem:s10+$0xFFFFFE50] =	vst v16;
	v16 =	vld [tilespmem:s10+$0xFFFFFF40];
	v3 =	vmul.f32 v3, v7  }
0x38b: {  	[tilespmem:s10+$0xFFFFFE60] =	vst v17;
	v17 =	vld [tilespmem:s10+$0xFFFFFF50];
	v7 =	vmul.f32 v15, v7;
	v15 =	vbroadcast v2, $0x1  }
0x38c: {  	v18 =	vmul.f32 v18, v22;
	v2 =	vbroadcast v2, $0x3;
	[tilespmem:s10+$0xFFFFFE20] =	vst v3;
	v3 =	vld [tilespmem:s10+$0xFFFFFF20]  }
0x38d: {  	[tilespmem:s10+$0xFFFFFE30] =	vst v7;
	v7 =	vld [tilespmem:s10+$0xFFFFFF30];
	v20 =	vmul.f32 v20, v15;
	v15 =	vmul.f32 v21, v15  }
0x38e: {  	[tilespmem:s10+$0xFFFFFEA0] =	vst v18;
	v8 =	vmul.f32 v8, v2;
	v2 =	vmul.f32 v9, v2;
	v9 =	vld [tilespmem:s10+$0xFFFFFFA0]  }
0x38f: {  	v21 =	vmul.f32 v23, v22;
	[tilespmem:s10+$0xFFFFFE70] =	vst v20;
	v20 =	vld [tilespmem:s10+$0xFFFFFF70]  }
0x390: {  	v18 =	vbroadcast v4, $0x1;
	[tilespmem:s10+$0xFFFFFE80] =	vst v15;
	v15 =	vld [tilespmem:s10+$0xFFFFFF80]  }
0x391: {  	v22 =	vbroadcast v4, $0x0;
	[tilespmem:s10+$0xFFFFFE90] =	vst v21;
	v21 =	vld [tilespmem:s10+$0xFFFFFF90]  }
0x392: {  	v12 =	vmul.f32 v12, v18;
	v14 =	vmul.f32 v14, v18;
	[tilespmem:s10+$0xFFFFFEB0] =	vst v8;
	v8 =	vld [tilespmem:s10+$0xFFFFFFB0]  }
0x393: {  	v10 =	vmul.f32 v22, v10;
	v11 =	vmul.f32 v11, v22;
	[tilespmem:s10+$0xFFFFFEC0] =	vst v2;
	v2 =	vld [tilespmem:s10+$0xFFFFFFC0]  }
0x394: {  	v22 =	vbroadcast v4, $0x2;
	v4 =	vbroadcast v4, $0x3;
	[tilespmem:s10+$0xFFFFFF00] =	vst v12;
	v12 =	vld [tilespmem:s10+$0x0]  }
0x395: {  	[tilespmem:s10+$0xFFFFFF10] =	vst v14;
	v14 =	vld [tilespmem:s10+$0x10]  }
0x396: {  	[tilespmem:s10+$0xFFFFFEE0] =	vst v10;
	v10 =	vld [tilespmem:s10+$0xFFFFFFD0];
	v16 =	vmul.f32 v16, v4  }
0x397: {  	[tilespmem:s10+$0xFFFFFEF0] =	vst v11;
	v11 =	vld [tilespmem:s10+$0xFFFFFFE0];
	v4 =	vmul.f32 v17, v4  }
0x398: {  	v17 =	vbroadcast v5, $0x1;
	v3 =	vmul.f32 v3, v22;
	[tilespmem:s10+$0xFFFFFF40] =	vst v16;
	v16 =	vld [tilespmem:s10+$0x40]  }
0x399: {  	v18 =	vbroadcast v5, $0x0;
	v7 =	vmul.f32 v7, v22;
	[tilespmem:s10+$0xFFFFFF50] =	vst v4;
	v4 =	vld [tilespmem:s10+$0x50]  }
0x39a: {  	v9 =	vmul.f32 v9, v17;
	[tilespmem:s10+$0xFFFFFF20] =	vst v3;
	v3 =	vld [tilespmem:s10+$0x20]  }
0x39b: {  	[tilespmem:s10+$0xFFFFFF30] =	vst v7;
	v7 =	vld [tilespmem:s10+$0x30];
	v20 =	vmul.f32 v18, v20;
	v15 =	vmul.f32 v15, v18  }
0x39c: {  	v18 =	vbroadcast v5, $0x2;
	v21 =	vmul.f32 v21, v17;
	v17 =	vld [tilespmem:s10+$0x90];
	[tilespmem:s10+$0xFFFFFFA0] =	vst v9  }
0x39d: {  	v9 =	vld [tilespmem:s10+$0xA0];
	[tilespmem:s10+$0xFFFFFF70] =	vst v20  }
0x39e: {  	v5 =	vbroadcast v5, $0x3;
	v20 =	vld [tilespmem:s10+$0x60];
	[tilespmem:s10+$0xFFFFFF80] =	vst v15;
	v8 =	vmul.f32 v8, v18  }
0x39f: {  	v15 =	vld [tilespmem:s10+$0x70];
	[tilespmem:s10+$0xFFFFFF90] =	vst v21;
	v2 =	vmul.f32 v2, v18;
	v18 =	vbroadcast v6, $0x0  }
0x3a0: {  	v10 =	vmul.f32 v10, v5;
	v5 =	vmul.f32 v11, v5;
	[tilespmem:s10+$0xFFFFFFB0] =	vst v8;
	v8 =	vld [tilespmem:s10+$0xB0]  }
0x3a1: {  	v11 =	vbroadcast v6, $0x1;
	v12 =	vmul.f32 v18, v12;
	[tilespmem:s10+$0xFFFFFFC0] =	vst v2;
	v2 =	vld [tilespmem:s10+$0xC0]  }
0x3a2: {  	v14 =	vmul.f32 v14, v18;
	v18 =	vbroadcast v6, $0x2;
	[tilespmem:s10+$0xFFFFFFD0] =	vst v10;
	v10 =	vld [tilespmem:s10+$0xD0]  }
0x3a3: {  	[tilespmem:s10+$0xFFFFFFE0] =	vst v5;
	v5 =	vld [tilespmem:s10+$0xE0];
	v6 =	vbroadcast v6, $0x3;
	v3 =	vmul.f32 v3, v11  }
0x3a4: {  	v7 =	vmul.f32 v7, v11;
	v11 =	vmul.f32 v16, v18;
	[tilespmem:s10+$0x0] =	vst v12;
	v12 =	vld [tilespmem:s10+$0xF0]  }
0x3a5: {  	v4 =	vmul.f32 v4, v18;
	v16 =	vbroadcast v62, $0x0;
	[tilespmem:s10+$0x10] =	vst v14;
	v14 =	vld [tilespmem:s10+$0x100]  }
0x3a6: {  	v18 =	vmul.f32 v20, v6;
	v6 =	vmul.f32 v15, v6;
	[tilespmem:s10+$0x20] =	vst v3;
	v3 =	vld [tilespmem:s10+$0x120]  }
0x3a7: {  	v15 =	vbroadcast v62, $0x1;
	[tilespmem:s10+$0x30] =	vst v7;
	v7 =	vld [tilespmem:s10+$0x130];
	v17 =	vmul.f32 v16, v17  }
0x3a8: {  	v9 =	vmul.f32 v9, v16;
	v16 =	vbroadcast v62, $0x2;
	[tilespmem:s10+$0x40] =	vst v11;
	v11 =	vld [tilespmem:s10+$0x140]  }
0x3a9: {  	[tilespmem:s10+$0x50] =	vst v4;
	v4 =	vld [tilespmem:s10+$0x150];
	v8 =	vmul.f32 v8, v15;
	v15 =	vmul.f32 v2, v15  }
0x3aa: {  	v2 =	vbroadcast v62, $0x3;
	[tilespmem:s10+$0x60] =	vst v18;
	v18 =	vld [tilespmem:s10+$0x170];
	v20 =	vmul.f32 v10, v16  }
0x3ab: {  	[tilespmem:s10+$0x70] =	vst v6;
	v10 =	vld [tilespmem:s10+$0x160];
	v5 =	vmul.f32 v5, v16;
	v16 =	vbroadcast v63, $0x0  }
0x3ac: {  	v6 =	vbroadcast v63, $0x1;
	[tilespmem:s10+$0x90] =	vst v17;
	v17 =	vld [tilespmem:s10+$0x180];
	v21 =	vmul.f32 v12, v2  }
0x3ad: {  	[tilespmem:s10+$0xA0] =	vst v9;
	v9 =	vld [tilespmem:s10+$0x190];
	v14 =	vmul.f32 v14, v2;
	v3 =	vmul.f32 v16, v3  }
0x3ae: {  	[tilespmem:s10+$0xB0] =	vst v8;
	v2 =	vmul.f32 v7, v16;
	v7 =	vbroadcast v63, $0x2;
	v16 =	vld [tilespmem:s10+$0x1B0]  }
0x3af: {  	[tilespmem:s10+$0xC0] =	vst v15;
	v8 =	vmul.f32 v11, v6;
	v6 =	vmul.f32 v4, v6;
	v4 =	vld [tilespmem:s10+$0x1C0]  }
0x3b0: {  	v58 =	vld [tilespmem:s10+$0x1D0];
	v56 =	vbroadcast v61, $0x1;
	v55 =	vbroadcast v61, $0x2;
	[tilespmem:s10+$0xD0] =	vst v20  }
0x3b1: {  	v59 =	vld [tilespmem:s10+$0x1E0];
	[tilespmem:s10+$0xE0] =	vst v5;
	v11 =	vbroadcast v63, $0x3;
	v12 =	vmul.f32 v18, v7  }
0x3b2: {  	v57 =	vld [tilespmem:s10+$0x1F0];
	[tilespmem:s10+$0xF0] =	vst v21;
	v10 =	vmul.f32 v10, v7;
	v7 =	vbroadcast v61, $0x0  }
0x3b3: {  	v60 =	vld [tilespmem:s10+$0x200];
	[tilespmem:s10+$0x100] =	vst v14;
	v15 =	vmul.f32 v17, v11;
	v18 =	vmul.f32 v9, v11  }
0x3b4: {  	s11 =	simm.s32 $0x1E450;
	s4 =	simm.s32 $0x0;
	s0 =	simm.s32 $0x197D0;
	v54 =	vld [tilespmem:s10+$0x210];
	[tilespmem:s10+$0x120] =	vst v3;
	v24 =	vmul.f32 v7, v16;
	v21 =	vmul.f32 v4, v7  }
.LBB2_7:
0x3b5: {  	v3 =	vld [tilespmem:s11+$0x30];
	s4 =	sadd.s32 $0x8, s4;
	[tilespmem:s10+$0x130] =	vst v2;
	v2 =	vmul.f32 v58, v56  }
0x3b6: {  	s10 =	sadd.s32 $0x480, s10;
	v4 =	vld [tilespmem:s11+$0xFFFFFFD0];
	p2 =	slt.u32 s4, $0x58;
	[tilespmem:s0+$0x140] =	vst v8;
	v5 =	vmul.f32 v59, v56  }
0x3b7: {  	v7 =	vld [tilespmem:s10+$0x220];
	[tilespmem:s0+$0x150] =	vst v6;
	v6 =	vmul.f32 v57, v55  }
0x3b8: {  	v9 =	vld [tilespmem:s11+$0xFFFFFFE0];
	[tilespmem:s0+$0x160] =	vst v10;
	v8 =	vmul.f32 v60, v55  }
0x3b9: {  	v11 =	vld [tilespmem:s11+$0xFFFFFFF0];
	[tilespmem:s0+$0x170] =	vst v12;
	v12 =	vmul.f32 v54, v53  }
0x3ba: {  	v14 =	vld [tilespmem:s11+$0x0];
	v54 =	vbroadcast v3, $0x0;
	v53 =	vbroadcast v3, $0x3;
	[tilespmem:s0+$0x180] =	vst v15  }
0x3bb: {  	v16 =	vbroadcast v4, $0x0;
	v17 =	vbroadcast v4, $0x1;
	v20 =	vld [tilespmem:s11+$0x10];
	[tilespmem:s0+$0x190] =	vst v18  }
0x3bc: {  	v22 =	vbroadcast v4, $0x2;
	v23 =	vld [tilespmem:s11+$0x20];
	v7 =	vmul.f32 v7, v53;
	[tilespmem:s0+$0x1B0] =	vst v24  }
0x3bd: {  	v25 =	vbroadcast v4, $0x3;
	v18 =	vld [tilespmem:s11+$0xFFFFFFC0];
	v26 =	vbroadcast v9, $0x0;
	[tilespmem:s0+$0x1C0] =	vst v21  }
0x3be: {  	v28 =	vbroadcast v9, $0x1;
	v29 =	vbroadcast v9, $0x2;
	v27 =	vld [tilespmem:s10+$0xFFFFFDC0];
	[tilespmem:s10+$0x220] =	vst v7  }
0x3bf: {  	v30 =	vbroadcast v9, $0x3;
	v24 =	vbroadcast v11, $0x0;
	v7 =	vld [tilespmem:s10+$0xFFFFFDD0];
	[tilespmem:s0+$0x1D0] =	vst v2  }
0x3c0: {  	v21 =	vbroadcast v11, $0x2;
	v2 =	vbroadcast v11, $0x1;
	v32 =	vld [tilespmem:s10+$0xFFFFFDE0];
	[tilespmem:s0+$0x1E0] =	vst v5  }
0x3c1: {  	v15 =	vbroadcast v11, $0x3;
	v10 =	vbroadcast v14, $0x0;
	v5 =	vld [tilespmem:s10+$0xFFFFFDF0];
	[tilespmem:s0+$0x1F0] =	vst v6  }
0x3c2: {  	v34 =	vbroadcast v18, $0x0;
	v36 =	vbroadcast v18, $0x1;
	v38 =	vld [tilespmem:s10+$0xFFFFFE00];
	[tilespmem:s0+$0x200] =	vst v8  }
0x3c3: {  	v40 =	vbroadcast v18, $0x2;
	v44 =	vbroadcast v18, $0x3;
	v42 =	vld [tilespmem:s10+$0xFFFFFE10];
	[tilespmem:s0+$0x210] =	vst v12;
	s0 =	smov.u32 s10  }
0x3c4: {  	v12 =	vbroadcast v14, $0x2;
	v46 =	vld [tilespmem:s10+$0xFFFFFE20];
	[tilespmem:s10+$0xFFFFFE40] =	vst v18;
	v18 =	vbroadcast v14, $0x1  }
0x3c5: {  	v6 =	vbroadcast v20, $0x0;
	v8 =	vbroadcast v14, $0x3;
	v48 =	vld [tilespmem:s10+$0xFFFFFE30];
	[tilespmem:s10+$0xFFFFFED0] =	vst v4  }
0x3c6: {  	v63 =	vbroadcast v20, $0x1;
	v62 =	vbroadcast v20, $0x2;
	v4 =	vld [tilespmem:s10+$0xFFFFFE50];
	[tilespmem:s10+$0xFFFFFF60] =	vst v9  }
0x3c7: {  	v61 =	vbroadcast v20, $0x3;
	v60 =	vbroadcast v23, $0x0;
	v9 =	vld [tilespmem:s10+$0xFFFFFE60];
	[tilespmem:s10+$0xFFFFFFF0] =	vst v11  }
0x3c8: {  	v59 =	vbroadcast v23, $0x1;
	v58 =	vbroadcast v23, $0x2;
	v11 =	vld [tilespmem:s10+$0xFFFFFE70];
	[tilespmem:s10+$0x80] =	vst v14  }
0x3c9: {  	v56 =	vbroadcast v3, $0x1;
	v57 =	vbroadcast v23, $0x3;
	v14 =	vld [tilespmem:s10+$0xFFFFFE80];
	[tilespmem:s10+$0x110] =	vst v20  }
0x3ca: {  	v55 =	vbroadcast v3, $0x2;
	v20 =	vmul.f32 v34, v27;
	v27 =	vld [tilespmem:s10+$0xFFFFFE90];
	[tilespmem:s10+$0x1A0] =	vst v23  }
0x3cb: {  	v7 =	vmul.f32 v7, v34;
	v23 =	vmul.f32 v32, v36;
	v32 =	vld [tilespmem:s10+$0xFFFFFEA0];
	[tilespmem:s10+$0x230] =	vst v3  }
0x3cc: {  	v3 =	vmul.f32 v5, v36;
	v5 =	vmul.f32 v38, v40;
	[tilespmem:s10+$0xFFFFFDC0] =	vst v20;
	v20 =	vld [tilespmem:s10+$0xFFFFFEB0]  }
0x3cd: {  	v34 =	vmul.f32 v46, v44;
	[tilespmem:s10+$0xFFFFFDD0] =	vst v7;
	v7 =	vmul.f32 v42, v40;
	v36 =	vld [tilespmem:s10+$0xFFFFFEC0]  }
0x3ce: {  	v4 =	vmul.f32 v16, v4;
	[tilespmem:s10+$0xFFFFFDE0] =	vst v23;
	v23 =	vmul.f32 v48, v44;
	v38 =	vld [tilespmem:s10+$0xFFFFFEE0]  }
0x3cf: {  	[tilespmem:s10+$0xFFFFFDF0] =	vst v3;
	v3 =	vmul.f32 v9, v16;
	v9 =	vmul.f32 v11, v17;
	v11 =	vld [tilespmem:s10+$0xFFFFFEF0]  }
0x3d0: {  	[tilespmem:s10+$0xFFFFFE00] =	vst v5;
	v5 =	vmul.f32 v14, v17;
	v14 =	vmul.f32 v27, v22;
	v16 =	vld [tilespmem:s10+$0xFFFFFF00]  }
0x3d1: {  	[tilespmem:s10+$0xFFFFFE10] =	vst v7;
	v7 =	vmul.f32 v32, v22;
	v17 =	vmul.f32 v20, v25;
	v20 =	vld [tilespmem:s10+$0xFFFFFF10]  }
0x3d2: {  	[tilespmem:s10+$0xFFFFFE20] =	vst v34;
	v22 =	vmul.f32 v36, v25;
	v25 =	vld [tilespmem:s10+$0xFFFFFF20]  }
0x3d3: {  	[tilespmem:s10+$0xFFFFFE30] =	vst v23;
	v23 =	vmul.f32 v26, v38;
	v27 =	vld [tilespmem:s10+$0xFFFFFF30]  }
0x3d4: {  	[tilespmem:s10+$0xFFFFFE50] =	vst v4;
	v4 =	vmul.f32 v11, v26;
	v11 =	vld [tilespmem:s10+$0xFFFFFF40]  }
0x3d5: {  	[tilespmem:s10+$0xFFFFFE60] =	vst v3;
	v3 =	vmul.f32 v16, v28;
	v16 =	vld [tilespmem:s10+$0xFFFFFF50]  }
0x3d6: {  	[tilespmem:s10+$0xFFFFFE70] =	vst v9;
	v9 =	vmul.f32 v20, v28;
	v20 =	vld [tilespmem:s10+$0xFFFFFF70]  }
0x3d7: {  	[tilespmem:s10+$0xFFFFFE80] =	vst v5;
	v5 =	vmul.f32 v25, v29;
	v25 =	vld [tilespmem:s10+$0xFFFFFF80]  }
0x3d8: {  	[tilespmem:s10+$0xFFFFFE90] =	vst v14;
	v14 =	vmul.f32 v27, v29;
	v26 =	vld [tilespmem:s10+$0xFFFFFF90]  }
0x3d9: {  	[tilespmem:s10+$0xFFFFFEA0] =	vst v7;
	v7 =	vmul.f32 v11, v30;
	v11 =	vld [tilespmem:s10+$0xFFFFFFA0]  }
0x3da: {  	[tilespmem:s10+$0xFFFFFEB0] =	vst v17;
	v16 =	vmul.f32 v16, v30;
	v17 =	vld [tilespmem:s10+$0xFFFFFFB0]  }
0x3db: {  	[tilespmem:s10+$0xFFFFFEC0] =	vst v22;
	v20 =	vmul.f32 v24, v20;
	v22 =	vld [tilespmem:s10+$0xFFFFFFC0]  }
0x3dc: {  	[tilespmem:s10+$0xFFFFFEE0] =	vst v23;
	v23 =	vmul.f32 v25, v24;
	v24 =	vld [tilespmem:s10+$0xFFFFFFD0]  }
0x3dd: {  	[tilespmem:s10+$0xFFFFFEF0] =	vst v4;
	v4 =	vmul.f32 v26, v2;
	v25 =	vld [tilespmem:s10+$0xFFFFFFE0]  }
0x3de: {  	[tilespmem:s10+$0xFFFFFF00] =	vst v3;
	v2 =	vmul.f32 v11, v2;
	v3 =	vld [tilespmem:s10+$0x0]  }
0x3df: {  	[tilespmem:s10+$0xFFFFFF10] =	vst v9;
	v9 =	vmul.f32 v17, v21;
	v11 =	vld [tilespmem:s10+$0x10]  }
0x3e0: {  	[tilespmem:s10+$0xFFFFFF20] =	vst v5;
	v5 =	vmul.f32 v22, v21;
	v17 =	vld [tilespmem:s10+$0x20]  }
0x3e1: {  	[tilespmem:s10+$0xFFFFFF30] =	vst v14;
	v14 =	vmul.f32 v24, v15;
	v21 =	vld [tilespmem:s10+$0x30]  }
0x3e2: {  	[tilespmem:s10+$0xFFFFFF40] =	vst v7;
	v7 =	vmul.f32 v25, v15;
	v15 =	vld [tilespmem:s10+$0x40]  }
0x3e3: {  	[tilespmem:s10+$0xFFFFFF50] =	vst v16;
	v3 =	vmul.f32 v10, v3;
	v16 =	vld [tilespmem:s10+$0x50]  }
0x3e4: {  	[tilespmem:s10+$0xFFFFFF70] =	vst v20;
	v10 =	vmul.f32 v11, v10;
	v11 =	vld [tilespmem:s10+$0x60]  }
0x3e5: {  	[tilespmem:s10+$0xFFFFFF80] =	vst v23;
	v17 =	vmul.f32 v17, v18;
	v20 =	vld [tilespmem:s10+$0x70]  }
0x3e6: {  	[tilespmem:s10+$0xFFFFFF90] =	vst v4;
	v4 =	vmul.f32 v21, v18;
	v18 =	vld [tilespmem:s10+$0x90]  }
0x3e7: {  	[tilespmem:s10+$0xFFFFFFA0] =	vst v2;
	v2 =	vmul.f32 v15, v12;
	v15 =	vld [tilespmem:s10+$0xA0]  }
0x3e8: {  	[tilespmem:s10+$0xFFFFFFB0] =	vst v9;
	v9 =	vmul.f32 v16, v12;
	v12 =	vld [tilespmem:s10+$0xB0]  }
0x3e9: {  	[tilespmem:s10+$0xFFFFFFC0] =	vst v5;
	v5 =	vmul.f32 v11, v8;
	v11 =	vld [tilespmem:s10+$0xC0]  }
0x3ea: {  	[tilespmem:s10+$0xFFFFFFD0] =	vst v14;
	v8 =	vmul.f32 v20, v8;
	v14 =	vld [tilespmem:s10+$0xD0]  }
0x3eb: {  	[tilespmem:s10+$0xFFFFFFE0] =	vst v7;
	v7 =	vmul.f32 v6, v18;
	v16 =	vld [tilespmem:s10+$0xE0]  }
0x3ec: {  	[tilespmem:s10+$0x0] =	vst v3;
	v3 =	vmul.f32 v15, v6;
	v6 =	vld [tilespmem:s10+$0xF0]  }
0x3ed: {  	[tilespmem:s10+$0x10] =	vst v10;
	v10 =	vmul.f32 v12, v63;
	v12 =	vld [tilespmem:s10+$0x100]  }
0x3ee: {  	[tilespmem:s10+$0x20] =	vst v17;
	v11 =	vmul.f32 v11, v63;
	v15 =	vld [tilespmem:s10+$0x120]  }
0x3ef: {  	[tilespmem:s10+$0x30] =	vst v4;
	v4 =	vmul.f32 v14, v62;
	v14 =	vld [tilespmem:s10+$0x130]  }
0x3f0: {  	[tilespmem:s10+$0x40] =	vst v2;
	v16 =	vmul.f32 v16, v62;
	v17 =	vld [tilespmem:s10+$0x140]  }
0x3f1: {  	[tilespmem:s10+$0x50] =	vst v9;
	v9 =	vmul.f32 v6, v61;
	v6 =	vld [tilespmem:s10+$0x150]  }
0x3f2: {  	[tilespmem:s10+$0x60] =	vst v5;
	v5 =	vmul.f32 v12, v61;
	v12 =	vld [tilespmem:s10+$0x160]  }
0x3f3: {  	[tilespmem:s10+$0x70] =	vst v8;
	v20 =	vmul.f32 v60, v15;
	v15 =	vld [tilespmem:s10+$0x170]  }
0x3f4: {  	[tilespmem:s10+$0x90] =	vst v7;
	v2 =	vmul.f32 v14, v60;
	v7 =	vld [tilespmem:s10+$0x180]  }
0x3f5: {  	[tilespmem:s10+$0xA0] =	vst v3;
	v8 =	vmul.f32 v17, v59;
	v3 =	vld [tilespmem:s10+$0x190]  }
0x3f6: {  	[tilespmem:s10+$0xB0] =	vst v10;
	v6 =	vmul.f32 v6, v59;
	v14 =	vld [tilespmem:s10+$0x1B0]  }
0x3f7: {  	[tilespmem:s10+$0xC0] =	vst v11;
	v10 =	vmul.f32 v12, v58;
	v11 =	vld [tilespmem:s10+$0x1C0]  }
.Ltmp2:
0x3f8: {  	[tilespmem:s10+$0xD0] =	vst v4;
	v12 =	vmul.f32 v15, v58;
	v58 =	vld [tilespmem:s10+$0x1D0];
	(pc) =	sbr.rel @p2 .LBB2_7-.Ltmp2, $4  }
0x3f9: {  	[tilespmem:s10+$0xE0] =	vst v16;
	v15 =	vmul.f32 v7, v57;
	v59 =	vld [tilespmem:s10+$0x1E0]  }
0x3fa: {  	[tilespmem:s10+$0xF0] =	vst v9;
	v18 =	vmul.f32 v3, v57;
	v57 =	vld [tilespmem:s10+$0x1F0]  }
0x3fb: {  	[tilespmem:s10+$0x100] =	vst v5;
	v24 =	vmul.f32 v54, v14;
	v60 =	vld [tilespmem:s10+$0x200]  }
0x3fc: {  	s11 =	sadd.s32 $0x80, s11;
	[tilespmem:s10+$0x120] =	vst v20;
	v21 =	vmul.f32 v11, v54;
	v54 =	vld [tilespmem:s10+$0x210]  }
0x3fd: {  	[tilespmem:s10+$0x130] =	vst v2  }
0x3fe: {  	[tilespmem:s0+$0x1B0] =	vst v24  }
0x3ff: {  	[tilespmem:s0+$0x140] =	vst v8  }
0x400: {  	[tilespmem:s0+$0x150] =	vst v6  }
0x401: {  	[tilespmem:s0+$0x160] =	vst v10  }
0x402: {  	[tilespmem:s0+$0x170] =	vst v12  }
0x403: {  	[tilespmem:s0+$0x180] =	vst v15  }
0x404: {  	v2 =	vmul.f32 v58, v56;
	[tilespmem:s0+$0x190] =	vst v18  }
0x405: {  	v3 =	vmul.f32 v59, v56;
	[tilespmem:s0+$0x1C0] =	vst v21  }
0x406: {  	v4 =	vmul.f32 v57, v55;
	[tilespmem:s0+$0x1D0] =	vst v2  }
0x407: {  	s9 =	sadd.s32 @!p1 $0x1, s9;
	v2 =	vmul.f32 v60, v55;
	[tilespmem:s0+$0x1E0] =	vst v3  }
0x408: {  	p2 =	sne.s32 @!p1 s9, $0x34;
	v3 =	vmul.f32 v54, v53;
	[tilespmem:s0+$0x1F0] =	vst v4  }
0x409: {  	p2 =	por p1, !p2;
	[tilespmem:s0+$0x200] =	vst v2  }
.Ltmp3:
0x40a: {  	[tilespmem:s0+$0x210] =	vst v3;
	s0 =	simm.s32 @!p1 $0x8;
	(pc) =	sbr.rel @!p2 .LBB2_4-.Ltmp3, $4  }
0x40b: {  	[spmem:s2] =	stream.indirect.scatter.add.f32 [tilespmem:s20], [sflag:$0x8], $0x90, s17, s12, $0xb8;
	[tilespmem:$0x1EB40] =	vst v63  }
0x40c: {  	_ =	swait.ge @!p1 [sflag:s0], $0x3600  }
0x40d: {  	[sflag:s0] =	ssyncset.done @!p1 $0x0  }
0x40e: {  	[sflag:s0] =	ssyncadd.s32 @!p1 $0xFFFFCA00  }
0x40f: {  	s0 =	simm.s32 $0x7  }
0x410: {  	_ =	swait.ge [sflag:s0], $0x3600  }
0x411: {  	[sflag:s0] =	ssyncset.done $0x0  }
0x412: {  	s18 =	simm.s32 $0x8;
	[sflag:s0] =	ssyncadd.s32 $0xFFFFCA00  }
0x413: {  	_ =	swait.ge [sflag:s18], $0x3600  }
0x414: {  	s3 =	simm.s32 $0x1EB10;
	[sflag:s18] =	ssyncset.done $0x0  }
0x415: {  	s0 =	simm.s32 $0x0;
	s1 =	rddreg [dreg:$0x10];
	[sflag:s18] =	ssyncadd.s32 $0xFFFFCA00  }
0x416: {  	[tilespmem:s3], [sflag:$0x9] =	stream.linear.gather [hbm4b:s1+s0], $0x10, $0x38;
	[tilespmem:$0x1EB40] =	vst v63  }
0x417: {  	_ =	swait.ge [sflag:s8], $0x10  }
0x418: {  	[sflag:s8] =	ssyncset.done $0x0  }
0x419: {  	s10 =	simm.s32 $0x1EB20;
	s19 =	rddreg [dreg:$0x11];
	[sflag:s8] =	ssyncadd.s32 $0xFFFFFFF0  }
0x41a: {  	[tilespmem:s10], [sflag:$0x9] =	stream.linear.gather [hbm4b:s19+s0], $0x10, $0x38;
	[tilespmem:$0x1EB40] =	vst v63  }
0x41b: {  	_ =	swait.ge [sflag:s8], $0x10  }
0x41c: {  	[sflag:s8] =	ssyncset.done $0x0  }
0x41d: {  	s24 =	simm.s32 $0x15F90;
	s11 =	simm.s32 $0x10;
	[sflag:s8] =	ssyncadd.s32 $0xFFFFFFF0  }
0x41e: {  	[tilespmem:s24], [sflag:$0x1] =	stream.indirect.gather [hbm4b:s6+s11], $0x90, s3, s11, $0xb8;
	[tilespmem:$0x1EB40] =	vst v63  }
0x41f: {  	_ = 	snop  }
0x420: {  	[tilespmem:s14], [sflag:$0x9] =	stream.indirect.gather [hbm4b:s7+s11], $0x10, s3, s11, $0xb8;
	[tilespmem:$0x1EB40] =	vst v63  }
0x421: {  	_ =	swait.ge [sflag:s8], $0x100  }
0x422: {  	[sflag:s8] =	ssyncset.done $0x0  }
0x423: {  	[sflag:s8] =	ssyncadd.s32 $0xFFFFFF00  }
0x424: {  	[tilespmem:s15], [sflag:$0x9] =	stream.indirect.gather [hbm4b:s7+s11], $0x10, s10, s11, $0xb8;
	[tilespmem:$0x1EB40] =	vst v63  }
0x425: {  	_ =	swait.ge [sflag:s8], $0x100  }
0x426: {  	v3 =	vld [tilespmem:$0x1FDC0];
	_ =	sdelay $0x4  }
0x427: {  	[sflag:s8] =	ssyncset.done $0x0  }
0x428: {  	[sflag:s8] =	ssyncadd.s32 $0xFFFFFF00  }
0x429: {  	v2 =	vld.idx.msk [tilespmem:v0+s14+$0x0], $0xffff  }
0x42a: {  	v3 =	vld.idx.msk [tilespmem:v3+s15+$0x0], $0xffff;
	_ =	sdelay $0x4  }
0x42b: {  	v2 =	vadd.f32 v3, v2;
	_ =	sdelay $0x1  }
0x42c: {  	v3 =	vmul.f32 $2.000000030e-01, v2;
	_ =	sdelay $0x1  }
0x42d: {  	v2 =	vmax.f32 v2, v3  }
0x42e: {  	v2 =	vsub.f32 v2, v52;
	_ =	sdelay $0x1  }
0x42f: {  	v2 =	vmul.f32 $1.442695020e+00, v2;
	_ =	sdelay $0x1  }
0x430: {  	(erf) = vpow2.f32 v2;
	_ =	sdelay $0x2  }
0x431: {  	v4 =	vld [tilespmem:$0x1FDD0]  }
0x432: {  	v3 =	vld [tilespmem:$0x1FDE0];
	_ =	sdelay $0x4  }
0x433: {  	v2 =	vpop (erf)  }
0x434: {  	[tilespmem:v0+s26+$0x0] =	vst.idx.msk $0xffff, v2  }
0x435: {  	v2 =	vld.idx.msk [tilespmem:v4+s14+$0x0], $0xffff  }
0x436: {  	v3 =	vld.idx.msk [tilespmem:v3+s15+$0x0], $0xffff;
	_ =	sdelay $0x4  }
0x437: {  	v2 =	vadd.f32 v3, v2;
	_ =	sdelay $0x1  }
0x438: {  	v3 =	vmul.f32 $2.000000030e-01, v2;
	_ =	sdelay $0x1  }
0x439: {  	v2 =	vmax.f32 v2, v3  }
0x43a: {  	v2 =	vsub.f32 v2, v51;
	_ =	sdelay $0x1  }
0x43b: {  	v2 =	vmul.f32 $1.442695020e+00, v2;
	_ =	sdelay $0x1  }
0x43c: {  	(erf) = vpow2.f32 v2;
	_ =	sdelay $0x3  }
0x43d: {  	v3 =	vld [tilespmem:$0x1FE90];
	_ =	sdelay $0x4  }
0x43e: {  	v2 =	vpop (erf)  }
0x43f: {  	[tilespmem:v4+s26+$0x0] =	vst.idx.msk $0xffff, v2  }
0x440: {  	v2 =	vld.idx.msk [tilespmem:v13+s14+$0x0], $0xffff  }
0x441: {  	v3 =	vld.idx.msk [tilespmem:v3+s15+$0x0], $0xffff;
	_ =	sdelay $0x4  }
0x442: {  	v2 =	vadd.f32 v3, v2;
	_ =	sdelay $0x1  }
0x443: {  	v3 =	vmul.f32 $2.000000030e-01, v2;
	_ =	sdelay $0x1  }
0x444: {  	v2 =	vmax.f32 v2, v3  }
0x445: {  	v2 =	vsub.f32 v2, v50;
	_ =	sdelay $0x1  }
0x446: {  	v2 =	vmul.f32 $1.442695020e+00, v2;
	_ =	sdelay $0x1  }
0x447: {  	(erf) = vpow2.f32 v2;
	_ =	sdelay $0x3  }
0x448: {  	v3 =	vld [tilespmem:$0x1FEE0];
	_ =	sdelay $0x4  }
0x449: {  	v2 =	vpop (erf)  }
0x44a: {  	[tilespmem:v13+s26+$0x0] =	vst.idx.msk $0xffff, v2  }
0x44b: {  	v2 =	vld.idx.msk [tilespmem:v19+s14+$0x0], $0xffff  }
0x44c: {  	v3 =	vld.idx.msk [tilespmem:v3+s15+$0x0], $0xffff;
	_ =	sdelay $0x4  }
0x44d: {  	v2 =	vadd.f32 v3, v2;
	_ =	sdelay $0x1  }
0x44e: {  	v3 =	vmul.f32 $2.000000030e-01, v2;
	_ =	sdelay $0x1  }
0x44f: {  	v2 =	vmax.f32 v2, v3  }
0x450: {  	v2 =	vsub.f32 v2, v49;
	_ =	sdelay $0x1  }
0x451: {  	v2 =	vmul.f32 $1.442695020e+00, v2;
	_ =	sdelay $0x1  }
0x452: {  	(erf) = vpow2.f32 v2;
	_ =	sdelay $0x8  }
0x453: {  	v2 =	vpop (erf)  }
0x454: {  	[tilespmem:v19+s26+$0x0] =	vst.idx.msk $0xffff, v2  }
0x455: {  	_ =	swait.ge [sflag:s28], $0x900  }
0x456: {  	[sflag:s28] =	ssyncset.done $0x0  }
0x457: {  	p1 =	por $0x1, $0x1;
	[sflag:s28] =	ssyncadd.s32 $0xFFFFF700  }
.LBB2_10:
0x458: {  	s1 =	sshll.u32 s0, $0x4;
	s3 =	smul.u32 $0x240, s0  }
0x459: {  	s1 =	sand.u32 $0x3FFFFFF0, s1  }
0x45a: {  	v2 =	vld [tilespmem:s1+$0x1E390];
	s24 =	sshra.s32 s3, $0x2  }
0x45b: {  	s9 =	sor.u32 $0x1, s0;
	v3 =	vld [tilespmem:s24+$0x15F90]  }
0x45c: {  	s4 =	sshll.u32 s9, $0x4;
	v4 =	vld [tilespmem:s24+$0x15FA0]  }
0x45d: {  	s13 =	sor.u32 $0x2, s0;
	s4 =	sand.u32 $0x3FFFFFF0, s4;
	v5 =	vld [tilespmem:s24+$0x15FB0]  }
0x45e: {  	s3 =	smul.u32 $0x240, s9;
	s9 =	sshll.u32 s13, $0x4;
	v12 =	vld [tilespmem:s4+$0x1E390]  }
0x45f: {  	v6 =	vld [tilespmem:s24+$0x15FC0];
	s18 =	sand.u32 $0x3FFFFFF0, s9  }
0x460: {  	v54 =	vld [tilespmem:s18+$0x1E390];
	v7 =	vbroadcast v2, $0x0  }
0x461: {  	v8 =	vld [tilespmem:s24+$0x15FD0]  }
0x462: {  	v9 =	vld [tilespmem:s24+$0x15FE0];
	s4 =	smul.u32 $0x240, s13;
	s3 =	sshra.s32 s3, $0x2;
	v10 =	vbroadcast v2, $0x1;
	[tilespmem:s24+$0x16010] =	vst v2;
	v3 =	vmul.f32 v7, v3  }
0x463: {  	v11 =	vld [tilespmem:s24+$0x15FF0];
	[tilespmem:s3+$0x16010] =	vst v12  }
0x464: {  	v24 =	vld [tilespmem:s24+$0x16000];
	s1 =	sshra.s32 s4, $0x2;
	v25 =	vbroadcast v2, $0x2;
	[tilespmem:s24+$0x15F90] =	vst v3;
	v3 =	vmul.f32 v5, v10  }
0x465: {  	v27 =	vld [tilespmem:s3+$0x15F90];
	v4 =	vmul.f32 v4, v7;
	[tilespmem:s1+$0x16010] =	vst v54  }
0x466: {  	v34 =	vld [tilespmem:s3+$0x15FA0];
	v32 =	vbroadcast v2, $0x3;
	[tilespmem:s24+$0x15FB0] =	vst v3;
	v3 =	vmul.f32 v8, v25  }
0x467: {  	v38 =	vld [tilespmem:s3+$0x15FB0];
	v26 =	vmul.f32 v6, v10;
	[tilespmem:s24+$0x15FA0] =	vst v4  }
0x468: {  	v40 =	vld [tilespmem:s3+$0x15FC0];
	[tilespmem:s24+$0x15FD0] =	vst v3;
	v3 =	vmul.f32 v11, v32  }
0x469: {  	v46 =	vld [tilespmem:s3+$0x15FD0];
	v44 =	vbroadcast v12, $0x0;
	v36 =	vmul.f32 v9, v25;
	[tilespmem:s24+$0x15FC0] =	vst v26  }
0x46a: {  	v42 =	vmul.f32 v24, v32;
	[tilespmem:s24+$0x15FF0] =	vst v3;
	v3 =	vld [tilespmem:s3+$0x15FE0]  }
0x46b: {  	v50 =	vld [tilespmem:s3+$0x15FF0];
	v49 =	vbroadcast v12, $0x1;
	v2 =	vmul.f32 v34, v44;
	[tilespmem:s24+$0x15FE0] =	vst v36  }
0x46c: {  	v51 =	vld [tilespmem:s3+$0x16000];
	v48 =	vmul.f32 v44, v27;
	[tilespmem:s24+$0x16000] =	vst v42  }
0x46d: {  	v55 =	vld [tilespmem:s1+$0x15F90];
	v53 =	vbroadcast v12, $0x2;
	[tilespmem:s3+$0x15FA0] =	vst v2;
	v2 =	vmul.f32 v40, v49  }
0x46e: {  	v58 =	vld [tilespmem:s1+$0x15FA0];
	v52 =	vmul.f32 v38, v49;
	[tilespmem:s3+$0x15F90] =	vst v48  }
0x46f: {  	v60 =	vld [tilespmem:s1+$0x15FC0];
	v57 =	vbroadcast v12, $0x3;
	[tilespmem:s3+$0x15FC0] =	vst v2;
	v2 =	vmul.f32 v3, v53  }
0x470: {  	v56 =	vmul.f32 v46, v53;
	[tilespmem:s3+$0x15FB0] =	vst v52;
	v3 =	vld [tilespmem:s1+$0x15FB0]  }
0x471: {  	v62 =	vld [tilespmem:s1+$0x15FD0];
	v61 =	vbroadcast v54, $0x0;
	[tilespmem:s3+$0x15FE0] =	vst v2;
	v2 =	vmul.f32 v51, v57  }
0x472: {  	s19 =	sor.u32 $0x3, s0;
	v63 =	vld [tilespmem:s1+$0x15FE0];
	v59 =	vmul.f32 v50, v57;
	[tilespmem:s3+$0x15FD0] =	vst v56  }
0x473: {  	s18 =	sor.u32 $0x4, s0;
	v22 =	vld [tilespmem:s1+$0x15FF0];
	v21 =	vbroadcast v54, $0x1;
	s24 =	sshll.u32 s19, $0x4;
	[tilespmem:s3+$0x16000] =	vst v2;
	v2 =	vmul.f32 v61, v55  }
0x474: {  	s4 =	smul.u32 $0x240, s19;
	v23 =	vld [tilespmem:s1+$0x16000];
	v7 =	vmul.f32 v58, v61;
	[tilespmem:s3+$0x15FF0] =	vst v59;
	s19 =	sshll.u32 s18, $0x4;
	s13 =	sand.u32 $0x3FFFFFF0, s24  }
0x475: {  	s24 =	sand.u32 $0x3FFFFFF0, s19;
	v12 =	vld [tilespmem:s13+$0x1E390];
	[tilespmem:s1+$0x15F90] =	vst v2;
	v2 =	vmul.f32 v3, v21;
	v3 =	vbroadcast v54, $0x2  }
0x476: {  	v5 =	vmul.f32 v60, v21;
	[tilespmem:s1+$0x15FA0] =	vst v7;
	v46 =	vld [tilespmem:s24+$0x1E390];
	s3 =	sshra.s32 s4, $0x2  }
0x477: {  	v25 =	vbroadcast v54, $0x3;
	v24 =	vld [tilespmem:s3+$0x15F90];
	[tilespmem:s1+$0x15FB0] =	vst v2;
	v2 =	vmul.f32 v62, v3  }
0x478: {  	[tilespmem:s1+$0x15FC0] =	vst v5;
	v26 =	vld [tilespmem:s3+$0x15FA0];
	v3 =	vmul.f32 v63, v3  }
0x479: {  	v27 =	vld [tilespmem:s3+$0x15FB0];
	[tilespmem:s1+$0x15FD0] =	vst v2;
	v2 =	vmul.f32 v22, v25  }
0x47a: {  	v34 =	vbroadcast v12, $0x0;
	v32 =	vld [tilespmem:s3+$0x15FC0];
	[tilespmem:s1+$0x15FE0] =	vst v3;
	v3 =	vmul.f32 v23, v25  }
0x47b: {  	v36 =	vld [tilespmem:s3+$0x15FD0];
	[tilespmem:s1+$0x15FF0] =	vst v2  }
0x47c: {  	v38 =	vbroadcast v12, $0x1;
	v2 =	vld [tilespmem:s3+$0x15FE0];
	[tilespmem:s1+$0x16000] =	vst v3;
	v3 =	vmul.f32 v34, v24  }
0x47d: {  	s4 =	smul.u32 $0x240, s18;
	v40 =	vld [tilespmem:s3+$0x15FF0];
	[tilespmem:s3+$0x16010] =	vst v12;
	v7 =	vmul.f32 v26, v34  }
0x47e: {  	v44 =	vbroadcast v12, $0x2;
	v42 =	vld [tilespmem:s3+$0x16000];
	[tilespmem:s3+$0x15F90] =	vst v3;
	v3 =	vmul.f32 v27, v38  }
0x47f: {  	v5 =	vmul.f32 v32, v38;
	s1 =	sshra.s32 s4, $0x2;
	[tilespmem:s3+$0x15FA0] =	vst v7  }
0x480: {  	s9 =	sor.u32 $0x5, s0;
	v49 =	vbroadcast v12, $0x3;
	v48 =	vld [tilespmem:s1+$0x15F90];
	[tilespmem:s3+$0x15FB0] =	vst v3;
	v3 =	vmul.f32 v36, v44  }
0x481: {  	s13 =	sshll.u32 s9, $0x4;
	[tilespmem:s3+$0x15FC0] =	vst v5;
	v50 =	vld [tilespmem:s1+$0x15FA0];
	v2 =	vmul.f32 v2, v44  }
0x482: {  	s18 =	sand.u32 $0x3FFFFFF0, s13;
	v51 =	vld [tilespmem:s1+$0x15FB0];
	[tilespmem:s3+$0x15FD0] =	vst v3;
	v3 =	vmul.f32 v40, v49  }
0x483: {  	v53 =	vbroadcast v46, $0x0;
	v12 =	vld [tilespmem:s18+$0x1E390];
	[tilespmem:s3+$0x15FE0] =	vst v2;
	v2 =	vmul.f32 v42, v49  }
0x484: {  	v54 =	vld [tilespmem:s1+$0x15FD0];
	[tilespmem:s3+$0x15FF0] =	vst v3  }
0x485: {  	v55 =	vbroadcast v46, $0x1;
	v3 =	vld [tilespmem:s1+$0x15FE0];
	[tilespmem:s3+$0x16000] =	vst v2;
	v2 =	vmul.f32 v53, v48  }
0x486: {  	s4 =	smul.u32 $0x240, s9;
	v56 =	vld [tilespmem:s1+$0x15FF0];
	[tilespmem:s1+$0x16010] =	vst v46;
	v7 =	vmul.f32 v50, v53  }
0x487: {  	s19 =	sor.u32 $0x6, s0;
	v58 =	vbroadcast v46, $0x2;
	v57 =	vld [tilespmem:s1+$0x16000];
	[tilespmem:s1+$0x15F90] =	vst v2;
	v2 =	vmul.f32 v51, v55  }
0x488: {  	s24 =	sshll.u32 s19, $0x4;
	v52 =	vld [tilespmem:s1+$0x15FC0];
	[tilespmem:s1+$0x15FA0] =	vst v7;
	s3 =	sshra.s32 s4, $0x2  }
0x489: {  	v60 =	vbroadcast v46, $0x3;
	s9 =	sand.u32 $0x3FFFFFF0, s24;
	v59 =	vld [tilespmem:s3+$0x15F90];
	[tilespmem:s1+$0x15FB0] =	vst v2;
	v2 =	vmul.f32 v54, v58  }
0x48a: {  	s18 =	sor.u32 $0x7, s0;
	v21 =	vbroadcast v12, $0x0;
	v27 =	vld [tilespmem:s9+$0x1E390];
	[tilespmem:s3+$0x16010] =	vst v12;
	v3 =	vmul.f32 v3, v58  }
0x48b: {  	v23 =	vbroadcast v12, $0x1;
	s4 =	smul.u32 $0x240, s19;
	s19 =	sshll.u32 s18, $0x4;
	v62 =	vld [tilespmem:s3+$0x15FB0];
	[tilespmem:s1+$0x15FD0] =	vst v2;
	v2 =	vmul.f32 v56, v60  }
0x48c: {  	v26 =	vbroadcast v12, $0x2;
	v22 =	vld [tilespmem:s3+$0x15FD0];
	s24 =	sand.u32 $0x3FFFFFF0, s19;
	[tilespmem:s1+$0x15FE0] =	vst v3;
	v3 =	vmul.f32 v57, v60  }
0x48d: {  	v34 =	vbroadcast v12, $0x3;
	v5 =	vmul.f32 v52, v55;
	v12 =	vld [tilespmem:s24+$0x1E390];
	[tilespmem:s1+$0x15FF0] =	vst v2  }
0x48e: {  	v2 =	vld [tilespmem:s3+$0x15FE0];
	[tilespmem:s1+$0x16000] =	vst v3;
	v3 =	vmul.f32 v21, v59  }
0x48f: {  	[tilespmem:s1+$0x15FC0] =	vst v5;
	v24 =	vld [tilespmem:s3+$0x15FF0]  }
0x490: {  	s0 =	smul.u32 $0x240, s18;
	v25 =	vld [tilespmem:s3+$0x16000];
	s13 =	sshra.s32 s4, $0x2;
	[tilespmem:s3+$0x15F90] =	vst v3;
	v3 =	vmul.f32 v62, v23  }
0x491: {  	v61 =	vld [tilespmem:s3+$0x15FA0];
	[tilespmem:s13+$0x16010] =	vst v27  }
0x492: {  	s0 =	sshra.s32 s0, $0x2;
	v32 =	vld [tilespmem:s13+$0x15F90];
	[tilespmem:s3+$0x15FB0] =	vst v3;
	v3 =	vmul.f32 v22, v26  }
0x493: {  	v63 =	vld [tilespmem:s3+$0x15FC0];
	[tilespmem:s0+$0x16010] =	vst v12;
	v2 =	vmul.f32 v2, v26  }
0x494: {  	v38 =	vld [tilespmem:s13+$0x15FB0];
	[tilespmem:s3+$0x15FD0] =	vst v3;
	v3 =	vmul.f32 v24, v34  }
0x495: {  	v42 =	vbroadcast v27, $0x0;
	v36 =	vld [tilespmem:s13+$0x15FA0];
	[tilespmem:s3+$0x15FE0] =	vst v2;
	v2 =	vmul.f32 v25, v34  }
0x496: {  	v44 =	vld [tilespmem:s13+$0x15FD0];
	v7 =	vmul.f32 v61, v21;
	[tilespmem:s3+$0x15FF0] =	vst v3  }
0x497: {  	v46 =	vbroadcast v27, $0x1;
	v3 =	vld [tilespmem:s13+$0x15FE0];
	[tilespmem:s3+$0x16000] =	vst v2;
	v2 =	vmul.f32 v42, v32  }
0x498: {  	v48 =	vld [tilespmem:s13+$0x15FF0];
	v5 =	vmul.f32 v63, v23;
	[tilespmem:s3+$0x15FA0] =	vst v7  }
0x499: {  	v50 =	vbroadcast v27, $0x2;
	v49 =	vld [tilespmem:s13+$0x16000];
	[tilespmem:s13+$0x15F90] =	vst v2;
	v2 =	vmul.f32 v38, v46  }
0x49a: {  	v40 =	vld [tilespmem:s13+$0x15FC0];
	[tilespmem:s3+$0x15FC0] =	vst v5;
	v7 =	vmul.f32 v36, v42  }
0x49b: {  	v52 =	vld [tilespmem:s0+$0x15F90];
	v51 =	vbroadcast v27, $0x3;
	[tilespmem:s13+$0x15FB0] =	vst v2;
	v2 =	vmul.f32 v44, v50  }
0x49c: {  	v53 =	vld [tilespmem:s0+$0x15FA0];
	[tilespmem:s13+$0x15FA0] =	vst v7;
	v3 =	vmul.f32 v3, v50  }
0x49d: {  	v54 =	vld [tilespmem:s0+$0x15FB0];
	[tilespmem:s13+$0x15FD0] =	vst v2;
	v2 =	vmul.f32 v48, v51  }
0x49e: {  	v58 =	vld [tilespmem:s0+$0x15FE0];
	v55 =	vbroadcast v12, $0x0;
	[tilespmem:s13+$0x15FE0] =	vst v3;
	v3 =	vmul.f32 v49, v51  }
0x49f: {  	v5 =	vmul.f32 v40, v46;
	[tilespmem:s13+$0x15FF0] =	vst v2;
	v2 =	vld [tilespmem:s0+$0x15FD0]  }
0x4a0: {  	v56 =	vld [tilespmem:s0+$0x15FC0];
	v57 =	vbroadcast v12, $0x1;
	[tilespmem:s13+$0x16000] =	vst v3;
	v3 =	vmul.f32 v55, v52  }
0x4a1: {  	v60 =	vbroadcast v12, $0x2;
	v59 =	vld [tilespmem:s0+$0x15FF0];
	v4 =	vmul.f32 v53, v55;
	[tilespmem:s13+$0x15FC0] =	vst v5  }
0x4a2: {  	v61 =	vld [tilespmem:s0+$0x16000];
	[tilespmem:s0+$0x15F90] =	vst v3;
	v3 =	vmul.f32 v54, v57  }
0x4a3: {  	v63 =	vmul.f32 v58, v60;
	[tilespmem:s0+$0x15FA0] =	vst v4  }
0x4a4: {  	p2 =	por p1, p1;
	[tilespmem:s0+$0x15FB0] =	vst v3;
	v3 =	vbroadcast v12, $0x3;
	v2 =	vmul.f32 v2, v60  }
.Ltmp4:
0x4a5: {  	v62 =	vmul.f32 v56, v57;
	[tilespmem:s0+$0x15FE0] =	vst v63;
	(pc) =	sbr.rel @p2 .LBB2_10-.Ltmp4, $4  }
0x4a6: {  	[tilespmem:s0+$0x15FD0] =	vst v2;
	v2 =	vmul.f32 v59, v3  }
0x4a7: {  	[tilespmem:s0+$0x15FC0] =	vst v62;
	v3 =	vmul.f32 v61, v3  }
0x4a8: {  	[tilespmem:s0+$0x15FF0] =	vst v2  }
0x4a9: {  	p1 =	por $0x0, $0x0;
	[tilespmem:s0+$0x16000] =	vst v3;
	s0 =	simm.s32 $0x8  }
0x4aa: {  	s0 =	simm.s32 $0x15F90  }
0x4ab: {  	[spmem:s2] =	stream.indirect.scatter.add.f32 [tilespmem:s0], [sflag:$0x9], $0x90, s10, s11, $0xb8;
	[tilespmem:$0x1EB40] =	vst v63  }
0x4ac: {  	_ =	swait.ge [sflag:s8], $0x900  }
0x4ad: {  	[sflag:s8] =	ssyncset.done $0x0  }
0x4ae: {  	[sflag:s8] =	ssyncadd.s32 $0xFFFFF700  }
0x4af: {  	[bflag:$0x0] =	sbarrier.arrive $0xFFFF  }
0x4b0: {  	s10 =	rddreg [dreg:$0x13]  }
0x4b1: {  	s1 =	simm.s32 @p0 $0x1FC9;
	s3 =	rddreg [dreg:$0x12];
	s0 =	sshrl.u32 @p0 s10, $0x3  }
0x4b2: {  	[hbm:s3], [sflag:s1] =	dma.local @p0 [spmem:s0], $0x2D00  }
0x4b3: {  	s0 =	simm.s32 @p0 $0x9  }
0x4b4: {  	s1 =	stileid.u32;
	_ =	swait.ge @p0 [sflag:s0], $0x2D00  }
0x4b5: {  	s1 =	sshll.u32 @!p0 s1, $0x6;
	[sflag:s0] =	ssyncset.done @p0 $0x0;
	s3 =	rddreg [dreg:$0x18]  }
0x4b6: {  	[sflag:s0] =	ssyncadd.s32 @p0 $0xFFFFD300;
	s0 =	sor.u32 @!p0 $0x1C09, s1;
	s1 =	rddreg [dreg:$0xf]  }
0x4b7: {  	[hbm:s1], [sflag:s0] =	dma.local @!p0 [spmem:s3], $0x2BE0  }
0x4b8: {  	s0 =	simm.s32 @!p0 $0x9  }
0x4b9: {  	_ =	swait.ge @!p0 [sflag:s0], $0x2BE0  }
0x4ba: {  	s19 =	rddreg [dreg:$0x1d]  }
0x4bb: {  	s24 =	rddreg [dreg:$0x15];
	s2 =	sadd.s32 $0x1, s19  }
0x4bc: {  	p1 =	sne.s32 s2, s24  }
.Ltmp5:
0x4bd: {  	_ = 	snop;
	(pc) =	sbr.rel @p1 .LBB2_1-.Ltmp5, $3  }
0x4be: {  	_ =	sdelay $0x1  }
0x4bf: {  	[sflag:s0] =	ssyncset.done @!p0 $0x0  }
0x4c0: {  	[sflag:s0] =	ssyncadd.s32 @!p0 $0xFFFFD420  }
0x4c1: {  	_ =	sfence.sel $0x180000  }
0x4c2: {  	[bflag:$0x0] =	sbarrier.arrive $0xFFFF  }
0x4c3: {  	_ =	strace $0x90000047  }
0x4c4: {  	s0 =	stileid.u32;
	[bflag:$0x2] =	sbarrier.arrive $0xFFFF  }
0x4c5: {  	p0 =	sne.s32 s0, $0x0;
	s0 =	rddreg [dreg:$0x3]  }
0x4c6: {  	s0 =	sadd.s32 @!p0 $0x100000, s0  }
0x4c7: {  	[sflag:s0] =	ssyncadd.tile.s32 @!p0 $0x1;
	_ =	shalt  }
.Lfunc_end2:
_tile_overlayer_lowered:
.L_overlay_start_2:
0x4c8: {  	(tag) =	ssettag $0x2  }
0x4c9: {  	s0 =	rddreg [dreg:$0x0];
	s2 =	stileid.u32  }
0x4ca: {  	s1 =	rddreg [dreg:$0x1];
	p0 =	sne.s32 s2, $0x0  }
0x4cb: {  	s3 =	rddreg [dreg:$0x2];
	[bflag:$0x3] =	sbarrier.arrive $0xFFFF;
	s2 =	simm.s32 @!p0 $0x1C09  }
0x4cc: {  	[timem:s3], [sflag:s2] =	dma.local @!p0 [hbm:s0], s1  }
0x4cd: {  	s0 =	simm.s32 @!p0 $0x9  }
0x4ce: {  	_ =	swait.ge @!p0 [sflag:s0], s1  }
0x4cf: {  	s1 =	ssub.s32 @!p0 $0x0, s1;
	[sflag:s0] =	ssyncset.done @!p0 $0x0  }
0x4d0: {  	[sflag:s0] =	ssyncadd.s32 @!p0 s1  }
0x4d1: {  	[bflag:$0x3] =	sbarrier.arrive $0xFFFF  }
0x4d2: {  	_ =	shalt  }

</sc_bundles>
